<compile_context>
chip_gen: v7x
topology: tpu7x:2x2x1
jax: 0.10.2.dev20260603
libtpu: 0.0.44.dev20260713+nightly
codegen_flags: <defaults>
</compile_context>

<pallas_src>
import functools

import jax
import jax.numpy as jnp
from jax import lax
from jax.experimental import pallas as pl
from jax.experimental.pallas import tpu as pltpu
from jax.experimental.pallas import tpu_sc as plsc

D0, D1, D2 = 5, 6, 2
EMB = 16
NCODES = D0 * D1 * D2
LUTW = 64
NC, NS, LANES = 2, 16, 16
NW = NC * NS
TPC = 25
CHUNK = TPC * 128
TILE_W = 1024
PLANE_B = TPC * TILE_W


def _sc_body(codes_hbm, w0_hbm, w1_hbm, w2_hbm, out_hbm,
             w0_v, w1_v, w2_v, lutT_v, code_v, buf0_v, buf1_v,
             in_sem, out_sem, *, n_chunks, plane_w):
    cid = lax.axis_index("c")
    sid = lax.axis_index("s")
    wid = sid * NC + cid

    pltpu.sync_copy(w0_hbm, w0_v)
    pltpu.sync_copy(w1_hbm, w1_v)
    pltpu.sync_copy(w2_hbm, w2_v)
    dim64 = lax.iota(jnp.int32, LANES) * LUTW
    for i0 in range(D0):
        r0 = w0_v[i0, :]
        for i1 in range(D1):
            r01 = r0 + w1_v[i1, :]
            for i2 in range(D2):
                code = (i0 * D1 + i1) * D2 + i2
                plsc.store_scatter(lutT_v, [dim64 + code], r01 + w2_v[i2, :])

    nch_w = jnp.where(wid < n_chunks % NW, n_chunks // NW + 1, n_chunks // NW)

    def fetch(i, slot):
        ch = wid + i * NW
        pltpu.async_copy(codes_hbm.at[pl.ds(ch * CHUNK, CHUNK)],
                         code_v.at[slot], in_sem)

    def drain_out(i, slot):
        ch = wid + i * NW
        pltpu.make_async_copy(
            buf0_v.at[slot], out_hbm.at[pl.ds(ch * PLANE_B, PLANE_B)],
            out_sem).wait()
        pltpu.make_async_copy(
            buf1_v.at[slot],
            out_hbm.at[pl.ds(plane_w + ch * PLANE_B, PLANE_B)],
            out_sem).wait()

    fetch(0, 0)

    def chunk_body(i, carry):
        slot = lax.rem(i, 2)
        ch = wid + i * NW

        @pl.when(i + 1 < nch_w)
        def _():
            fetch(i + 1, 1 - slot)

        pltpu.make_async_copy(codes_hbm.at[pl.ds(ch * CHUNK, CHUNK)],
                              code_v.at[slot], in_sem).wait()
        @pl.when(i >= 2)
        def _():
            drain_out(i - 2, slot)

        cv = code_v.at[slot]
        b0 = buf0_v.at[slot]
        b1 = buf1_v.at[slot]

        def tile_body(t, carry2):
            for j in range(8):
                cvec = cv[pl.ds(t * 128 + j * 16, LANES)]
                for d in range(EMB):
                    val = plsc.load_gather(lutT_v, [cvec + d * LUTW])
                    buf = b0 if d < 8 else b1
                    buf[pl.ds(t * TILE_W + (d % 8) * 128 + j * 16, LANES)] = val
            return carry2

        lax.fori_loop(0, TPC, tile_body, 0)

        pltpu.async_copy(b0, out_hbm.at[pl.ds(ch * PLANE_B, PLANE_B)], out_sem)
        pltpu.async_copy(b1, out_hbm.at[pl.ds(plane_w + ch * PLANE_B, PLANE_B)],
                         out_sem)
        return carry

    lax.fori_loop(0, nch_w, chunk_body, 0)

    @pl.when(nch_w >= 2)
    def _():
        drain_out(nch_w - 2, lax.rem(nch_w - 2, 2))
    drain_out(nch_w - 1, lax.rem(nch_w - 1, 2))


def kernel(edge_attr, W0, W1, W2):
    E = edge_attr.shape[0]
    assert E % CHUNK == 0, E
    n_chunks = E // CHUNK
    n_tiles = E // 128
    plane_w = n_tiles * TILE_W

    a = edge_attr.astype(jnp.int32)
    codes = (a[:, 0] * D1 + a[:, 1]) * D2 + a[:, 2]

    mesh = plsc.VectorSubcoreMesh(core_axis_name="c", subcore_axis_name="s",
                                  num_cores=NC, num_subcores=NS)
    flat = pl.kernel(
        functools.partial(_sc_body, n_chunks=n_chunks, plane_w=plane_w),
        out_type=jax.ShapeDtypeStruct((E * EMB,), jnp.float32),
        mesh=mesh,
        compiler_params=pltpu.CompilerParams(needs_layout_passes=False,
                                             use_tc_tiling_on_sc=False),
        scratch_types=[
            pltpu.VMEM((D0, EMB), jnp.float32),
            pltpu.VMEM((D1, EMB), jnp.float32),
            pltpu.VMEM((D2, EMB), jnp.float32),
            pltpu.VMEM((EMB * LUTW,), jnp.float32),
            pltpu.VMEM((2, CHUNK), jnp.int32),
            pltpu.VMEM((2, PLANE_B), jnp.float32),
            pltpu.VMEM((2, PLANE_B), jnp.float32),
            pltpu.SemaphoreType.DMA,
            pltpu.SemaphoreType.DMA,
        ],
    )(codes, W0, W1, W2)
    arr = flat.reshape(2, n_tiles, 8, 128)
    return arr.transpose(1, 3, 0, 2).reshape(E, EMB)

# --- scband reference (transcript-rebuilt; emitter-appended) ---
"""Pipeline reference for scband-bond-encoder-13073880449517 (READ-ONLY COPY).

The authoritative reference and input builder live on the scoring server;
editing this copy changes nothing except your own understanding.
"""

import jax, jax.numpy as jnp
import numpy as np

# OGB get_bond_feature_dims() returns [5, 6, 2]
BOND_FEATURE_DIMS = [5, 6, 2]
EMB_DIM = 16
E = 3200000


def setup_inputs(seed: int = 0) -> dict:
    key = jax.random.key(seed)
    k_idx, k0, k1, k2 = jax.random.split(key, 4)
    # indices kept in-range for ALL tables (min table size is 2)
    edge_attr = jax.random.randint(k_idx, (E, 3), 0, 2, dtype=jnp.int64) if jax.config.jax_enable_x64 else jax.random.randint(k_idx, (E, 3), 0, 2, dtype=jnp.int32)
    # xavier_uniform init for each embedding table
    def xavier(k, fan_in, fan_out):
        a = float(np.sqrt(6.0 / (fan_in + fan_out)))
        return jax.random.uniform(k, (fan_in, fan_out), dtype=jnp.float32, minval=-a, maxval=a)
    W0 = xavier(k0, BOND_FEATURE_DIMS[0], EMB_DIM)
    W1 = xavier(k1, BOND_FEATURE_DIMS[1], EMB_DIM)
    W2 = xavier(k2, BOND_FEATURE_DIMS[2], EMB_DIM)
    return {"edge_attr": edge_attr, "W0": W0, "W1": W1, "W2": W2}


def reference(edge_attr, W0, W1, W2):
    # bond_embedding = sum_i emb_i(edge_attr[:, i])
    bond_embedding = jnp.take(W0, edge_attr[:, 0], axis=0)
    bond_embedding = bond_embedding + jnp.take(W1, edge_attr[:, 1], axis=0)
    bond_embedding = bond_embedding + jnp.take(W2, edge_attr[:, 2], axis=0)
    return bond_embedding

if __name__ == "__main__":
    import jax
    _d = setup_inputs()
    print(jax.jit(kernel)(*tuple(_d.values())))

</pallas_src>

<mosaic_0001>
#map = affine_map<(d0, d1) -> (0)>
#map1 = affine_map<(d0, d1) -> (0, 0)>
module attributes {stable_mosaic.version = 14 : i64} {
  func.func @_sc_body(%arg0: i32, %arg1: i32, %arg2: memref<3200000xi32, #tpu.memory_space<hbm>>, %arg3: memref<5x16xf32, #tpu.memory_space<hbm>>, %arg4: memref<6x16xf32, #tpu.memory_space<hbm>>, %arg5: memref<2x16xf32, #tpu.memory_space<hbm>>, %arg6: memref<51200000xf32, #tpu.memory_space<hbm>>, %arg7: memref<5x16xf32, #tpu.memory_space<vmem>>, %arg8: memref<6x16xf32, #tpu.memory_space<vmem>>, %arg9: memref<2x16xf32, #tpu.memory_space<vmem>>, %arg10: memref<1024xf32, #tpu.memory_space<vmem>>, %arg11: memref<2x3200xi32, #tpu.memory_space<vmem>>, %arg12: memref<2x25600xf32, #tpu.memory_space<vmem>>, %arg13: memref<2x25600xf32, #tpu.memory_space<vmem>>, %arg14: memref<!tpu.dma_semaphore, #tpu.memory_space<semaphore_mem>>, %arg15: memref<!tpu.dma_semaphore, #tpu.memory_space<semaphore_mem>>) attributes {dimension_semantics = [#tpu.dimension_semantics<core_parallel>, #tpu.dimension_semantics<subcore_parallel>], iteration_bounds = array<i64: 2, 16>, scalar_prefetch = 0 : i64, scratch_operands = 9 : i64, tpu.core_type = #tpu.core_type<sc_vector_subcore>, window_params = [{transform_indices = #map}, {transform_indices = #map1}, {transform_indices = #map1}, {transform_indices = #map1}, {transform_indices = #map}]} {
    %mul3A = arith.constant 2 : i32
    %mul3A_0 = arith.muli %arg1, %mul3A : i32
    %add3A = arith.addi %mul3A_0, %arg0 : i32
    "tpu.region"() ({
      %run_scoped3A = tpu.sem_alloc : memref<!tpu.dma_semaphore, #tpu.memory_space<semaphore_mem>>
      tpu.enqueue_dma source(%arg3 : memref<5x16xf32, #tpu.memory_space<hbm>>) target(%arg7 : memref<5x16xf32, #tpu.memory_space<vmem>>) target_semaphore(%run_scoped3A : memref<!tpu.dma_semaphore, #tpu.memory_space<semaphore_mem>>)
      tpu.wait_dma2 semaphore(%run_scoped3A : memref<!tpu.dma_semaphore, #tpu.memory_space<semaphore_mem>>) src(%arg3 : memref<5x16xf32, #tpu.memory_space<hbm>>) dst(%arg7 : memref<5x16xf32, #tpu.memory_space<vmem>>)
      tpu.yield
    }) : () -> ()
    "tpu.region"() ({
      %run_scoped3A = tpu.sem_alloc : memref<!tpu.dma_semaphore, #tpu.memory_space<semaphore_mem>>
      tpu.enqueue_dma source(%arg4 : memref<6x16xf32, #tpu.memory_space<hbm>>) target(%arg8 : memref<6x16xf32, #tpu.memory_space<vmem>>) target_semaphore(%run_scoped3A : memref<!tpu.dma_semaphore, #tpu.memory_space<semaphore_mem>>)
      tpu.wait_dma2 semaphore(%run_scoped3A : memref<!tpu.dma_semaphore, #tpu.memory_space<semaphore_mem>>) src(%arg4 : memref<6x16xf32, #tpu.memory_space<hbm>>) dst(%arg8 : memref<6x16xf32, #tpu.memory_space<vmem>>)
      tpu.yield
    }) : () -> ()
    "tpu.region"() ({
      %run_scoped3A = tpu.sem_alloc : memref<!tpu.dma_semaphore, #tpu.memory_space<semaphore_mem>>
      tpu.enqueue_dma source(%arg5 : memref<2x16xf32, #tpu.memory_space<hbm>>) target(%arg9 : memref<2x16xf32, #tpu.memory_space<vmem>>) target_semaphore(%run_scoped3A : memref<!tpu.dma_semaphore, #tpu.memory_space<semaphore_mem>>)
      tpu.wait_dma2 semaphore(%run_scoped3A : memref<!tpu.dma_semaphore, #tpu.memory_space<semaphore_mem>>) src(%arg5 : memref<2x16xf32, #tpu.memory_space<hbm>>) dst(%arg9 : memref<2x16xf32, #tpu.memory_space<vmem>>)
      tpu.yield
    }) : () -> ()
    %iota3A = tpu.iota {dimensions = array<i32: 0>} : vector<16xi32>
    %mul3A_1 = arith.constant 64 : i32
    %mul3A_2 = vector.broadcast %mul3A_1 : i32 to vector<16xi32>
    %mul3A_3 = arith.muli %iota3A, %mul3A_2 : vector<16xi32>
    %get3A = arith.constant 0 : i32
    %get3A_4 = arith.index_cast %get3A : i32 to index
    %get3A_5 = arith.constant 0 : index
    %get3A_6 = tpu.vector_load %arg7[%get3A_4, %get3A_5] {strides = array<i32>} : memref<5x16xf32, #tpu.memory_space<vmem>>, vector<16xf32>,
    %get3A_7 = arith.constant 0 : i32
    %get3A_8 = arith.index_cast %get3A_7 : i32 to index
    %get3A_9 = arith.constant 0 : index
    %get3A_10 = tpu.vector_load %arg8[%get3A_8, %get3A_9] {strides = array<i32>} : memref<6x16xf32, #tpu.memory_space<vmem>>, vector<16xf32>,
    %add3A_11 = arith.addf %get3A_6, %get3A_10 : vector<16xf32>
    %add3A_12 = arith.constant 0 : i32
    %add3A_13 = vector.broadcast %add3A_12 : i32 to vector<16xi32>
    %add3A_14 = arith.addi %mul3A_3, %add3A_13 : vector<16xi32>
    %get3A_15 = arith.constant 0 : i32
    %get3A_16 = arith.index_cast %get3A_15 : i32 to index
    %get3A_17 = arith.constant 0 : index
    %get3A_18 = tpu.vector_load %arg9[%get3A_16, %get3A_17] {strides = array<i32>} : memref<2x16xf32, #tpu.memory_space<vmem>>, vector<16xf32>,
    %add3A_19 = arith.addf %add3A_11, %get3A_18 : vector<16xf32>
    tpu.vector_store_idx %arg10[%add3A_14], %add3A_19 : memref<1024xf32, #tpu.memory_space<vmem>>[vector<16xi32>], vector<16xf32>,
    %add3A_20 = arith.constant 1 : i32
    %add3A_21 = vector.broadcast %add3A_20 : i32 to vector<16xi32>
    %add3A_22 = arith.addi %mul3A_3, %add3A_21 : vector<16xi32>
    %get3A_23 = arith.constant 1 : i32
    %get3A_24 = arith.index_cast %get3A_23 : i32 to index
    %get3A_25 = arith.constant 0 : index
    %get3A_26 = tpu.vector_load %arg9[%get3A_24, %get3A_25] {strides = array<i32>} : memref<2x16xf32, #tpu.memory_space<vmem>>, vector<16xf32>,
    %add3A_27 = arith.addf %add3A_11, %get3A_26 : vector<16xf32>
    tpu.vector_store_idx %arg10[%add3A_22], %add3A_27 : memref<1024xf32, #tpu.memory_space<vmem>>[vector<16xi32>], vector<16xf32>,
    %get3A_28 = arith.constant 1 : i32
    %get3A_29 = arith.index_cast %get3A_28 : i32 to index
    %get3A_30 = arith.constant 0 : index
    %get3A_31 = tpu.vector_load %arg8[%get3A_29, %get3A_30] {strides = array<i32>} : memref<6x16xf32, #tpu.memory_space<vmem>>, vector<16xf32>,
    %add3A_32 = arith.addf %get3A_6, %get3A_31 : vector<16xf32>
    %add3A_33 = arith.constant 2 : i32
    %add3A_34 = vector.broadcast %add3A_33 : i32 to vector<16xi32>
    %add3A_35 = arith.addi %mul3A_3, %add3A_34 : vector<16xi32>
    %get3A_36 = arith.constant 0 : i32
    %get3A_37 = arith.index_cast %get3A_36 : i32 to index
    %get3A_38 = arith.constant 0 : index
    %get3A_39 = tpu.vector_load %arg9[%get3A_37, %get3A_38] {strides = array<i32>} : memref<2x16xf32, #tpu.memory_space<vmem>>, vector<16xf32>,
    %add3A_40 = arith.addf %add3A_32, %get3A_39 : vector<16xf32>
    tpu.vector_store_idx %arg10[%add3A_35], %add3A_40 : memref<1024xf32, #tpu.memory_space<vmem>>[vector<16xi32>], vector<16xf32>,
    %add3A_41 = arith.constant 3 : i32
    %add3A_42 = vector.broadcast %add3A_41 : i32 to vector<16xi32>
    %add3A_43 = arith.addi %mul3A_3, %add3A_42 : vector<16xi32>
    %get3A_44 = arith.constant 1 : i32
    %get3A_45 = arith.index_cast %get3A_44 : i32 to index
    %get3A_46 = arith.constant 0 : index
    %get3A_47 = tpu.vector_load %arg9[%get3A_45, %get3A_46] {strides = array<i32>} : memref<2x16xf32, #tpu.memory_space<vmem>>, vector<16xf32>,
    %add3A_48 = arith.addf %add3A_32, %get3A_47 : vector<16xf32>
    tpu.vector_store_idx %arg10[%add3A_43], %add3A_48 : memref<1024xf32, #tpu.memory_space<vmem>>[vector<16xi32>], vector<16xf32>,
    %get3A_49 = arith.constant 2 : i32
    %get3A_50 = arith.index_cast %get3A_49 : i32 to index
    %get3A_51 = arith.constant 0 : index
    %get3A_52 = tpu.vector_load %arg8[%get3A_50, %get3A_51] {strides = array<i32>} : memref<6x16xf32, #tpu.memory_space<vmem>>, vector<16xf32>,
    %add3A_53 = arith.addf %get3A_6, %get3A_52 : vector<16xf32>
    %add3A_54 = arith.constant 4 : i32
    %add3A_55 = vector.broadcast %add3A_54 : i32 to vector<16xi32>
    %add3A_56 = arith.addi %mul3A_3, %add3A_55 : vector<16xi32>
    %get3A_57 = arith.constant 0 : i32
    %get3A_58 = arith.index_cast %get3A_57 : i32 to index
    %get3A_59 = arith.constant 0 : index
    %get3A_60 = tpu.vector_load %arg9[%get3A_58, %get3A_59] {strides = array<i32>} : memref<2x16xf32, #tpu.memory_space<vmem>>, vector<16xf32>,
    %add3A_61 = arith.addf %add3A_53, %get3A_60 : vector<16xf32>
    tpu.vector_store_idx %arg10[%add3A_56], %add3A_61 : memref<1024xf32, #tpu.memory_space<vmem>>[vector<16xi32>], vector<16xf32>,
    %add3A_62 = arith.constant 5 : i32
    %add3A_63 = vector.broadcast %add3A_62 : i32 to vector<16xi32>
    %add3A_64 = arith.addi %mul3A_3, %add3A_63 : vector<16xi32>
    %get3A_65 = arith.constant 1 : i32
    %get3A_66 = arith.index_cast %get3A_65 : i32 to index
    %get3A_67 = arith.constant 0 : index
    %get3A_68 = tpu.vector_load %arg9[%get3A_66, %get3A_67] {strides = array<i32>} : memref<2x16xf32, #tpu.memory_space<vmem>>, vector<16xf32>,
    %add3A_69 = arith.addf %add3A_53, %get3A_68 : vector<16xf32>
    tpu.vector_store_idx %arg10[%add3A_64], %add3A_69 : memref<1024xf32, #tpu.memory_space<vmem>>[vector<16xi32>], vector<16xf32>,
    %get3A_70 = arith.constant 3 : i32
    %get3A_71 = arith.index_cast %get3A_70 : i32 to index
    %get3A_72 = arith.constant 0 : index
    %get3A_73 = tpu.vector_load %arg8[%get3A_71, %get3A_72] {strides = array<i32>} : memref<6x16xf32, #tpu.memory_space<vmem>>, vector<16xf32>,
    %add3A_74 = arith.addf %get3A_6, %get3A_73 : vector<16xf32>
    %add3A_75 = arith.constant 6 : i32
    %add3A_76 = vector.broadcast %add3A_75 : i32 to vector<16xi32>
    %add3A_77 = arith.addi %mul3A_3, %add3A_76 : vector<16xi32>
    %get3A_78 = arith.constant 0 : i32
    %get3A_79 = arith.index_cast %get3A_78 : i32 to index
    %get3A_80 = arith.constant 0 : index
    %get3A_81 = tpu.vector_load %arg9[%get3A_79, %get3A_80] {strides = array<i32>} : memref<2x16xf32, #tpu.memory_space<vmem>>, vector<16xf32>,
    %add3A_82 = arith.addf %add3A_74, %get3A_81 : vector<16xf32>
    tpu.vector_store_idx %arg10[%add3A_77], %add3A_82 : memref<1024xf32, #tpu.memory_space<vmem>>[vector<16xi32>], vector<16xf32>,
    %add3A_83 = arith.constant 7 : i32
    %add3A_84 = vector.broadcast %add3A_83 : i32 to vector<16xi32>
    %add3A_85 = arith.addi %mul3A_3, %add3A_84 : vector<16xi32>
    %get3A_86 = arith.constant 1 : i32
    %get3A_87 = arith.index_cast %get3A_86 : i32 to index
    %get3A_88 = arith.constant 0 : index
    %get3A_89 = tpu.vector_load %arg9[%get3A_87, %get3A_88] {strides = array<i32>} : memref<2x16xf32, #tpu.memory_space<vmem>>, vector<16xf32>,
    %add3A_90 = arith.addf %add3A_74, %get3A_89 : vector<16xf32>
    tpu.vector_store_idx %arg10[%add3A_85], %add3A_90 : memref<1024xf32, #tpu.memory_space<vmem>>[vector<16xi32>], vector<16xf32>,
    %get3A_91 = arith.constant 4 : i32
    %get3A_92 = arith.index_cast %get3A_91 : i32 to index
    %get3A_93 = arith.constant 0 : index
    %get3A_94 = tpu.vector_load %arg8[%get3A_92, %get3A_93] {strides = array<i32>} : memref<6x16xf32, #tpu.memory_space<vmem>>, vector<16xf32>,
    %add3A_95 = arith.addf %get3A_6, %get3A_94 : vector<16xf32>
    %add3A_96 = arith.constant 8 : i32
    %add3A_97 = vector.broadcast %add3A_96 : i32 to vector<16xi32>
    %add3A_98 = arith.addi %mul3A_3, %add3A_97 : vector<16xi32>
    %get3A_99 = arith.constant 0 : i32
    %get3A_100 = arith.index_cast %get3A_99 : i32 to index
    %get3A_101 = arith.constant 0 : index
    %get3A_102 = tpu.vector_load %arg9[%get3A_100, %get3A_101] {strides = array<i32>} : memref<2x16xf32, #tpu.memory_space<vmem>>, vector<16xf32>,
    %add3A_103 = arith.addf %add3A_95, %get3A_102 : vector<16xf32>
    tpu.vector_store_idx %arg10[%add3A_98], %add3A_103 : memref<1024xf32, #tpu.memory_space<vmem>>[vector<16xi32>], vector<16xf32>,
    %add3A_104 = arith.constant 9 : i32
    %add3A_105 = vector.broadcast %add3A_104 : i32 to vector<16xi32>
    %add3A_106 = arith.addi %mul3A_3, %add3A_105 : vector<16xi32>
    %get3A_107 = arith.constant 1 : i32
    %get3A_108 = arith.index_cast %get3A_107 : i32 to index
    %get3A_109 = arith.constant 0 : index
    %get3A_110 = tpu.vector_load %arg9[%get3A_108, %get3A_109] {strides = array<i32>} : memref<2x16xf32, #tpu.memory_space<vmem>>, vector<16xf32>,
    %add3A_111 = arith.addf %add3A_95, %get3A_110 : vector<16xf32>
    tpu.vector_store_idx %arg10[%add3A_106], %add3A_111 : memref<1024xf32, #tpu.memory_space<vmem>>[vector<16xi32>], vector<16xf32>,
    %get3A_112 = arith.constant 5 : i32
    %get3A_113 = arith.index_cast %get3A_112 : i32 to index
    %get3A_114 = arith.constant 0 : index
    %get3A_115 = tpu.vector_load %arg8[%get3A_113, %get3A_114] {strides = array<i32>} : memref<6x16xf32, #tpu.memory_space<vmem>>, vector<16xf32>,
    %add3A_116 = arith.addf %get3A_6, %get3A_115 : vector<16xf32>
    %add3A_117 = arith.constant 10 : i32
    %add3A_118 = vector.broadcast %add3A_117 : i32 to vector<16xi32>
    %add3A_119 = arith.addi %mul3A_3, %add3A_118 : vector<16xi32>
    %get3A_120 = arith.constant 0 : i32
    %get3A_121 = arith.index_cast %get3A_120 : i32 to index
    %get3A_122 = arith.constant 0 : index
    %get3A_123 = tpu.vector_load %arg9[%get3A_121, %get3A_122] {strides = array<i32>} : memref<2x16xf32, #tpu.memory_space<vmem>>, vector<16xf32>,
    %add3A_124 = arith.addf %add3A_116, %get3A_123 : vector<16xf32>
    tpu.vector_store_idx %arg10[%add3A_119], %add3A_124 : memref<1024xf32, #tpu.memory_space<vmem>>[vector<16xi32>], vector<16xf32>,
    %add3A_125 = arith.constant 11 : i32
    %add3A_126 = vector.broadcast %add3A_125 : i32 to vector<16xi32>
    %add3A_127 = arith.addi %mul3A_3, %add3A_126 : vector<16xi32>
    %get3A_128 = arith.constant 1 : i32
    %get3A_129 = arith.index_cast %get3A_128 : i32 to index
    %get3A_130 = arith.constant 0 : index
    %get3A_131 = tpu.vector_load %arg9[%get3A_129, %get3A_130] {strides = array<i32>} : memref<2x16xf32, #tpu.memory_space<vmem>>, vector<16xf32>,
    %add3A_132 = arith.addf %add3A_116, %get3A_131 : vector<16xf32>
    tpu.vector_store_idx %arg10[%add3A_127], %add3A_132 : memref<1024xf32, #tpu.memory_space<vmem>>[vector<16xi32>], vector<16xf32>,
    %get3A_133 = arith.constant 1 : i32
    %get3A_134 = arith.index_cast %get3A_133 : i32 to index
    %get3A_135 = arith.constant 0 : index
    %get3A_136 = tpu.vector_load %arg7[%get3A_134, %get3A_135] {strides = array<i32>} : memref<5x16xf32, #tpu.memory_space<vmem>>, vector<16xf32>,
    %get3A_137 = arith.constant 0 : i32
    %get3A_138 = arith.index_cast %get3A_137 : i32 to index
    %get3A_139 = arith.constant 0 : index
    %get3A_140 = tpu.vector_load %arg8[%get3A_138, %get3A_139] {strides = array<i32>} : memref<6x16xf32, #tpu.memory_space<vmem>>, vector<16xf32>,
    %add3A_141 = arith.addf %get3A_136, %get3A_140 : vector<16xf32>
    %add3A_142 = arith.constant 12 : i32
    %add3A_143 = vector.broadcast %add3A_142 : i32 to vector<16xi32>
    %add3A_144 = arith.addi %mul3A_3, %add3A_143 : vector<16xi32>
    %get3A_145 = arith.constant 0 : i32
    %get3A_146 = arith.index_cast %get3A_145 : i32 to index
    %get3A_147 = arith.constant 0 : index
    %get3A_148 = tpu.vector_load %arg9[%get3A_146, %get3A_147] {strides = array<i32>} : memref<2x16xf32, #tpu.memory_space<vmem>>, vector<16xf32>,
    %add3A_149 = arith.addf %add3A_141, %get3A_148 : vector<16xf32>
    tpu.vector_store_idx %arg10[%add3A_144], %add3A_149 : memref<1024xf32, #tpu.memory_space<vmem>>[vector<16xi32>], vector<16xf32>,
    %add3A_150 = arith.constant 13 : i32
    %add3A_151 = vector.broadcast %add3A_150 : i32 to vector<16xi32>
    %add3A_152 = arith.addi %mul3A_3, %add3A_151 : vector<16xi32>
    %get3A_153 = arith.constant 1 : i32
    %get3A_154 = arith.index_cast %get3A_153 : i32 to index
    %get3A_155 = arith.constant 0 : index
    %get3A_156 = tpu.vector_load %arg9[%get3A_154, %get3A_155] {strides = array<i32>} : memref<2x16xf32, #tpu.memory_space<vmem>>, vector<16xf32>,
    %add3A_157 = arith.addf %add3A_141, %get3A_156 : vector<16xf32>
    tpu.vector_store_idx %arg10[%add3A_152], %add3A_157 : memref<1024xf32, #tpu.memory_space<vmem>>[vector<16xi32>], vector<16xf32>,
    %get3A_158 = arith.constant 1 : i32
    %get3A_159 = arith.index_cast %get3A_158 : i32 to index
    %get3A_160 = arith.constant 0 : index
    %get3A_161 = tpu.vector_load %arg8[%get3A_159, %get3A_160] {strides = array<i32>} : memref<6x16xf32, #tpu.memory_space<vmem>>, vector<16xf32>,
    %add3A_162 = arith.addf %get3A_136, %get3A_161 : vector<16xf32>
    %add3A_163 = arith.constant 14 : i32
    %add3A_164 = vector.broadcast %add3A_163 : i32 to vector<16xi32>
    %add3A_165 = arith.addi %mul3A_3, %add3A_164 : vector<16xi32>
    %get3A_166 = arith.constant 0 : i32
    %get3A_167 = arith.index_cast %get3A_166 : i32 to index
    %get3A_168 = arith.constant 0 : index
    %get3A_169 = tpu.vector_load %arg9[%get3A_167, %get3A_168] {strides = array<i32>} : memref<2x16xf32, #tpu.memory_space<vmem>>, vector<16xf32>,
    %add3A_170 = arith.addf %add3A_162, %get3A_169 : vector<16xf32>
    tpu.vector_store_idx %arg10[%add3A_165], %add3A_170 : memref<1024xf32, #tpu.memory_space<vmem>>[vector<16xi32>], vector<16xf32>,
    %add3A_171 = arith.constant 15 : i32
    %add3A_172 = vector.broadcast %add3A_171 : i32 to vector<16xi32>
    %add3A_173 = arith.addi %mul3A_3, %add3A_172 : vector<16xi32>
    %get3A_174 = arith.constant 1 : i32
    %get3A_175 = arith.index_cast %get3A_174 : i32 to index
    %get3A_176 = arith.constant 0 : index
    %get3A_177 = tpu.vector_load %arg9[%get3A_175, %get3A_176] {strides = array<i32>} : memref<2x16xf32, #tpu.memory_space<vmem>>, vector<16xf32>,
    %add3A_178 = arith.addf %add3A_162, %get3A_177 : vector<16xf32>
    tpu.vector_store_idx %arg10[%add3A_173], %add3A_178 : memref<1024xf32, #tpu.memory_space<vmem>>[vector<16xi32>], vector<16xf32>,
    %get3A_179 = arith.constant 2 : i32
    %get3A_180 = arith.index_cast %get3A_179 : i32 to index
    %get3A_181 = arith.constant 0 : index
    %get3A_182 = tpu.vector_load %arg8[%get3A_180, %get3A_181] {strides = array<i32>} : memref<6x16xf32, #tpu.memory_space<vmem>>, vector<16xf32>,
    %add3A_183 = arith.addf %get3A_136, %get3A_182 : vector<16xf32>
    %add3A_184 = arith.constant 16 : i32
    %add3A_185 = vector.broadcast %add3A_184 : i32 to vector<16xi32>
    %add3A_186 = arith.addi %mul3A_3, %add3A_185 : vector<16xi32>
    %get3A_187 = arith.constant 0 : i32
    %get3A_188 = arith.index_cast %get3A_187 : i32 to index
    %get3A_189 = arith.constant 0 : index
    %get3A_190 = tpu.vector_load %arg9[%get3A_188, %get3A_189] {strides = array<i32>} : memref<2x16xf32, #tpu.memory_space<vmem>>, vector<16xf32>,
    %add3A_191 = arith.addf %add3A_183, %get3A_190 : vector<16xf32>
    tpu.vector_store_idx %arg10[%add3A_186], %add3A_191 : memref<1024xf32, #tpu.memory_space<vmem>>[vector<16xi32>], vector<16xf32>,
    %add3A_192 = arith.constant 17 : i32
    %add3A_193 = vector.broadcast %add3A_192 : i32 to vector<16xi32>
    %add3A_194 = arith.addi %mul3A_3, %add3A_193 : vector<16xi32>
    %get3A_195 = arith.constant 1 : i32
    %get3A_196 = arith.index_cast %get3A_195 : i32 to index
    %get3A_197 = arith.constant 0 : index
    %get3A_198 = tpu.vector_load %arg9[%get3A_196, %get3A_197] {strides = array<i32>} : memref<2x16xf32, #tpu.memory_space<vmem>>, vector<16xf32>,
    %add3A_199 = arith.addf %add3A_183, %get3A_198 : vector<16xf32>
    tpu.vector_store_idx %arg10[%add3A_194], %add3A_199 : memref<1024xf32, #tpu.memory_space<vmem>>[vector<16xi32>], vector<16xf32>,
    %get3A_200 = arith.constant 3 : i32
    %get3A_201 = arith.index_cast %get3A_200 : i32 to index
    %get3A_202 = arith.constant 0 : index
    %get3A_203 = tpu.vector_load %arg8[%get3A_201, %get3A_202] {strides = array<i32>} : memref<6x16xf32, #tpu.memory_space<vmem>>, vector<16xf32>,
    %add3A_204 = arith.addf %get3A_136, %get3A_203 : vector<16xf32>
    %add3A_205 = arith.constant 18 : i32
    %add3A_206 = vector.broadcast %add3A_205 : i32 to vector<16xi32>
    %add3A_207 = arith.addi %mul3A_3, %add3A_206 : vector<16xi32>
    %get3A_208 = arith.constant 0 : i32
    %get3A_209 = arith.index_cast %get3A_208 : i32 to index
    %get3A_210 = arith.constant 0 : index
    %get3A_211 = tpu.vector_load %arg9[%get3A_209, %get3A_210] {strides = array<i32>} : memref<2x16xf32, #tpu.memory_space<vmem>>, vector<16xf32>,
    %add3A_212 = arith.addf %add3A_204, %get3A_211 : vector<16xf32>
    tpu.vector_store_idx %arg10[%add3A_207], %add3A_212 : memref<1024xf32, #tpu.memory_space<vmem>>[vector<16xi32>], vector<16xf32>,
    %add3A_213 = arith.constant 19 : i32
    %add3A_214 = vector.broadcast %add3A_213 : i32 to vector<16xi32>
    %add3A_215 = arith.addi %mul3A_3, %add3A_214 : vector<16xi32>
    %get3A_216 = arith.constant 1 : i32
    %get3A_217 = arith.index_cast %get3A_216 : i32 to index
    %get3A_218 = arith.constant 0 : index
    %get3A_219 = tpu.vector_load %arg9[%get3A_217, %get3A_218] {strides = array<i32>} : memref<2x16xf32, #tpu.memory_space<vmem>>, vector<16xf32>,
    %add3A_220 = arith.addf %add3A_204, %get3A_219 : vector<16xf32>
    tpu.vector_store_idx %arg10[%add3A_215], %add3A_220 : memref<1024xf32, #tpu.memory_space<vmem>>[vector<16xi32>], vector<16xf32>,
    %get3A_221 = arith.constant 4 : i32
    %get3A_222 = arith.index_cast %get3A_221 : i32 to index
    %get3A_223 = arith.constant 0 : index
    %get3A_224 = tpu.vector_load %arg8[%get3A_222, %get3A_223] {strides = array<i32>} : memref<6x16xf32, #tpu.memory_space<vmem>>, vector<16xf32>,
    %add3A_225 = arith.addf %get3A_136, %get3A_224 : vector<16xf32>
    %add3A_226 = arith.constant 20 : i32
    %add3A_227 = vector.broadcast %add3A_226 : i32 to vector<16xi32>
    %add3A_228 = arith.addi %mul3A_3, %add3A_227 : vector<16xi32>
    %get3A_229 = arith.constant 0 : i32
    %get3A_230 = arith.index_cast %get3A_229 : i32 to index
    %get3A_231 = arith.constant 0 : index
    %get3A_232 = tpu.vector_load %arg9[%get3A_230, %get3A_231] {strides = array<i32>} : memref<2x16xf32, #tpu.memory_space<vmem>>, vector<16xf32>,
    %add3A_233 = arith.addf %add3A_225, %get3A_232 : vector<16xf32>
    tpu.vector_store_idx %arg10[%add3A_228], %add3A_233 : memref<1024xf32, #tpu.memory_space<vmem>>[vector<16xi32>], vector<16xf32>,
    %add3A_234 = arith.constant 21 : i32
    %add3A_235 = vector.broadcast %add3A_234 : i32 to vector<16xi32>
    %add3A_236 = arith.addi %mul3A_3, %add3A_235 : vector<16xi32>
    %get3A_237 = arith.constant 1 : i32
    %get3A_238 = arith.index_cast %get3A_237 : i32 to index
    %get3A_239 = arith.constant 0 : index
    %get3A_240 = tpu.vector_load %arg9[%get3A_238, %get3A_239] {strides = array<i32>} : memref<2x16xf32, #tpu.memory_space<vmem>>, vector<16xf32>,
    %add3A_241 = arith.addf %add3A_225, %get3A_240 : vector<16xf32>
    tpu.vector_store_idx %arg10[%add3A_236], %add3A_241 : memref<1024xf32, #tpu.memory_space<vmem>>[vector<16xi32>], vector<16xf32>,
    %get3A_242 = arith.constant 5 : i32
    %get3A_243 = arith.index_cast %get3A_242 : i32 to index
    %get3A_244 = arith.constant 0 : index
    %get3A_245 = tpu.vector_load %arg8[%get3A_243, %get3A_244] {strides = array<i32>} : memref<6x16xf32, #tpu.memory_space<vmem>>, vector<16xf32>,
    %add3A_246 = arith.addf %get3A_136, %get3A_245 : vector<16xf32>
    %add3A_247 = arith.constant 22 : i32
    %add3A_248 = vector.broadcast %add3A_247 : i32 to vector<16xi32>
    %add3A_249 = arith.addi %mul3A_3, %add3A_248 : vector<16xi32>
    %get3A_250 = arith.constant 0 : i32
    %get3A_251 = arith.index_cast %get3A_250 : i32 to index
    %get3A_252 = arith.constant 0 : index
    %get3A_253 = tpu.vector_load %arg9[%get3A_251, %get3A_252] {strides = array<i32>} : memref<2x16xf32, #tpu.memory_space<vmem>>, vector<16xf32>,
    %add3A_254 = arith.addf %add3A_246, %get3A_253 : vector<16xf32>
    tpu.vector_store_idx %arg10[%add3A_249], %add3A_254 : memref<1024xf32, #tpu.memory_space<vmem>>[vector<16xi32>], vector<16xf32>,
    %add3A_255 = arith.constant 23 : i32
    %add3A_256 = vector.broadcast %add3A_255 : i32 to vector<16xi32>
    %add3A_257 = arith.addi %mul3A_3, %add3A_256 : vector<16xi32>
    %get3A_258 = arith.constant 1 : i32
    %get3A_259 = arith.index_cast %get3A_258 : i32 to index
    %get3A_260 = arith.constant 0 : index
    %get3A_261 = tpu.vector_load %arg9[%get3A_259, %get3A_260] {strides = array<i32>} : memref<2x16xf32, #tpu.memory_space<vmem>>, vector<16xf32>,
    %add3A_262 = arith.addf %add3A_246, %get3A_261 : vector<16xf32>
    tpu.vector_store_idx %arg10[%add3A_257], %add3A_262 : memref<1024xf32, #tpu.memory_space<vmem>>[vector<16xi32>], vector<16xf32>,
    %get3A_263 = arith.constant 2 : i32
    %get3A_264 = arith.index_cast %get3A_263 : i32 to index
    %get3A_265 = arith.constant 0 : index
    %get3A_266 = tpu.vector_load %arg7[%get3A_264, %get3A_265] {strides = array<i32>} : memref<5x16xf32, #tpu.memory_space<vmem>>, vector<16xf32>,
    %get3A_267 = arith.constant 0 : i32
    %get3A_268 = arith.index_cast %get3A_267 : i32 to index
    %get3A_269 = arith.constant 0 : index
    %get3A_270 = tpu.vector_load %arg8[%get3A_268, %get3A_269] {strides = array<i32>} : memref<6x16xf32, #tpu.memory_space<vmem>>, vector<16xf32>,
    %add3A_271 = arith.addf %get3A_266, %get3A_270 : vector<16xf32>
    %add3A_272 = arith.constant 24 : i32
    %add3A_273 = vector.broadcast %add3A_272 : i32 to vector<16xi32>
    %add3A_274 = arith.addi %mul3A_3, %add3A_273 : vector<16xi32>
    %get3A_275 = arith.constant 0 : i32
    %get3A_276 = arith.index_cast %get3A_275 : i32 to index
    %get3A_277 = arith.constant 0 : index
    %get3A_278 = tpu.vector_load %arg9[%get3A_276, %get3A_277] {strides = array<i32>} : memref<2x16xf32, #tpu.memory_space<vmem>>, vector<16xf32>,
    %add3A_279 = arith.addf %add3A_271, %get3A_278 : vector<16xf32>
    tpu.vector_store_idx %arg10[%add3A_274], %add3A_279 : memref<1024xf32, #tpu.memory_space<vmem>>[vector<16xi32>], vector<16xf32>,
    %add3A_280 = arith.constant 25 : i32
    %add3A_281 = vector.broadcast %add3A_280 : i32 to vector<16xi32>
    %add3A_282 = arith.addi %mul3A_3, %add3A_281 : vector<16xi32>
    %get3A_283 = arith.constant 1 : i32
    %get3A_284 = arith.index_cast %get3A_283 : i32 to index
    %get3A_285 = arith.constant 0 : index
    %get3A_286 = tpu.vector_load %arg9[%get3A_284, %get3A_285] {strides = array<i32>} : memref<2x16xf32, #tpu.memory_space<vmem>>, vector<16xf32>,
    %add3A_287 = arith.addf %add3A_271, %get3A_286 : vector<16xf32>
    tpu.vector_store_idx %arg10[%add3A_282], %add3A_287 : memref<1024xf32, #tpu.memory_space<vmem>>[vector<16xi32>], vector<16xf32>,
    %get3A_288 = arith.constant 1 : i32
    %get3A_289 = arith.index_cast %get3A_288 : i32 to index
    %get3A_290 = arith.constant 0 : index
    %get3A_291 = tpu.vector_load %arg8[%get3A_289, %get3A_290] {strides = array<i32>} : memref<6x16xf32, #tpu.memory_space<vmem>>, vector<16xf32>,
    %add3A_292 = arith.addf %get3A_266, %get3A_291 : vector<16xf32>
    %add3A_293 = arith.constant 26 : i32
    %add3A_294 = vector.broadcast %add3A_293 : i32 to vector<16xi32>
    %add3A_295 = arith.addi %mul3A_3, %add3A_294 : vector<16xi32>
    %get3A_296 = arith.constant 0 : i32
    %get3A_297 = arith.index_cast %get3A_296 : i32 to index
    %get3A_298 = arith.constant 0 : index
    %get3A_299 = tpu.vector_load %arg9[%get3A_297, %get3A_298] {strides = array<i32>} : memref<2x16xf32, #tpu.memory_space<vmem>>, vector<16xf32>,
    %add3A_300 = arith.addf %add3A_292, %get3A_299 : vector<16xf32>
    tpu.vector_store_idx %arg10[%add3A_295], %add3A_300 : memref<1024xf32, #tpu.memory_space<vmem>>[vector<16xi32>], vector<16xf32>,
    %add3A_301 = arith.constant 27 : i32
    %add3A_302 = vector.broadcast %add3A_301 : i32 to vector<16xi32>
    %add3A_303 = arith.addi %mul3A_3, %add3A_302 : vector<16xi32>
    %get3A_304 = arith.constant 1 : i32
    %get3A_305 = arith.index_cast %get3A_304 : i32 to index
    %get3A_306 = arith.constant 0 : index
    %get3A_307 = tpu.vector_load %arg9[%get3A_305, %get3A_306] {strides = array<i32>} : memref<2x16xf32, #tpu.memory_space<vmem>>, vector<16xf32>,
    %add3A_308 = arith.addf %add3A_292, %get3A_307 : vector<16xf32>
    tpu.vector_store_idx %arg10[%add3A_303], %add3A_308 : memref<1024xf32, #tpu.memory_space<vmem>>[vector<16xi32>], vector<16xf32>,
    %get3A_309 = arith.constant 2 : i32
    %get3A_310 = arith.index_cast %get3A_309 : i32 to index
    %get3A_311 = arith.constant 0 : index
    %get3A_312 = tpu.vector_load %arg8[%get3A_310, %get3A_311] {strides = array<i32>} : memref<6x16xf32, #tpu.memory_space<vmem>>, vector<16xf32>,
    %add3A_313 = arith.addf %get3A_266, %get3A_312 : vector<16xf32>
    %add3A_314 = arith.constant 28 : i32
    %add3A_315 = vector.broadcast %add3A_314 : i32 to vector<16xi32>
    %add3A_316 = arith.addi %mul3A_3, %add3A_315 : vector<16xi32>
    %get3A_317 = arith.constant 0 : i32
    %get3A_318 = arith.index_cast %get3A_317 : i32 to index
    %get3A_319 = arith.constant 0 : index
    %get3A_320 = tpu.vector_load %arg9[%get3A_318, %get3A_319] {strides = array<i32>} : memref<2x16xf32, #tpu.memory_space<vmem>>, vector<16xf32>,
    %add3A_321 = arith.addf %add3A_313, %get3A_320 : vector<16xf32>
    tpu.vector_store_idx %arg10[%add3A_316], %add3A_321 : memref<1024xf32, #tpu.memory_space<vmem>>[vector<16xi32>], vector<16xf32>,
    %add3A_322 = arith.constant 29 : i32
    %add3A_323 = vector.broadcast %add3A_322 : i32 to vector<16xi32>
    %add3A_324 = arith.addi %mul3A_3, %add3A_323 : vector<16xi32>
    %get3A_325 = arith.constant 1 : i32
    %get3A_326 = arith.index_cast %get3A_325 : i32 to index
    %get3A_327 = arith.constant 0 : index
    %get3A_328 = tpu.vector_load %arg9[%get3A_326, %get3A_327] {strides = array<i32>} : memref<2x16xf32, #tpu.memory_space<vmem>>, vector<16xf32>,
    %add3A_329 = arith.addf %add3A_313, %get3A_328 : vector<16xf32>
    tpu.vector_store_idx %arg10[%add3A_324], %add3A_329 : memref<1024xf32, #tpu.memory_space<vmem>>[vector<16xi32>], vector<16xf32>,
    %get3A_330 = arith.constant 3 : i32
    %get3A_331 = arith.index_cast %get3A_330 : i32 to index
    %get3A_332 = arith.constant 0 : index
    %get3A_333 = tpu.vector_load %arg8[%get3A_331, %get3A_332] {strides = array<i32>} : memref<6x16xf32, #tpu.memory_space<vmem>>, vector<16xf32>,
    %add3A_334 = arith.addf %get3A_266, %get3A_333 : vector<16xf32>
    %add3A_335 = arith.constant 30 : i32
    %add3A_336 = vector.broadcast %add3A_335 : i32 to vector<16xi32>
    %add3A_337 = arith.addi %mul3A_3, %add3A_336 : vector<16xi32>
    %get3A_338 = arith.constant 0 : i32
    %get3A_339 = arith.index_cast %get3A_338 : i32 to index
    %get3A_340 = arith.constant 0 : index
    %get3A_341 = tpu.vector_load %arg9[%get3A_339, %get3A_340] {strides = array<i32>} : memref<2x16xf32, #tpu.memory_space<vmem>>, vector<16xf32>,
    %add3A_342 = arith.addf %add3A_334, %get3A_341 : vector<16xf32>
    tpu.vector_store_idx %arg10[%add3A_337], %add3A_342 : memref<1024xf32, #tpu.memory_space<vmem>>[vector<16xi32>], vector<16xf32>,
    %add3A_343 = arith.constant 31 : i32
    %add3A_344 = vector.broadcast %add3A_343 : i32 to vector<16xi32>
    %add3A_345 = arith.addi %mul3A_3, %add3A_344 : vector<16xi32>
    %get3A_346 = arith.constant 1 : i32
    %get3A_347 = arith.index_cast %get3A_346 : i32 to index
    %get3A_348 = arith.constant 0 : index
    %get3A_349 = tpu.vector_load %arg9[%get3A_347, %get3A_348] {strides = array<i32>} : memref<2x16xf32, #tpu.memory_space<vmem>>, vector<16xf32>,
    %add3A_350 = arith.addf %add3A_334, %get3A_349 : vector<16xf32>
    tpu.vector_store_idx %arg10[%add3A_345], %add3A_350 : memref<1024xf32, #tpu.memory_space<vmem>>[vector<16xi32>], vector<16xf32>,
    %get3A_351 = arith.constant 4 : i32
    %get3A_352 = arith.index_cast %get3A_351 : i32 to index
    %get3A_353 = arith.constant 0 : index
    %get3A_354 = tpu.vector_load %arg8[%get3A_352, %get3A_353] {strides = array<i32>} : memref<6x16xf32, #tpu.memory_space<vmem>>, vector<16xf32>,
    %add3A_355 = arith.addf %get3A_266, %get3A_354 : vector<16xf32>
    %add3A_356 = arith.constant 32 : i32
    %add3A_357 = vector.broadcast %add3A_356 : i32 to vector<16xi32>
    %add3A_358 = arith.addi %mul3A_3, %add3A_357 : vector<16xi32>
    %get3A_359 = arith.constant 0 : i32
    %get3A_360 = arith.index_cast %get3A_359 : i32 to index
    %get3A_361 = arith.constant 0 : index
    %get3A_362 = tpu.vector_load %arg9[%get3A_360, %get3A_361] {strides = array<i32>} : memref<2x16xf32, #tpu.memory_space<vmem>>, vector<16xf32>,
    %add3A_363 = arith.addf %add3A_355, %get3A_362 : vector<16xf32>
    tpu.vector_store_idx %arg10[%add3A_358], %add3A_363 : memref<1024xf32, #tpu.memory_space<vmem>>[vector<16xi32>], vector<16xf32>,
    %add3A_364 = arith.constant 33 : i32
    %add3A_365 = vector.broadcast %add3A_364 : i32 to vector<16xi32>
    %add3A_366 = arith.addi %mul3A_3, %add3A_365 : vector<16xi32>
    %get3A_367 = arith.constant 1 : i32
    %get3A_368 = arith.index_cast %get3A_367 : i32 to index
    %get3A_369 = arith.constant 0 : index
    %get3A_370 = tpu.vector_load %arg9[%get3A_368, %get3A_369] {strides = array<i32>} : memref<2x16xf32, #tpu.memory_space<vmem>>, vector<16xf32>,
    %add3A_371 = arith.addf %add3A_355, %get3A_370 : vector<16xf32>
    tpu.vector_store_idx %arg10[%add3A_366], %add3A_371 : memref<1024xf32, #tpu.memory_space<vmem>>[vector<16xi32>], vector<16xf32>,
    %get3A_372 = arith.constant 5 : i32
    %get3A_373 = arith.index_cast %get3A_372 : i32 to index
    %get3A_374 = arith.constant 0 : index
    %get3A_375 = tpu.vector_load %arg8[%get3A_373, %get3A_374] {strides = array<i32>} : memref<6x16xf32, #tpu.memory_space<vmem>>, vector<16xf32>,
    %add3A_376 = arith.addf %get3A_266, %get3A_375 : vector<16xf32>
    %add3A_377 = arith.constant 34 : i32
    %add3A_378 = vector.broadcast %add3A_377 : i32 to vector<16xi32>
    %add3A_379 = arith.addi %mul3A_3, %add3A_378 : vector<16xi32>
    %get3A_380 = arith.constant 0 : i32
    %get3A_381 = arith.index_cast %get3A_380 : i32 to index
    %get3A_382 = arith.constant 0 : index
    %get3A_383 = tpu.vector_load %arg9[%get3A_381, %get3A_382] {strides = array<i32>} : memref<2x16xf32, #tpu.memory_space<vmem>>, vector<16xf32>,
    %add3A_384 = arith.addf %add3A_376, %get3A_383 : vector<16xf32>
    tpu.vector_store_idx %arg10[%add3A_379], %add3A_384 : memref<1024xf32, #tpu.memory_space<vmem>>[vector<16xi32>], vector<16xf32>,
    %add3A_385 = arith.constant 35 : i32
    %add3A_386 = vector.broadcast %add3A_385 : i32 to vector<16xi32>
    %add3A_387 = arith.addi %mul3A_3, %add3A_386 : vector<16xi32>
    %get3A_388 = arith.constant 1 : i32
    %get3A_389 = arith.index_cast %get3A_388 : i32 to index
    %get3A_390 = arith.constant 0 : index
    %get3A_391 = tpu.vector_load %arg9[%get3A_389, %get3A_390] {strides = array<i32>} : memref<2x16xf32, #tpu.memory_space<vmem>>, vector<16xf32>,
    %add3A_392 = arith.addf %add3A_376, %get3A_391 : vector<16xf32>
    tpu.vector_store_idx %arg10[%add3A_387], %add3A_392 : memref<1024xf32, #tpu.memory_space<vmem>>[vector<16xi32>], vector<16xf32>,
    %get3A_393 = arith.constant 3 : i32
    %get3A_394 = arith.index_cast %get3A_393 : i32 to index
    %get3A_395 = arith.constant 0 : index
    %get3A_396 = tpu.vector_load %arg7[%get3A_394, %get3A_395] {strides = array<i32>} : memref<5x16xf32, #tpu.memory_space<vmem>>, vector<16xf32>,
    %get3A_397 = arith.constant 0 : i32
    %get3A_398 = arith.index_cast %get3A_397 : i32 to index
    %get3A_399 = arith.constant 0 : index
    %get3A_400 = tpu.vector_load %arg8[%get3A_398, %get3A_399] {strides = array<i32>} : memref<6x16xf32, #tpu.memory_space<vmem>>, vector<16xf32>,
    %add3A_401 = arith.addf %get3A_396, %get3A_400 : vector<16xf32>
    %add3A_402 = arith.constant 36 : i32
    %add3A_403 = vector.broadcast %add3A_402 : i32 to vector<16xi32>
    %add3A_404 = arith.addi %mul3A_3, %add3A_403 : vector<16xi32>
    %get3A_405 = arith.constant 0 : i32
    %get3A_406 = arith.index_cast %get3A_405 : i32 to index
    %get3A_407 = arith.constant 0 : index
    %get3A_408 = tpu.vector_load %arg9[%get3A_406, %get3A_407] {strides = array<i32>} : memref<2x16xf32, #tpu.memory_space<vmem>>, vector<16xf32>,
    %add3A_409 = arith.addf %add3A_401, %get3A_408 : vector<16xf32>
    tpu.vector_store_idx %arg10[%add3A_404], %add3A_409 : memref<1024xf32, #tpu.memory_space<vmem>>[vector<16xi32>], vector<16xf32>,
    %add3A_410 = arith.constant 37 : i32
    %add3A_411 = vector.broadcast %add3A_410 : i32 to vector<16xi32>
    %add3A_412 = arith.addi %mul3A_3, %add3A_411 : vector<16xi32>
    %get3A_413 = arith.constant 1 : i32
    %get3A_414 = arith.index_cast %get3A_413 : i32 to index
    %get3A_415 = arith.constant 0 : index
    %get3A_416 = tpu.vector_load %arg9[%get3A_414, %get3A_415] {strides = array<i32>} : memref<2x16xf32, #tpu.memory_space<vmem>>, vector<16xf32>,
    %add3A_417 = arith.addf %add3A_401, %get3A_416 : vector<16xf32>
    tpu.vector_store_idx %arg10[%add3A_412], %add3A_417 : memref<1024xf32, #tpu.memory_space<vmem>>[vector<16xi32>], vector<16xf32>,
    %get3A_418 = arith.constant 1 : i32
    %get3A_419 = arith.index_cast %get3A_418 : i32 to index
    %get3A_420 = arith.constant 0 : index
    %get3A_421 = tpu.vector_load %arg8[%get3A_419, %get3A_420] {strides = array<i32>} : memref<6x16xf32, #tpu.memory_space<vmem>>, vector<16xf32>,
    %add3A_422 = arith.addf %get3A_396, %get3A_421 : vector<16xf32>
    %add3A_423 = arith.constant 38 : i32
    %add3A_424 = vector.broadcast %add3A_423 : i32 to vector<16xi32>
    %add3A_425 = arith.addi %mul3A_3, %add3A_424 : vector<16xi32>
    %get3A_426 = arith.constant 0 : i32
    %get3A_427 = arith.index_cast %get3A_426 : i32 to index
    %get3A_428 = arith.constant 0 : index
    %get3A_429 = tpu.vector_load %arg9[%get3A_427, %get3A_428] {strides = array<i32>} : memref<2x16xf32, #tpu.memory_space<vmem>>, vector<16xf32>,
    %add3A_430 = arith.addf %add3A_422, %get3A_429 : vector<16xf32>
    tpu.vector_store_idx %arg10[%add3A_425], %add3A_430 : memref<1024xf32, #tpu.memory_space<vmem>>[vector<16xi32>], vector<16xf32>,
    %add3A_431 = arith.constant 39 : i32
    %add3A_432 = vector.broadcast %add3A_431 : i32 to vector<16xi32>
    %add3A_433 = arith.addi %mul3A_3, %add3A_432 : vector<16xi32>
    %get3A_434 = arith.constant 1 : i32
    %get3A_435 = arith.index_cast %get3A_434 : i32 to index
    %get3A_436 = arith.constant 0 : index
    %get3A_437 = tpu.vector_load %arg9[%get3A_435, %get3A_436] {strides = array<i32>} : memref<2x16xf32, #tpu.memory_space<vmem>>, vector<16xf32>,
    %add3A_438 = arith.addf %add3A_422, %get3A_437 : vector<16xf32>
    tpu.vector_store_idx %arg10[%add3A_433], %add3A_438 : memref<1024xf32, #tpu.memory_space<vmem>>[vector<16xi32>], vector<16xf32>,
    %get3A_439 = arith.constant 2 : i32
    %get3A_440 = arith.index_cast %get3A_439 : i32 to index
    %get3A_441 = arith.constant 0 : index
    %get3A_442 = tpu.vector_load %arg8[%get3A_440, %get3A_441] {strides = array<i32>} : memref<6x16xf32, #tpu.memory_space<vmem>>, vector<16xf32>,
    %add3A_443 = arith.addf %get3A_396, %get3A_442 : vector<16xf32>
    %add3A_444 = arith.constant 40 : i32
    %add3A_445 = vector.broadcast %add3A_444 : i32 to vector<16xi32>
    %add3A_446 = arith.addi %mul3A_3, %add3A_445 : vector<16xi32>
    %get3A_447 = arith.constant 0 : i32
    %get3A_448 = arith.index_cast %get3A_447 : i32 to index
    %get3A_449 = arith.constant 0 : index
    %get3A_450 = tpu.vector_load %arg9[%get3A_448, %get3A_449] {strides = array<i32>} : memref<2x16xf32, #tpu.memory_space<vmem>>, vector<16xf32>,
    %add3A_451 = arith.addf %add3A_443, %get3A_450 : vector<16xf32>
    tpu.vector_store_idx %arg10[%add3A_446], %add3A_451 : memref<1024xf32, #tpu.memory_space<vmem>>[vector<16xi32>], vector<16xf32>,
    %add3A_452 = arith.constant 41 : i32
    %add3A_453 = vector.broadcast %add3A_452 : i32 to vector<16xi32>
    %add3A_454 = arith.addi %mul3A_3, %add3A_453 : vector<16xi32>
    %get3A_455 = arith.constant 1 : i32
    %get3A_456 = arith.index_cast %get3A_455 : i32 to index
    %get3A_457 = arith.constant 0 : index
    %get3A_458 = tpu.vector_load %arg9[%get3A_456, %get3A_457] {strides = array<i32>} : memref<2x16xf32, #tpu.memory_space<vmem>>, vector<16xf32>,
    %add3A_459 = arith.addf %add3A_443, %get3A_458 : vector<16xf32>
    tpu.vector_store_idx %arg10[%add3A_454], %add3A_459 : memref<1024xf32, #tpu.memory_space<vmem>>[vector<16xi32>], vector<16xf32>,
    %get3A_460 = arith.constant 3 : i32
    %get3A_461 = arith.index_cast %get3A_460 : i32 to index
    %get3A_462 = arith.constant 0 : index
    %get3A_463 = tpu.vector_load %arg8[%get3A_461, %get3A_462] {strides = array<i32>} : memref<6x16xf32, #tpu.memory_space<vmem>>, vector<16xf32>,
    %add3A_464 = arith.addf %get3A_396, %get3A_463 : vector<16xf32>
    %add3A_465 = arith.constant 42 : i32
    %add3A_466 = vector.broadcast %add3A_465 : i32 to vector<16xi32>
    %add3A_467 = arith.addi %mul3A_3, %add3A_466 : vector<16xi32>
    %get3A_468 = arith.constant 0 : i32
    %get3A_469 = arith.index_cast %get3A_468 : i32 to index
    %get3A_470 = arith.constant 0 : index
    %get3A_471 = tpu.vector_load %arg9[%get3A_469, %get3A_470] {strides = array<i32>} : memref<2x16xf32, #tpu.memory_space<vmem>>, vector<16xf32>,
    %add3A_472 = arith.addf %add3A_464, %get3A_471 : vector<16xf32>
    tpu.vector_store_idx %arg10[%add3A_467], %add3A_472 : memref<1024xf32, #tpu.memory_space<vmem>>[vector<16xi32>], vector<16xf32>,
    %add3A_473 = arith.constant 43 : i32
    %add3A_474 = vector.broadcast %add3A_473 : i32 to vector<16xi32>
    %add3A_475 = arith.addi %mul3A_3, %add3A_474 : vector<16xi32>
    %get3A_476 = arith.constant 1 : i32
    %get3A_477 = arith.index_cast %get3A_476 : i32 to index
    %get3A_478 = arith.constant 0 : index
    %get3A_479 = tpu.vector_load %arg9[%get3A_477, %get3A_478] {strides = array<i32>} : memref<2x16xf32, #tpu.memory_space<vmem>>, vector<16xf32>,
    %add3A_480 = arith.addf %add3A_464, %get3A_479 : vector<16xf32>
    tpu.vector_store_idx %arg10[%add3A_475], %add3A_480 : memref<1024xf32, #tpu.memory_space<vmem>>[vector<16xi32>], vector<16xf32>,
    %get3A_481 = arith.constant 4 : i32
    %get3A_482 = arith.index_cast %get3A_481 : i32 to index
    %get3A_483 = arith.constant 0 : index
    %get3A_484 = tpu.vector_load %arg8[%get3A_482, %get3A_483] {strides = array<i32>} : memref<6x16xf32, #tpu.memory_space<vmem>>, vector<16xf32>,
    %add3A_485 = arith.addf %get3A_396, %get3A_484 : vector<16xf32>
    %add3A_486 = arith.constant 44 : i32
    %add3A_487 = vector.broadcast %add3A_486 : i32 to vector<16xi32>
    %add3A_488 = arith.addi %mul3A_3, %add3A_487 : vector<16xi32>
    %get3A_489 = arith.constant 0 : i32
    %get3A_490 = arith.index_cast %get3A_489 : i32 to index
    %get3A_491 = arith.constant 0 : index
    %get3A_492 = tpu.vector_load %arg9[%get3A_490, %get3A_491] {strides = array<i32>} : memref<2x16xf32, #tpu.memory_space<vmem>>, vector<16xf32>,
    %add3A_493 = arith.addf %add3A_485, %get3A_492 : vector<16xf32>
    tpu.vector_store_idx %arg10[%add3A_488], %add3A_493 : memref<1024xf32, #tpu.memory_space<vmem>>[vector<16xi32>], vector<16xf32>,
    %add3A_494 = arith.constant 45 : i32
    %add3A_495 = vector.broadcast %add3A_494 : i32 to vector<16xi32>
    %add3A_496 = arith.addi %mul3A_3, %add3A_495 : vector<16xi32>
    %get3A_497 = arith.constant 1 : i32
    %get3A_498 = arith.index_cast %get3A_497 : i32 to index
    %get3A_499 = arith.constant 0 : index
    %get3A_500 = tpu.vector_load %arg9[%get3A_498, %get3A_499] {strides = array<i32>} : memref<2x16xf32, #tpu.memory_space<vmem>>, vector<16xf32>,
    %add3A_501 = arith.addf %add3A_485, %get3A_500 : vector<16xf32>
    tpu.vector_store_idx %arg10[%add3A_496], %add3A_501 : memref<1024xf32, #tpu.memory_space<vmem>>[vector<16xi32>], vector<16xf32>,
    %get3A_502 = arith.constant 5 : i32
    %get3A_503 = arith.index_cast %get3A_502 : i32 to index
    %get3A_504 = arith.constant 0 : index
    %get3A_505 = tpu.vector_load %arg8[%get3A_503, %get3A_504] {strides = array<i32>} : memref<6x16xf32, #tpu.memory_space<vmem>>, vector<16xf32>,
    %add3A_506 = arith.addf %get3A_396, %get3A_505 : vector<16xf32>
    %add3A_507 = arith.constant 46 : i32
    %add3A_508 = vector.broadcast %add3A_507 : i32 to vector<16xi32>
    %add3A_509 = arith.addi %mul3A_3, %add3A_508 : vector<16xi32>
    %get3A_510 = arith.constant 0 : i32
    %get3A_511 = arith.index_cast %get3A_510 : i32 to index
    %get3A_512 = arith.constant 0 : index
    %get3A_513 = tpu.vector_load %arg9[%get3A_511, %get3A_512] {strides = array<i32>} : memref<2x16xf32, #tpu.memory_space<vmem>>, vector<16xf32>,
    %add3A_514 = arith.addf %add3A_506, %get3A_513 : vector<16xf32>
    tpu.vector_store_idx %arg10[%add3A_509], %add3A_514 : memref<1024xf32, #tpu.memory_space<vmem>>[vector<16xi32>], vector<16xf32>,
    %add3A_515 = arith.constant 47 : i32
    %add3A_516 = vector.broadcast %add3A_515 : i32 to vector<16xi32>
    %add3A_517 = arith.addi %mul3A_3, %add3A_516 : vector<16xi32>
    %get3A_518 = arith.constant 1 : i32
    %get3A_519 = arith.index_cast %get3A_518 : i32 to index
    %get3A_520 = arith.constant 0 : index
    %get3A_521 = tpu.vector_load %arg9[%get3A_519, %get3A_520] {strides = array<i32>} : memref<2x16xf32, #tpu.memory_space<vmem>>, vector<16xf32>,
    %add3A_522 = arith.addf %add3A_506, %get3A_521 : vector<16xf32>
    tpu.vector_store_idx %arg10[%add3A_517], %add3A_522 : memref<1024xf32, #tpu.memory_space<vmem>>[vector<16xi32>], vector<16xf32>,
    %get3A_523 = arith.constant 4 : i32
    %get3A_524 = arith.index_cast %get3A_523 : i32 to index
    %get3A_525 = arith.constant 0 : index
    %get3A_526 = tpu.vector_load %arg7[%get3A_524, %get3A_525] {strides = array<i32>} : memref<5x16xf32, #tpu.memory_space<vmem>>, vector<16xf32>,
    %get3A_527 = arith.constant 0 : i32
    %get3A_528 = arith.index_cast %get3A_527 : i32 to index
    %get3A_529 = arith.constant 0 : index
    %get3A_530 = tpu.vector_load %arg8[%get3A_528, %get3A_529] {strides = array<i32>} : memref<6x16xf32, #tpu.memory_space<vmem>>, vector<16xf32>,
    %add3A_531 = arith.addf %get3A_526, %get3A_530 : vector<16xf32>
    %add3A_532 = arith.constant 48 : i32
    %add3A_533 = vector.broadcast %add3A_532 : i32 to vector<16xi32>
    %add3A_534 = arith.addi %mul3A_3, %add3A_533 : vector<16xi32>
    %get3A_535 = arith.constant 0 : i32
    %get3A_536 = arith.index_cast %get3A_535 : i32 to index
    %get3A_537 = arith.constant 0 : index
    %get3A_538 = tpu.vector_load %arg9[%get3A_536, %get3A_537] {strides = array<i32>} : memref<2x16xf32, #tpu.memory_space<vmem>>, vector<16xf32>,
    %add3A_539 = arith.addf %add3A_531, %get3A_538 : vector<16xf32>
    tpu.vector_store_idx %arg10[%add3A_534], %add3A_539 : memref<1024xf32, #tpu.memory_space<vmem>>[vector<16xi32>], vector<16xf32>,
    %add3A_540 = arith.constant 49 : i32
    %add3A_541 = vector.broadcast %add3A_540 : i32 to vector<16xi32>
    %add3A_542 = arith.addi %mul3A_3, %add3A_541 : vector<16xi32>
    %get3A_543 = arith.constant 1 : i32
    %get3A_544 = arith.index_cast %get3A_543 : i32 to index
    %get3A_545 = arith.constant 0 : index
    %get3A_546 = tpu.vector_load %arg9[%get3A_544, %get3A_545] {strides = array<i32>} : memref<2x16xf32, #tpu.memory_space<vmem>>, vector<16xf32>,
    %add3A_547 = arith.addf %add3A_531, %get3A_546 : vector<16xf32>
    tpu.vector_store_idx %arg10[%add3A_542], %add3A_547 : memref<1024xf32, #tpu.memory_space<vmem>>[vector<16xi32>], vector<16xf32>,
    %get3A_548 = arith.constant 1 : i32
    %get3A_549 = arith.index_cast %get3A_548 : i32 to index
    %get3A_550 = arith.constant 0 : index
    %get3A_551 = tpu.vector_load %arg8[%get3A_549, %get3A_550] {strides = array<i32>} : memref<6x16xf32, #tpu.memory_space<vmem>>, vector<16xf32>,
    %add3A_552 = arith.addf %get3A_526, %get3A_551 : vector<16xf32>
    %add3A_553 = arith.constant 50 : i32
    %add3A_554 = vector.broadcast %add3A_553 : i32 to vector<16xi32>
    %add3A_555 = arith.addi %mul3A_3, %add3A_554 : vector<16xi32>
    %get3A_556 = arith.constant 0 : i32
    %get3A_557 = arith.index_cast %get3A_556 : i32 to index
    %get3A_558 = arith.constant 0 : index
    %get3A_559 = tpu.vector_load %arg9[%get3A_557, %get3A_558] {strides = array<i32>} : memref<2x16xf32, #tpu.memory_space<vmem>>, vector<16xf32>,
    %add3A_560 = arith.addf %add3A_552, %get3A_559 : vector<16xf32>
    tpu.vector_store_idx %arg10[%add3A_555], %add3A_560 : memref<1024xf32, #tpu.memory_space<vmem>>[vector<16xi32>], vector<16xf32>,
    %add3A_561 = arith.constant 51 : i32
    %add3A_562 = vector.broadcast %add3A_561 : i32 to vector<16xi32>
    %add3A_563 = arith.addi %mul3A_3, %add3A_562 : vector<16xi32>
    %get3A_564 = arith.constant 1 : i32
    %get3A_565 = arith.index_cast %get3A_564 : i32 to index
    %get3A_566 = arith.constant 0 : index
    %get3A_567 = tpu.vector_load %arg9[%get3A_565, %get3A_566] {strides = array<i32>} : memref<2x16xf32, #tpu.memory_space<vmem>>, vector<16xf32>,
    %add3A_568 = arith.addf %add3A_552, %get3A_567 : vector<16xf32>
    tpu.vector_store_idx %arg10[%add3A_563], %add3A_568 : memref<1024xf32, #tpu.memory_space<vmem>>[vector<16xi32>], vector<16xf32>,
    %get3A_569 = arith.constant 2 : i32
    %get3A_570 = arith.index_cast %get3A_569 : i32 to index
    %get3A_571 = arith.constant 0 : index
    %get3A_572 = tpu.vector_load %arg8[%get3A_570, %get3A_571] {strides = array<i32>} : memref<6x16xf32, #tpu.memory_space<vmem>>, vector<16xf32>,
    %add3A_573 = arith.addf %get3A_526, %get3A_572 : vector<16xf32>
    %add3A_574 = arith.constant 52 : i32
    %add3A_575 = vector.broadcast %add3A_574 : i32 to vector<16xi32>
    %add3A_576 = arith.addi %mul3A_3, %add3A_575 : vector<16xi32>
    %get3A_577 = arith.constant 0 : i32
    %get3A_578 = arith.index_cast %get3A_577 : i32 to index
    %get3A_579 = arith.constant 0 : index
    %get3A_580 = tpu.vector_load %arg9[%get3A_578, %get3A_579] {strides = array<i32>} : memref<2x16xf32, #tpu.memory_space<vmem>>, vector<16xf32>,
    %add3A_581 = arith.addf %add3A_573, %get3A_580 : vector<16xf32>
    tpu.vector_store_idx %arg10[%add3A_576], %add3A_581 : memref<1024xf32, #tpu.memory_space<vmem>>[vector<16xi32>], vector<16xf32>,
    %add3A_582 = arith.constant 53 : i32
    %add3A_583 = vector.broadcast %add3A_582 : i32 to vector<16xi32>
    %add3A_584 = arith.addi %mul3A_3, %add3A_583 : vector<16xi32>
    %get3A_585 = arith.constant 1 : i32
    %get3A_586 = arith.index_cast %get3A_585 : i32 to index
    %get3A_587 = arith.constant 0 : index
    %get3A_588 = tpu.vector_load %arg9[%get3A_586, %get3A_587] {strides = array<i32>} : memref<2x16xf32, #tpu.memory_space<vmem>>, vector<16xf32>,
    %add3A_589 = arith.addf %add3A_573, %get3A_588 : vector<16xf32>
    tpu.vector_store_idx %arg10[%add3A_584], %add3A_589 : memref<1024xf32, #tpu.memory_space<vmem>>[vector<16xi32>], vector<16xf32>,
    %get3A_590 = arith.constant 3 : i32
    %get3A_591 = arith.index_cast %get3A_590 : i32 to index
    %get3A_592 = arith.constant 0 : index
    %get3A_593 = tpu.vector_load %arg8[%get3A_591, %get3A_592] {strides = array<i32>} : memref<6x16xf32, #tpu.memory_space<vmem>>, vector<16xf32>,
    %add3A_594 = arith.addf %get3A_526, %get3A_593 : vector<16xf32>
    %add3A_595 = arith.constant 54 : i32
    %add3A_596 = vector.broadcast %add3A_595 : i32 to vector<16xi32>
    %add3A_597 = arith.addi %mul3A_3, %add3A_596 : vector<16xi32>
    %get3A_598 = arith.constant 0 : i32
    %get3A_599 = arith.index_cast %get3A_598 : i32 to index
    %get3A_600 = arith.constant 0 : index
    %get3A_601 = tpu.vector_load %arg9[%get3A_599, %get3A_600] {strides = array<i32>} : memref<2x16xf32, #tpu.memory_space<vmem>>, vector<16xf32>,
    %add3A_602 = arith.addf %add3A_594, %get3A_601 : vector<16xf32>
    tpu.vector_store_idx %arg10[%add3A_597], %add3A_602 : memref<1024xf32, #tpu.memory_space<vmem>>[vector<16xi32>], vector<16xf32>,
    %add3A_603 = arith.constant 55 : i32
    %add3A_604 = vector.broadcast %add3A_603 : i32 to vector<16xi32>
    %add3A_605 = arith.addi %mul3A_3, %add3A_604 : vector<16xi32>
    %get3A_606 = arith.constant 1 : i32
    %get3A_607 = arith.index_cast %get3A_606 : i32 to index
    %get3A_608 = arith.constant 0 : index
    %get3A_609 = tpu.vector_load %arg9[%get3A_607, %get3A_608] {strides = array<i32>} : memref<2x16xf32, #tpu.memory_space<vmem>>, vector<16xf32>,
    %add3A_610 = arith.addf %add3A_594, %get3A_609 : vector<16xf32>
    tpu.vector_store_idx %arg10[%add3A_605], %add3A_610 : memref<1024xf32, #tpu.memory_space<vmem>>[vector<16xi32>], vector<16xf32>,
    %get3A_611 = arith.constant 4 : i32
    %get3A_612 = arith.index_cast %get3A_611 : i32 to index
    %get3A_613 = arith.constant 0 : index
    %get3A_614 = tpu.vector_load %arg8[%get3A_612, %get3A_613] {strides = array<i32>} : memref<6x16xf32, #tpu.memory_space<vmem>>, vector<16xf32>,
    %add3A_615 = arith.addf %get3A_526, %get3A_614 : vector<16xf32>
    %add3A_616 = arith.constant 56 : i32
    %add3A_617 = vector.broadcast %add3A_616 : i32 to vector<16xi32>
    %add3A_618 = arith.addi %mul3A_3, %add3A_617 : vector<16xi32>
    %get3A_619 = arith.constant 0 : i32
    %get3A_620 = arith.index_cast %get3A_619 : i32 to index
    %get3A_621 = arith.constant 0 : index
    %get3A_622 = tpu.vector_load %arg9[%get3A_620, %get3A_621] {strides = array<i32>} : memref<2x16xf32, #tpu.memory_space<vmem>>, vector<16xf32>,
    %add3A_623 = arith.addf %add3A_615, %get3A_622 : vector<16xf32>
    tpu.vector_store_idx %arg10[%add3A_618], %add3A_623 : memref<1024xf32, #tpu.memory_space<vmem>>[vector<16xi32>], vector<16xf32>,
    %add3A_624 = arith.constant 57 : i32
    %add3A_625 = vector.broadcast %add3A_624 : i32 to vector<16xi32>
    %add3A_626 = arith.addi %mul3A_3, %add3A_625 : vector<16xi32>
    %get3A_627 = arith.constant 1 : i32
    %get3A_628 = arith.index_cast %get3A_627 : i32 to index
    %get3A_629 = arith.constant 0 : index
    %get3A_630 = tpu.vector_load %arg9[%get3A_628, %get3A_629] {strides = array<i32>} : memref<2x16xf32, #tpu.memory_space<vmem>>, vector<16xf32>,
    %add3A_631 = arith.addf %add3A_615, %get3A_630 : vector<16xf32>
    tpu.vector_store_idx %arg10[%add3A_626], %add3A_631 : memref<1024xf32, #tpu.memory_space<vmem>>[vector<16xi32>], vector<16xf32>,
    %get3A_632 = arith.constant 5 : i32
    %get3A_633 = arith.index_cast %get3A_632 : i32 to index
    %get3A_634 = arith.constant 0 : index
    %get3A_635 = tpu.vector_load %arg8[%get3A_633, %get3A_634] {strides = array<i32>} : memref<6x16xf32, #tpu.memory_space<vmem>>, vector<16xf32>,
    %add3A_636 = arith.addf %get3A_526, %get3A_635 : vector<16xf32>
    %add3A_637 = arith.constant 58 : i32
    %add3A_638 = vector.broadcast %add3A_637 : i32 to vector<16xi32>
    %add3A_639 = arith.addi %mul3A_3, %add3A_638 : vector<16xi32>
    %get3A_640 = arith.constant 0 : i32
    %get3A_641 = arith.index_cast %get3A_640 : i32 to index
    %get3A_642 = arith.constant 0 : index
    %get3A_643 = tpu.vector_load %arg9[%get3A_641, %get3A_642] {strides = array<i32>} : memref<2x16xf32, #tpu.memory_space<vmem>>, vector<16xf32>,
    %add3A_644 = arith.addf %add3A_636, %get3A_643 : vector<16xf32>
    tpu.vector_store_idx %arg10[%add3A_639], %add3A_644 : memref<1024xf32, #tpu.memory_space<vmem>>[vector<16xi32>], vector<16xf32>,
    %add3A_645 = arith.constant 59 : i32
    %add3A_646 = vector.broadcast %add3A_645 : i32 to vector<16xi32>
    %add3A_647 = arith.addi %mul3A_3, %add3A_646 : vector<16xi32>
    %get3A_648 = arith.constant 1 : i32
    %get3A_649 = arith.index_cast %get3A_648 : i32 to index
    %get3A_650 = arith.constant 0 : index
    %get3A_651 = tpu.vector_load %arg9[%get3A_649, %get3A_650] {strides = array<i32>} : memref<2x16xf32, #tpu.memory_space<vmem>>, vector<16xf32>,
    %add3A_652 = arith.addf %add3A_636, %get3A_651 : vector<16xf32>
    tpu.vector_store_idx %arg10[%add3A_647], %add3A_652 : memref<1024xf32, #tpu.memory_space<vmem>>[vector<16xi32>], vector<16xf32>,
    %lt3A = arith.constant 8 : i32
    %lt3A_653 = arith.cmpi slt, %add3A, %lt3A : i32
    %jit3A = arith.constant 32 : i32
    %jit3A_654 = arith.constant 31 : i32
    %select_n3A = arith.select %lt3A_653, %jit3A, %jit3A_654 : i32
    %add3A_655 = arith.constant 0 : i32
    %add3A_656 = arith.addi %add3A, %add3A_655 : i32
    %mul3A_657 = arith.constant 3200 : i32
    %mul3A_658 = arith.muli %add3A_656, %mul3A_657 : i32
    %dma_start3A = arith.constant 0 : i32
    %dma_start3A_659 = arith.constant 0 : i32
    %dma_start3A_660 = tpu.memref_slice %arg11[%dma_start3A, %dma_start3A_659] : memref<2x3200xi32, #tpu.memory_space<vmem>> -> memref<1x3200xi32, #tpu.memory_space<vmem>>
    %dma_start3A_661 = tpu.memref_squeeze %dma_start3A_660 : memref<1x3200xi32, #tpu.memory_space<vmem>> -> memref<3200xi32, #tpu.memory_space<vmem>>
    %dma_start3A_662 = tpu.memref_slice %arg2[%mul3A_658] : memref<3200000xi32, #tpu.memory_space<hbm>> -> memref<3200xi32, #tpu.memory_space<hbm>>
    %dma_start3A_663 = arith.constant 0 : i32
    %dma_start3A_664 = tpu.memref_slice %arg11[%dma_start3A, %dma_start3A_663] : memref<2x3200xi32, #tpu.memory_space<vmem>> -> memref<1x3200xi32, #tpu.memory_space<vmem>>
    %dma_start3A_665 = tpu.memref_squeeze %dma_start3A_664 : memref<1x3200xi32, #tpu.memory_space<vmem>> -> memref<3200xi32, #tpu.memory_space<vmem>>
    %dma_start3A_666 = tpu.memref_slice %arg2[%mul3A_658] : memref<3200000xi32, #tpu.memory_space<hbm>> -> memref<3200xi32, #tpu.memory_space<hbm>>
    tpu.enqueue_dma source(%dma_start3A_666 : memref<3200xi32, #tpu.memory_space<hbm>>) target(%dma_start3A_665 : memref<3200xi32, #tpu.memory_space<vmem>>) target_semaphore(%arg14 : memref<!tpu.dma_semaphore, #tpu.memory_space<semaphore_mem>>)
    %while3A = arith.constant 0 : i32
    %while3A_667 = arith.constant 0 : i32
    %while3A_668 = arith.subi %select_n3A, %while3A_667 : i32
    %while3A_669 = arith.addi %while3A_667, %while3A_668 : i32
    %while3A_670 = arith.constant 1 : i32
    %while3A_671 = arith.divsi %while3A_668, %while3A_670 : i32
    %while3A_672 = arith.muli %while3A_671, %while3A_670 : i32
    %while3A_673 = arith.addi %while3A_667, %while3A_672 : i32
    %while3A_674 = arith.constant 1 : i32
    scf.for %while3A_706 = %while3A_667 to %while3A_673 step %while3A_674  : i32 {
      %rem3A_707 = arith.constant 2 : i32
      %rem3A_708 = arith.remsi %while3A_706, %rem3A_707 : i32
      %mul3A_709 = arith.constant 32 : i32
      %mul3A_710 = arith.muli %while3A_706, %mul3A_709 : i32
      %add3A_711 = arith.addi %add3A, %mul3A_710 : i32
      %add3A_712 = arith.constant 1 : i32
      %add3A_713 = arith.addi %while3A_706, %add3A_712 : i32
      %lt3A_714 = arith.cmpi slt, %add3A_713, %select_n3A : i32
      %convert_element_type3A_715 = arith.extui %lt3A_714 : i1 to i32
      %cond3A_716 = arith.constant 0 : i32
      %cond3A_717 = arith.cmpi ne, %convert_element_type3A_715, %cond3A_716 : i32
      scf.if %cond3A_717 {
        %add3A_760 = arith.constant 1 : i32
        %add3A_761 = arith.addi %while3A_706, %add3A_760 : i32
        %sub3A_762 = arith.constant 1 : i32
        %sub3A_763 = arith.subi %sub3A_762, %rem3A_708 : i32
        %mul3A_764 = arith.constant 32 : i32
        %mul3A_765 = arith.muli %add3A_761, %mul3A_764 : i32
        %add3A_766 = arith.addi %add3A, %mul3A_765 : i32
        %mul3A_767 = arith.constant 3200 : i32
        %mul3A_768 = arith.muli %add3A_766, %mul3A_767 : i32
        %dma_start3A_769 = arith.constant 0 : i32
        %dma_start3A_770 = tpu.memref_slice %arg11[%sub3A_763, %dma_start3A_769] : memref<2x3200xi32, #tpu.memory_space<vmem>> -> memref<1x3200xi32, #tpu.memory_space<vmem>>
        %dma_start3A_771 = tpu.memref_squeeze %dma_start3A_770 : memref<1x3200xi32, #tpu.memory_space<vmem>> -> memref<3200xi32, #tpu.memory_space<vmem>>
        %dma_start3A_772 = tpu.memref_slice %arg2[%mul3A_768] : memref<3200000xi32, #tpu.memory_space<hbm>> -> memref<3200xi32, #tpu.memory_space<hbm>>
        %dma_start3A_773 = arith.constant 0 : i32
        %dma_start3A_774 = tpu.memref_slice %arg11[%sub3A_763, %dma_start3A_773] : memref<2x3200xi32, #tpu.memory_space<vmem>> -> memref<1x3200xi32, #tpu.memory_space<vmem>>
        %dma_start3A_775 = tpu.memref_squeeze %dma_start3A_774 : memref<1x3200xi32, #tpu.memory_space<vmem>> -> memref<3200xi32, #tpu.memory_space<vmem>>
        %dma_start3A_776 = tpu.memref_slice %arg2[%mul3A_768] : memref<3200000xi32, #tpu.memory_space<hbm>> -> memref<3200xi32, #tpu.memory_space<hbm>>
        tpu.enqueue_dma source(%dma_start3A_776 : memref<3200xi32, #tpu.memory_space<hbm>>) target(%dma_start3A_775 : memref<3200xi32, #tpu.memory_space<vmem>>) target_semaphore(%arg14 : memref<!tpu.dma_semaphore, #tpu.memory_space<semaphore_mem>>)
      } else {
      }
      %mul3A_718 = arith.constant 3200 : i32
      %mul3A_719 = arith.muli %add3A_711, %mul3A_718 : i32
      %dma_wait3A_720 = arith.constant 0 : i32
      %dma_wait3A_721 = tpu.memref_slice %arg11[%rem3A_708, %dma_wait3A_720] : memref<2x3200xi32, #tpu.memory_space<vmem>> -> memref<1x3200xi32, #tpu.memory_space<vmem>>
      %dma_wait3A_722 = tpu.memref_squeeze %dma_wait3A_721 : memref<1x3200xi32, #tpu.memory_space<vmem>> -> memref<3200xi32, #tpu.memory_space<vmem>>
      %dma_wait3A_723 = tpu.memref_slice %arg2[%mul3A_719] : memref<3200000xi32, #tpu.memory_space<hbm>> -> memref<3200xi32, #tpu.memory_space<hbm>>
      %dma_wait3A_724 = arith.constant 0 : i32
      %dma_wait3A_725 = tpu.memref_slice %arg11[%rem3A_708, %dma_wait3A_724] : memref<2x3200xi32, #tpu.memory_space<vmem>> -> memref<1x3200xi32, #tpu.memory_space<vmem>>
      %dma_wait3A_726 = tpu.memref_squeeze %dma_wait3A_725 : memref<1x3200xi32, #tpu.memory_space<vmem>> -> memref<3200xi32, #tpu.memory_space<vmem>>
      %dma_wait3A_727 = tpu.memref_slice %arg2[%mul3A_719] : memref<3200000xi32, #tpu.memory_space<hbm>> -> memref<3200xi32, #tpu.memory_space<hbm>>
      tpu.wait_dma2 semaphore(%arg14 : memref<!tpu.dma_semaphore, #tpu.memory_space<semaphore_mem>>) src(%dma_wait3A_727 : memref<3200xi32, #tpu.memory_space<hbm>>) dst(%dma_wait3A_726 : memref<3200xi32, #tpu.memory_space<vmem>>)
      %ge3A_728 = arith.constant 2 : i32
      %ge3A_729 = arith.cmpi sge, %while3A_706, %ge3A_728 : i32
      %convert_element_type3A_730 = arith.extui %ge3A_729 : i1 to i32
      %cond3A_731 = arith.constant 0 : i32
      %cond3A_732 = arith.cmpi ne, %convert_element_type3A_730, %cond3A_731 : i32
      scf.if %cond3A_732 {
        %sub3A_760 = arith.constant 2 : i32
        %sub3A_761 = arith.subi %while3A_706, %sub3A_760 : i32
        %mul3A_762 = arith.constant 32 : i32
        %mul3A_763 = arith.muli %sub3A_761, %mul3A_762 : i32
        %add3A_764 = arith.addi %add3A, %mul3A_763 : i32
        %mul3A_765 = arith.constant 25600 : i32
        %mul3A_766 = arith.muli %add3A_764, %mul3A_765 : i32
        %dma_wait3A_767 = arith.constant 0 : i32
        %dma_wait3A_768 = tpu.memref_slice %arg12[%rem3A_708, %dma_wait3A_767] : memref<2x25600xf32, #tpu.memory_space<vmem>> -> memref<1x25600xf32, #tpu.memory_space<vmem>>
        %dma_wait3A_769 = tpu.memref_squeeze %dma_wait3A_768 : memref<1x25600xf32, #tpu.memory_space<vmem>> -> memref<25600xf32, #tpu.memory_space<vmem>>
        %dma_wait3A_770 = tpu.memref_slice %arg6[%mul3A_766] : memref<51200000xf32, #tpu.memory_space<hbm>> -> memref<25600xf32, #tpu.memory_space<hbm>>
        %dma_wait3A_771 = tpu.memref_slice %arg6[%mul3A_766] : memref<51200000xf32, #tpu.memory_space<hbm>> -> memref<25600xf32, #tpu.memory_space<hbm>>
        %dma_wait3A_772 = arith.constant 0 : i32
        %dma_wait3A_773 = tpu.memref_slice %arg12[%rem3A_708, %dma_wait3A_772] : memref<2x25600xf32, #tpu.memory_space<vmem>> -> memref<1x25600xf32, #tpu.memory_space<vmem>>
        %dma_wait3A_774 = tpu.memref_squeeze %dma_wait3A_773 : memref<1x25600xf32, #tpu.memory_space<vmem>> -> memref<25600xf32, #tpu.memory_space<vmem>>
        tpu.wait_dma2 semaphore(%arg15 : memref<!tpu.dma_semaphore, #tpu.memory_space<semaphore_mem>>) src(%dma_wait3A_774 : memref<25600xf32, #tpu.memory_space<vmem>>) dst(%dma_wait3A_771 : memref<25600xf32, #tpu.memory_space<hbm>>)
        %mul3A_775 = arith.constant 25600 : i32
        %mul3A_776 = arith.muli %add3A_764, %mul3A_775 : i32
        %add3A_777 = arith.constant 25600000 : i32
        %add3A_778 = arith.addi %add3A_777, %mul3A_776 : i32
        %dma_wait3A_779 = arith.constant 0 : i32
        %dma_wait3A_780 = tpu.memref_slice %arg13[%rem3A_708, %dma_wait3A_779] : memref<2x25600xf32, #tpu.memory_space<vmem>> -> memref<1x25600xf32, #tpu.memory_space<vmem>>
        %dma_wait3A_781 = tpu.memref_squeeze %dma_wait3A_780 : memref<1x25600xf32, #tpu.memory_space<vmem>> -> memref<25600xf32, #tpu.memory_space<vmem>>
        %dma_wait3A_782 = tpu.memref_slice %arg6[%add3A_778] : memref<51200000xf32, #tpu.memory_space<hbm>> -> memref<25600xf32, #tpu.memory_space<hbm>>
        %dma_wait3A_783 = tpu.memref_slice %arg6[%add3A_778] : memref<51200000xf32, #tpu.memory_space<hbm>> -> memref<25600xf32, #tpu.memory_space<hbm>>
        %dma_wait3A_784 = arith.constant 0 : i32
        %dma_wait3A_785 = tpu.memref_slice %arg13[%rem3A_708, %dma_wait3A_784] : memref<2x25600xf32, #tpu.memory_space<vmem>> -> memref<1x25600xf32, #tpu.memory_space<vmem>>
        %dma_wait3A_786 = tpu.memref_squeeze %dma_wait3A_785 : memref<1x25600xf32, #tpu.memory_space<vmem>> -> memref<25600xf32, #tpu.memory_space<vmem>>
        tpu.wait_dma2 semaphore(%arg15 : memref<!tpu.dma_semaphore, #tpu.memory_space<semaphore_mem>>) src(%dma_wait3A_786 : memref<25600xf32, #tpu.memory_space<vmem>>) dst(%dma_wait3A_783 : memref<25600xf32, #tpu.memory_space<hbm>>)
      } else {
      }
      %scan3A = arith.constant 0 : i32
      %scan3A_733 = arith.constant 0 : i32
      %scan3A_734 = arith.constant 25 : i32
      %scan3A_735 = arith.addi %scan3A_733, %scan3A_734 : i32
      %scan3A_736 = arith.constant 1 : i32
      scf.for %scan3A_760 = %scan3A_733 to %scan3A_735 step %scan3A_736  : i32 {
        %mul3A_761 = arith.constant 128 : i32
        %mul3A_762 = arith.muli %scan3A_760, %mul3A_761 : i32
        %add3A_763 = arith.constant 0 : i32
        %add3A_764 = arith.addi %mul3A_762, %add3A_763 : i32
        %get3A_765 = arith.constant 0 : i32
        %get3A_766 = tpu.memref_slice %arg11[%rem3A_708, %get3A_765] : memref<2x3200xi32, #tpu.memory_space<vmem>> -> memref<1x3200xi32, #tpu.memory_space<vmem>>
        %get3A_767 = tpu.memref_squeeze %get3A_766 : memref<1x3200xi32, #tpu.memory_space<vmem>> -> memref<3200xi32, #tpu.memory_space<vmem>>
        %get3A_768 = arith.index_cast %add3A_764 : i32 to index
        %get3A_769 = tpu.vector_load %get3A_767[%get3A_768] {strides = array<i32>} : memref<3200xi32, #tpu.memory_space<vmem>>, vector<16xi32>,
        %add3A_770 = arith.constant 0 : i32
        %add3A_771 = vector.broadcast %add3A_770 : i32 to vector<16xi32>
        %add3A_772 = arith.addi %get3A_769, %add3A_771 : vector<16xi32>
        %gather3A = tpu.vector_load_idx %arg10[%add3A_772] : memref<1024xf32, #tpu.memory_space<vmem>>[vector<16xi32>], vector<16xf32>,
        %mul3A_773 = arith.constant 1024 : i32
        %mul3A_774 = arith.muli %scan3A_760, %mul3A_773 : i32
        %add3A_775 = arith.constant 0 : i32
        %add3A_776 = arith.addi %mul3A_774, %add3A_775 : i32
        %add3A_777 = arith.constant 0 : i32
        %add3A_778 = arith.addi %add3A_776, %add3A_777 : i32
        %swap3A = arith.constant 0 : i32
        %swap3A_779 = tpu.memref_slice %arg12[%rem3A_708, %swap3A] : memref<2x25600xf32, #tpu.memory_space<vmem>> -> memref<1x25600xf32, #tpu.memory_space<vmem>>
        %swap3A_780 = tpu.memref_squeeze %swap3A_779 : memref<1x25600xf32, #tpu.memory_space<vmem>> -> memref<25600xf32, #tpu.memory_space<vmem>>
        %swap3A_781 = arith.index_cast %add3A_778 : i32 to index
        %swap3A_782 = tpu.vector_load %swap3A_780[%swap3A_781] {strides = array<i32>} : memref<25600xf32, #tpu.memory_space<vmem>>, vector<16xf32>,
        tpu.vector_store %swap3A_780[%swap3A_781], %gather3A {strides = array<i32>} : memref<25600xf32, #tpu.memory_space<vmem>>, vector<16xf32>,
        %add3A_783 = arith.constant 64 : i32
        %add3A_784 = vector.broadcast %add3A_783 : i32 to vector<16xi32>
        %add3A_785 = arith.addi %get3A_769, %add3A_784 : vector<16xi32>
        %gather3A_786 = tpu.vector_load_idx %arg10[%add3A_785] : memref<1024xf32, #tpu.memory_space<vmem>>[vector<16xi32>], vector<16xf32>,
        %mul3A_787 = arith.constant 1024 : i32
        %mul3A_788 = arith.muli %scan3A_760, %mul3A_787 : i32
        %add3A_789 = arith.constant 128 : i32
        %add3A_790 = arith.addi %mul3A_788, %add3A_789 : i32
        %add3A_791 = arith.constant 0 : i32
        %add3A_792 = arith.addi %add3A_790, %add3A_791 : i32
        %swap3A_793 = arith.constant 0 : i32
        %swap3A_794 = tpu.memref_slice %arg12[%rem3A_708, %swap3A_793] : memref<2x25600xf32, #tpu.memory_space<vmem>> -> memref<1x25600xf32, #tpu.memory_space<vmem>>
        %swap3A_795 = tpu.memref_squeeze %swap3A_794 : memref<1x25600xf32, #tpu.memory_space<vmem>> -> memref<25600xf32, #tpu.memory_space<vmem>>
        %swap3A_796 = arith.index_cast %add3A_792 : i32 to index
        %swap3A_797 = tpu.vector_load %swap3A_795[%swap3A_796] {strides = array<i32>} : memref<25600xf32, #tpu.memory_space<vmem>>, vector<16xf32>,
        tpu.vector_store %swap3A_795[%swap3A_796], %gather3A_786 {strides = array<i32>} : memref<25600xf32, #tpu.memory_space<vmem>>, vector<16xf32>,
        %add3A_798 = arith.constant 128 : i32
        %add3A_799 = vector.broadcast %add3A_798 : i32 to vector<16xi32>
        %add3A_800 = arith.addi %get3A_769, %add3A_799 : vector<16xi32>
        %gather3A_801 = tpu.vector_load_idx %arg10[%add3A_800] : memref<1024xf32, #tpu.memory_space<vmem>>[vector<16xi32>], vector<16xf32>,
        %mul3A_802 = arith.constant 1024 : i32
        %mul3A_803 = arith.muli %scan3A_760, %mul3A_802 : i32
        %add3A_804 = arith.constant 256 : i32
        %add3A_805 = arith.addi %mul3A_803, %add3A_804 : i32
        %add3A_806 = arith.constant 0 : i32
        %add3A_807 = arith.addi %add3A_805, %add3A_806 : i32
        %swap3A_808 = arith.constant 0 : i32
        %swap3A_809 = tpu.memref_slice %arg12[%rem3A_708, %swap3A_808] : memref<2x25600xf32, #tpu.memory_space<vmem>> -> memref<1x25600xf32, #tpu.memory_space<vmem>>
        %swap3A_810 = tpu.memref_squeeze %swap3A_809 : memref<1x25600xf32, #tpu.memory_space<vmem>> -> memref<25600xf32, #tpu.memory_space<vmem>>
        %swap3A_811 = arith.index_cast %add3A_807 : i32 to index
        %swap3A_812 = tpu.vector_load %swap3A_810[%swap3A_811] {strides = array<i32>} : memref<25600xf32, #tpu.memory_space<vmem>>, vector<16xf32>,
        tpu.vector_store %swap3A_810[%swap3A_811], %gather3A_801 {strides = array<i32>} : memref<25600xf32, #tpu.memory_space<vmem>>, vector<16xf32>,
        %add3A_813 = arith.constant 192 : i32
        %add3A_814 = vector.broadcast %add3A_813 : i32 to vector<16xi32>
        %add3A_815 = arith.addi %get3A_769, %add3A_814 : vector<16xi32>
        %gather3A_816 = tpu.vector_load_idx %arg10[%add3A_815] : memref<1024xf32, #tpu.memory_space<vmem>>[vector<16xi32>], vector<16xf32>,
        %mul3A_817 = arith.constant 1024 : i32
        %mul3A_818 = arith.muli %scan3A_760, %mul3A_817 : i32
        %add3A_819 = arith.constant 384 : i32
        %add3A_820 = arith.addi %mul3A_818, %add3A_819 : i32
        %add3A_821 = arith.constant 0 : i32
        %add3A_822 = arith.addi %add3A_820, %add3A_821 : i32
        %swap3A_823 = arith.constant 0 : i32
        %swap3A_824 = tpu.memref_slice %arg12[%rem3A_708, %swap3A_823] : memref<2x25600xf32, #tpu.memory_space<vmem>> -> memref<1x25600xf32, #tpu.memory_space<vmem>>
        %swap3A_825 = tpu.memref_squeeze %swap3A_824 : memref<1x25600xf32, #tpu.memory_space<vmem>> -> memref<25600xf32, #tpu.memory_space<vmem>>
        %swap3A_826 = arith.index_cast %add3A_822 : i32 to index
        %swap3A_827 = tpu.vector_load %swap3A_825[%swap3A_826] {strides = array<i32>} : memref<25600xf32, #tpu.memory_space<vmem>>, vector<16xf32>,
        tpu.vector_store %swap3A_825[%swap3A_826], %gather3A_816 {strides = array<i32>} : memref<25600xf32, #tpu.memory_space<vmem>>, vector<16xf32>,
        %add3A_828 = arith.constant 256 : i32
        %add3A_829 = vector.broadcast %add3A_828 : i32 to vector<16xi32>
        %add3A_830 = arith.addi %get3A_769, %add3A_829 : vector<16xi32>
        %gather3A_831 = tpu.vector_load_idx %arg10[%add3A_830] : memref<1024xf32, #tpu.memory_space<vmem>>[vector<16xi32>], vector<16xf32>,
        %mul3A_832 = arith.constant 1024 : i32
        %mul3A_833 = arith.muli %scan3A_760, %mul3A_832 : i32
        %add3A_834 = arith.constant 512 : i32
        %add3A_835 = arith.addi %mul3A_833, %add3A_834 : i32
        %add3A_836 = arith.constant 0 : i32
        %add3A_837 = arith.addi %add3A_835, %add3A_836 : i32
        %swap3A_838 = arith.constant 0 : i32
        %swap3A_839 = tpu.memref_slice %arg12[%rem3A_708, %swap3A_838] : memref<2x25600xf32, #tpu.memory_space<vmem>> -> memref<1x25600xf32, #tpu.memory_space<vmem>>
        %swap3A_840 = tpu.memref_squeeze %swap3A_839 : memref<1x25600xf32, #tpu.memory_space<vmem>> -> memref<25600xf32, #tpu.memory_space<vmem>>
        %swap3A_841 = arith.index_cast %add3A_837 : i32 to index
        %swap3A_842 = tpu.vector_load %swap3A_840[%swap3A_841] {strides = array<i32>} : memref<25600xf32, #tpu.memory_space<vmem>>, vector<16xf32>,
        tpu.vector_store %swap3A_840[%swap3A_841], %gather3A_831 {strides = array<i32>} : memref<25600xf32, #tpu.memory_space<vmem>>, vector<16xf32>,
        %add3A_843 = arith.constant 320 : i32
        %add3A_844 = vector.broadcast %add3A_843 : i32 to vector<16xi32>
        %add3A_845 = arith.addi %get3A_769, %add3A_844 : vector<16xi32>
        %gather3A_846 = tpu.vector_load_idx %arg10[%add3A_845] : memref<1024xf32, #tpu.memory_space<vmem>>[vector<16xi32>], vector<16xf32>,
        %mul3A_847 = arith.constant 1024 : i32
        %mul3A_848 = arith.muli %scan3A_760, %mul3A_847 : i32
        %add3A_849 = arith.constant 640 : i32
        %add3A_850 = arith.addi %mul3A_848, %add3A_849 : i32
        %add3A_851 = arith.constant 0 : i32
        %add3A_852 = arith.addi %add3A_850, %add3A_851 : i32
        %swap3A_853 = arith.constant 0 : i32
        %swap3A_854 = tpu.memref_slice %arg12[%rem3A_708, %swap3A_853] : memref<2x25600xf32, #tpu.memory_space<vmem>> -> memref<1x25600xf32, #tpu.memory_space<vmem>>
        %swap3A_855 = tpu.memref_squeeze %swap3A_854 : memref<1x25600xf32, #tpu.memory_space<vmem>> -> memref<25600xf32, #tpu.memory_space<vmem>>
        %swap3A_856 = arith.index_cast %add3A_852 : i32 to index
        %swap3A_857 = tpu.vector_load %swap3A_855[%swap3A_856] {strides = array<i32>} : memref<25600xf32, #tpu.memory_space<vmem>>, vector<16xf32>,
        tpu.vector_store %swap3A_855[%swap3A_856], %gather3A_846 {strides = array<i32>} : memref<25600xf32, #tpu.memory_space<vmem>>, vector<16xf32>,
        %add3A_858 = arith.constant 384 : i32
        %add3A_859 = vector.broadcast %add3A_858 : i32 to vector<16xi32>
        %add3A_860 = arith.addi %get3A_769, %add3A_859 : vector<16xi32>
        %gather3A_861 = tpu.vector_load_idx %arg10[%add3A_860] : memref<1024xf32, #tpu.memory_space<vmem>>[vector<16xi32>], vector<16xf32>,
        %mul3A_862 = arith.constant 1024 : i32
        %mul3A_863 = arith.muli %scan3A_760, %mul3A_862 : i32
        %add3A_864 = arith.constant 768 : i32
        %add3A_865 = arith.addi %mul3A_863, %add3A_864 : i32
        %add3A_866 = arith.constant 0 : i32
        %add3A_867 = arith.addi %add3A_865, %add3A_866 : i32
        %swap3A_868 = arith.constant 0 : i32
        %swap3A_869 = tpu.memref_slice %arg12[%rem3A_708, %swap3A_868] : memref<2x25600xf32, #tpu.memory_space<vmem>> -> memref<1x25600xf32, #tpu.memory_space<vmem>>
        %swap3A_870 = tpu.memref_squeeze %swap3A_869 : memref<1x25600xf32, #tpu.memory_space<vmem>> -> memref<25600xf32, #tpu.memory_space<vmem>>
        %swap3A_871 = arith.index_cast %add3A_867 : i32 to index
        %swap3A_872 = tpu.vector_load %swap3A_870[%swap3A_871] {strides = array<i32>} : memref<25600xf32, #tpu.memory_space<vmem>>, vector<16xf32>,
        tpu.vector_store %swap3A_870[%swap3A_871], %gather3A_861 {strides = array<i32>} : memref<25600xf32, #tpu.memory_space<vmem>>, vector<16xf32>,
        %add3A_873 = arith.constant 448 : i32
        %add3A_874 = vector.broadcast %add3A_873 : i32 to vector<16xi32>
        %add3A_875 = arith.addi %get3A_769, %add3A_874 : vector<16xi32>
        %gather3A_876 = tpu.vector_load_idx %arg10[%add3A_875] : memref<1024xf32, #tpu.memory_space<vmem>>[vector<16xi32>], vector<16xf32>,
        %mul3A_877 = arith.constant 1024 : i32
        %mul3A_878 = arith.muli %scan3A_760, %mul3A_877 : i32
        %add3A_879 = arith.constant 896 : i32
        %add3A_880 = arith.addi %mul3A_878, %add3A_879 : i32
        %add3A_881 = arith.constant 0 : i32
        %add3A_882 = arith.addi %add3A_880, %add3A_881 : i32
        %swap3A_883 = arith.constant 0 : i32
        %swap3A_884 = tpu.memref_slice %arg12[%rem3A_708, %swap3A_883] : memref<2x25600xf32, #tpu.memory_space<vmem>> -> memref<1x25600xf32, #tpu.memory_space<vmem>>
        %swap3A_885 = tpu.memref_squeeze %swap3A_884 : memref<1x25600xf32, #tpu.memory_space<vmem>> -> memref<25600xf32, #tpu.memory_space<vmem>>
        %swap3A_886 = arith.index_cast %add3A_882 : i32 to index
        %swap3A_887 = tpu.vector_load %swap3A_885[%swap3A_886] {strides = array<i32>} : memref<25600xf32, #tpu.memory_space<vmem>>, vector<16xf32>,
        tpu.vector_store %swap3A_885[%swap3A_886], %gather3A_876 {strides = array<i32>} : memref<25600xf32, #tpu.memory_space<vmem>>, vector<16xf32>,
        %add3A_888 = arith.constant 512 : i32
        %add3A_889 = vector.broadcast %add3A_888 : i32 to vector<16xi32>
        %add3A_890 = arith.addi %get3A_769, %add3A_889 : vector<16xi32>
        %gather3A_891 = tpu.vector_load_idx %arg10[%add3A_890] : memref<1024xf32, #tpu.memory_space<vmem>>[vector<16xi32>], vector<16xf32>,
        %mul3A_892 = arith.constant 1024 : i32
        %mul3A_893 = arith.muli %scan3A_760, %mul3A_892 : i32
        %add3A_894 = arith.constant 0 : i32
        %add3A_895 = arith.addi %mul3A_893, %add3A_894 : i32
        %add3A_896 = arith.constant 0 : i32
        %add3A_897 = arith.addi %add3A_895, %add3A_896 : i32
        %swap3A_898 = arith.constant 0 : i32
        %swap3A_899 = tpu.memref_slice %arg13[%rem3A_708, %swap3A_898] : memref<2x25600xf32, #tpu.memory_space<vmem>> -> memref<1x25600xf32, #tpu.memory_space<vmem>>
        %swap3A_900 = tpu.memref_squeeze %swap3A_899 : memref<1x25600xf32, #tpu.memory_space<vmem>> -> memref<25600xf32, #tpu.memory_space<vmem>>
        %swap3A_901 = arith.index_cast %add3A_897 : i32 to index
        %swap3A_902 = tpu.vector_load %swap3A_900[%swap3A_901] {strides = array<i32>} : memref<25600xf32, #tpu.memory_space<vmem>>, vector<16xf32>,
        tpu.vector_store %swap3A_900[%swap3A_901], %gather3A_891 {strides = array<i32>} : memref<25600xf32, #tpu.memory_space<vmem>>, vector<16xf32>,
        %add3A_903 = arith.constant 576 : i32
        %add3A_904 = vector.broadcast %add3A_903 : i32 to vector<16xi32>
        %add3A_905 = arith.addi %get3A_769, %add3A_904 : vector<16xi32>
        %gather3A_906 = tpu.vector_load_idx %arg10[%add3A_905] : memref<1024xf32, #tpu.memory_space<vmem>>[vector<16xi32>], vector<16xf32>,
        %mul3A_907 = arith.constant 1024 : i32
        %mul3A_908 = arith.muli %scan3A_760, %mul3A_907 : i32
        %add3A_909 = arith.constant 128 : i32
        %add3A_910 = arith.addi %mul3A_908, %add3A_909 : i32
        %add3A_911 = arith.constant 0 : i32
        %add3A_912 = arith.addi %add3A_910, %add3A_911 : i32
        %swap3A_913 = arith.constant 0 : i32
        %swap3A_914 = tpu.memref_slice %arg13[%rem3A_708, %swap3A_913] : memref<2x25600xf32, #tpu.memory_space<vmem>> -> memref<1x25600xf32, #tpu.memory_space<vmem>>
        %swap3A_915 = tpu.memref_squeeze %swap3A_914 : memref<1x25600xf32, #tpu.memory_space<vmem>> -> memref<25600xf32, #tpu.memory_space<vmem>>
        %swap3A_916 = arith.index_cast %add3A_912 : i32 to index
        %swap3A_917 = tpu.vector_load %swap3A_915[%swap3A_916] {strides = array<i32>} : memref<25600xf32, #tpu.memory_space<vmem>>, vector<16xf32>,
        tpu.vector_store %swap3A_915[%swap3A_916], %gather3A_906 {strides = array<i32>} : memref<25600xf32, #tpu.memory_space<vmem>>, vector<16xf32>,
        %add3A_918 = arith.constant 640 : i32
        %add3A_919 = vector.broadcast %add3A_918 : i32 to vector<16xi32>
        %add3A_920 = arith.addi %get3A_769, %add3A_919 : vector<16xi32>
        %gather3A_921 = tpu.vector_load_idx %arg10[%add3A_920] : memref<1024xf32, #tpu.memory_space<vmem>>[vector<16xi32>], vector<16xf32>,
        %mul3A_922 = arith.constant 1024 : i32
        %mul3A_923 = arith.muli %scan3A_760, %mul3A_922 : i32
        %add3A_924 = arith.constant 256 : i32
        %add3A_925 = arith.addi %mul3A_923, %add3A_924 : i32
        %add3A_926 = arith.constant 0 : i32
        %add3A_927 = arith.addi %add3A_925, %add3A_926 : i32
        %swap3A_928 = arith.constant 0 : i32
        %swap3A_929 = tpu.memref_slice %arg13[%rem3A_708, %swap3A_928] : memref<2x25600xf32, #tpu.memory_space<vmem>> -> memref<1x25600xf32, #tpu.memory_space<vmem>>
        %swap3A_930 = tpu.memref_squeeze %swap3A_929 : memref<1x25600xf32, #tpu.memory_space<vmem>> -> memref<25600xf32, #tpu.memory_space<vmem>>
        %swap3A_931 = arith.index_cast %add3A_927 : i32 to index
        %swap3A_932 = tpu.vector_load %swap3A_930[%swap3A_931] {strides = array<i32>} : memref<25600xf32, #tpu.memory_space<vmem>>, vector<16xf32>,
        tpu.vector_store %swap3A_930[%swap3A_931], %gather3A_921 {strides = array<i32>} : memref<25600xf32, #tpu.memory_space<vmem>>, vector<16xf32>,
        %add3A_933 = arith.constant 704 : i32
        %add3A_934 = vector.broadcast %add3A_933 : i32 to vector<16xi32>
        %add3A_935 = arith.addi %get3A_769, %add3A_934 : vector<16xi32>
        %gather3A_936 = tpu.vector_load_idx %arg10[%add3A_935] : memref<1024xf32, #tpu.memory_space<vmem>>[vector<16xi32>], vector<16xf32>,
        %mul3A_937 = arith.constant 1024 : i32
        %mul3A_938 = arith.muli %scan3A_760, %mul3A_937 : i32
        %add3A_939 = arith.constant 384 : i32
        %add3A_940 = arith.addi %mul3A_938, %add3A_939 : i32
        %add3A_941 = arith.constant 0 : i32
        %add3A_942 = arith.addi %add3A_940, %add3A_941 : i32
        %swap3A_943 = arith.constant 0 : i32
        %swap3A_944 = tpu.memref_slice %arg13[%rem3A_708, %swap3A_943] : memref<2x25600xf32, #tpu.memory_space<vmem>> -> memref<1x25600xf32, #tpu.memory_space<vmem>>
        %swap3A_945 = tpu.memref_squeeze %swap3A_944 : memref<1x25600xf32, #tpu.memory_space<vmem>> -> memref<25600xf32, #tpu.memory_space<vmem>>
        %swap3A_946 = arith.index_cast %add3A_942 : i32 to index
        %swap3A_947 = tpu.vector_load %swap3A_945[%swap3A_946] {strides = array<i32>} : memref<25600xf32, #tpu.memory_space<vmem>>, vector<16xf32>,
        tpu.vector_store %swap3A_945[%swap3A_946], %gather3A_936 {strides = array<i32>} : memref<25600xf32, #tpu.memory_space<vmem>>, vector<16xf32>,
        %add3A_948 = arith.constant 768 : i32
        %add3A_949 = vector.broadcast %add3A_948 : i32 to vector<16xi32>
        %add3A_950 = arith.addi %get3A_769, %add3A_949 : vector<16xi32>
        %gather3A_951 = tpu.vector_load_idx %arg10[%add3A_950] : memref<1024xf32, #tpu.memory_space<vmem>>[vector<16xi32>], vector<16xf32>,
        %mul3A_952 = arith.constant 1024 : i32
        %mul3A_953 = arith.muli %scan3A_760, %mul3A_952 : i32
        %add3A_954 = arith.constant 512 : i32
        %add3A_955 = arith.addi %mul3A_953, %add3A_954 : i32
        %add3A_956 = arith.constant 0 : i32
        %add3A_957 = arith.addi %add3A_955, %add3A_956 : i32
        %swap3A_958 = arith.constant 0 : i32
        %swap3A_959 = tpu.memref_slice %arg13[%rem3A_708, %swap3A_958] : memref<2x25600xf32, #tpu.memory_space<vmem>> -> memref<1x25600xf32, #tpu.memory_space<vmem>>
        %swap3A_960 = tpu.memref_squeeze %swap3A_959 : memref<1x25600xf32, #tpu.memory_space<vmem>> -> memref<25600xf32, #tpu.memory_space<vmem>>
        %swap3A_961 = arith.index_cast %add3A_957 : i32 to index
        %swap3A_962 = tpu.vector_load %swap3A_960[%swap3A_961] {strides = array<i32>} : memref<25600xf32, #tpu.memory_space<vmem>>, vector<16xf32>,
        tpu.vector_store %swap3A_960[%swap3A_961], %gather3A_951 {strides = array<i32>} : memref<25600xf32, #tpu.memory_space<vmem>>, vector<16xf32>,
        %add3A_963 = arith.constant 832 : i32
        %add3A_964 = vector.broadcast %add3A_963 : i32 to vector<16xi32>
        %add3A_965 = arith.addi %get3A_769, %add3A_964 : vector<16xi32>
        %gather3A_966 = tpu.vector_load_idx %arg10[%add3A_965] : memref<1024xf32, #tpu.memory_space<vmem>>[vector<16xi32>], vector<16xf32>,
        %mul3A_967 = arith.constant 1024 : i32
        %mul3A_968 = arith.muli %scan3A_760, %mul3A_967 : i32
        %add3A_969 = arith.constant 640 : i32
        %add3A_970 = arith.addi %mul3A_968, %add3A_969 : i32
        %add3A_971 = arith.constant 0 : i32
        %add3A_972 = arith.addi %add3A_970, %add3A_971 : i32
        %swap3A_973 = arith.constant 0 : i32
        %swap3A_974 = tpu.memref_slice %arg13[%rem3A_708, %swap3A_973] : memref<2x25600xf32, #tpu.memory_space<vmem>> -> memref<1x25600xf32, #tpu.memory_space<vmem>>
        %swap3A_975 = tpu.memref_squeeze %swap3A_974 : memref<1x25600xf32, #tpu.memory_space<vmem>> -> memref<25600xf32, #tpu.memory_space<vmem>>
        %swap3A_976 = arith.index_cast %add3A_972 : i32 to index
        %swap3A_977 = tpu.vector_load %swap3A_975[%swap3A_976] {strides = array<i32>} : memref<25600xf32, #tpu.memory_space<vmem>>, vector<16xf32>,
        tpu.vector_store %swap3A_975[%swap3A_976], %gather3A_966 {strides = array<i32>} : memref<25600xf32, #tpu.memory_space<vmem>>, vector<16xf32>,
        %add3A_978 = arith.constant 896 : i32
        %add3A_979 = vector.broadcast %add3A_978 : i32 to vector<16xi32>
        %add3A_980 = arith.addi %get3A_769, %add3A_979 : vector<16xi32>
        %gather3A_981 = tpu.vector_load_idx %arg10[%add3A_980] : memref<1024xf32, #tpu.memory_space<vmem>>[vector<16xi32>], vector<16xf32>,
        %mul3A_982 = arith.constant 1024 : i32
        %mul3A_983 = arith.muli %scan3A_760, %mul3A_982 : i32
        %add3A_984 = arith.constant 768 : i32
        %add3A_985 = arith.addi %mul3A_983, %add3A_984 : i32
        %add3A_986 = arith.constant 0 : i32
        %add3A_987 = arith.addi %add3A_985, %add3A_986 : i32
        %swap3A_988 = arith.constant 0 : i32
        %swap3A_989 = tpu.memref_slice %arg13[%rem3A_708, %swap3A_988] : memref<2x25600xf32, #tpu.memory_space<vmem>> -> memref<1x25600xf32, #tpu.memory_space<vmem>>
        %swap3A_990 = tpu.memref_squeeze %swap3A_989 : memref<1x25600xf32, #tpu.memory_space<vmem>> -> memref<25600xf32, #tpu.memory_space<vmem>>
        %swap3A_991 = arith.index_cast %add3A_987 : i32 to index
        %swap3A_992 = tpu.vector_load %swap3A_990[%swap3A_991] {strides = array<i32>} : memref<25600xf32, #tpu.memory_space<vmem>>, vector<16xf32>,
        tpu.vector_store %swap3A_990[%swap3A_991], %gather3A_981 {strides = array<i32>} : memref<25600xf32, #tpu.memory_space<vmem>>, vector<16xf32>,
        %add3A_993 = arith.constant 960 : i32
        %add3A_994 = vector.broadcast %add3A_993 : i32 to vector<16xi32>
        %add3A_995 = arith.addi %get3A_769, %add3A_994 : vector<16xi32>
        %gather3A_996 = tpu.vector_load_idx %arg10[%add3A_995] : memref<1024xf32, #tpu.memory_space<vmem>>[vector<16xi32>], vector<16xf32>,
        %mul3A_997 = arith.constant 1024 : i32
        %mul3A_998 = arith.muli %scan3A_760, %mul3A_997 : i32
        %add3A_999 = arith.constant 896 : i32
        %add3A_1000 = arith.addi %mul3A_998, %add3A_999 : i32
        %add3A_1001 = arith.constant 0 : i32
        %add3A_1002 = arith.addi %add3A_1000, %add3A_1001 : i32
        %swap3A_1003 = arith.constant 0 : i32
        %swap3A_1004 = tpu.memref_slice %arg13[%rem3A_708, %swap3A_1003] : memref<2x25600xf32, #tpu.memory_space<vmem>> -> memref<1x25600xf32, #tpu.memory_space<vmem>>
        %swap3A_1005 = tpu.memref_squeeze %swap3A_1004 : memref<1x25600xf32, #tpu.memory_space<vmem>> -> memref<25600xf32, #tpu.memory_space<vmem>>
        %swap3A_1006 = arith.index_cast %add3A_1002 : i32 to index
        %swap3A_1007 = tpu.vector_load %swap3A_1005[%swap3A_1006] {strides = array<i32>} : memref<25600xf32, #tpu.memory_space<vmem>>, vector<16xf32>,
        tpu.vector_store %swap3A_1005[%swap3A_1006], %gather3A_996 {strides = array<i32>} : memref<25600xf32, #tpu.memory_space<vmem>>, vector<16xf32>,
        %mul3A_1008 = arith.constant 128 : i32
        %mul3A_1009 = arith.muli %scan3A_760, %mul3A_1008 : i32
        %add3A_1010 = arith.constant 16 : i32
        %add3A_1011 = arith.addi %mul3A_1009, %add3A_1010 : i32
        %get3A_1012 = arith.constant 0 : i32
        %get3A_1013 = tpu.memref_slice %arg11[%rem3A_708, %get3A_1012] : memref<2x3200xi32, #tpu.memory_space<vmem>> -> memref<1x3200xi32, #tpu.memory_space<vmem>>
        %get3A_1014 = tpu.memref_squeeze %get3A_1013 : memref<1x3200xi32, #tpu.memory_space<vmem>> -> memref<3200xi32, #tpu.memory_space<vmem>>
        %get3A_1015 = arith.index_cast %add3A_1011 : i32 to index
        %get3A_1016 = tpu.vector_load %get3A_1014[%get3A_1015] {strides = array<i32>} : memref<3200xi32, #tpu.memory_space<vmem>>, vector<16xi32>,
        %add3A_1017 = arith.constant 0 : i32
        %add3A_1018 = vector.broadcast %add3A_1017 : i32 to vector<16xi32>
        %add3A_1019 = arith.addi %get3A_1016, %add3A_1018 : vector<16xi32>
        %gather3A_1020 = tpu.vector_load_idx %arg10[%add3A_1019] : memref<1024xf32, #tpu.memory_space<vmem>>[vector<16xi32>], vector<16xf32>,
        %mul3A_1021 = arith.constant 1024 : i32
        %mul3A_1022 = arith.muli %scan3A_760, %mul3A_1021 : i32
        %add3A_1023 = arith.constant 0 : i32
        %add3A_1024 = arith.addi %mul3A_1022, %add3A_1023 : i32
        %add3A_1025 = arith.constant 16 : i32
        %add3A_1026 = arith.addi %add3A_1024, %add3A_1025 : i32
        %swap3A_1027 = arith.constant 0 : i32
        %swap3A_1028 = tpu.memref_slice %arg12[%rem3A_708, %swap3A_1027] : memref<2x25600xf32, #tpu.memory_space<vmem>> -> memref<1x25600xf32, #tpu.memory_space<vmem>>
        %swap3A_1029 = tpu.memref_squeeze %swap3A_1028 : memref<1x25600xf32, #tpu.memory_space<vmem>> -> memref<25600xf32, #tpu.memory_space<vmem>>
        %swap3A_1030 = arith.index_cast %add3A_1026 : i32 to index
        %swap3A_1031 = tpu.vector_load %swap3A_1029[%swap3A_1030] {strides = array<i32>} : memref<25600xf32, #tpu.memory_space<vmem>>, vector<16xf32>,
        tpu.vector_store %swap3A_1029[%swap3A_1030], %gather3A_1020 {strides = array<i32>} : memref<25600xf32, #tpu.memory_space<vmem>>, vector<16xf32>,
        %add3A_1032 = arith.constant 64 : i32
        %add3A_1033 = vector.broadcast %add3A_1032 : i32 to vector<16xi32>
        %add3A_1034 = arith.addi %get3A_1016, %add3A_1033 : vector<16xi32>
        %gather3A_1035 = tpu.vector_load_idx %arg10[%add3A_1034] : memref<1024xf32, #tpu.memory_space<vmem>>[vector<16xi32>], vector<16xf32>,
        %mul3A_1036 = arith.constant 1024 : i32
        %mul3A_1037 = arith.muli %scan3A_760, %mul3A_1036 : i32
        %add3A_1038 = arith.constant 128 : i32
        %add3A_1039 = arith.addi %mul3A_1037, %add3A_1038 : i32
        %add3A_1040 = arith.constant 16 : i32
        %add3A_1041 = arith.addi %add3A_1039, %add3A_1040 : i32
        %swap3A_1042 = arith.constant 0 : i32
        %swap3A_1043 = tpu.memref_slice %arg12[%rem3A_708, %swap3A_1042] : memref<2x25600xf32, #tpu.memory_space<vmem>> -> memref<1x25600xf32, #tpu.memory_space<vmem>>
        %swap3A_1044 = tpu.memref_squeeze %swap3A_1043 : memref<1x25600xf32, #tpu.memory_space<vmem>> -> memref<25600xf32, #tpu.memory_space<vmem>>
        %swap3A_1045 = arith.index_cast %add3A_1041 : i32 to index
        %swap3A_1046 = tpu.vector_load %swap3A_1044[%swap3A_1045] {strides = array<i32>} : memref<25600xf32, #tpu.memory_space<vmem>>, vector<16xf32>,
        tpu.vector_store %swap3A_1044[%swap3A_1045], %gather3A_1035 {strides = array<i32>} : memref<25600xf32, #tpu.memory_space<vmem>>, vector<16xf32>,
        %add3A_1047 = arith.constant 128 : i32
        %add3A_1048 = vector.broadcast %add3A_1047 : i32 to vector<16xi32>
        %add3A_1049 = arith.addi %get3A_1016, %add3A_1048 : vector<16xi32>
        %gather3A_1050 = tpu.vector_load_idx %arg10[%add3A_1049] : memref<1024xf32, #tpu.memory_space<vmem>>[vector<16xi32>], vector<16xf32>,
        %mul3A_1051 = arith.constant 1024 : i32
        %mul3A_1052 = arith.muli %scan3A_760, %mul3A_1051 : i32
        %add3A_1053 = arith.constant 256 : i32
        %add3A_1054 = arith.addi %mul3A_1052, %add3A_1053 : i32
        %add3A_1055 = arith.constant 16 : i32
        %add3A_1056 = arith.addi %add3A_1054, %add3A_1055 : i32
        %swap3A_1057 = arith.constant 0 : i32
        %swap3A_1058 = tpu.memref_slice %arg12[%rem3A_708, %swap3A_1057] : memref<2x25600xf32, #tpu.memory_space<vmem>> -> memref<1x25600xf32, #tpu.memory_space<vmem>>
        %swap3A_1059 = tpu.memref_squeeze %swap3A_1058 : memref<1x25600xf32, #tpu.memory_space<vmem>> -> memref<25600xf32, #tpu.memory_space<vmem>>
        %swap3A_1060 = arith.index_cast %add3A_1056 : i32 to index
        %swap3A_1061 = tpu.vector_load %swap3A_1059[%swap3A_1060] {strides = array<i32>} : memref<25600xf32, #tpu.memory_space<vmem>>, vector<16xf32>,
        tpu.vector_store %swap3A_1059[%swap3A_1060], %gather3A_1050 {strides = array<i32>} : memref<25600xf32, #tpu.memory_space<vmem>>, vector<16xf32>,
        %add3A_1062 = arith.constant 192 : i32
        %add3A_1063 = vector.broadcast %add3A_1062 : i32 to vector<16xi32>
        %add3A_1064 = arith.addi %get3A_1016, %add3A_1063 : vector<16xi32>
        %gather3A_1065 = tpu.vector_load_idx %arg10[%add3A_1064] : memref<1024xf32, #tpu.memory_space<vmem>>[vector<16xi32>], vector<16xf32>,
        %mul3A_1066 = arith.constant 1024 : i32
        %mul3A_1067 = arith.muli %scan3A_760, %mul3A_1066 : i32
        %add3A_1068 = arith.constant 384 : i32
        %add3A_1069 = arith.addi %mul3A_1067, %add3A_1068 : i32
        %add3A_1070 = arith.constant 16 : i32
        %add3A_1071 = arith.addi %add3A_1069, %add3A_1070 : i32
        %swap3A_1072 = arith.constant 0 : i32
        %swap3A_1073 = tpu.memref_slice %arg12[%rem3A_708, %swap3A_1072] : memref<2x25600xf32, #tpu.memory_space<vmem>> -> memref<1x25600xf32, #tpu.memory_space<vmem>>
        %swap3A_1074 = tpu.memref_squeeze %swap3A_1073 : memref<1x25600xf32, #tpu.memory_space<vmem>> -> memref<25600xf32, #tpu.memory_space<vmem>>
        %swap3A_1075 = arith.index_cast %add3A_1071 : i32 to index
        %swap3A_1076 = tpu.vector_load %swap3A_1074[%swap3A_1075] {strides = array<i32>} : memref<25600xf32, #tpu.memory_space<vmem>>, vector<16xf32>,
        tpu.vector_store %swap3A_1074[%swap3A_1075], %gather3A_1065 {strides = array<i32>} : memref<25600xf32, #tpu.memory_space<vmem>>, vector<16xf32>,
        %add3A_1077 = arith.constant 256 : i32
        %add3A_1078 = vector.broadcast %add3A_1077 : i32 to vector<16xi32>
        %add3A_1079 = arith.addi %get3A_1016, %add3A_1078 : vector<16xi32>
        %gather3A_1080 = tpu.vector_load_idx %arg10[%add3A_1079] : memref<1024xf32, #tpu.memory_space<vmem>>[vector<16xi32>], vector<16xf32>,
        %mul3A_1081 = arith.constant 1024 : i32
        %mul3A_1082 = arith.muli %scan3A_760, %mul3A_1081 : i32
        %add3A_1083 = arith.constant 512 : i32
        %add3A_1084 = arith.addi %mul3A_1082, %add3A_1083 : i32
        %add3A_1085 = arith.constant 16 : i32
        %add3A_1086 = arith.addi %add3A_1084, %add3A_1085 : i32
        %swap3A_1087 = arith.constant 0 : i32
        %swap3A_1088 = tpu.memref_slice %arg12[%rem3A_708, %swap3A_1087] : memref<2x25600xf32, #tpu.memory_space<vmem>> -> memref<1x25600xf32, #tpu.memory_space<vmem>>
        %swap3A_1089 = tpu.memref_squeeze %swap3A_1088 : memref<1x25600xf32, #tpu.memory_space<vmem>> -> memref<25600xf32, #tpu.memory_space<vmem>>
        %swap3A_1090 = arith.index_cast %add3A_1086 : i32 to index
        %swap3A_1091 = tpu.vector_load %swap3A_1089[%swap3A_1090] {strides = array<i32>} : memref<25600xf32, #tpu.memory_space<vmem>>, vector<16xf32>,
        tpu.vector_store %swap3A_1089[%swap3A_1090], %gather3A_1080 {strides = array<i32>} : memref<25600xf32, #tpu.memory_space<vmem>>, vector<16xf32>,
        %add3A_1092 = arith.constant 320 : i32
        %add3A_1093 = vector.broadcast %add3A_1092 : i32 to vector<16xi32>
        %add3A_1094 = arith.addi %get3A_1016, %add3A_1093 : vector<16xi32>
        %gather3A_1095 = tpu.vector_load_idx %arg10[%add3A_1094] : memref<1024xf32, #tpu.memory_space<vmem>>[vector<16xi32>], vector<16xf32>,
        %mul3A_1096 = arith.constant 1024 : i32
        %mul3A_1097 = arith.muli %scan3A_760, %mul3A_1096 : i32
        %add3A_1098 = arith.constant 640 : i32
        %add3A_1099 = arith.addi %mul3A_1097, %add3A_1098 : i32
        %add3A_1100 = arith.constant 16 : i32
        %add3A_1101 = arith.addi %add3A_1099, %add3A_1100 : i32
        %swap3A_1102 = arith.constant 0 : i32
        %swap3A_1103 = tpu.memref_slice %arg12[%rem3A_708, %swap3A_1102] : memref<2x25600xf32, #tpu.memory_space<vmem>> -> memref<1x25600xf32, #tpu.memory_space<vmem>>
        %swap3A_1104 = tpu.memref_squeeze %swap3A_1103 : memref<1x25600xf32, #tpu.memory_space<vmem>> -> memref<25600xf32, #tpu.memory_space<vmem>>
        %swap3A_1105 = arith.index_cast %add3A_1101 : i32 to index
        %swap3A_1106 = tpu.vector_load %swap3A_1104[%swap3A_1105] {strides = array<i32>} : memref<25600xf32, #tpu.memory_space<vmem>>, vector<16xf32>,
        tpu.vector_store %swap3A_1104[%swap3A_1105], %gather3A_1095 {strides = array<i32>} : memref<25600xf32, #tpu.memory_space<vmem>>, vector<16xf32>,
        %add3A_1107 = arith.constant 384 : i32
        %add3A_1108 = vector.broadcast %add3A_1107 : i32 to vector<16xi32>
        %add3A_1109 = arith.addi %get3A_1016, %add3A_1108 : vector<16xi32>
        %gather3A_1110 = tpu.vector_load_idx %arg10[%add3A_1109] : memref<1024xf32, #tpu.memory_space<vmem>>[vector<16xi32>], vector<16xf32>,
        %mul3A_1111 = arith.constant 1024 : i32
        %mul3A_1112 = arith.muli %scan3A_760, %mul3A_1111 : i32
        %add3A_1113 = arith.constant 768 : i32
        %add3A_1114 = arith.addi %mul3A_1112, %add3A_1113 : i32
        %add3A_1115 = arith.constant 16 : i32
        %add3A_1116 = arith.addi %add3A_1114, %add3A_1115 : i32
        %swap3A_1117 = arith.constant 0 : i32
        %swap3A_1118 = tpu.memref_slice %arg12[%rem3A_708, %swap3A_1117] : memref<2x25600xf32, #tpu.memory_space<vmem>> -> memref<1x25600xf32, #tpu.memory_space<vmem>>
        %swap3A_1119 = tpu.memref_squeeze %swap3A_1118 : memref<1x25600xf32, #tpu.memory_space<vmem>> -> memref<25600xf32, #tpu.memory_space<vmem>>
        %swap3A_1120 = arith.index_cast %add3A_1116 : i32 to index
        %swap3A_1121 = tpu.vector_load %swap3A_1119[%swap3A_1120] {strides = array<i32>} : memref<25600xf32, #tpu.memory_space<vmem>>, vector<16xf32>,
        tpu.vector_store %swap3A_1119[%swap3A_1120], %gather3A_1110 {strides = array<i32>} : memref<25600xf32, #tpu.memory_space<vmem>>, vector<16xf32>,
        %add3A_1122 = arith.constant 448 : i32
        %add3A_1123 = vector.broadcast %add3A_1122 : i32 to vector<16xi32>
        %add3A_1124 = arith.addi %get3A_1016, %add3A_1123 : vector<16xi32>
        %gather3A_1125 = tpu.vector_load_idx %arg10[%add3A_1124] : memref<1024xf32, #tpu.memory_space<vmem>>[vector<16xi32>], vector<16xf32>,
        %mul3A_1126 = arith.constant 1024 : i32
        %mul3A_1127 = arith.muli %scan3A_760, %mul3A_1126 : i32
        %add3A_1128 = arith.constant 896 : i32
        %add3A_1129 = arith.addi %mul3A_1127, %add3A_1128 : i32
        %add3A_1130 = arith.constant 16 : i32
        %add3A_1131 = arith.addi %add3A_1129, %add3A_1130 : i32
        %swap3A_1132 = arith.constant 0 : i32
        %swap3A_1133 = tpu.memref_slice %arg12[%rem3A_708, %swap3A_1132] : memref<2x25600xf32, #tpu.memory_space<vmem>> -> memref<1x25600xf32, #tpu.memory_space<vmem>>
        %swap3A_1134 = tpu.memref_squeeze %swap3A_1133 : memref<1x25600xf32, #tpu.memory_space<vmem>> -> memref<25600xf32, #tpu.memory_space<vmem>>
        %swap3A_1135 = arith.index_cast %add3A_1131 : i32 to index
        %swap3A_1136 = tpu.vector_load %swap3A_1134[%swap3A_1135] {strides = array<i32>} : memref<25600xf32, #tpu.memory_space<vmem>>, vector<16xf32>,
        tpu.vector_store %swap3A_1134[%swap3A_1135], %gather3A_1125 {strides = array<i32>} : memref<25600xf32, #tpu.memory_space<vmem>>, vector<16xf32>,
        %add3A_1137 = arith.constant 512 : i32
        %add3A_1138 = vector.broadcast %add3A_1137 : i32 to vector<16xi32>
        %add3A_1139 = arith.addi %get3A_1016, %add3A_1138 : vector<16xi32>
        %gather3A_1140 = tpu.vector_load_idx %arg10[%add3A_1139] : memref<1024xf32, #tpu.memory_space<vmem>>[vector<16xi32>], vector<16xf32>,
        %mul3A_1141 = arith.constant 1024 : i32
        %mul3A_1142 = arith.muli %scan3A_760, %mul3A_1141 : i32
        %add3A_1143 = arith.constant 0 : i32
        %add3A_1144 = arith.addi %mul3A_1142, %add3A_1143 : i32
        %add3A_1145 = arith.constant 16 : i32
        %add3A_1146 = arith.addi %add3A_1144, %add3A_1145 : i32
        %swap3A_1147 = arith.constant 0 : i32
        %swap3A_1148 = tpu.memref_slice %arg13[%rem3A_708, %swap3A_1147] : memref<2x25600xf32, #tpu.memory_space<vmem>> -> memref<1x25600xf32, #tpu.memory_space<vmem>>
        %swap3A_1149 = tpu.memref_squeeze %swap3A_1148 : memref<1x25600xf32, #tpu.memory_space<vmem>> -> memref<25600xf32, #tpu.memory_space<vmem>>
        %swap3A_1150 = arith.index_cast %add3A_1146 : i32 to index
        %swap3A_1151 = tpu.vector_load %swap3A_1149[%swap3A_1150] {strides = array<i32>} : memref<25600xf32, #tpu.memory_space<vmem>>, vector<16xf32>,
        tpu.vector_store %swap3A_1149[%swap3A_1150], %gather3A_1140 {strides = array<i32>} : memref<25600xf32, #tpu.memory_space<vmem>>, vector<16xf32>,
        %add3A_1152 = arith.constant 576 : i32
        %add3A_1153 = vector.broadcast %add3A_1152 : i32 to vector<16xi32>
        %add3A_1154 = arith.addi %get3A_1016, %add3A_1153 : vector<16xi32>
        %gather3A_1155 = tpu.vector_load_idx %arg10[%add3A_1154] : memref<1024xf32, #tpu.memory_space<vmem>>[vector<16xi32>], vector<16xf32>,
        %mul3A_1156 = arith.constant 1024 : i32
        %mul3A_1157 = arith.muli %scan3A_760, %mul3A_1156 : i32
        %add3A_1158 = arith.constant 128 : i32
        %add3A_1159 = arith.addi %mul3A_1157, %add3A_1158 : i32
        %add3A_1160 = arith.constant 16 : i32
        %add3A_1161 = arith.addi %add3A_1159, %add3A_1160 : i32
        %swap3A_1162 = arith.constant 0 : i32
        %swap3A_1163 = tpu.memref_slice %arg13[%rem3A_708, %swap3A_1162] : memref<2x25600xf32, #tpu.memory_space<vmem>> -> memref<1x25600xf32, #tpu.memory_space<vmem>>
        %swap3A_1164 = tpu.memref_squeeze %swap3A_1163 : memref<1x25600xf32, #tpu.memory_space<vmem>> -> memref<25600xf32, #tpu.memory_space<vmem>>
        %swap3A_1165 = arith.index_cast %add3A_1161 : i32 to index
        %swap3A_1166 = tpu.vector_load %swap3A_1164[%swap3A_1165] {strides = array<i32>} : memref<25600xf32, #tpu.memory_space<vmem>>, vector<16xf32>,
        tpu.vector_store %swap3A_1164[%swap3A_1165], %gather3A_1155 {strides = array<i32>} : memref<25600xf32, #tpu.memory_space<vmem>>, vector<16xf32>,
        %add3A_1167 = arith.constant 640 : i32
        %add3A_1168 = vector.broadcast %add3A_1167 : i32 to vector<16xi32>
        %add3A_1169 = arith.addi %get3A_1016, %add3A_1168 : vector<16xi32>
        %gather3A_1170 = tpu.vector_load_idx %arg10[%add3A_1169] : memref<1024xf32, #tpu.memory_space<vmem>>[vector<16xi32>], vector<16xf32>,
        %mul3A_1171 = arith.constant 1024 : i32
        %mul3A_1172 = arith.muli %scan3A_760, %mul3A_1171 : i32
        %add3A_1173 = arith.constant 256 : i32
        %add3A_1174 = arith.addi %mul3A_1172, %add3A_1173 : i32
        %add3A_1175 = arith.constant 16 : i32
        %add3A_1176 = arith.addi %add3A_1174, %add3A_1175 : i32
        %swap3A_1177 = arith.constant 0 : i32
        %swap3A_1178 = tpu.memref_slice %arg13[%rem3A_708, %swap3A_1177] : memref<2x25600xf32, #tpu.memory_space<vmem>> -> memref<1x25600xf32, #tpu.memory_space<vmem>>
        %swap3A_1179 = tpu.memref_squeeze %swap3A_1178 : memref<1x25600xf32, #tpu.memory_space<vmem>> -> memref<25600xf32, #tpu.memory_space<vmem>>
        %swap3A_1180 = arith.index_cast %add3A_1176 : i32 to index
        %swap3A_1181 = tpu.vector_load %swap3A_1179[%swap3A_1180] {strides = array<i32>} : memref<25600xf32, #tpu.memory_space<vmem>>, vector<16xf32>,
        tpu.vector_store %swap3A_1179[%swap3A_1180], %gather3A_1170 {strides = array<i32>} : memref<25600xf32, #tpu.memory_space<vmem>>, vector<16xf32>,
        %add3A_1182 = arith.constant 704 : i32
        %add3A_1183 = vector.broadcast %add3A_1182 : i32 to vector<16xi32>
        %add3A_1184 = arith.addi %get3A_1016, %add3A_1183 : vector<16xi32>
        %gather3A_1185 = tpu.vector_load_idx %arg10[%add3A_1184] : memref<1024xf32, #tpu.memory_space<vmem>>[vector<16xi32>], vector<16xf32>,
        %mul3A_1186 = arith.constant 1024 : i32
        %mul3A_1187 = arith.muli %scan3A_760, %mul3A_1186 : i32
        %add3A_1188 = arith.constant 384 : i32
        %add3A_1189 = arith.addi %mul3A_1187, %add3A_1188 : i32
        %add3A_1190 = arith.constant 16 : i32
        %add3A_1191 = arith.addi %add3A_1189, %add3A_1190 : i32
        %swap3A_1192 = arith.constant 0 : i32
        %swap3A_1193 = tpu.memref_slice %arg13[%rem3A_708, %swap3A_1192] : memref<2x25600xf32, #tpu.memory_space<vmem>> -> memref<1x25600xf32, #tpu.memory_space<vmem>>
        %swap3A_1194 = tpu.memref_squeeze %swap3A_1193 : memref<1x25600xf32, #tpu.memory_space<vmem>> -> memref<25600xf32, #tpu.memory_space<vmem>>
        %swap3A_1195 = arith.index_cast %add3A_1191 : i32 to index
        %swap3A_1196 = tpu.vector_load %swap3A_1194[%swap3A_1195] {strides = array<i32>} : memref<25600xf32, #tpu.memory_space<vmem>>, vector<16xf32>,
        tpu.vector_store %swap3A_1194[%swap3A_1195], %gather3A_1185 {strides = array<i32>} : memref<25600xf32, #tpu.memory_space<vmem>>, vector<16xf32>,
        %add3A_1197 = arith.constant 768 : i32
        %add3A_1198 = vector.broadcast %add3A_1197 : i32 to vector<16xi32>
        %add3A_1199 = arith.addi %get3A_1016, %add3A_1198 : vector<16xi32>
        %gather3A_1200 = tpu.vector_load_idx %arg10[%add3A_1199] : memref<1024xf32, #tpu.memory_space<vmem>>[vector<16xi32>], vector<16xf32>,
        %mul3A_1201 = arith.constant 1024 : i32
        %mul3A_1202 = arith.muli %scan3A_760, %mul3A_1201 : i32
        %add3A_1203 = arith.constant 512 : i32
        %add3A_1204 = arith.addi %mul3A_1202, %add3A_1203 : i32
        %add3A_1205 = arith.constant 16 : i32
        %add3A_1206 = arith.addi %add3A_1204, %add3A_1205 : i32
        %swap3A_1207 = arith.constant 0 : i32
        %swap3A_1208 = tpu.memref_slice %arg13[%rem3A_708, %swap3A_1207] : memref<2x25600xf32, #tpu.memory_space<vmem>> -> memref<1x25600xf32, #tpu.memory_space<vmem>>
        %swap3A_1209 = tpu.memref_squeeze %swap3A_1208 : memref<1x25600xf32, #tpu.memory_space<vmem>> -> memref<25600xf32, #tpu.memory_space<vmem>>
        %swap3A_1210 = arith.index_cast %add3A_1206 : i32 to index
        %swap3A_1211 = tpu.vector_load %swap3A_1209[%swap3A_1210] {strides = array<i32>} : memref<25600xf32, #tpu.memory_space<vmem>>, vector<16xf32>,
        tpu.vector_store %swap3A_1209[%swap3A_1210], %gather3A_1200 {strides = array<i32>} : memref<25600xf32, #tpu.memory_space<vmem>>, vector<16xf32>,
        %add3A_1212 = arith.constant 832 : i32
        %add3A_1213 = vector.broadcast %add3A_1212 : i32 to vector<16xi32>
        %add3A_1214 = arith.addi %get3A_1016, %add3A_1213 : vector<16xi32>
        %gather3A_1215 = tpu.vector_load_idx %arg10[%add3A_1214] : memref<1024xf32, #tpu.memory_space<vmem>>[vector<16xi32>], vector<16xf32>,
        %mul3A_1216 = arith.constant 1024 : i32
        %mul3A_1217 = arith.muli %scan3A_760, %mul3A_1216 : i32
        %add3A_1218 = arith.constant 640 : i32
        %add3A_1219 = arith.addi %mul3A_1217, %add3A_1218 : i32
        %add3A_1220 = arith.constant 16 : i32
        %add3A_1221 = arith.addi %add3A_1219, %add3A_1220 : i32
        %swap3A_1222 = arith.constant 0 : i32
        %swap3A_1223 = tpu.memref_slice %arg13[%rem3A_708, %swap3A_1222] : memref<2x25600xf32, #tpu.memory_space<vmem>> -> memref<1x25600xf32, #tpu.memory_space<vmem>>
        %swap3A_1224 = tpu.memref_squeeze %swap3A_1223 : memref<1x25600xf32, #tpu.memory_space<vmem>> -> memref<25600xf32, #tpu.memory_space<vmem>>
        %swap3A_1225 = arith.index_cast %add3A_1221 : i32 to index
        %swap3A_1226 = tpu.vector_load %swap3A_1224[%swap3A_1225] {strides = array<i32>} : memref<25600xf32, #tpu.memory_space<vmem>>, vector<16xf32>,
        tpu.vector_store %swap3A_1224[%swap3A_1225], %gather3A_1215 {strides = array<i32>} : memref<25600xf32, #tpu.memory_space<vmem>>, vector<16xf32>,
        %add3A_1227 = arith.constant 896 : i32
        %add3A_1228 = vector.broadcast %add3A_1227 : i32 to vector<16xi32>
        %add3A_1229 = arith.addi %get3A_1016, %add3A_1228 : vector<16xi32>
        %gather3A_1230 = tpu.vector_load_idx %arg10[%add3A_1229] : memref<1024xf32, #tpu.memory_space<vmem>>[vector<16xi32>], vector<16xf32>,
        %mul3A_1231 = arith.constant 1024 : i32
        %mul3A_1232 = arith.muli %scan3A_760, %mul3A_1231 : i32
        %add3A_1233 = arith.constant 768 : i32
        %add3A_1234 = arith.addi %mul3A_1232, %add3A_1233 : i32
        %add3A_1235 = arith.constant 16 : i32
        %add3A_1236 = arith.addi %add3A_1234, %add3A_1235 : i32
        %swap3A_1237 = arith.constant 0 : i32
        %swap3A_1238 = tpu.memref_slice %arg13[%rem3A_708, %swap3A_1237] : memref<2x25600xf32, #tpu.memory_space<vmem>> -> memref<1x25600xf32, #tpu.memory_space<vmem>>
        %swap3A_1239 = tpu.memref_squeeze %swap3A_1238 : memref<1x25600xf32, #tpu.memory_space<vmem>> -> memref<25600xf32, #tpu.memory_space<vmem>>
        %swap3A_1240 = arith.index_cast %add3A_1236 : i32 to index
        %swap3A_1241 = tpu.vector_load %swap3A_1239[%swap3A_1240] {strides = array<i32>} : memref<25600xf32, #tpu.memory_space<vmem>>, vector<16xf32>,
        tpu.vector_store %swap3A_1239[%swap3A_1240], %gather3A_1230 {strides = array<i32>} : memref<25600xf32, #tpu.memory_space<vmem>>, vector<16xf32>,
        %add3A_1242 = arith.constant 960 : i32
        %add3A_1243 = vector.broadcast %add3A_1242 : i32 to vector<16xi32>
        %add3A_1244 = arith.addi %get3A_1016, %add3A_1243 : vector<16xi32>
        %gather3A_1245 = tpu.vector_load_idx %arg10[%add3A_1244] : memref<1024xf32, #tpu.memory_space<vmem>>[vector<16xi32>], vector<16xf32>,
        %mul3A_1246 = arith.constant 1024 : i32
        %mul3A_1247 = arith.muli %scan3A_760, %mul3A_1246 : i32
        %add3A_1248 = arith.constant 896 : i32
        %add3A_1249 = arith.addi %mul3A_1247, %add3A_1248 : i32
        %add3A_1250 = arith.constant 16 : i32
        %add3A_1251 = arith.addi %add3A_1249, %add3A_1250 : i32
        %swap3A_1252 = arith.constant 0 : i32
        %swap3A_1253 = tpu.memref_slice %arg13[%rem3A_708, %swap3A_1252] : memref<2x25600xf32, #tpu.memory_space<vmem>> -> memref<1x25600xf32, #tpu.memory_space<vmem>>
        %swap3A_1254 = tpu.memref_squeeze %swap3A_1253 : memref<1x25600xf32, #tpu.memory_space<vmem>> -> memref<25600xf32, #tpu.memory_space<vmem>>
        %swap3A_1255 = arith.index_cast %add3A_1251 : i32 to index
        %swap3A_1256 = tpu.vector_load %swap3A_1254[%swap3A_1255] {strides = array<i32>} : memref<25600xf32, #tpu.memory_space<vmem>>, vector<16xf32>,
        tpu.vector_store %swap3A_1254[%swap3A_1255], %gather3A_1245 {strides = array<i32>} : memref<25600xf32, #tpu.memory_space<vmem>>, vector<16xf32>,
        %mul3A_1257 = arith.constant 128 : i32
        %mul3A_1258 = arith.muli %scan3A_760, %mul3A_1257 : i32
        %add3A_1259 = arith.constant 32 : i32
        %add3A_1260 = arith.addi %mul3A_1258, %add3A_1259 : i32
        %get3A_1261 = arith.constant 0 : i32
        %get3A_1262 = tpu.memref_slice %arg11[%rem3A_708, %get3A_1261] : memref<2x3200xi32, #tpu.memory_space<vmem>> -> memref<1x3200xi32, #tpu.memory_space<vmem>>
        %get3A_1263 = tpu.memref_squeeze %get3A_1262 : memref<1x3200xi32, #tpu.memory_space<vmem>> -> memref<3200xi32, #tpu.memory_space<vmem>>
        %get3A_1264 = arith.index_cast %add3A_1260 : i32 to index
        %get3A_1265 = tpu.vector_load %get3A_1263[%get3A_1264] {strides = array<i32>} : memref<3200xi32, #tpu.memory_space<vmem>>, vector<16xi32>,
        %add3A_1266 = arith.constant 0 : i32
        %add3A_1267 = vector.broadcast %add3A_1266 : i32 to vector<16xi32>
        %add3A_1268 = arith.addi %get3A_1265, %add3A_1267 : vector<16xi32>
        %gather3A_1269 = tpu.vector_load_idx %arg10[%add3A_1268] : memref<1024xf32, #tpu.memory_space<vmem>>[vector<16xi32>], vector<16xf32>,
        %mul3A_1270 = arith.constant 1024 : i32
        %mul3A_1271 = arith.muli %scan3A_760, %mul3A_1270 : i32
        %add3A_1272 = arith.constant 0 : i32
        %add3A_1273 = arith.addi %mul3A_1271, %add3A_1272 : i32
        %add3A_1274 = arith.constant 32 : i32
        %add3A_1275 = arith.addi %add3A_1273, %add3A_1274 : i32
        %swap3A_1276 = arith.constant 0 : i32
        %swap3A_1277 = tpu.memref_slice %arg12[%rem3A_708, %swap3A_1276] : memref<2x25600xf32, #tpu.memory_space<vmem>> -> memref<1x25600xf32, #tpu.memory_space<vmem>>
        %swap3A_1278 = tpu.memref_squeeze %swap3A_1277 : memref<1x25600xf32, #tpu.memory_space<vmem>> -> memref<25600xf32, #tpu.memory_space<vmem>>
        %swap3A_1279 = arith.index_cast %add3A_1275 : i32 to index
        %swap3A_1280 = tpu.vector_load %swap3A_1278[%swap3A_1279] {strides = array<i32>} : memref<25600xf32, #tpu.memory_space<vmem>>, vector<16xf32>,
        tpu.vector_store %swap3A_1278[%swap3A_1279], %gather3A_1269 {strides = array<i32>} : memref<25600xf32, #tpu.memory_space<vmem>>, vector<16xf32>,
        %add3A_1281 = arith.constant 64 : i32
        %add3A_1282 = vector.broadcast %add3A_1281 : i32 to vector<16xi32>
        %add3A_1283 = arith.addi %get3A_1265, %add3A_1282 : vector<16xi32>
        %gather3A_1284 = tpu.vector_load_idx %arg10[%add3A_1283] : memref<1024xf32, #tpu.memory_space<vmem>>[vector<16xi32>], vector<16xf32>,
        %mul3A_1285 = arith.constant 1024 : i32
        %mul3A_1286 = arith.muli %scan3A_760, %mul3A_1285 : i32
        %add3A_1287 = arith.constant 128 : i32
        %add3A_1288 = arith.addi %mul3A_1286, %add3A_1287 : i32
        %add3A_1289 = arith.constant 32 : i32
        %add3A_1290 = arith.addi %add3A_1288, %add3A_1289 : i32
        %swap3A_1291 = arith.constant 0 : i32
        %swap3A_1292 = tpu.memref_slice %arg12[%rem3A_708, %swap3A_1291] : memref<2x25600xf32, #tpu.memory_space<vmem>> -> memref<1x25600xf32, #tpu.memory_space<vmem>>
        %swap3A_1293 = tpu.memref_squeeze %swap3A_1292 : memref<1x25600xf32, #tpu.memory_space<vmem>> -> memref<25600xf32, #tpu.memory_space<vmem>>
        %swap3A_1294 = arith.index_cast %add3A_1290 : i32 to index
        %swap3A_1295 = tpu.vector_load %swap3A_1293[%swap3A_1294] {strides = array<i32>} : memref<25600xf32, #tpu.memory_space<vmem>>, vector<16xf32>,
        tpu.vector_store %swap3A_1293[%swap3A_1294], %gather3A_1284 {strides = array<i32>} : memref<25600xf32, #tpu.memory_space<vmem>>, vector<16xf32>,
        %add3A_1296 = arith.constant 128 : i32
        %add3A_1297 = vector.broadcast %add3A_1296 : i32 to vector<16xi32>
        %add3A_1298 = arith.addi %get3A_1265, %add3A_1297 : vector<16xi32>
        %gather3A_1299 = tpu.vector_load_idx %arg10[%add3A_1298] : memref<1024xf32, #tpu.memory_space<vmem>>[vector<16xi32>], vector<16xf32>,
        %mul3A_1300 = arith.constant 1024 : i32
        %mul3A_1301 = arith.muli %scan3A_760, %mul3A_1300 : i32
        %add3A_1302 = arith.constant 256 : i32
        %add3A_1303 = arith.addi %mul3A_1301, %add3A_1302 : i32
        %add3A_1304 = arith.constant 32 : i32
        %add3A_1305 = arith.addi %add3A_1303, %add3A_1304 : i32
        %swap3A_1306 = arith.constant 0 : i32
        %swap3A_1307 = tpu.memref_slice %arg12[%rem3A_708, %swap3A_1306] : memref<2x25600xf32, #tpu.memory_space<vmem>> -> memref<1x25600xf32, #tpu.memory_space<vmem>>
        %swap3A_1308 = tpu.memref_squeeze %swap3A_1307 : memref<1x25600xf32, #tpu.memory_space<vmem>> -> memref<25600xf32, #tpu.memory_space<vmem>>
        %swap3A_1309 = arith.index_cast %add3A_1305 : i32 to index
        %swap3A_1310 = tpu.vector_load %swap3A_1308[%swap3A_1309] {strides = array<i32>} : memref<25600xf32, #tpu.memory_space<vmem>>, vector<16xf32>,
        tpu.vector_store %swap3A_1308[%swap3A_1309], %gather3A_1299 {strides = array<i32>} : memref<25600xf32, #tpu.memory_space<vmem>>, vector<16xf32>,
        %add3A_1311 = arith.constant 192 : i32
        %add3A_1312 = vector.broadcast %add3A_1311 : i32 to vector<16xi32>
        %add3A_1313 = arith.addi %get3A_1265, %add3A_1312 : vector<16xi32>
        %gather3A_1314 = tpu.vector_load_idx %arg10[%add3A_1313] : memref<1024xf32, #tpu.memory_space<vmem>>[vector<16xi32>], vector<16xf32>,
        %mul3A_1315 = arith.constant 1024 : i32
        %mul3A_1316 = arith.muli %scan3A_760, %mul3A_1315 : i32
        %add3A_1317 = arith.constant 384 : i32
        %add3A_1318 = arith.addi %mul3A_1316, %add3A_1317 : i32
        %add3A_1319 = arith.constant 32 : i32
        %add3A_1320 = arith.addi %add3A_1318, %add3A_1319 : i32
        %swap3A_1321 = arith.constant 0 : i32
        %swap3A_1322 = tpu.memref_slice %arg12[%rem3A_708, %swap3A_1321] : memref<2x25600xf32, #tpu.memory_space<vmem>> -> memref<1x25600xf32, #tpu.memory_space<vmem>>
        %swap3A_1323 = tpu.memref_squeeze %swap3A_1322 : memref<1x25600xf32, #tpu.memory_space<vmem>> -> memref<25600xf32, #tpu.memory_space<vmem>>
        %swap3A_1324 = arith.index_cast %add3A_1320 : i32 to index
        %swap3A_1325 = tpu.vector_load %swap3A_1323[%swap3A_1324] {strides = array<i32>} : memref<25600xf32, #tpu.memory_space<vmem>>, vector<16xf32>,
        tpu.vector_store %swap3A_1323[%swap3A_1324], %gather3A_1314 {strides = array<i32>} : memref<25600xf32, #tpu.memory_space<vmem>>, vector<16xf32>,
        %add3A_1326 = arith.constant 256 : i32
        %add3A_1327 = vector.broadcast %add3A_1326 : i32 to vector<16xi32>
        %add3A_1328 = arith.addi %get3A_1265, %add3A_1327 : vector<16xi32>
        %gather3A_1329 = tpu.vector_load_idx %arg10[%add3A_1328] : memref<1024xf32, #tpu.memory_space<vmem>>[vector<16xi32>], vector<16xf32>,
        %mul3A_1330 = arith.constant 1024 : i32
        %mul3A_1331 = arith.muli %scan3A_760, %mul3A_1330 : i32
        %add3A_1332 = arith.constant 512 : i32
        %add3A_1333 = arith.addi %mul3A_1331, %add3A_1332 : i32
        %add3A_1334 = arith.constant 32 : i32
        %add3A_1335 = arith.addi %add3A_1333, %add3A_1334 : i32
        %swap3A_1336 = arith.constant 0 : i32
        %swap3A_1337 = tpu.memref_slice %arg12[%rem3A_708, %swap3A_1336] : memref<2x25600xf32, #tpu.memory_space<vmem>> -> memref<1x25600xf32, #tpu.memory_space<vmem>>
        %swap3A_1338 = tpu.memref_squeeze %swap3A_1337 : memref<1x25600xf32, #tpu.memory_space<vmem>> -> memref<25600xf32, #tpu.memory_space<vmem>>
        %swap3A_1339 = arith.index_cast %add3A_1335 : i32 to index
        %swap3A_1340 = tpu.vector_load %swap3A_1338[%swap3A_1339] {strides = array<i32>} : memref<25600xf32, #tpu.memory_space<vmem>>, vector<16xf32>,
        tpu.vector_store %swap3A_1338[%swap3A_1339], %gather3A_1329 {strides = array<i32>} : memref<25600xf32, #tpu.memory_space<vmem>>, vector<16xf32>,
        %add3A_1341 = arith.constant 320 : i32
        %add3A_1342 = vector.broadcast %add3A_1341 : i32 to vector<16xi32>
        %add3A_1343 = arith.addi %get3A_1265, %add3A_1342 : vector<16xi32>
        %gather3A_1344 = tpu.vector_load_idx %arg10[%add3A_1343] : memref<1024xf32, #tpu.memory_space<vmem>>[vector<16xi32>], vector<16xf32>,
        %mul3A_1345 = arith.constant 1024 : i32
        %mul3A_1346 = arith.muli %scan3A_760, %mul3A_1345 : i32
        %add3A_1347 = arith.constant 640 : i32
        %add3A_1348 = arith.addi %mul3A_1346, %add3A_1347 : i32
        %add3A_1349 = arith.constant 32 : i32
        %add3A_1350 = arith.addi %add3A_1348, %add3A_1349 : i32
        %swap3A_1351 = arith.constant 0 : i32
        %swap3A_1352 = tpu.memref_slice %arg12[%rem3A_708, %swap3A_1351] : memref<2x25600xf32, #tpu.memory_space<vmem>> -> memref<1x25600xf32, #tpu.memory_space<vmem>>
        %swap3A_1353 = tpu.memref_squeeze %swap3A_1352 : memref<1x25600xf32, #tpu.memory_space<vmem>> -> memref<25600xf32, #tpu.memory_space<vmem>>
        %swap3A_1354 = arith.index_cast %add3A_1350 : i32 to index
        %swap3A_1355 = tpu.vector_load %swap3A_1353[%swap3A_1354] {strides = array<i32>} : memref<25600xf32, #tpu.memory_space<vmem>>, vector<16xf32>,
        tpu.vector_store %swap3A_1353[%swap3A_1354], %gather3A_1344 {strides = array<i32>} : memref<25600xf32, #tpu.memory_space<vmem>>, vector<16xf32>,
        %add3A_1356 = arith.constant 384 : i32
        %add3A_1357 = vector.broadcast %add3A_1356 : i32 to vector<16xi32>
        %add3A_1358 = arith.addi %get3A_1265, %add3A_1357 : vector<16xi32>
        %gather3A_1359 = tpu.vector_load_idx %arg10[%add3A_1358] : memref<1024xf32, #tpu.memory_space<vmem>>[vector<16xi32>], vector<16xf32>,
        %mul3A_1360 = arith.constant 1024 : i32
        %mul3A_1361 = arith.muli %scan3A_760, %mul3A_1360 : i32
        %add3A_1362 = arith.constant 768 : i32
        %add3A_1363 = arith.addi %mul3A_1361, %add3A_1362 : i32
        %add3A_1364 = arith.constant 32 : i32
        %add3A_1365 = arith.addi %add3A_1363, %add3A_1364 : i32
        %swap3A_1366 = arith.constant 0 : i32
        %swap3A_1367 = tpu.memref_slice %arg12[%rem3A_708, %swap3A_1366] : memref<2x25600xf32, #tpu.memory_space<vmem>> -> memref<1x25600xf32, #tpu.memory_space<vmem>>
        %swap3A_1368 = tpu.memref_squeeze %swap3A_1367 : memref<1x25600xf32, #tpu.memory_space<vmem>> -> memref<25600xf32, #tpu.memory_space<vmem>>
        %swap3A_1369 = arith.index_cast %add3A_1365 : i32 to index
        %swap3A_1370 = tpu.vector_load %swap3A_1368[%swap3A_1369] {strides = array<i32>} : memref<25600xf32, #tpu.memory_space<vmem>>, vector<16xf32>,
        tpu.vector_store %swap3A_1368[%swap3A_1369], %gather3A_1359 {strides = array<i32>} : memref<25600xf32, #tpu.memory_space<vmem>>, vector<16xf32>,
        %add3A_1371 = arith.constant 448 : i32
        %add3A_1372 = vector.broadcast %add3A_1371 : i32 to vector<16xi32>
        %add3A_1373 = arith.addi %get3A_1265, %add3A_1372 : vector<16xi32>
        %gather3A_1374 = tpu.vector_load_idx %arg10[%add3A_1373] : memref<1024xf32, #tpu.memory_space<vmem>>[vector<16xi32>], vector<16xf32>,
        %mul3A_1375 = arith.constant 1024 : i32
        %mul3A_1376 = arith.muli %scan3A_760, %mul3A_1375 : i32
        %add3A_1377 = arith.constant 896 : i32
        %add3A_1378 = arith.addi %mul3A_1376, %add3A_1377 : i32
        %add3A_1379 = arith.constant 32 : i32
        %add3A_1380 = arith.addi %add3A_1378, %add3A_1379 : i32
        %swap3A_1381 = arith.constant 0 : i32
        %swap3A_1382 = tpu.memref_slice %arg12[%rem3A_708, %swap3A_1381] : memref<2x25600xf32, #tpu.memory_space<vmem>> -> memref<1x25600xf32, #tpu.memory_space<vmem>>
        %swap3A_1383 = tpu.memref_squeeze %swap3A_1382 : memref<1x25600xf32, #tpu.memory_space<vmem>> -> memref<25600xf32, #tpu.memory_space<vmem>>
        %swap3A_1384 = arith.index_cast %add3A_1380 : i32 to index
        %swap3A_1385 = tpu.vector_load %swap3A_1383[%swap3A_1384] {strides = array<i32>} : memref<25600xf32, #tpu.memory_space<vmem>>, vector<16xf32>,
        tpu.vector_store %swap3A_1383[%swap3A_1384], %gather3A_1374 {strides = array<i32>} : memref<25600xf32, #tpu.memory_space<vmem>>, vector<16xf32>,
        %add3A_1386 = arith.constant 512 : i32
        %add3A_1387 = vector.broadcast %add3A_1386 : i32 to vector<16xi32>
        %add3A_1388 = arith.addi %get3A_1265, %add3A_1387 : vector<16xi32>
        %gather3A_1389 = tpu.vector_load_idx %arg10[%add3A_1388] : memref<1024xf32, #tpu.memory_space<vmem>>[vector<16xi32>], vector<16xf32>,
        %mul3A_1390 = arith.constant 1024 : i32
        %mul3A_1391 = arith.muli %scan3A_760, %mul3A_1390 : i32
        %add3A_1392 = arith.constant 0 : i32
        %add3A_1393 = arith.addi %mul3A_1391, %add3A_1392 : i32
        %add3A_1394 = arith.constant 32 : i32
        %add3A_1395 = arith.addi %add3A_1393, %add3A_1394 : i32
        %swap3A_1396 = arith.constant 0 : i32
        %swap3A_1397 = tpu.memref_slice %arg13[%rem3A_708, %swap3A_1396] : memref<2x25600xf32, #tpu.memory_space<vmem>> -> memref<1x25600xf32, #tpu.memory_space<vmem>>
        %swap3A_1398 = tpu.memref_squeeze %swap3A_1397 : memref<1x25600xf32, #tpu.memory_space<vmem>> -> memref<25600xf32, #tpu.memory_space<vmem>>
        %swap3A_1399 = arith.index_cast %add3A_1395 : i32 to index
        %swap3A_1400 = tpu.vector_load %swap3A_1398[%swap3A_1399] {strides = array<i32>} : memref<25600xf32, #tpu.memory_space<vmem>>, vector<16xf32>,
        tpu.vector_store %swap3A_1398[%swap3A_1399], %gather3A_1389 {strides = array<i32>} : memref<25600xf32, #tpu.memory_space<vmem>>, vector<16xf32>,
        %add3A_1401 = arith.constant 576 : i32
        %add3A_1402 = vector.broadcast %add3A_1401 : i32 to vector<16xi32>
        %add3A_1403 = arith.addi %get3A_1265, %add3A_1402 : vector<16xi32>
        %gather3A_1404 = tpu.vector_load_idx %arg10[%add3A_1403] : memref<1024xf32, #tpu.memory_space<vmem>>[vector<16xi32>], vector<16xf32>,
        %mul3A_1405 = arith.constant 1024 : i32
        %mul3A_1406 = arith.muli %scan3A_760, %mul3A_1405 : i32
        %add3A_1407 = arith.constant 128 : i32
        %add3A_1408 = arith.addi %mul3A_1406, %add3A_1407 : i32
        %add3A_1409 = arith.constant 32 : i32
        %add3A_1410 = arith.addi %add3A_1408, %add3A_1409 : i32
        %swap3A_1411 = arith.constant 0 : i32
        %swap3A_1412 = tpu.memref_slice %arg13[%rem3A_708, %swap3A_1411] : memref<2x25600xf32, #tpu.memory_space<vmem>> -> memref<1x25600xf32, #tpu.memory_space<vmem>>
        %swap3A_1413 = tpu.memref_squeeze %swap3A_1412 : memref<1x25600xf32, #tpu.memory_space<vmem>> -> memref<25600xf32, #tpu.memory_space<vmem>>
        %swap3A_1414 = arith.index_cast %add3A_1410 : i32 to index
        %swap3A_1415 = tpu.vector_load %swap3A_1413[%swap3A_1414] {strides = array<i32>} : memref<25600xf32, #tpu.memory_space<vmem>>, vector<16xf32>,
        tpu.vector_store %swap3A_1413[%swap3A_1414], %gather3A_1404 {strides = array<i32>} : memref<25600xf32, #tpu.memory_space<vmem>>, vector<16xf32>,
        %add3A_1416 = arith.constant 640 : i32
        %add3A_1417 = vector.broadcast %add3A_1416 : i32 to vector<16xi32>
        %add3A_1418 = arith.addi %get3A_1265, %add3A_1417 : vector<16xi32>
        %gather3A_1419 = tpu.vector_load_idx %arg10[%add3A_1418] : memref<1024xf32, #tpu.memory_space<vmem>>[vector<16xi32>], vector<16xf32>,
        %mul3A_1420 = arith.constant 1024 : i32
        %mul3A_1421 = arith.muli %scan3A_760, %mul3A_1420 : i32
        %add3A_1422 = arith.constant 256 : i32
        %add3A_1423 = arith.addi %mul3A_1421, %add3A_1422 : i32
        %add3A_1424 = arith.constant 32 : i32
        %add3A_1425 = arith.addi %add3A_1423, %add3A_1424 : i32
        %swap3A_1426 = arith.constant 0 : i32
        %swap3A_1427 = tpu.memref_slice %arg13[%rem3A_708, %swap3A_1426] : memref<2x25600xf32, #tpu.memory_space<vmem>> -> memref<1x25600xf32, #tpu.memory_space<vmem>>
        %swap3A_1428 = tpu.memref_squeeze %swap3A_1427 : memref<1x25600xf32, #tpu.memory_space<vmem>> -> memref<25600xf32, #tpu.memory_space<vmem>>
        %swap3A_1429 = arith.index_cast %add3A_1425 : i32 to index
        %swap3A_1430 = tpu.vector_load %swap3A_1428[%swap3A_1429] {strides = array<i32>} : memref<25600xf32, #tpu.memory_space<vmem>>, vector<16xf32>,
        tpu.vector_store %swap3A_1428[%swap3A_1429], %gather3A_1419 {strides = array<i32>} : memref<25600xf32, #tpu.memory_space<vmem>>, vector<16xf32>,
        %add3A_1431 = arith.constant 704 : i32
        %add3A_1432 = vector.broadcast %add3A_1431 : i32 to vector<16xi32>
        %add3A_1433 = arith.addi %get3A_1265, %add3A_1432 : vector<16xi32>
        %gather3A_1434 = tpu.vector_load_idx %arg10[%add3A_1433] : memref<1024xf32, #tpu.memory_space<vmem>>[vector<16xi32>], vector<16xf32>,
        %mul3A_1435 = arith.constant 1024 : i32
        %mul3A_1436 = arith.muli %scan3A_760, %mul3A_1435 : i32
        %add3A_1437 = arith.constant 384 : i32
        %add3A_1438 = arith.addi %mul3A_1436, %add3A_1437 : i32
        %add3A_1439 = arith.constant 32 : i32
        %add3A_1440 = arith.addi %add3A_1438, %add3A_1439 : i32
        %swap3A_1441 = arith.constant 0 : i32
        %swap3A_1442 = tpu.memref_slice %arg13[%rem3A_708, %swap3A_1441] : memref<2x25600xf32, #tpu.memory_space<vmem>> -> memref<1x25600xf32, #tpu.memory_space<vmem>>
        %swap3A_1443 = tpu.memref_squeeze %swap3A_1442 : memref<1x25600xf32, #tpu.memory_space<vmem>> -> memref<25600xf32, #tpu.memory_space<vmem>>
        %swap3A_1444 = arith.index_cast %add3A_1440 : i32 to index
        %swap3A_1445 = tpu.vector_load %swap3A_1443[%swap3A_1444] {strides = array<i32>} : memref<25600xf32, #tpu.memory_space<vmem>>, vector<16xf32>,
        tpu.vector_store %swap3A_1443[%swap3A_1444], %gather3A_1434 {strides = array<i32>} : memref<25600xf32, #tpu.memory_space<vmem>>, vector<16xf32>,
        %add3A_1446 = arith.constant 768 : i32
        %add3A_1447 = vector.broadcast %add3A_1446 : i32 to vector<16xi32>
        %add3A_1448 = arith.addi %get3A_1265, %add3A_1447 : vector<16xi32>
        %gather3A_1449 = tpu.vector_load_idx %arg10[%add3A_1448] : memref<1024xf32, #tpu.memory_space<vmem>>[vector<16xi32>], vector<16xf32>,
        %mul3A_1450 = arith.constant 1024 : i32
        %mul3A_1451 = arith.muli %scan3A_760, %mul3A_1450 : i32
        %add3A_1452 = arith.constant 512 : i32
        %add3A_1453 = arith.addi %mul3A_1451, %add3A_1452 : i32
        %add3A_1454 = arith.constant 32 : i32
        %add3A_1455 = arith.addi %add3A_1453, %add3A_1454 : i32
        %swap3A_1456 = arith.constant 0 : i32
        %swap3A_1457 = tpu.memref_slice %arg13[%rem3A_708, %swap3A_1456] : memref<2x25600xf32, #tpu.memory_space<vmem>> -> memref<1x25600xf32, #tpu.memory_space<vmem>>
        %swap3A_1458 = tpu.memref_squeeze %swap3A_1457 : memref<1x25600xf32, #tpu.memory_space<vmem>> -> memref<25600xf32, #tpu.memory_space<vmem>>
        %swap3A_1459 = arith.index_cast %add3A_1455 : i32 to index
        %swap3A_1460 = tpu.vector_load %swap3A_1458[%swap3A_1459] {strides = array<i32>} : memref<25600xf32, #tpu.memory_space<vmem>>, vector<16xf32>,
        tpu.vector_store %swap3A_1458[%swap3A_1459], %gather3A_1449 {strides = array<i32>} : memref<25600xf32, #tpu.memory_space<vmem>>, vector<16xf32>,
        %add3A_1461 = arith.constant 832 : i32
        %add3A_1462 = vector.broadcast %add3A_1461 : i32 to vector<16xi32>
        %add3A_1463 = arith.addi %get3A_1265, %add3A_1462 : vector<16xi32>
        %gather3A_1464 = tpu.vector_load_idx %arg10[%add3A_1463] : memref<1024xf32, #tpu.memory_space<vmem>>[vector<16xi32>], vector<16xf32>,
        %mul3A_1465 = arith.constant 1024 : i32
        %mul3A_1466 = arith.muli %scan3A_760, %mul3A_1465 : i32
        %add3A_1467 = arith.constant 640 : i32
        %add3A_1468 = arith.addi %mul3A_1466, %add3A_1467 : i32
        %add3A_1469 = arith.constant 32 : i32
        %add3A_1470 = arith.addi %add3A_1468, %add3A_1469 : i32
        %swap3A_1471 = arith.constant 0 : i32
        %swap3A_1472 = tpu.memref_slice %arg13[%rem3A_708, %swap3A_1471] : memref<2x25600xf32, #tpu.memory_space<vmem>> -> memref<1x25600xf32, #tpu.memory_space<vmem>>
        %swap3A_1473 = tpu.memref_squeeze %swap3A_1472 : memref<1x25600xf32, #tpu.memory_space<vmem>> -> memref<25600xf32, #tpu.memory_space<vmem>>
        %swap3A_1474 = arith.index_cast %add3A_1470 : i32 to index
        %swap3A_1475 = tpu.vector_load %swap3A_1473[%swap3A_1474] {strides = array<i32>} : memref<25600xf32, #tpu.memory_space<vmem>>, vector<16xf32>,
        tpu.vector_store %swap3A_1473[%swap3A_1474], %gather3A_1464 {strides = array<i32>} : memref<25600xf32, #tpu.memory_space<vmem>>, vector<16xf32>,
        %add3A_1476 = arith.constant 896 : i32
        %add3A_1477 = vector.broadcast %add3A_1476 : i32 to vector<16xi32>
        %add3A_1478 = arith.addi %get3A_1265, %add3A_1477 : vector<16xi32>
        %gather3A_1479 = tpu.vector_load_idx %arg10[%add3A_1478] : memref<1024xf32, #tpu.memory_space<vmem>>[vector<16xi32>], vector<16xf32>,
        %mul3A_1480 = arith.constant 1024 : i32
        %mul3A_1481 = arith.muli %scan3A_760, %mul3A_1480 : i32
        %add3A_1482 = arith.constant 768 : i32
        %add3A_1483 = arith.addi %mul3A_1481, %add3A_1482 : i32
        %add3A_1484 = arith.constant 32 : i32
        %add3A_1485 = arith.addi %add3A_1483, %add3A_1484 : i32
        %swap3A_1486 = arith.constant 0 : i32
        %swap3A_1487 = tpu.memref_slice %arg13[%rem3A_708, %swap3A_1486] : memref<2x25600xf32, #tpu.memory_space<vmem>> -> memref<1x25600xf32, #tpu.memory_space<vmem>>
        %swap3A_1488 = tpu.memref_squeeze %swap3A_1487 : memref<1x25600xf32, #tpu.memory_space<vmem>> -> memref<25600xf32, #tpu.memory_space<vmem>>
        %swap3A_1489 = arith.index_cast %add3A_1485 : i32 to index
        %swap3A_1490 = tpu.vector_load %swap3A_1488[%swap3A_1489] {strides = array<i32>} : memref<25600xf32, #tpu.memory_space<vmem>>, vector<16xf32>,
        tpu.vector_store %swap3A_1488[%swap3A_1489], %gather3A_1479 {strides = array<i32>} : memref<25600xf32, #tpu.memory_space<vmem>>, vector<16xf32>,
        %add3A_1491 = arith.constant 960 : i32
        %add3A_1492 = vector.broadcast %add3A_1491 : i32 to vector<16xi32>
        %add3A_1493 = arith.addi %get3A_1265, %add3A_1492 : vector<16xi32>
        %gather3A_1494 = tpu.vector_load_idx %arg10[%add3A_1493] : memref<1024xf32, #tpu.memory_space<vmem>>[vector<16xi32>], vector<16xf32>,
        %mul3A_1495 = arith.constant 1024 : i32
        %mul3A_1496 = arith.muli %scan3A_760, %mul3A_1495 : i32
        %add3A_1497 = arith.constant 896 : i32
        %add3A_1498 = arith.addi %mul3A_1496, %add3A_1497 : i32
        %add3A_1499 = arith.constant 32 : i32
        %add3A_1500 = arith.addi %add3A_1498, %add3A_1499 : i32
        %swap3A_1501 = arith.constant 0 : i32
        %swap3A_1502 = tpu.memref_slice %arg13[%rem3A_708, %swap3A_1501] : memref<2x25600xf32, #tpu.memory_space<vmem>> -> memref<1x25600xf32, #tpu.memory_space<vmem>>
        %swap3A_1503 = tpu.memref_squeeze %swap3A_1502 : memref<1x25600xf32, #tpu.memory_space<vmem>> -> memref<25600xf32, #tpu.memory_space<vmem>>
        %swap3A_1504 = arith.index_cast %add3A_1500 : i32 to index
        %swap3A_1505 = tpu.vector_load %swap3A_1503[%swap3A_1504] {strides = array<i32>} : memref<25600xf32, #tpu.memory_space<vmem>>, vector<16xf32>,
        tpu.vector_store %swap3A_1503[%swap3A_1504], %gather3A_1494 {strides = array<i32>} : memref<25600xf32, #tpu.memory_space<vmem>>, vector<16xf32>,
        %mul3A_1506 = arith.constant 128 : i32
        %mul3A_1507 = arith.muli %scan3A_760, %mul3A_1506 : i32
        %add3A_1508 = arith.constant 48 : i32
        %add3A_1509 = arith.addi %mul3A_1507, %add3A_1508 : i32
        %get3A_1510 = arith.constant 0 : i32
        %get3A_1511 = tpu.memref_slice %arg11[%rem3A_708, %get3A_1510] : memref<2x3200xi32, #tpu.memory_space<vmem>> -> memref<1x3200xi32, #tpu.memory_space<vmem>>
        %get3A_1512 = tpu.memref_squeeze %get3A_1511 : memref<1x3200xi32, #tpu.memory_space<vmem>> -> memref<3200xi32, #tpu.memory_space<vmem>>
        %get3A_1513 = arith.index_cast %add3A_1509 : i32 to index
        %get3A_1514 = tpu.vector_load %get3A_1512[%get3A_1513] {strides = array<i32>} : memref<3200xi32, #tpu.memory_space<vmem>>, vector<16xi32>,
        %add3A_1515 = arith.constant 0 : i32
        %add3A_1516 = vector.broadcast %add3A_1515 : i32 to vector<16xi32>
        %add3A_1517 = arith.addi %get3A_1514, %add3A_1516 : vector<16xi32>
        %gather3A_1518 = tpu.vector_load_idx %arg10[%add3A_1517] : memref<1024xf32, #tpu.memory_space<vmem>>[vector<16xi32>], vector<16xf32>,
        %mul3A_1519 = arith.constant 1024 : i32
        %mul3A_1520 = arith.muli %scan3A_760, %mul3A_1519 : i32
        %add3A_1521 = arith.constant 0 : i32
        %add3A_1522 = arith.addi %mul3A_1520, %add3A_1521 : i32
        %add3A_1523 = arith.constant 48 : i32
        %add3A_1524 = arith.addi %add3A_1522, %add3A_1523 : i32
        %swap3A_1525 = arith.constant 0 : i32
        %swap3A_1526 = tpu.memref_slice %arg12[%rem3A_708, %swap3A_1525] : memref<2x25600xf32, #tpu.memory_space<vmem>> -> memref<1x25600xf32, #tpu.memory_space<vmem>>
        %swap3A_1527 = tpu.memref_squeeze %swap3A_1526 : memref<1x25600xf32, #tpu.memory_space<vmem>> -> memref<25600xf32, #tpu.memory_space<vmem>>
        %swap3A_1528 = arith.index_cast %add3A_1524 : i32 to index
        %swap3A_1529 = tpu.vector_load %swap3A_1527[%swap3A_1528] {strides = array<i32>} : memref<25600xf32, #tpu.memory_space<vmem>>, vector<16xf32>,
        tpu.vector_store %swap3A_1527[%swap3A_1528], %gather3A_1518 {strides = array<i32>} : memref<25600xf32, #tpu.memory_space<vmem>>, vector<16xf32>,
        %add3A_1530 = arith.constant 64 : i32
        %add3A_1531 = vector.broadcast %add3A_1530 : i32 to vector<16xi32>
        %add3A_1532 = arith.addi %get3A_1514, %add3A_1531 : vector<16xi32>
        %gather3A_1533 = tpu.vector_load_idx %arg10[%add3A_1532] : memref<1024xf32, #tpu.memory_space<vmem>>[vector<16xi32>], vector<16xf32>,
        %mul3A_1534 = arith.constant 1024 : i32
        %mul3A_1535 = arith.muli %scan3A_760, %mul3A_1534 : i32
        %add3A_1536 = arith.constant 128 : i32
        %add3A_1537 = arith.addi %mul3A_1535, %add3A_1536 : i32
        %add3A_1538 = arith.constant 48 : i32
        %add3A_1539 = arith.addi %add3A_1537, %add3A_1538 : i32
        %swap3A_1540 = arith.constant 0 : i32
        %swap3A_1541 = tpu.memref_slice %arg12[%rem3A_708, %swap3A_1540] : memref<2x25600xf32, #tpu.memory_space<vmem>> -> memref<1x25600xf32, #tpu.memory_space<vmem>>
        %swap3A_1542 = tpu.memref_squeeze %swap3A_1541 : memref<1x25600xf32, #tpu.memory_space<vmem>> -> memref<25600xf32, #tpu.memory_space<vmem>>
        %swap3A_1543 = arith.index_cast %add3A_1539 : i32 to index
        %swap3A_1544 = tpu.vector_load %swap3A_1542[%swap3A_1543] {strides = array<i32>} : memref<25600xf32, #tpu.memory_space<vmem>>, vector<16xf32>,
        tpu.vector_store %swap3A_1542[%swap3A_1543], %gather3A_1533 {strides = array<i32>} : memref<25600xf32, #tpu.memory_space<vmem>>, vector<16xf32>,
        %add3A_1545 = arith.constant 128 : i32
        %add3A_1546 = vector.broadcast %add3A_1545 : i32 to vector<16xi32>
        %add3A_1547 = arith.addi %get3A_1514, %add3A_1546 : vector<16xi32>
        %gather3A_1548 = tpu.vector_load_idx %arg10[%add3A_1547] : memref<1024xf32, #tpu.memory_space<vmem>>[vector<16xi32>], vector<16xf32>,
        %mul3A_1549 = arith.constant 1024 : i32
        %mul3A_1550 = arith.muli %scan3A_760, %mul3A_1549 : i32
        %add3A_1551 = arith.constant 256 : i32
        %add3A_1552 = arith.addi %mul3A_1550, %add3A_1551 : i32
        %add3A_1553 = arith.constant 48 : i32
        %add3A_1554 = arith.addi %add3A_1552, %add3A_1553 : i32
        %swap3A_1555 = arith.constant 0 : i32
        %swap3A_1556 = tpu.memref_slice %arg12[%rem3A_708, %swap3A_1555] : memref<2x25600xf32, #tpu.memory_space<vmem>> -> memref<1x25600xf32, #tpu.memory_space<vmem>>
        %swap3A_1557 = tpu.memref_squeeze %swap3A_1556 : memref<1x25600xf32, #tpu.memory_space<vmem>> -> memref<25600xf32, #tpu.memory_space<vmem>>
        %swap3A_1558 = arith.index_cast %add3A_1554 : i32 to index
        %swap3A_1559 = tpu.vector_load %swap3A_1557[%swap3A_1558] {strides = array<i32>} : memref<25600xf32, #tpu.memory_space<vmem>>, vector<16xf32>,
        tpu.vector_store %swap3A_1557[%swap3A_1558], %gather3A_1548 {strides = array<i32>} : memref<25600xf32, #tpu.memory_space<vmem>>, vector<16xf32>,
        %add3A_1560 = arith.constant 192 : i32
        %add3A_1561 = vector.broadcast %add3A_1560 : i32 to vector<16xi32>
        %add3A_1562 = arith.addi %get3A_1514, %add3A_1561 : vector<16xi32>
        %gather3A_1563 = tpu.vector_load_idx %arg10[%add3A_1562] : memref<1024xf32, #tpu.memory_space<vmem>>[vector<16xi32>], vector<16xf32>,
        %mul3A_1564 = arith.constant 1024 : i32
        %mul3A_1565 = arith.muli %scan3A_760, %mul3A_1564 : i32
        %add3A_1566 = arith.constant 384 : i32
        %add3A_1567 = arith.addi %mul3A_1565, %add3A_1566 : i32
        %add3A_1568 = arith.constant 48 : i32
        %add3A_1569 = arith.addi %add3A_1567, %add3A_1568 : i32
        %swap3A_1570 = arith.constant 0 : i32
        %swap3A_1571 = tpu.memref_slice %arg12[%rem3A_708, %swap3A_1570] : memref<2x25600xf32, #tpu.memory_space<vmem>> -> memref<1x25600xf32, #tpu.memory_space<vmem>>
        %swap3A_1572 = tpu.memref_squeeze %swap3A_1571 : memref<1x25600xf32, #tpu.memory_space<vmem>> -> memref<25600xf32, #tpu.memory_space<vmem>>
        %swap3A_1573 = arith.index_cast %add3A_1569 : i32 to index
        %swap3A_1574 = tpu.vector_load %swap3A_1572[%swap3A_1573] {strides = array<i32>} : memref<25600xf32, #tpu.memory_space<vmem>>, vector<16xf32>,
        tpu.vector_store %swap3A_1572[%swap3A_1573], %gather3A_1563 {strides = array<i32>} : memref<25600xf32, #tpu.memory_space<vmem>>, vector<16xf32>,
        %add3A_1575 = arith.constant 256 : i32
        %add3A_1576 = vector.broadcast %add3A_1575 : i32 to vector<16xi32>
        %add3A_1577 = arith.addi %get3A_1514, %add3A_1576 : vector<16xi32>
        %gather3A_1578 = tpu.vector_load_idx %arg10[%add3A_1577] : memref<1024xf32, #tpu.memory_space<vmem>>[vector<16xi32>], vector<16xf32>,
        %mul3A_1579 = arith.constant 1024 : i32
        %mul3A_1580 = arith.muli %scan3A_760, %mul3A_1579 : i32
        %add3A_1581 = arith.constant 512 : i32
        %add3A_1582 = arith.addi %mul3A_1580, %add3A_1581 : i32
        %add3A_1583 = arith.constant 48 : i32
        %add3A_1584 = arith.addi %add3A_1582, %add3A_1583 : i32
        %swap3A_1585 = arith.constant 0 : i32
        %swap3A_1586 = tpu.memref_slice %arg12[%rem3A_708, %swap3A_1585] : memref<2x25600xf32, #tpu.memory_space<vmem>> -> memref<1x25600xf32, #tpu.memory_space<vmem>>
        %swap3A_1587 = tpu.memref_squeeze %swap3A_1586 : memref<1x25600xf32, #tpu.memory_space<vmem>> -> memref<25600xf32, #tpu.memory_space<vmem>>
        %swap3A_1588 = arith.index_cast %add3A_1584 : i32 to index
        %swap3A_1589 = tpu.vector_load %swap3A_1587[%swap3A_1588] {strides = array<i32>} : memref<25600xf32, #tpu.memory_space<vmem>>, vector<16xf32>,
        tpu.vector_store %swap3A_1587[%swap3A_1588], %gather3A_1578 {strides = array<i32>} : memref<25600xf32, #tpu.memory_space<vmem>>, vector<16xf32>,
        %add3A_1590 = arith.constant 320 : i32
        %add3A_1591 = vector.broadcast %add3A_1590 : i32 to vector<16xi32>
        %add3A_1592 = arith.addi %get3A_1514, %add3A_1591 : vector<16xi32>
        %gather3A_1593 = tpu.vector_load_idx %arg10[%add3A_1592] : memref<1024xf32, #tpu.memory_space<vmem>>[vector<16xi32>], vector<16xf32>,
        %mul3A_1594 = arith.constant 1024 : i32
        %mul3A_1595 = arith.muli %scan3A_760, %mul3A_1594 : i32
        %add3A_1596 = arith.constant 640 : i32
        %add3A_1597 = arith.addi %mul3A_1595, %add3A_1596 : i32
        %add3A_1598 = arith.constant 48 : i32
        %add3A_1599 = arith.addi %add3A_1597, %add3A_1598 : i32
        %swap3A_1600 = arith.constant 0 : i32
        %swap3A_1601 = tpu.memref_slice %arg12[%rem3A_708, %swap3A_1600] : memref<2x25600xf32, #tpu.memory_space<vmem>> -> memref<1x25600xf32, #tpu.memory_space<vmem>>
        %swap3A_1602 = tpu.memref_squeeze %swap3A_1601 : memref<1x25600xf32, #tpu.memory_space<vmem>> -> memref<25600xf32, #tpu.memory_space<vmem>>
        %swap3A_1603 = arith.index_cast %add3A_1599 : i32 to index
        %swap3A_1604 = tpu.vector_load %swap3A_1602[%swap3A_1603] {strides = array<i32>} : memref<25600xf32, #tpu.memory_space<vmem>>, vector<16xf32>,
        tpu.vector_store %swap3A_1602[%swap3A_1603], %gather3A_1593 {strides = array<i32>} : memref<25600xf32, #tpu.memory_space<vmem>>, vector<16xf32>,
        %add3A_1605 = arith.constant 384 : i32
        %add3A_1606 = vector.broadcast %add3A_1605 : i32 to vector<16xi32>
        %add3A_1607 = arith.addi %get3A_1514, %add3A_1606 : vector<16xi32>
        %gather3A_1608 = tpu.vector_load_idx %arg10[%add3A_1607] : memref<1024xf32, #tpu.memory_space<vmem>>[vector<16xi32>], vector<16xf32>,
        %mul3A_1609 = arith.constant 1024 : i32
        %mul3A_1610 = arith.muli %scan3A_760, %mul3A_1609 : i32
        %add3A_1611 = arith.constant 768 : i32
        %add3A_1612 = arith.addi %mul3A_1610, %add3A_1611 : i32
        %add3A_1613 = arith.constant 48 : i32
        %add3A_1614 = arith.addi %add3A_1612, %add3A_1613 : i32
        %swap3A_1615 = arith.constant 0 : i32
        %swap3A_1616 = tpu.memref_slice %arg12[%rem3A_708, %swap3A_1615] : memref<2x25600xf32, #tpu.memory_space<vmem>> -> memref<1x25600xf32, #tpu.memory_space<vmem>>
        %swap3A_1617 = tpu.memref_squeeze %swap3A_1616 : memref<1x25600xf32, #tpu.memory_space<vmem>> -> memref<25600xf32, #tpu.memory_space<vmem>>
        %swap3A_1618 = arith.index_cast %add3A_1614 : i32 to index
        %swap3A_1619 = tpu.vector_load %swap3A_1617[%swap3A_1618] {strides = array<i32>} : memref<25600xf32, #tpu.memory_space<vmem>>, vector<16xf32>,
        tpu.vector_store %swap3A_1617[%swap3A_1618], %gather3A_1608 {strides = array<i32>} : memref<25600xf32, #tpu.memory_space<vmem>>, vector<16xf32>,
        %add3A_1620 = arith.constant 448 : i32
        %add3A_1621 = vector.broadcast %add3A_1620 : i32 to vector<16xi32>
        %add3A_1622 = arith.addi %get3A_1514, %add3A_1621 : vector<16xi32>
        %gather3A_1623 = tpu.vector_load_idx %arg10[%add3A_1622] : memref<1024xf32, #tpu.memory_space<vmem>>[vector<16xi32>], vector<16xf32>,
        %mul3A_1624 = arith.constant 1024 : i32
        %mul3A_1625 = arith.muli %scan3A_760, %mul3A_1624 : i32
        %add3A_1626 = arith.constant 896 : i32
        %add3A_1627 = arith.addi %mul3A_1625, %add3A_1626 : i32
        %add3A_1628 = arith.constant 48 : i32
        %add3A_1629 = arith.addi %add3A_1627, %add3A_1628 : i32
        %swap3A_1630 = arith.constant 0 : i32
        %swap3A_1631 = tpu.memref_slice %arg12[%rem3A_708, %swap3A_1630] : memref<2x25600xf32, #tpu.memory_space<vmem>> -> memref<1x25600xf32, #tpu.memory_space<vmem>>
        %swap3A_1632 = tpu.memref_squeeze %swap3A_1631 : memref<1x25600xf32, #tpu.memory_space<vmem>> -> memref<25600xf32, #tpu.memory_space<vmem>>
        %swap3A_1633 = arith.index_cast %add3A_1629 : i32 to index
        %swap3A_1634 = tpu.vector_load %swap3A_1632[%swap3A_1633] {strides = array<i32>} : memref<25600xf32, #tpu.memory_space<vmem>>, vector<16xf32>,
        tpu.vector_store %swap3A_1632[%swap3A_1633], %gather3A_1623 {strides = array<i32>} : memref<25600xf32, #tpu.memory_space<vmem>>, vector<16xf32>,
        %add3A_1635 = arith.constant 512 : i32
        %add3A_1636 = vector.broadcast %add3A_1635 : i32 to vector<16xi32>
        %add3A_1637 = arith.addi %get3A_1514, %add3A_1636 : vector<16xi32>
        %gather3A_1638 = tpu.vector_load_idx %arg10[%add3A_1637] : memref<1024xf32, #tpu.memory_space<vmem>>[vector<16xi32>], vector<16xf32>,
        %mul3A_1639 = arith.constant 1024 : i32
        %mul3A_1640 = arith.muli %scan3A_760, %mul3A_1639 : i32
        %add3A_1641 = arith.constant 0 : i32
        %add3A_1642 = arith.addi %mul3A_1640, %add3A_1641 : i32
        %add3A_1643 = arith.constant 48 : i32
        %add3A_1644 = arith.addi %add3A_1642, %add3A_1643 : i32
        %swap3A_1645 = arith.constant 0 : i32
        %swap3A_1646 = tpu.memref_slice %arg13[%rem3A_708, %swap3A_1645] : memref<2x25600xf32, #tpu.memory_space<vmem>> -> memref<1x25600xf32, #tpu.memory_space<vmem>>
        %swap3A_1647 = tpu.memref_squeeze %swap3A_1646 : memref<1x25600xf32, #tpu.memory_space<vmem>> -> memref<25600xf32, #tpu.memory_space<vmem>>
        %swap3A_1648 = arith.index_cast %add3A_1644 : i32 to index
        %swap3A_1649 = tpu.vector_load %swap3A_1647[%swap3A_1648] {strides = array<i32>} : memref<25600xf32, #tpu.memory_space<vmem>>, vector<16xf32>,
        tpu.vector_store %swap3A_1647[%swap3A_1648], %gather3A_1638 {strides = array<i32>} : memref<25600xf32, #tpu.memory_space<vmem>>, vector<16xf32>,
        %add3A_1650 = arith.constant 576 : i32
        %add3A_1651 = vector.broadcast %add3A_1650 : i32 to vector<16xi32>
        %add3A_1652 = arith.addi %get3A_1514, %add3A_1651 : vector<16xi32>
        %gather3A_1653 = tpu.vector_load_idx %arg10[%add3A_1652] : memref<1024xf32, #tpu.memory_space<vmem>>[vector<16xi32>], vector<16xf32>,
        %mul3A_1654 = arith.constant 1024 : i32
        %mul3A_1655 = arith.muli %scan3A_760, %mul3A_1654 : i32
        %add3A_1656 = arith.constant 128 : i32
        %add3A_1657 = arith.addi %mul3A_1655, %add3A_1656 : i32
        %add3A_1658 = arith.constant 48 : i32
        %add3A_1659 = arith.addi %add3A_1657, %add3A_1658 : i32
        %swap3A_1660 = arith.constant 0 : i32
        %swap3A_1661 = tpu.memref_slice %arg13[%rem3A_708, %swap3A_1660] : memref<2x25600xf32, #tpu.memory_space<vmem>> -> memref<1x25600xf32, #tpu.memory_space<vmem>>
        %swap3A_1662 = tpu.memref_squeeze %swap3A_1661 : memref<1x25600xf32, #tpu.memory_space<vmem>> -> memref<25600xf32, #tpu.memory_space<vmem>>
        %swap3A_1663 = arith.index_cast %add3A_1659 : i32 to index
        %swap3A_1664 = tpu.vector_load %swap3A_1662[%swap3A_1663] {strides = array<i32>} : memref<25600xf32, #tpu.memory_space<vmem>>, vector<16xf32>,
        tpu.vector_store %swap3A_1662[%swap3A_1663], %gather3A_1653 {strides = array<i32>} : memref<25600xf32, #tpu.memory_space<vmem>>, vector<16xf32>,
        %add3A_1665 = arith.constant 640 : i32
        %add3A_1666 = vector.broadcast %add3A_1665 : i32 to vector<16xi32>
        %add3A_1667 = arith.addi %get3A_1514, %add3A_1666 : vector<16xi32>
        %gather3A_1668 = tpu.vector_load_idx %arg10[%add3A_1667] : memref<1024xf32, #tpu.memory_space<vmem>>[vector<16xi32>], vector<16xf32>,
        %mul3A_1669 = arith.constant 1024 : i32
        %mul3A_1670 = arith.muli %scan3A_760, %mul3A_1669 : i32
        %add3A_1671 = arith.constant 256 : i32
        %add3A_1672 = arith.addi %mul3A_1670, %add3A_1671 : i32
        %add3A_1673 = arith.constant 48 : i32
        %add3A_1674 = arith.addi %add3A_1672, %add3A_1673 : i32
        %swap3A_1675 = arith.constant 0 : i32
        %swap3A_1676 = tpu.memref_slice %arg13[%rem3A_708, %swap3A_1675] : memref<2x25600xf32, #tpu.memory_space<vmem>> -> memref<1x25600xf32, #tpu.memory_space<vmem>>
        %swap3A_1677 = tpu.memref_squeeze %swap3A_1676 : memref<1x25600xf32, #tpu.memory_space<vmem>> -> memref<25600xf32, #tpu.memory_space<vmem>>
        %swap3A_1678 = arith.index_cast %add3A_1674 : i32 to index
        %swap3A_1679 = tpu.vector_load %swap3A_1677[%swap3A_1678] {strides = array<i32>} : memref<25600xf32, #tpu.memory_space<vmem>>, vector<16xf32>,
        tpu.vector_store %swap3A_1677[%swap3A_1678], %gather3A_1668 {strides = array<i32>} : memref<25600xf32, #tpu.memory_space<vmem>>, vector<16xf32>,
        %add3A_1680 = arith.constant 704 : i32
        %add3A_1681 = vector.broadcast %add3A_1680 : i32 to vector<16xi32>
        %add3A_1682 = arith.addi %get3A_1514, %add3A_1681 : vector<16xi32>
        %gather3A_1683 = tpu.vector_load_idx %arg10[%add3A_1682] : memref<1024xf32, #tpu.memory_space<vmem>>[vector<16xi32>], vector<16xf32>,
        %mul3A_1684 = arith.constant 1024 : i32
        %mul3A_1685 = arith.muli %scan3A_760, %mul3A_1684 : i32
        %add3A_1686 = arith.constant 384 : i32
        %add3A_1687 = arith.addi %mul3A_1685, %add3A_1686 : i32
        %add3A_1688 = arith.constant 48 : i32
        %add3A_1689 = arith.addi %add3A_1687, %add3A_1688 : i32
        %swap3A_1690 = arith.constant 0 : i32
        %swap3A_1691 = tpu.memref_slice %arg13[%rem3A_708, %swap3A_1690] : memref<2x25600xf32, #tpu.memory_space<vmem>> -> memref<1x25600xf32, #tpu.memory_space<vmem>>
        %swap3A_1692 = tpu.memref_squeeze %swap3A_1691 : memref<1x25600xf32, #tpu.memory_space<vmem>> -> memref<25600xf32, #tpu.memory_space<vmem>>
        %swap3A_1693 = arith.index_cast %add3A_1689 : i32 to index
        %swap3A_1694 = tpu.vector_load %swap3A_1692[%swap3A_1693] {strides = array<i32>} : memref<25600xf32, #tpu.memory_space<vmem>>, vector<16xf32>,
        tpu.vector_store %swap3A_1692[%swap3A_1693], %gather3A_1683 {strides = array<i32>} : memref<25600xf32, #tpu.memory_space<vmem>>, vector<16xf32>,
        %add3A_1695 = arith.constant 768 : i32
        %add3A_1696 = vector.broadcast %add3A_1695 : i32 to vector<16xi32>
        %add3A_1697 = arith.addi %get3A_1514, %add3A_1696 : vector<16xi32>
        %gather3A_1698 = tpu.vector_load_idx %arg10[%add3A_1697] : memref<1024xf32, #tpu.memory_space<vmem>>[vector<16xi32>], vector<16xf32>,
        %mul3A_1699 = arith.constant 1024 : i32
        %mul3A_1700 = arith.muli %scan3A_760, %mul3A_1699 : i32
        %add3A_1701 = arith.constant 512 : i32
        %add3A_1702 = arith.addi %mul3A_1700, %add3A_1701 : i32
        %add3A_1703 = arith.constant 48 : i32
        %add3A_1704 = arith.addi %add3A_1702, %add3A_1703 : i32
        %swap3A_1705 = arith.constant 0 : i32
        %swap3A_1706 = tpu.memref_slice %arg13[%rem3A_708, %swap3A_1705] : memref<2x25600xf32, #tpu.memory_space<vmem>> -> memref<1x25600xf32, #tpu.memory_space<vmem>>
        %swap3A_1707 = tpu.memref_squeeze %swap3A_1706 : memref<1x25600xf32, #tpu.memory_space<vmem>> -> memref<25600xf32, #tpu.memory_space<vmem>>
        %swap3A_1708 = arith.index_cast %add3A_1704 : i32 to index
        %swap3A_1709 = tpu.vector_load %swap3A_1707[%swap3A_1708] {strides = array<i32>} : memref<25600xf32, #tpu.memory_space<vmem>>, vector<16xf32>,
        tpu.vector_store %swap3A_1707[%swap3A_1708], %gather3A_1698 {strides = array<i32>} : memref<25600xf32, #tpu.memory_space<vmem>>, vector<16xf32>,
        %add3A_1710 = arith.constant 832 : i32
        %add3A_1711 = vector.broadcast %add3A_1710 : i32 to vector<16xi32>
        %add3A_1712 = arith.addi %get3A_1514, %add3A_1711 : vector<16xi32>
        %gather3A_1713 = tpu.vector_load_idx %arg10[%add3A_1712] : memref<1024xf32, #tpu.memory_space<vmem>>[vector<16xi32>], vector<16xf32>,
        %mul3A_1714 = arith.constant 1024 : i32
        %mul3A_1715 = arith.muli %scan3A_760, %mul3A_1714 : i32
        %add3A_1716 = arith.constant 640 : i32
        %add3A_1717 = arith.addi %mul3A_1715, %add3A_1716 : i32
        %add3A_1718 = arith.constant 48 : i32
        %add3A_1719 = arith.addi %add3A_1717, %add3A_1718 : i32
        %swap3A_1720 = arith.constant 0 : i32
        %swap3A_1721 = tpu.memref_slice %arg13[%rem3A_708, %swap3A_1720] : memref<2x25600xf32, #tpu.memory_space<vmem>> -> memref<1x25600xf32, #tpu.memory_space<vmem>>
        %swap3A_1722 = tpu.memref_squeeze %swap3A_1721 : memref<1x25600xf32, #tpu.memory_space<vmem>> -> memref<25600xf32, #tpu.memory_space<vmem>>
        %swap3A_1723 = arith.index_cast %add3A_1719 : i32 to index
        %swap3A_1724 = tpu.vector_load %swap3A_1722[%swap3A_1723] {strides = array<i32>} : memref<25600xf32, #tpu.memory_space<vmem>>, vector<16xf32>,
        tpu.vector_store %swap3A_1722[%swap3A_1723], %gather3A_1713 {strides = array<i32>} : memref<25600xf32, #tpu.memory_space<vmem>>, vector<16xf32>,
        %add3A_1725 = arith.constant 896 : i32
        %add3A_1726 = vector.broadcast %add3A_1725 : i32 to vector<16xi32>
        %add3A_1727 = arith.addi %get3A_1514, %add3A_1726 : vector<16xi32>
        %gather3A_1728 = tpu.vector_load_idx %arg10[%add3A_1727] : memref<1024xf32, #tpu.memory_space<vmem>>[vector<16xi32>], vector<16xf32>,
        %mul3A_1729 = arith.constant 1024 : i32
        %mul3A_1730 = arith.muli %scan3A_760, %mul3A_1729 : i32
        %add3A_1731 = arith.constant 768 : i32
        %add3A_1732 = arith.addi %mul3A_1730, %add3A_1731 : i32
        %add3A_1733 = arith.constant 48 : i32
        %add3A_1734 = arith.addi %add3A_1732, %add3A_1733 : i32
        %swap3A_1735 = arith.constant 0 : i32
        %swap3A_1736 = tpu.memref_slice %arg13[%rem3A_708, %swap3A_1735] : memref<2x25600xf32, #tpu.memory_space<vmem>> -> memref<1x25600xf32, #tpu.memory_space<vmem>>
        %swap3A_1737 = tpu.memref_squeeze %swap3A_1736 : memref<1x25600xf32, #tpu.memory_space<vmem>> -> memref<25600xf32, #tpu.memory_space<vmem>>
        %swap3A_1738 = arith.index_cast %add3A_1734 : i32 to index
        %swap3A_1739 = tpu.vector_load %swap3A_1737[%swap3A_1738] {strides = array<i32>} : memref<25600xf32, #tpu.memory_space<vmem>>, vector<16xf32>,
        tpu.vector_store %swap3A_1737[%swap3A_1738], %gather3A_1728 {strides = array<i32>} : memref<25600xf32, #tpu.memory_space<vmem>>, vector<16xf32>,
        %add3A_1740 = arith.constant 960 : i32
        %add3A_1741 = vector.broadcast %add3A_1740 : i32 to vector<16xi32>
        %add3A_1742 = arith.addi %get3A_1514, %add3A_1741 : vector<16xi32>
        %gather3A_1743 = tpu.vector_load_idx %arg10[%add3A_1742] : memref<1024xf32, #tpu.memory_space<vmem>>[vector<16xi32>], vector<16xf32>,
        %mul3A_1744 = arith.constant 1024 : i32
        %mul3A_1745 = arith.muli %scan3A_760, %mul3A_1744 : i32
        %add3A_1746 = arith.constant 896 : i32
        %add3A_1747 = arith.addi %mul3A_1745, %add3A_1746 : i32
        %add3A_1748 = arith.constant 48 : i32
        %add3A_1749 = arith.addi %add3A_1747, %add3A_1748 : i32
        %swap3A_1750 = arith.constant 0 : i32
        %swap3A_1751 = tpu.memref_slice %arg13[%rem3A_708, %swap3A_1750] : memref<2x25600xf32, #tpu.memory_space<vmem>> -> memref<1x25600xf32, #tpu.memory_space<vmem>>
        %swap3A_1752 = tpu.memref_squeeze %swap3A_1751 : memref<1x25600xf32, #tpu.memory_space<vmem>> -> memref<25600xf32, #tpu.memory_space<vmem>>
        %swap3A_1753 = arith.index_cast %add3A_1749 : i32 to index
        %swap3A_1754 = tpu.vector_load %swap3A_1752[%swap3A_1753] {strides = array<i32>} : memref<25600xf32, #tpu.memory_space<vmem>>, vector<16xf32>,
        tpu.vector_store %swap3A_1752[%swap3A_1753], %gather3A_1743 {strides = array<i32>} : memref<25600xf32, #tpu.memory_space<vmem>>, vector<16xf32>,
        %mul3A_1755 = arith.constant 128 : i32
        %mul3A_1756 = arith.muli %scan3A_760, %mul3A_1755 : i32
        %add3A_1757 = arith.constant 64 : i32
        %add3A_1758 = arith.addi %mul3A_1756, %add3A_1757 : i32
        %get3A_1759 = arith.constant 0 : i32
        %get3A_1760 = tpu.memref_slice %arg11[%rem3A_708, %get3A_1759] : memref<2x3200xi32, #tpu.memory_space<vmem>> -> memref<1x3200xi32, #tpu.memory_space<vmem>>
        %get3A_1761 = tpu.memref_squeeze %get3A_1760 : memref<1x3200xi32, #tpu.memory_space<vmem>> -> memref<3200xi32, #tpu.memory_space<vmem>>
        %get3A_1762 = arith.index_cast %add3A_1758 : i32 to index
        %get3A_1763 = tpu.vector_load %get3A_1761[%get3A_1762] {strides = array<i32>} : memref<3200xi32, #tpu.memory_space<vmem>>, vector<16xi32>,
        %add3A_1764 = arith.constant 0 : i32
        %add3A_1765 = vector.broadcast %add3A_1764 : i32 to vector<16xi32>
        %add3A_1766 = arith.addi %get3A_1763, %add3A_1765 : vector<16xi32>
        %gather3A_1767 = tpu.vector_load_idx %arg10[%add3A_1766] : memref<1024xf32, #tpu.memory_space<vmem>>[vector<16xi32>], vector<16xf32>,
        %mul3A_1768 = arith.constant 1024 : i32
        %mul3A_1769 = arith.muli %scan3A_760, %mul3A_1768 : i32
        %add3A_1770 = arith.constant 0 : i32
        %add3A_1771 = arith.addi %mul3A_1769, %add3A_1770 : i32
        %add3A_1772 = arith.constant 64 : i32
        %add3A_1773 = arith.addi %add3A_1771, %add3A_1772 : i32
        %swap3A_1774 = arith.constant 0 : i32
        %swap3A_1775 = tpu.memref_slice %arg12[%rem3A_708, %swap3A_1774] : memref<2x25600xf32, #tpu.memory_space<vmem>> -> memref<1x25600xf32, #tpu.memory_space<vmem>>
        %swap3A_1776 = tpu.memref_squeeze %swap3A_1775 : memref<1x25600xf32, #tpu.memory_space<vmem>> -> memref<25600xf32, #tpu.memory_space<vmem>>
        %swap3A_1777 = arith.index_cast %add3A_1773 : i32 to index
        %swap3A_1778 = tpu.vector_load %swap3A_1776[%swap3A_1777] {strides = array<i32>} : memref<25600xf32, #tpu.memory_space<vmem>>, vector<16xf32>,
        tpu.vector_store %swap3A_1776[%swap3A_1777], %gather3A_1767 {strides = array<i32>} : memref<25600xf32, #tpu.memory_space<vmem>>, vector<16xf32>,
        %add3A_1779 = arith.constant 64 : i32
        %add3A_1780 = vector.broadcast %add3A_1779 : i32 to vector<16xi32>
        %add3A_1781 = arith.addi %get3A_1763, %add3A_1780 : vector<16xi32>
        %gather3A_1782 = tpu.vector_load_idx %arg10[%add3A_1781] : memref<1024xf32, #tpu.memory_space<vmem>>[vector<16xi32>], vector<16xf32>,
        %mul3A_1783 = arith.constant 1024 : i32
        %mul3A_1784 = arith.muli %scan3A_760, %mul3A_1783 : i32
        %add3A_1785 = arith.constant 128 : i32
        %add3A_1786 = arith.addi %mul3A_1784, %add3A_1785 : i32
        %add3A_1787 = arith.constant 64 : i32
        %add3A_1788 = arith.addi %add3A_1786, %add3A_1787 : i32
        %swap3A_1789 = arith.constant 0 : i32
        %swap3A_1790 = tpu.memref_slice %arg12[%rem3A_708, %swap3A_1789] : memref<2x25600xf32, #tpu.memory_space<vmem>> -> memref<1x25600xf32, #tpu.memory_space<vmem>>
        %swap3A_1791 = tpu.memref_squeeze %swap3A_1790 : memref<1x25600xf32, #tpu.memory_space<vmem>> -> memref<25600xf32, #tpu.memory_space<vmem>>
        %swap3A_1792 = arith.index_cast %add3A_1788 : i32 to index
        %swap3A_1793 = tpu.vector_load %swap3A_1791[%swap3A_1792] {strides = array<i32>} : memref<25600xf32, #tpu.memory_space<vmem>>, vector<16xf32>,
        tpu.vector_store %swap3A_1791[%swap3A_1792], %gather3A_1782 {strides = array<i32>} : memref<25600xf32, #tpu.memory_space<vmem>>, vector<16xf32>,
        %add3A_1794 = arith.constant 128 : i32
        %add3A_1795 = vector.broadcast %add3A_1794 : i32 to vector<16xi32>
        %add3A_1796 = arith.addi %get3A_1763, %add3A_1795 : vector<16xi32>
        %gather3A_1797 = tpu.vector_load_idx %arg10[%add3A_1796] : memref<1024xf32, #tpu.memory_space<vmem>>[vector<16xi32>], vector<16xf32>,
        %mul3A_1798 = arith.constant 1024 : i32
        %mul3A_1799 = arith.muli %scan3A_760, %mul3A_1798 : i32
        %add3A_1800 = arith.constant 256 : i32
        %add3A_1801 = arith.addi %mul3A_1799, %add3A_1800 : i32
        %add3A_1802 = arith.constant 64 : i32
        %add3A_1803 = arith.addi %add3A_1801, %add3A_1802 : i32
        %swap3A_1804 = arith.constant 0 : i32
        %swap3A_1805 = tpu.memref_slice %arg12[%rem3A_708, %swap3A_1804] : memref<2x25600xf32, #tpu.memory_space<vmem>> -> memref<1x25600xf32, #tpu.memory_space<vmem>>
        %swap3A_1806 = tpu.memref_squeeze %swap3A_1805 : memref<1x25600xf32, #tpu.memory_space<vmem>> -> memref<25600xf32, #tpu.memory_space<vmem>>
        %swap3A_1807 = arith.index_cast %add3A_1803 : i32 to index
        %swap3A_1808 = tpu.vector_load %swap3A_1806[%swap3A_1807] {strides = array<i32>} : memref<25600xf32, #tpu.memory_space<vmem>>, vector<16xf32>,
        tpu.vector_store %swap3A_1806[%swap3A_1807], %gather3A_1797 {strides = array<i32>} : memref<25600xf32, #tpu.memory_space<vmem>>, vector<16xf32>,
        %add3A_1809 = arith.constant 192 : i32
        %add3A_1810 = vector.broadcast %add3A_1809 : i32 to vector<16xi32>
        %add3A_1811 = arith.addi %get3A_1763, %add3A_1810 : vector<16xi32>
        %gather3A_1812 = tpu.vector_load_idx %arg10[%add3A_1811] : memref<1024xf32, #tpu.memory_space<vmem>>[vector<16xi32>], vector<16xf32>,
        %mul3A_1813 = arith.constant 1024 : i32
        %mul3A_1814 = arith.muli %scan3A_760, %mul3A_1813 : i32
        %add3A_1815 = arith.constant 384 : i32
        %add3A_1816 = arith.addi %mul3A_1814, %add3A_1815 : i32
        %add3A_1817 = arith.constant 64 : i32
        %add3A_1818 = arith.addi %add3A_1816, %add3A_1817 : i32
        %swap3A_1819 = arith.constant 0 : i32
        %swap3A_1820 = tpu.memref_slice %arg12[%rem3A_708, %swap3A_1819] : memref<2x25600xf32, #tpu.memory_space<vmem>> -> memref<1x25600xf32, #tpu.memory_space<vmem>>
        %swap3A_1821 = tpu.memref_squeeze %swap3A_1820 : memref<1x25600xf32, #tpu.memory_space<vmem>> -> memref<25600xf32, #tpu.memory_space<vmem>>
        %swap3A_1822 = arith.index_cast %add3A_1818 : i32 to index
        %swap3A_1823 = tpu.vector_load %swap3A_1821[%swap3A_1822] {strides = array<i32>} : memref<25600xf32, #tpu.memory_space<vmem>>, vector<16xf32>,
        tpu.vector_store %swap3A_1821[%swap3A_1822], %gather3A_1812 {strides = array<i32>} : memref<25600xf32, #tpu.memory_space<vmem>>, vector<16xf32>,
        %add3A_1824 = arith.constant 256 : i32
        %add3A_1825 = vector.broadcast %add3A_1824 : i32 to vector<16xi32>
        %add3A_1826 = arith.addi %get3A_1763, %add3A_1825 : vector<16xi32>
        %gather3A_1827 = tpu.vector_load_idx %arg10[%add3A_1826] : memref<1024xf32, #tpu.memory_space<vmem>>[vector<16xi32>], vector<16xf32>,
        %mul3A_1828 = arith.constant 1024 : i32
        %mul3A_1829 = arith.muli %scan3A_760, %mul3A_1828 : i32
        %add3A_1830 = arith.constant 512 : i32
        %add3A_1831 = arith.addi %mul3A_1829, %add3A_1830 : i32
        %add3A_1832 = arith.constant 64 : i32
        %add3A_1833 = arith.addi %add3A_1831, %add3A_1832 : i32
        %swap3A_1834 = arith.constant 0 : i32
        %swap3A_1835 = tpu.memref_slice %arg12[%rem3A_708, %swap3A_1834] : memref<2x25600xf32, #tpu.memory_space<vmem>> -> memref<1x25600xf32, #tpu.memory_space<vmem>>
        %swap3A_1836 = tpu.memref_squeeze %swap3A_1835 : memref<1x25600xf32, #tpu.memory_space<vmem>> -> memref<25600xf32, #tpu.memory_space<vmem>>
        %swap3A_1837 = arith.index_cast %add3A_1833 : i32 to index
        %swap3A_1838 = tpu.vector_load %swap3A_1836[%swap3A_1837] {strides = array<i32>} : memref<25600xf32, #tpu.memory_space<vmem>>, vector<16xf32>,
        tpu.vector_store %swap3A_1836[%swap3A_1837], %gather3A_1827 {strides = array<i32>} : memref<25600xf32, #tpu.memory_space<vmem>>, vector<16xf32>,
        %add3A_1839 = arith.constant 320 : i32
        %add3A_1840 = vector.broadcast %add3A_1839 : i32 to vector<16xi32>
        %add3A_1841 = arith.addi %get3A_1763, %add3A_1840 : vector<16xi32>
        %gather3A_1842 = tpu.vector_load_idx %arg10[%add3A_1841] : memref<1024xf32, #tpu.memory_space<vmem>>[vector<16xi32>], vector<16xf32>,
        %mul3A_1843 = arith.constant 1024 : i32
        %mul3A_1844 = arith.muli %scan3A_760, %mul3A_1843 : i32
        %add3A_1845 = arith.constant 640 : i32
        %add3A_1846 = arith.addi %mul3A_1844, %add3A_1845 : i32
        %add3A_1847 = arith.constant 64 : i32
        %add3A_1848 = arith.addi %add3A_1846, %add3A_1847 : i32
        %swap3A_1849 = arith.constant 0 : i32
        %swap3A_1850 = tpu.memref_slice %arg12[%rem3A_708, %swap3A_1849] : memref<2x25600xf32, #tpu.memory_space<vmem>> -> memref<1x25600xf32, #tpu.memory_space<vmem>>
        %swap3A_1851 = tpu.memref_squeeze %swap3A_1850 : memref<1x25600xf32, #tpu.memory_space<vmem>> -> memref<25600xf32, #tpu.memory_space<vmem>>
        %swap3A_1852 = arith.index_cast %add3A_1848 : i32 to index
        %swap3A_1853 = tpu.vector_load %swap3A_1851[%swap3A_1852] {strides = array<i32>} : memref<25600xf32, #tpu.memory_space<vmem>>, vector<16xf32>,
        tpu.vector_store %swap3A_1851[%swap3A_1852], %gather3A_1842 {strides = array<i32>} : memref<25600xf32, #tpu.memory_space<vmem>>, vector<16xf32>,
        %add3A_1854 = arith.constant 384 : i32
        %add3A_1855 = vector.broadcast %add3A_1854 : i32 to vector<16xi32>
        %add3A_1856 = arith.addi %get3A_1763, %add3A_1855 : vector<16xi32>
        %gather3A_1857 = tpu.vector_load_idx %arg10[%add3A_1856] : memref<1024xf32, #tpu.memory_space<vmem>>[vector<16xi32>], vector<16xf32>,
        %mul3A_1858 = arith.constant 1024 : i32
        %mul3A_1859 = arith.muli %scan3A_760, %mul3A_1858 : i32
        %add3A_1860 = arith.constant 768 : i32
        %add3A_1861 = arith.addi %mul3A_1859, %add3A_1860 : i32
        %add3A_1862 = arith.constant 64 : i32
        %add3A_1863 = arith.addi %add3A_1861, %add3A_1862 : i32
        %swap3A_1864 = arith.constant 0 : i32
        %swap3A_1865 = tpu.memref_slice %arg12[%rem3A_708, %swap3A_1864] : memref<2x25600xf32, #tpu.memory_space<vmem>> -> memref<1x25600xf32, #tpu.memory_space<vmem>>
        %swap3A_1866 = tpu.memref_squeeze %swap3A_1865 : memref<1x25600xf32, #tpu.memory_space<vmem>> -> memref<25600xf32, #tpu.memory_space<vmem>>
        %swap3A_1867 = arith.index_cast %add3A_1863 : i32 to index
        %swap3A_1868 = tpu.vector_load %swap3A_1866[%swap3A_1867] {strides = array<i32>} : memref<25600xf32, #tpu.memory_space<vmem>>, vector<16xf32>,
        tpu.vector_store %swap3A_1866[%swap3A_1867], %gather3A_1857 {strides = array<i32>} : memref<25600xf32, #tpu.memory_space<vmem>>, vector<16xf32>,
        %add3A_1869 = arith.constant 448 : i32
        %add3A_1870 = vector.broadcast %add3A_1869 : i32 to vector<16xi32>
        %add3A_1871 = arith.addi %get3A_1763, %add3A_1870 : vector<16xi32>
        %gather3A_1872 = tpu.vector_load_idx %arg10[%add3A_1871] : memref<1024xf32, #tpu.memory_space<vmem>>[vector<16xi32>], vector<16xf32>,
        %mul3A_1873 = arith.constant 1024 : i32
        %mul3A_1874 = arith.muli %scan3A_760, %mul3A_1873 : i32
        %add3A_1875 = arith.constant 896 : i32
        %add3A_1876 = arith.addi %mul3A_1874, %add3A_1875 : i32
        %add3A_1877 = arith.constant 64 : i32
        %add3A_1878 = arith.addi %add3A_1876, %add3A_1877 : i32
        %swap3A_1879 = arith.constant 0 : i32
        %swap3A_1880 = tpu.memref_slice %arg12[%rem3A_708, %swap3A_1879] : memref<2x25600xf32, #tpu.memory_space<vmem>> -> memref<1x25600xf32, #tpu.memory_space<vmem>>
        %swap3A_1881 = tpu.memref_squeeze %swap3A_1880 : memref<1x25600xf32, #tpu.memory_space<vmem>> -> memref<25600xf32, #tpu.memory_space<vmem>>
        %swap3A_1882 = arith.index_cast %add3A_1878 : i32 to index
        %swap3A_1883 = tpu.vector_load %swap3A_1881[%swap3A_1882] {strides = array<i32>} : memref<25600xf32, #tpu.memory_space<vmem>>, vector<16xf32>,
        tpu.vector_store %swap3A_1881[%swap3A_1882], %gather3A_1872 {strides = array<i32>} : memref<25600xf32, #tpu.memory_space<vmem>>, vector<16xf32>,
        %add3A_1884 = arith.constant 512 : i32
        %add3A_1885 = vector.broadcast %add3A_1884 : i32 to vector<16xi32>
        %add3A_1886 = arith.addi %get3A_1763, %add3A_1885 : vector<16xi32>
        %gather3A_1887 = tpu.vector_load_idx %arg10[%add3A_1886] : memref<1024xf32, #tpu.memory_space<vmem>>[vector<16xi32>], vector<16xf32>,
        %mul3A_1888 = arith.constant 1024 : i32
        %mul3A_1889 = arith.muli %scan3A_760, %mul3A_1888 : i32
        %add3A_1890 = arith.constant 0 : i32
        %add3A_1891 = arith.addi %mul3A_1889, %add3A_1890 : i32
        %add3A_1892 = arith.constant 64 : i32
        %add3A_1893 = arith.addi %add3A_1891, %add3A_1892 : i32
        %swap3A_1894 = arith.constant 0 : i32
        %swap3A_1895 = tpu.memref_slice %arg13[%rem3A_708, %swap3A_1894] : memref<2x25600xf32, #tpu.memory_space<vmem>> -> memref<1x25600xf32, #tpu.memory_space<vmem>>
        %swap3A_1896 = tpu.memref_squeeze %swap3A_1895 : memref<1x25600xf32, #tpu.memory_space<vmem>> -> memref<25600xf32, #tpu.memory_space<vmem>>
        %swap3A_1897 = arith.index_cast %add3A_1893 : i32 to index
        %swap3A_1898 = tpu.vector_load %swap3A_1896[%swap3A_1897] {strides = array<i32>} : memref<25600xf32, #tpu.memory_space<vmem>>, vector<16xf32>,
        tpu.vector_store %swap3A_1896[%swap3A_1897], %gather3A_1887 {strides = array<i32>} : memref<25600xf32, #tpu.memory_space<vmem>>, vector<16xf32>,
        %add3A_1899 = arith.constant 576 : i32
        %add3A_1900 = vector.broadcast %add3A_1899 : i32 to vector<16xi32>
        %add3A_1901 = arith.addi %get3A_1763, %add3A_1900 : vector<16xi32>
        %gather3A_1902 = tpu.vector_load_idx %arg10[%add3A_1901] : memref<1024xf32, #tpu.memory_space<vmem>>[vector<16xi32>], vector<16xf32>,
        %mul3A_1903 = arith.constant 1024 : i32
        %mul3A_1904 = arith.muli %scan3A_760, %mul3A_1903 : i32
        %add3A_1905 = arith.constant 128 : i32
        %add3A_1906 = arith.addi %mul3A_1904, %add3A_1905 : i32
        %add3A_1907 = arith.constant 64 : i32
        %add3A_1908 = arith.addi %add3A_1906, %add3A_1907 : i32
        %swap3A_1909 = arith.constant 0 : i32
        %swap3A_1910 = tpu.memref_slice %arg13[%rem3A_708, %swap3A_1909] : memref<2x25600xf32, #tpu.memory_space<vmem>> -> memref<1x25600xf32, #tpu.memory_space<vmem>>
        %swap3A_1911 = tpu.memref_squeeze %swap3A_1910 : memref<1x25600xf32, #tpu.memory_space<vmem>> -> memref<25600xf32, #tpu.memory_space<vmem>>
        %swap3A_1912 = arith.index_cast %add3A_1908 : i32 to index
        %swap3A_1913 = tpu.vector_load %swap3A_1911[%swap3A_1912] {strides = array<i32>} : memref<25600xf32, #tpu.memory_space<vmem>>, vector<16xf32>,
        tpu.vector_store %swap3A_1911[%swap3A_1912], %gather3A_1902 {strides = array<i32>} : memref<25600xf32, #tpu.memory_space<vmem>>, vector<16xf32>,
        %add3A_1914 = arith.constant 640 : i32
        %add3A_1915 = vector.broadcast %add3A_1914 : i32 to vector<16xi32>
        %add3A_1916 = arith.addi %get3A_1763, %add3A_1915 : vector<16xi32>
        %gather3A_1917 = tpu.vector_load_idx %arg10[%add3A_1916] : memref<1024xf32, #tpu.memory_space<vmem>>[vector<16xi32>], vector<16xf32>,
        %mul3A_1918 = arith.constant 1024 : i32
        %mul3A_1919 = arith.muli %scan3A_760, %mul3A_1918 : i32
        %add3A_1920 = arith.constant 256 : i32
        %add3A_1921 = arith.addi %mul3A_1919, %add3A_1920 : i32
        %add3A_1922 = arith.constant 64 : i32
        %add3A_1923 = arith.addi %add3A_1921, %add3A_1922 : i32
        %swap3A_1924 = arith.constant 0 : i32
        %swap3A_1925 = tpu.memref_slice %arg13[%rem3A_708, %swap3A_1924] : memref<2x25600xf32, #tpu.memory_space<vmem>> -> memref<1x25600xf32, #tpu.memory_space<vmem>>
        %swap3A_1926 = tpu.memref_squeeze %swap3A_1925 : memref<1x25600xf32, #tpu.memory_space<vmem>> -> memref<25600xf32, #tpu.memory_space<vmem>>
        %swap3A_1927 = arith.index_cast %add3A_1923 : i32 to index
        %swap3A_1928 = tpu.vector_load %swap3A_1926[%swap3A_1927] {strides = array<i32>} : memref<25600xf32, #tpu.memory_space<vmem>>, vector<16xf32>,
        tpu.vector_store %swap3A_1926[%swap3A_1927], %gather3A_1917 {strides = array<i32>} : memref<25600xf32, #tpu.memory_space<vmem>>, vector<16xf32>,
        %add3A_1929 = arith.constant 704 : i32
        %add3A_1930 = vector.broadcast %add3A_1929 : i32 to vector<16xi32>
        %add3A_1931 = arith.addi %get3A_1763, %add3A_1930 : vector<16xi32>
        %gather3A_1932 = tpu.vector_load_idx %arg10[%add3A_1931] : memref<1024xf32, #tpu.memory_space<vmem>>[vector<16xi32>], vector<16xf32>,
        %mul3A_1933 = arith.constant 1024 : i32
        %mul3A_1934 = arith.muli %scan3A_760, %mul3A_1933 : i32
        %add3A_1935 = arith.constant 384 : i32
        %add3A_1936 = arith.addi %mul3A_1934, %add3A_1935 : i32
        %add3A_1937 = arith.constant 64 : i32
        %add3A_1938 = arith.addi %add3A_1936, %add3A_1937 : i32
        %swap3A_1939 = arith.constant 0 : i32
        %swap3A_1940 = tpu.memref_slice %arg13[%rem3A_708, %swap3A_1939] : memref<2x25600xf32, #tpu.memory_space<vmem>> -> memref<1x25600xf32, #tpu.memory_space<vmem>>
        %swap3A_1941 = tpu.memref_squeeze %swap3A_1940 : memref<1x25600xf32, #tpu.memory_space<vmem>> -> memref<25600xf32, #tpu.memory_space<vmem>>
        %swap3A_1942 = arith.index_cast %add3A_1938 : i32 to index
        %swap3A_1943 = tpu.vector_load %swap3A_1941[%swap3A_1942] {strides = array<i32>} : memref<25600xf32, #tpu.memory_space<vmem>>, vector<16xf32>,
        tpu.vector_store %swap3A_1941[%swap3A_1942], %gather3A_1932 {strides = array<i32>} : memref<25600xf32, #tpu.memory_space<vmem>>, vector<16xf32>,
        %add3A_1944 = arith.constant 768 : i32
        %add3A_1945 = vector.broadcast %add3A_1944 : i32 to vector<16xi32>
        %add3A_1946 = arith.addi %get3A_1763, %add3A_1945 : vector<16xi32>
        %gather3A_1947 = tpu.vector_load_idx %arg10[%add3A_1946] : memref<1024xf32, #tpu.memory_space<vmem>>[vector<16xi32>], vector<16xf32>,
        %mul3A_1948 = arith.constant 1024 : i32
        %mul3A_1949 = arith.muli %scan3A_760, %mul3A_1948 : i32
        %add3A_1950 = arith.constant 512 : i32
        %add3A_1951 = arith.addi %mul3A_1949, %add3A_1950 : i32
        %add3A_1952 = arith.constant 64 : i32
        %add3A_1953 = arith.addi %add3A_1951, %add3A_1952 : i32
        %swap3A_1954 = arith.constant 0 : i32
        %swap3A_1955 = tpu.memref_slice %arg13[%rem3A_708, %swap3A_1954] : memref<2x25600xf32, #tpu.memory_space<vmem>> -> memref<1x25600xf32, #tpu.memory_space<vmem>>
        %swap3A_1956 = tpu.memref_squeeze %swap3A_1955 : memref<1x25600xf32, #tpu.memory_space<vmem>> -> memref<25600xf32, #tpu.memory_space<vmem>>
        %swap3A_1957 = arith.index_cast %add3A_1953 : i32 to index
        %swap3A_1958 = tpu.vector_load %swap3A_1956[%swap3A_1957] {strides = array<i32>} : memref<25600xf32, #tpu.memory_space<vmem>>, vector<16xf32>,
        tpu.vector_store %swap3A_1956[%swap3A_1957], %gather3A_1947 {strides = array<i32>} : memref<25600xf32, #tpu.memory_space<vmem>>, vector<16xf32>,
        %add3A_1959 = arith.constant 832 : i32
        %add3A_1960 = vector.broadcast %add3A_1959 : i32 to vector<16xi32>
        %add3A_1961 = arith.addi %get3A_1763, %add3A_1960 : vector<16xi32>
        %gather3A_1962 = tpu.vector_load_idx %arg10[%add3A_1961] : memref<1024xf32, #tpu.memory_space<vmem>>[vector<16xi32>], vector<16xf32>,
        %mul3A_1963 = arith.constant 1024 : i32
        %mul3A_1964 = arith.muli %scan3A_760, %mul3A_1963 : i32
        %add3A_1965 = arith.constant 640 : i32
        %add3A_1966 = arith.addi %mul3A_1964, %add3A_1965 : i32
        %add3A_1967 = arith.constant 64 : i32
        %add3A_1968 = arith.addi %add3A_1966, %add3A_1967 : i32
        %swap3A_1969 = arith.constant 0 : i32
        %swap3A_1970 = tpu.memref_slice %arg13[%rem3A_708, %swap3A_1969] : memref<2x25600xf32, #tpu.memory_space<vmem>> -> memref<1x25600xf32, #tpu.memory_space<vmem>>
        %swap3A_1971 = tpu.memref_squeeze %swap3A_1970 : memref<1x25600xf32, #tpu.memory_space<vmem>> -> memref<25600xf32, #tpu.memory_space<vmem>>
        %swap3A_1972 = arith.index_cast %add3A_1968 : i32 to index
        %swap3A_1973 = tpu.vector_load %swap3A_1971[%swap3A_1972] {strides = array<i32>} : memref<25600xf32, #tpu.memory_space<vmem>>, vector<16xf32>,
        tpu.vector_store %swap3A_1971[%swap3A_1972], %gather3A_1962 {strides = array<i32>} : memref<25600xf32, #tpu.memory_space<vmem>>, vector<16xf32>,
        %add3A_1974 = arith.constant 896 : i32
        %add3A_1975 = vector.broadcast %add3A_1974 : i32 to vector<16xi32>
        %add3A_1976 = arith.addi %get3A_1763, %add3A_1975 : vector<16xi32>
        %gather3A_1977 = tpu.vector_load_idx %arg10[%add3A_1976] : memref<1024xf32, #tpu.memory_space<vmem>>[vector<16xi32>], vector<16xf32>,
        %mul3A_1978 = arith.constant 1024 : i32
        %mul3A_1979 = arith.muli %scan3A_760, %mul3A_1978 : i32
        %add3A_1980 = arith.constant 768 : i32
        %add3A_1981 = arith.addi %mul3A_1979, %add3A_1980 : i32
        %add3A_1982 = arith.constant 64 : i32
        %add3A_1983 = arith.addi %add3A_1981, %add3A_1982 : i32
        %swap3A_1984 = arith.constant 0 : i32
        %swap3A_1985 = tpu.memref_slice %arg13[%rem3A_708, %swap3A_1984] : memref<2x25600xf32, #tpu.memory_space<vmem>> -> memref<1x25600xf32, #tpu.memory_space<vmem>>
        %swap3A_1986 = tpu.memref_squeeze %swap3A_1985 : memref<1x25600xf32, #tpu.memory_space<vmem>> -> memref<25600xf32, #tpu.memory_space<vmem>>
        %swap3A_1987 = arith.index_cast %add3A_1983 : i32 to index
        %swap3A_1988 = tpu.vector_load %swap3A_1986[%swap3A_1987] {strides = array<i32>} : memref<25600xf32, #tpu.memory_space<vmem>>, vector<16xf32>,
        tpu.vector_store %swap3A_1986[%swap3A_1987], %gather3A_1977 {strides = array<i32>} : memref<25600xf32, #tpu.memory_space<vmem>>, vector<16xf32>,
        %add3A_1989 = arith.constant 960 : i32
        %add3A_1990 = vector.broadcast %add3A_1989 : i32 to vector<16xi32>
        %add3A_1991 = arith.addi %get3A_1763, %add3A_1990 : vector<16xi32>
        %gather3A_1992 = tpu.vector_load_idx %arg10[%add3A_1991] : memref<1024xf32, #tpu.memory_space<vmem>>[vector<16xi32>], vector<16xf32>,
        %mul3A_1993 = arith.constant 1024 : i32
        %mul3A_1994 = arith.muli %scan3A_760, %mul3A_1993 : i32
        %add3A_1995 = arith.constant 896 : i32
        %add3A_1996 = arith.addi %mul3A_1994, %add3A_1995 : i32
        %add3A_1997 = arith.constant 64 : i32
        %add3A_1998 = arith.addi %add3A_1996, %add3A_1997 : i32
        %swap3A_1999 = arith.constant 0 : i32
        %swap3A_2000 = tpu.memref_slice %arg13[%rem3A_708, %swap3A_1999] : memref<2x25600xf32, #tpu.memory_space<vmem>> -> memref<1x25600xf32, #tpu.memory_space<vmem>>
        %swap3A_2001 = tpu.memref_squeeze %swap3A_2000 : memref<1x25600xf32, #tpu.memory_space<vmem>> -> memref<25600xf32, #tpu.memory_space<vmem>>
        %swap3A_2002 = arith.index_cast %add3A_1998 : i32 to index
        %swap3A_2003 = tpu.vector_load %swap3A_2001[%swap3A_2002] {strides = array<i32>} : memref<25600xf32, #tpu.memory_space<vmem>>, vector<16xf32>,
        tpu.vector_store %swap3A_2001[%swap3A_2002], %gather3A_1992 {strides = array<i32>} : memref<25600xf32, #tpu.memory_space<vmem>>, vector<16xf32>,
        %mul3A_2004 = arith.constant 128 : i32
        %mul3A_2005 = arith.muli %scan3A_760, %mul3A_2004 : i32
        %add3A_2006 = arith.constant 80 : i32
        %add3A_2007 = arith.addi %mul3A_2005, %add3A_2006 : i32
        %get3A_2008 = arith.constant 0 : i32
        %get3A_2009 = tpu.memref_slice %arg11[%rem3A_708, %get3A_2008] : memref<2x3200xi32, #tpu.memory_space<vmem>> -> memref<1x3200xi32, #tpu.memory_space<vmem>>
        %get3A_2010 = tpu.memref_squeeze %get3A_2009 : memref<1x3200xi32, #tpu.memory_space<vmem>> -> memref<3200xi32, #tpu.memory_space<vmem>>
        %get3A_2011 = arith.index_cast %add3A_2007 : i32 to index
        %get3A_2012 = tpu.vector_load %get3A_2010[%get3A_2011] {strides = array<i32>} : memref<3200xi32, #tpu.memory_space<vmem>>, vector<16xi32>,
        %add3A_2013 = arith.constant 0 : i32
        %add3A_2014 = vector.broadcast %add3A_2013 : i32 to vector<16xi32>
        %add3A_2015 = arith.addi %get3A_2012, %add3A_2014 : vector<16xi32>
        %gather3A_2016 = tpu.vector_load_idx %arg10[%add3A_2015] : memref<1024xf32, #tpu.memory_space<vmem>>[vector<16xi32>], vector<16xf32>,
        %mul3A_2017 = arith.constant 1024 : i32
        %mul3A_2018 = arith.muli %scan3A_760, %mul3A_2017 : i32
        %add3A_2019 = arith.constant 0 : i32
        %add3A_2020 = arith.addi %mul3A_2018, %add3A_2019 : i32
        %add3A_2021 = arith.constant 80 : i32
        %add3A_2022 = arith.addi %add3A_2020, %add3A_2021 : i32
        %swap3A_2023 = arith.constant 0 : i32
        %swap3A_2024 = tpu.memref_slice %arg12[%rem3A_708, %swap3A_2023] : memref<2x25600xf32, #tpu.memory_space<vmem>> -> memref<1x25600xf32, #tpu.memory_space<vmem>>
        %swap3A_2025 = tpu.memref_squeeze %swap3A_2024 : memref<1x25600xf32, #tpu.memory_space<vmem>> -> memref<25600xf32, #tpu.memory_space<vmem>>
        %swap3A_2026 = arith.index_cast %add3A_2022 : i32 to index
        %swap3A_2027 = tpu.vector_load %swap3A_2025[%swap3A_2026] {strides = array<i32>} : memref<25600xf32, #tpu.memory_space<vmem>>, vector<16xf32>,
        tpu.vector_store %swap3A_2025[%swap3A_2026], %gather3A_2016 {strides = array<i32>} : memref<25600xf32, #tpu.memory_space<vmem>>, vector<16xf32>,
        %add3A_2028 = arith.constant 64 : i32
        %add3A_2029 = vector.broadcast %add3A_2028 : i32 to vector<16xi32>
        %add3A_2030 = arith.addi %get3A_2012, %add3A_2029 : vector<16xi32>
        %gather3A_2031 = tpu.vector_load_idx %arg10[%add3A_2030] : memref<1024xf32, #tpu.memory_space<vmem>>[vector<16xi32>], vector<16xf32>,
        %mul3A_2032 = arith.constant 1024 : i32
        %mul3A_2033 = arith.muli %scan3A_760, %mul3A_2032 : i32
        %add3A_2034 = arith.constant 128 : i32
        %add3A_2035 = arith.addi %mul3A_2033, %add3A_2034 : i32
        %add3A_2036 = arith.constant 80 : i32
        %add3A_2037 = arith.addi %add3A_2035, %add3A_2036 : i32
        %swap3A_2038 = arith.constant 0 : i32
        %swap3A_2039 = tpu.memref_slice %arg12[%rem3A_708, %swap3A_2038] : memref<2x25600xf32, #tpu.memory_space<vmem>> -> memref<1x25600xf32, #tpu.memory_space<vmem>>
        %swap3A_2040 = tpu.memref_squeeze %swap3A_2039 : memref<1x25600xf32, #tpu.memory_space<vmem>> -> memref<25600xf32, #tpu.memory_space<vmem>>
        %swap3A_2041 = arith.index_cast %add3A_2037 : i32 to index
        %swap3A_2042 = tpu.vector_load %swap3A_2040[%swap3A_2041] {strides = array<i32>} : memref<25600xf32, #tpu.memory_space<vmem>>, vector<16xf32>,
        tpu.vector_store %swap3A_2040[%swap3A_2041], %gather3A_2031 {strides = array<i32>} : memref<25600xf32, #tpu.memory_space<vmem>>, vector<16xf32>,
        %add3A_2043 = arith.constant 128 : i32
        %add3A_2044 = vector.broadcast %add3A_2043 : i32 to vector<16xi32>
        %add3A_2045 = arith.addi %get3A_2012, %add3A_2044 : vector<16xi32>
        %gather3A_2046 = tpu.vector_load_idx %arg10[%add3A_2045] : memref<1024xf32, #tpu.memory_space<vmem>>[vector<16xi32>], vector<16xf32>,
        %mul3A_2047 = arith.constant 1024 : i32
        %mul3A_2048 = arith.muli %scan3A_760, %mul3A_2047 : i32
        %add3A_2049 = arith.constant 256 : i32
        %add3A_2050 = arith.addi %mul3A_2048, %add3A_2049 : i32
        %add3A_2051 = arith.constant 80 : i32
        %add3A_2052 = arith.addi %add3A_2050, %add3A_2051 : i32
        %swap3A_2053 = arith.constant 0 : i32
        %swap3A_2054 = tpu.memref_slice %arg12[%rem3A_708, %swap3A_2053] : memref<2x25600xf32, #tpu.memory_space<vmem>> -> memref<1x25600xf32, #tpu.memory_space<vmem>>
        %swap3A_2055 = tpu.memref_squeeze %swap3A_2054 : memref<1x25600xf32, #tpu.memory_space<vmem>> -> memref<25600xf32, #tpu.memory_space<vmem>>
        %swap3A_2056 = arith.index_cast %add3A_2052 : i32 to index
        %swap3A_2057 = tpu.vector_load %swap3A_2055[%swap3A_2056] {strides = array<i32>} : memref<25600xf32, #tpu.memory_space<vmem>>, vector<16xf32>,
        tpu.vector_store %swap3A_2055[%swap3A_2056], %gather3A_2046 {strides = array<i32>} : memref<25600xf32, #tpu.memory_space<vmem>>, vector<16xf32>,
        %add3A_2058 = arith.constant 192 : i32
        %add3A_2059 = vector.broadcast %add3A_2058 : i32 to vector<16xi32>
        %add3A_2060 = arith.addi %get3A_2012, %add3A_2059 : vector<16xi32>
        %gather3A_2061 = tpu.vector_load_idx %arg10[%add3A_2060] : memref<1024xf32, #tpu.memory_space<vmem>>[vector<16xi32>], vector<16xf32>,
        %mul3A_2062 = arith.constant 1024 : i32
        %mul3A_2063 = arith.muli %scan3A_760, %mul3A_2062 : i32
        %add3A_2064 = arith.constant 384 : i32
        %add3A_2065 = arith.addi %mul3A_2063, %add3A_2064 : i32
        %add3A_2066 = arith.constant 80 : i32
        %add3A_2067 = arith.addi %add3A_2065, %add3A_2066 : i32
        %swap3A_2068 = arith.constant 0 : i32
        %swap3A_2069 = tpu.memref_slice %arg12[%rem3A_708, %swap3A_2068] : memref<2x25600xf32, #tpu.memory_space<vmem>> -> memref<1x25600xf32, #tpu.memory_space<vmem>>
        %swap3A_2070 = tpu.memref_squeeze %swap3A_2069 : memref<1x25600xf32, #tpu.memory_space<vmem>> -> memref<25600xf32, #tpu.memory_space<vmem>>
        %swap3A_2071 = arith.index_cast %add3A_2067 : i32 to index
        %swap3A_2072 = tpu.vector_load %swap3A_2070[%swap3A_2071] {strides = array<i32>} : memref<25600xf32, #tpu.memory_space<vmem>>, vector<16xf32>,
        tpu.vector_store %swap3A_2070[%swap3A_2071], %gather3A_2061 {strides = array<i32>} : memref<25600xf32, #tpu.memory_space<vmem>>, vector<16xf32>,
        %add3A_2073 = arith.constant 256 : i32
        %add3A_2074 = vector.broadcast %add3A_2073 : i32 to vector<16xi32>
        %add3A_2075 = arith.addi %get3A_2012, %add3A_2074 : vector<16xi32>
        %gather3A_2076 = tpu.vector_load_idx %arg10[%add3A_2075] : memref<1024xf32, #tpu.memory_space<vmem>>[vector<16xi32>], vector<16xf32>,
        %mul3A_2077 = arith.constant 1024 : i32
        %mul3A_2078 = arith.muli %scan3A_760, %mul3A_2077 : i32
        %add3A_2079 = arith.constant 512 : i32
        %add3A_2080 = arith.addi %mul3A_2078, %add3A_2079 : i32
        %add3A_2081 = arith.constant 80 : i32
        %add3A_2082 = arith.addi %add3A_2080, %add3A_2081 : i32
        %swap3A_2083 = arith.constant 0 : i32
        %swap3A_2084 = tpu.memref_slice %arg12[%rem3A_708, %swap3A_2083] : memref<2x25600xf32, #tpu.memory_space<vmem>> -> memref<1x25600xf32, #tpu.memory_space<vmem>>
        %swap3A_2085 = tpu.memref_squeeze %swap3A_2084 : memref<1x25600xf32, #tpu.memory_space<vmem>> -> memref<25600xf32, #tpu.memory_space<vmem>>
        %swap3A_2086 = arith.index_cast %add3A_2082 : i32 to index
        %swap3A_2087 = tpu.vector_load %swap3A_2085[%swap3A_2086] {strides = array<i32>} : memref<25600xf32, #tpu.memory_space<vmem>>, vector<16xf32>,
        tpu.vector_store %swap3A_2085[%swap3A_2086], %gather3A_2076 {strides = array<i32>} : memref<25600xf32, #tpu.memory_space<vmem>>, vector<16xf32>,
        %add3A_2088 = arith.constant 320 : i32
        %add3A_2089 = vector.broadcast %add3A_2088 : i32 to vector<16xi32>
        %add3A_2090 = arith.addi %get3A_2012, %add3A_2089 : vector<16xi32>
        %gather3A_2091 = tpu.vector_load_idx %arg10[%add3A_2090] : memref<1024xf32, #tpu.memory_space<vmem>>[vector<16xi32>], vector<16xf32>,
        %mul3A_2092 = arith.constant 1024 : i32
        %mul3A_2093 = arith.muli %scan3A_760, %mul3A_2092 : i32
        %add3A_2094 = arith.constant 640 : i32
        %add3A_2095 = arith.addi %mul3A_2093, %add3A_2094 : i32
        %add3A_2096 = arith.constant 80 : i32
        %add3A_2097 = arith.addi %add3A_2095, %add3A_2096 : i32
        %swap3A_2098 = arith.constant 0 : i32
        %swap3A_2099 = tpu.memref_slice %arg12[%rem3A_708, %swap3A_2098] : memref<2x25600xf32, #tpu.memory_space<vmem>> -> memref<1x25600xf32, #tpu.memory_space<vmem>>
        %swap3A_2100 = tpu.memref_squeeze %swap3A_2099 : memref<1x25600xf32, #tpu.memory_space<vmem>> -> memref<25600xf32, #tpu.memory_space<vmem>>
        %swap3A_2101 = arith.index_cast %add3A_2097 : i32 to index
        %swap3A_2102 = tpu.vector_load %swap3A_2100[%swap3A_2101] {strides = array<i32>} : memref<25600xf32, #tpu.memory_space<vmem>>, vector<16xf32>,
        tpu.vector_store %swap3A_2100[%swap3A_2101], %gather3A_2091 {strides = array<i32>} : memref<25600xf32, #tpu.memory_space<vmem>>, vector<16xf32>,
        %add3A_2103 = arith.constant 384 : i32
        %add3A_2104 = vector.broadcast %add3A_2103 : i32 to vector<16xi32>
        %add3A_2105 = arith.addi %get3A_2012, %add3A_2104 : vector<16xi32>
        %gather3A_2106 = tpu.vector_load_idx %arg10[%add3A_2105] : memref<1024xf32, #tpu.memory_space<vmem>>[vector<16xi32>], vector<16xf32>,
        %mul3A_2107 = arith.constant 1024 : i32
        %mul3A_2108 = arith.muli %scan3A_760, %mul3A_2107 : i32
        %add3A_2109 = arith.constant 768 : i32
        %add3A_2110 = arith.addi %mul3A_2108, %add3A_2109 : i32
        %add3A_2111 = arith.constant 80 : i32
        %add3A_2112 = arith.addi %add3A_2110, %add3A_2111 : i32
        %swap3A_2113 = arith.constant 0 : i32
        %swap3A_2114 = tpu.memref_slice %arg12[%rem3A_708, %swap3A_2113] : memref<2x25600xf32, #tpu.memory_space<vmem>> -> memref<1x25600xf32, #tpu.memory_space<vmem>>
        %swap3A_2115 = tpu.memref_squeeze %swap3A_2114 : memref<1x25600xf32, #tpu.memory_space<vmem>> -> memref<25600xf32, #tpu.memory_space<vmem>>
        %swap3A_2116 = arith.index_cast %add3A_2112 : i32 to index
        %swap3A_2117 = tpu.vector_load %swap3A_2115[%swap3A_2116] {strides = array<i32>} : memref<25600xf32, #tpu.memory_space<vmem>>, vector<16xf32>,
        tpu.vector_store %swap3A_2115[%swap3A_2116], %gather3A_2106 {strides = array<i32>} : memref<25600xf32, #tpu.memory_space<vmem>>, vector<16xf32>,
        %add3A_2118 = arith.constant 448 : i32
        %add3A_2119 = vector.broadcast %add3A_2118 : i32 to vector<16xi32>
        %add3A_2120 = arith.addi %get3A_2012, %add3A_2119 : vector<16xi32>
        %gather3A_2121 = tpu.vector_load_idx %arg10[%add3A_2120] : memref<1024xf32, #tpu.memory_space<vmem>>[vector<16xi32>], vector<16xf32>,
        %mul3A_2122 = arith.constant 1024 : i32
        %mul3A_2123 = arith.muli %scan3A_760, %mul3A_2122 : i32
        %add3A_2124 = arith.constant 896 : i32
        %add3A_2125 = arith.addi %mul3A_2123, %add3A_2124 : i32
        %add3A_2126 = arith.constant 80 : i32
        %add3A_2127 = arith.addi %add3A_2125, %add3A_2126 : i32
        %swap3A_2128 = arith.constant 0 : i32
        %swap3A_2129 = tpu.memref_slice %arg12[%rem3A_708, %swap3A_2128] : memref<2x25600xf32, #tpu.memory_space<vmem>> -> memref<1x25600xf32, #tpu.memory_space<vmem>>
        %swap3A_2130 = tpu.memref_squeeze %swap3A_2129 : memref<1x25600xf32, #tpu.memory_space<vmem>> -> memref<25600xf32, #tpu.memory_space<vmem>>
        %swap3A_2131 = arith.index_cast %add3A_2127 : i32 to index
        %swap3A_2132 = tpu.vector_load %swap3A_2130[%swap3A_2131] {strides = array<i32>} : memref<25600xf32, #tpu.memory_space<vmem>>, vector<16xf32>,
        tpu.vector_store %swap3A_2130[%swap3A_2131], %gather3A_2121 {strides = array<i32>} : memref<25600xf32, #tpu.memory_space<vmem>>, vector<16xf32>,
        %add3A_2133 = arith.constant 512 : i32
        %add3A_2134 = vector.broadcast %add3A_2133 : i32 to vector<16xi32>
        %add3A_2135 = arith.addi %get3A_2012, %add3A_2134 : vector<16xi32>
        %gather3A_2136 = tpu.vector_load_idx %arg10[%add3A_2135] : memref<1024xf32, #tpu.memory_space<vmem>>[vector<16xi32>], vector<16xf32>,
        %mul3A_2137 = arith.constant 1024 : i32
        %mul3A_2138 = arith.muli %scan3A_760, %mul3A_2137 : i32
        %add3A_2139 = arith.constant 0 : i32
        %add3A_2140 = arith.addi %mul3A_2138, %add3A_2139 : i32
        %add3A_2141 = arith.constant 80 : i32
        %add3A_2142 = arith.addi %add3A_2140, %add3A_2141 : i32
        %swap3A_2143 = arith.constant 0 : i32
        %swap3A_2144 = tpu.memref_slice %arg13[%rem3A_708, %swap3A_2143] : memref<2x25600xf32, #tpu.memory_space<vmem>> -> memref<1x25600xf32, #tpu.memory_space<vmem>>
        %swap3A_2145 = tpu.memref_squeeze %swap3A_2144 : memref<1x25600xf32, #tpu.memory_space<vmem>> -> memref<25600xf32, #tpu.memory_space<vmem>>
        %swap3A_2146 = arith.index_cast %add3A_2142 : i32 to index
        %swap3A_2147 = tpu.vector_load %swap3A_2145[%swap3A_2146] {strides = array<i32>} : memref<25600xf32, #tpu.memory_space<vmem>>, vector<16xf32>,
        tpu.vector_store %swap3A_2145[%swap3A_2146], %gather3A_2136 {strides = array<i32>} : memref<25600xf32, #tpu.memory_space<vmem>>, vector<16xf32>,
        %add3A_2148 = arith.constant 576 : i32
        %add3A_2149 = vector.broadcast %add3A_2148 : i32 to vector<16xi32>
        %add3A_2150 = arith.addi %get3A_2012, %add3A_2149 : vector<16xi32>
        %gather3A_2151 = tpu.vector_load_idx %arg10[%add3A_2150] : memref<1024xf32, #tpu.memory_space<vmem>>[vector<16xi32>], vector<16xf32>,
        %mul3A_2152 = arith.constant 1024 : i32
        %mul3A_2153 = arith.muli %scan3A_760, %mul3A_2152 : i32
        %add3A_2154 = arith.constant 128 : i32
        %add3A_2155 = arith.addi %mul3A_2153, %add3A_2154 : i32
        %add3A_2156 = arith.constant 80 : i32
        %add3A_2157 = arith.addi %add3A_2155, %add3A_2156 : i32
        %swap3A_2158 = arith.constant 0 : i32
        %swap3A_2159 = tpu.memref_slice %arg13[%rem3A_708, %swap3A_2158] : memref<2x25600xf32, #tpu.memory_space<vmem>> -> memref<1x25600xf32, #tpu.memory_space<vmem>>
        %swap3A_2160 = tpu.memref_squeeze %swap3A_2159 : memref<1x25600xf32, #tpu.memory_space<vmem>> -> memref<25600xf32, #tpu.memory_space<vmem>>
        %swap3A_2161 = arith.index_cast %add3A_2157 : i32 to index
        %swap3A_2162 = tpu.vector_load %swap3A_2160[%swap3A_2161] {strides = array<i32>} : memref<25600xf32, #tpu.memory_space<vmem>>, vector<16xf32>,
        tpu.vector_store %swap3A_2160[%swap3A_2161], %gather3A_2151 {strides = array<i32>} : memref<25600xf32, #tpu.memory_space<vmem>>, vector<16xf32>,
        %add3A_2163 = arith.constant 640 : i32
        %add3A_2164 = vector.broadcast %add3A_2163 : i32 to vector<16xi32>
        %add3A_2165 = arith.addi %get3A_2012, %add3A_2164 : vector<16xi32>
        %gather3A_2166 = tpu.vector_load_idx %arg10[%add3A_2165] : memref<1024xf32, #tpu.memory_space<vmem>>[vector<16xi32>], vector<16xf32>,
        %mul3A_2167 = arith.constant 1024 : i32
        %mul3A_2168 = arith.muli %scan3A_760, %mul3A_2167 : i32
        %add3A_2169 = arith.constant 256 : i32
        %add3A_2170 = arith.addi %mul3A_2168, %add3A_2169 : i32
        %add3A_2171 = arith.constant 80 : i32
        %add3A_2172 = arith.addi %add3A_2170, %add3A_2171 : i32
        %swap3A_2173 = arith.constant 0 : i32
        %swap3A_2174 = tpu.memref_slice %arg13[%rem3A_708, %swap3A_2173] : memref<2x25600xf32, #tpu.memory_space<vmem>> -> memref<1x25600xf32, #tpu.memory_space<vmem>>
        %swap3A_2175 = tpu.memref_squeeze %swap3A_2174 : memref<1x25600xf32, #tpu.memory_space<vmem>> -> memref<25600xf32, #tpu.memory_space<vmem>>
        %swap3A_2176 = arith.index_cast %add3A_2172 : i32 to index
        %swap3A_2177 = tpu.vector_load %swap3A_2175[%swap3A_2176] {strides = array<i32>} : memref<25600xf32, #tpu.memory_space<vmem>>, vector<16xf32>,
        tpu.vector_store %swap3A_2175[%swap3A_2176], %gather3A_2166 {strides = array<i32>} : memref<25600xf32, #tpu.memory_space<vmem>>, vector<16xf32>,
        %add3A_2178 = arith.constant 704 : i32
        %add3A_2179 = vector.broadcast %add3A_2178 : i32 to vector<16xi32>
        %add3A_2180 = arith.addi %get3A_2012, %add3A_2179 : vector<16xi32>
        %gather3A_2181 = tpu.vector_load_idx %arg10[%add3A_2180] : memref<1024xf32, #tpu.memory_space<vmem>>[vector<16xi32>], vector<16xf32>,
        %mul3A_2182 = arith.constant 1024 : i32
        %mul3A_2183 = arith.muli %scan3A_760, %mul3A_2182 : i32
        %add3A_2184 = arith.constant 384 : i32
        %add3A_2185 = arith.addi %mul3A_2183, %add3A_2184 : i32
        %add3A_2186 = arith.constant 80 : i32
        %add3A_2187 = arith.addi %add3A_2185, %add3A_2186 : i32
        %swap3A_2188 = arith.constant 0 : i32
        %swap3A_2189 = tpu.memref_slice %arg13[%rem3A_708, %swap3A_2188] : memref<2x25600xf32, #tpu.memory_space<vmem>> -> memref<1x25600xf32, #tpu.memory_space<vmem>>
        %swap3A_2190 = tpu.memref_squeeze %swap3A_2189 : memref<1x25600xf32, #tpu.memory_space<vmem>> -> memref<25600xf32, #tpu.memory_space<vmem>>
        %swap3A_2191 = arith.index_cast %add3A_2187 : i32 to index
        %swap3A_2192 = tpu.vector_load %swap3A_2190[%swap3A_2191] {strides = array<i32>} : memref<25600xf32, #tpu.memory_space<vmem>>, vector<16xf32>,
        tpu.vector_store %swap3A_2190[%swap3A_2191], %gather3A_2181 {strides = array<i32>} : memref<25600xf32, #tpu.memory_space<vmem>>, vector<16xf32>,
        %add3A_2193 = arith.constant 768 : i32
        %add3A_2194 = vector.broadcast %add3A_2193 : i32 to vector<16xi32>
        %add3A_2195 = arith.addi %get3A_2012, %add3A_2194 : vector<16xi32>
        %gather3A_2196 = tpu.vector_load_idx %arg10[%add3A_2195] : memref<1024xf32, #tpu.memory_space<vmem>>[vector<16xi32>], vector<16xf32>,
        %mul3A_2197 = arith.constant 1024 : i32
        %mul3A_2198 = arith.muli %scan3A_760, %mul3A_2197 : i32
        %add3A_2199 = arith.constant 512 : i32
        %add3A_2200 = arith.addi %mul3A_2198, %add3A_2199 : i32
        %add3A_2201 = arith.constant 80 : i32
        %add3A_2202 = arith.addi %add3A_2200, %add3A_2201 : i32
        %swap3A_2203 = arith.constant 0 : i32
        %swap3A_2204 = tpu.memref_slice %arg13[%rem3A_708, %swap3A_2203] : memref<2x25600xf32, #tpu.memory_space<vmem>> -> memref<1x25600xf32, #tpu.memory_space<vmem>>
        %swap3A_2205 = tpu.memref_squeeze %swap3A_2204 : memref<1x25600xf32, #tpu.memory_space<vmem>> -> memref<25600xf32, #tpu.memory_space<vmem>>
        %swap3A_2206 = arith.index_cast %add3A_2202 : i32 to index
        %swap3A_2207 = tpu.vector_load %swap3A_2205[%swap3A_2206] {strides = array<i32>} : memref<25600xf32, #tpu.memory_space<vmem>>, vector<16xf32>,
        tpu.vector_store %swap3A_2205[%swap3A_2206], %gather3A_2196 {strides = array<i32>} : memref<25600xf32, #tpu.memory_space<vmem>>, vector<16xf32>,
        %add3A_2208 = arith.constant 832 : i32
        %add3A_2209 = vector.broadcast %add3A_2208 : i32 to vector<16xi32>
        %add3A_2210 = arith.addi %get3A_2012, %add3A_2209 : vector<16xi32>
        %gather3A_2211 = tpu.vector_load_idx %arg10[%add3A_2210] : memref<1024xf32, #tpu.memory_space<vmem>>[vector<16xi32>], vector<16xf32>,
        %mul3A_2212 = arith.constant 1024 : i32
        %mul3A_2213 = arith.muli %scan3A_760, %mul3A_2212 : i32
        %add3A_2214 = arith.constant 640 : i32
        %add3A_2215 = arith.addi %mul3A_2213, %add3A_2214 : i32
        %add3A_2216 = arith.constant 80 : i32
        %add3A_2217 = arith.addi %add3A_2215, %add3A_2216 : i32
        %swap3A_2218 = arith.constant 0 : i32
        %swap3A_2219 = tpu.memref_slice %arg13[%rem3A_708, %swap3A_2218] : memref<2x25600xf32, #tpu.memory_space<vmem>> -> memref<1x25600xf32, #tpu.memory_space<vmem>>
        %swap3A_2220 = tpu.memref_squeeze %swap3A_2219 : memref<1x25600xf32, #tpu.memory_space<vmem>> -> memref<25600xf32, #tpu.memory_space<vmem>>
        %swap3A_2221 = arith.index_cast %add3A_2217 : i32 to index
        %swap3A_2222 = tpu.vector_load %swap3A_2220[%swap3A_2221] {strides = array<i32>} : memref<25600xf32, #tpu.memory_space<vmem>>, vector<16xf32>,
        tpu.vector_store %swap3A_2220[%swap3A_2221], %gather3A_2211 {strides = array<i32>} : memref<25600xf32, #tpu.memory_space<vmem>>, vector<16xf32>,
        %add3A_2223 = arith.constant 896 : i32
        %add3A_2224 = vector.broadcast %add3A_2223 : i32 to vector<16xi32>
        %add3A_2225 = arith.addi %get3A_2012, %add3A_2224 : vector<16xi32>
        %gather3A_2226 = tpu.vector_load_idx %arg10[%add3A_2225] : memref<1024xf32, #tpu.memory_space<vmem>>[vector<16xi32>], vector<16xf32>,
        %mul3A_2227 = arith.constant 1024 : i32
        %mul3A_2228 = arith.muli %scan3A_760, %mul3A_2227 : i32
        %add3A_2229 = arith.constant 768 : i32
        %add3A_2230 = arith.addi %mul3A_2228, %add3A_2229 : i32
        %add3A_2231 = arith.constant 80 : i32
        %add3A_2232 = arith.addi %add3A_2230, %add3A_2231 : i32
        %swap3A_2233 = arith.constant 0 : i32
        %swap3A_2234 = tpu.memref_slice %arg13[%rem3A_708, %swap3A_2233] : memref<2x25600xf32, #tpu.memory_space<vmem>> -> memref<1x25600xf32, #tpu.memory_space<vmem>>
        %swap3A_2235 = tpu.memref_squeeze %swap3A_2234 : memref<1x25600xf32, #tpu.memory_space<vmem>> -> memref<25600xf32, #tpu.memory_space<vmem>>
        %swap3A_2236 = arith.index_cast %add3A_2232 : i32 to index
        %swap3A_2237 = tpu.vector_load %swap3A_2235[%swap3A_2236] {strides = array<i32>} : memref<25600xf32, #tpu.memory_space<vmem>>, vector<16xf32>,
        tpu.vector_store %swap3A_2235[%swap3A_2236], %gather3A_2226 {strides = array<i32>} : memref<25600xf32, #tpu.memory_space<vmem>>, vector<16xf32>,
        %add3A_2238 = arith.constant 960 : i32
        %add3A_2239 = vector.broadcast %add3A_2238 : i32 to vector<16xi32>
        %add3A_2240 = arith.addi %get3A_2012, %add3A_2239 : vector<16xi32>
        %gather3A_2241 = tpu.vector_load_idx %arg10[%add3A_2240] : memref<1024xf32, #tpu.memory_space<vmem>>[vector<16xi32>], vector<16xf32>,
        %mul3A_2242 = arith.constant 1024 : i32
        %mul3A_2243 = arith.muli %scan3A_760, %mul3A_2242 : i32
        %add3A_2244 = arith.constant 896 : i32
        %add3A_2245 = arith.addi %mul3A_2243, %add3A_2244 : i32
        %add3A_2246 = arith.constant 80 : i32
        %add3A_2247 = arith.addi %add3A_2245, %add3A_2246 : i32
        %swap3A_2248 = arith.constant 0 : i32
        %swap3A_2249 = tpu.memref_slice %arg13[%rem3A_708, %swap3A_2248] : memref<2x25600xf32, #tpu.memory_space<vmem>> -> memref<1x25600xf32, #tpu.memory_space<vmem>>
        %swap3A_2250 = tpu.memref_squeeze %swap3A_2249 : memref<1x25600xf32, #tpu.memory_space<vmem>> -> memref<25600xf32, #tpu.memory_space<vmem>>
        %swap3A_2251 = arith.index_cast %add3A_2247 : i32 to index
        %swap3A_2252 = tpu.vector_load %swap3A_2250[%swap3A_2251] {strides = array<i32>} : memref<25600xf32, #tpu.memory_space<vmem>>, vector<16xf32>,
        tpu.vector_store %swap3A_2250[%swap3A_2251], %gather3A_2241 {strides = array<i32>} : memref<25600xf32, #tpu.memory_space<vmem>>, vector<16xf32>,
        %mul3A_2253 = arith.constant 128 : i32
        %mul3A_2254 = arith.muli %scan3A_760, %mul3A_2253 : i32
        %add3A_2255 = arith.constant 96 : i32
        %add3A_2256 = arith.addi %mul3A_2254, %add3A_2255 : i32
        %get3A_2257 = arith.constant 0 : i32
        %get3A_2258 = tpu.memref_slice %arg11[%rem3A_708, %get3A_2257] : memref<2x3200xi32, #tpu.memory_space<vmem>> -> memref<1x3200xi32, #tpu.memory_space<vmem>>
        %get3A_2259 = tpu.memref_squeeze %get3A_2258 : memref<1x3200xi32, #tpu.memory_space<vmem>> -> memref<3200xi32, #tpu.memory_space<vmem>>
        %get3A_2260 = arith.index_cast %add3A_2256 : i32 to index
        %get3A_2261 = tpu.vector_load %get3A_2259[%get3A_2260] {strides = array<i32>} : memref<3200xi32, #tpu.memory_space<vmem>>, vector<16xi32>,
        %add3A_2262 = arith.constant 0 : i32
        %add3A_2263 = vector.broadcast %add3A_2262 : i32 to vector<16xi32>
        %add3A_2264 = arith.addi %get3A_2261, %add3A_2263 : vector<16xi32>
        %gather3A_2265 = tpu.vector_load_idx %arg10[%add3A_2264] : memref<1024xf32, #tpu.memory_space<vmem>>[vector<16xi32>], vector<16xf32>,
        %mul3A_2266 = arith.constant 1024 : i32
        %mul3A_2267 = arith.muli %scan3A_760, %mul3A_2266 : i32
        %add3A_2268 = arith.constant 0 : i32
        %add3A_2269 = arith.addi %mul3A_2267, %add3A_2268 : i32
        %add3A_2270 = arith.constant 96 : i32
        %add3A_2271 = arith.addi %add3A_2269, %add3A_2270 : i32
        %swap3A_2272 = arith.constant 0 : i32
        %swap3A_2273 = tpu.memref_slice %arg12[%rem3A_708, %swap3A_2272] : memref<2x25600xf32, #tpu.memory_space<vmem>> -> memref<1x25600xf32, #tpu.memory_space<vmem>>
        %swap3A_2274 = tpu.memref_squeeze %swap3A_2273 : memref<1x25600xf32, #tpu.memory_space<vmem>> -> memref<25600xf32, #tpu.memory_space<vmem>>
        %swap3A_2275 = arith.index_cast %add3A_2271 : i32 to index
        %swap3A_2276 = tpu.vector_load %swap3A_2274[%swap3A_2275] {strides = array<i32>} : memref<25600xf32, #tpu.memory_space<vmem>>, vector<16xf32>,
        tpu.vector_store %swap3A_2274[%swap3A_2275], %gather3A_2265 {strides = array<i32>} : memref<25600xf32, #tpu.memory_space<vmem>>, vector<16xf32>,
        %add3A_2277 = arith.constant 64 : i32
        %add3A_2278 = vector.broadcast %add3A_2277 : i32 to vector<16xi32>
        %add3A_2279 = arith.addi %get3A_2261, %add3A_2278 : vector<16xi32>
        %gather3A_2280 = tpu.vector_load_idx %arg10[%add3A_2279] : memref<1024xf32, #tpu.memory_space<vmem>>[vector<16xi32>], vector<16xf32>,
        %mul3A_2281 = arith.constant 1024 : i32
        %mul3A_2282 = arith.muli %scan3A_760, %mul3A_2281 : i32
        %add3A_2283 = arith.constant 128 : i32
        %add3A_2284 = arith.addi %mul3A_2282, %add3A_2283 : i32
        %add3A_2285 = arith.constant 96 : i32
        %add3A_2286 = arith.addi %add3A_2284, %add3A_2285 : i32
        %swap3A_2287 = arith.constant 0 : i32
        %swap3A_2288 = tpu.memref_slice %arg12[%rem3A_708, %swap3A_2287] : memref<2x25600xf32, #tpu.memory_space<vmem>> -> memref<1x25600xf32, #tpu.memory_space<vmem>>
        %swap3A_2289 = tpu.memref_squeeze %swap3A_2288 : memref<1x25600xf32, #tpu.memory_space<vmem>> -> memref<25600xf32, #tpu.memory_space<vmem>>
        %swap3A_2290 = arith.index_cast %add3A_2286 : i32 to index
        %swap3A_2291 = tpu.vector_load %swap3A_2289[%swap3A_2290] {strides = array<i32>} : memref<25600xf32, #tpu.memory_space<vmem>>, vector<16xf32>,
        tpu.vector_store %swap3A_2289[%swap3A_2290], %gather3A_2280 {strides = array<i32>} : memref<25600xf32, #tpu.memory_space<vmem>>, vector<16xf32>,
        %add3A_2292 = arith.constant 128 : i32
        %add3A_2293 = vector.broadcast %add3A_2292 : i32 to vector<16xi32>
        %add3A_2294 = arith.addi %get3A_2261, %add3A_2293 : vector<16xi32>
        %gather3A_2295 = tpu.vector_load_idx %arg10[%add3A_2294] : memref<1024xf32, #tpu.memory_space<vmem>>[vector<16xi32>], vector<16xf32>,
        %mul3A_2296 = arith.constant 1024 : i32
        %mul3A_2297 = arith.muli %scan3A_760, %mul3A_2296 : i32
        %add3A_2298 = arith.constant 256 : i32
        %add3A_2299 = arith.addi %mul3A_2297, %add3A_2298 : i32
        %add3A_2300 = arith.constant 96 : i32
        %add3A_2301 = arith.addi %add3A_2299, %add3A_2300 : i32
        %swap3A_2302 = arith.constant 0 : i32
        %swap3A_2303 = tpu.memref_slice %arg12[%rem3A_708, %swap3A_2302] : memref<2x25600xf32, #tpu.memory_space<vmem>> -> memref<1x25600xf32, #tpu.memory_space<vmem>>
        %swap3A_2304 = tpu.memref_squeeze %swap3A_2303 : memref<1x25600xf32, #tpu.memory_space<vmem>> -> memref<25600xf32, #tpu.memory_space<vmem>>
        %swap3A_2305 = arith.index_cast %add3A_2301 : i32 to index
        %swap3A_2306 = tpu.vector_load %swap3A_2304[%swap3A_2305] {strides = array<i32>} : memref<25600xf32, #tpu.memory_space<vmem>>, vector<16xf32>,
        tpu.vector_store %swap3A_2304[%swap3A_2305], %gather3A_2295 {strides = array<i32>} : memref<25600xf32, #tpu.memory_space<vmem>>, vector<16xf32>,
        %add3A_2307 = arith.constant 192 : i32
        %add3A_2308 = vector.broadcast %add3A_2307 : i32 to vector<16xi32>
        %add3A_2309 = arith.addi %get3A_2261, %add3A_2308 : vector<16xi32>
        %gather3A_2310 = tpu.vector_load_idx %arg10[%add3A_2309] : memref<1024xf32, #tpu.memory_space<vmem>>[vector<16xi32>], vector<16xf32>,
        %mul3A_2311 = arith.constant 1024 : i32
        %mul3A_2312 = arith.muli %scan3A_760, %mul3A_2311 : i32
        %add3A_2313 = arith.constant 384 : i32
        %add3A_2314 = arith.addi %mul3A_2312, %add3A_2313 : i32
        %add3A_2315 = arith.constant 96 : i32
        %add3A_2316 = arith.addi %add3A_2314, %add3A_2315 : i32
        %swap3A_2317 = arith.constant 0 : i32
        %swap3A_2318 = tpu.memref_slice %arg12[%rem3A_708, %swap3A_2317] : memref<2x25600xf32, #tpu.memory_space<vmem>> -> memref<1x25600xf32, #tpu.memory_space<vmem>>
        %swap3A_2319 = tpu.memref_squeeze %swap3A_2318 : memref<1x25600xf32, #tpu.memory_space<vmem>> -> memref<25600xf32, #tpu.memory_space<vmem>>
        %swap3A_2320 = arith.index_cast %add3A_2316 : i32 to index
        %swap3A_2321 = tpu.vector_load %swap3A_2319[%swap3A_2320] {strides = array<i32>} : memref<25600xf32, #tpu.memory_space<vmem>>, vector<16xf32>,
        tpu.vector_store %swap3A_2319[%swap3A_2320], %gather3A_2310 {strides = array<i32>} : memref<25600xf32, #tpu.memory_space<vmem>>, vector<16xf32>,
        %add3A_2322 = arith.constant 256 : i32
        %add3A_2323 = vector.broadcast %add3A_2322 : i32 to vector<16xi32>
        %add3A_2324 = arith.addi %get3A_2261, %add3A_2323 : vector<16xi32>
        %gather3A_2325 = tpu.vector_load_idx %arg10[%add3A_2324] : memref<1024xf32, #tpu.memory_space<vmem>>[vector<16xi32>], vector<16xf32>,
        %mul3A_2326 = arith.constant 1024 : i32
        %mul3A_2327 = arith.muli %scan3A_760, %mul3A_2326 : i32
        %add3A_2328 = arith.constant 512 : i32
        %add3A_2329 = arith.addi %mul3A_2327, %add3A_2328 : i32
        %add3A_2330 = arith.constant 96 : i32
        %add3A_2331 = arith.addi %add3A_2329, %add3A_2330 : i32
        %swap3A_2332 = arith.constant 0 : i32
        %swap3A_2333 = tpu.memref_slice %arg12[%rem3A_708, %swap3A_2332] : memref<2x25600xf32, #tpu.memory_space<vmem>> -> memref<1x25600xf32, #tpu.memory_space<vmem>>
        %swap3A_2334 = tpu.memref_squeeze %swap3A_2333 : memref<1x25600xf32, #tpu.memory_space<vmem>> -> memref<25600xf32, #tpu.memory_space<vmem>>
        %swap3A_2335 = arith.index_cast %add3A_2331 : i32 to index
        %swap3A_2336 = tpu.vector_load %swap3A_2334[%swap3A_2335] {strides = array<i32>} : memref<25600xf32, #tpu.memory_space<vmem>>, vector<16xf32>,
        tpu.vector_store %swap3A_2334[%swap3A_2335], %gather3A_2325 {strides = array<i32>} : memref<25600xf32, #tpu.memory_space<vmem>>, vector<16xf32>,
        %add3A_2337 = arith.constant 320 : i32
        %add3A_2338 = vector.broadcast %add3A_2337 : i32 to vector<16xi32>
        %add3A_2339 = arith.addi %get3A_2261, %add3A_2338 : vector<16xi32>
        %gather3A_2340 = tpu.vector_load_idx %arg10[%add3A_2339] : memref<1024xf32, #tpu.memory_space<vmem>>[vector<16xi32>], vector<16xf32>,
        %mul3A_2341 = arith.constant 1024 : i32
        %mul3A_2342 = arith.muli %scan3A_760, %mul3A_2341 : i32
        %add3A_2343 = arith.constant 640 : i32
        %add3A_2344 = arith.addi %mul3A_2342, %add3A_2343 : i32
        %add3A_2345 = arith.constant 96 : i32
        %add3A_2346 = arith.addi %add3A_2344, %add3A_2345 : i32
        %swap3A_2347 = arith.constant 0 : i32
        %swap3A_2348 = tpu.memref_slice %arg12[%rem3A_708, %swap3A_2347] : memref<2x25600xf32, #tpu.memory_space<vmem>> -> memref<1x25600xf32, #tpu.memory_space<vmem>>
        %swap3A_2349 = tpu.memref_squeeze %swap3A_2348 : memref<1x25600xf32, #tpu.memory_space<vmem>> -> memref<25600xf32, #tpu.memory_space<vmem>>
        %swap3A_2350 = arith.index_cast %add3A_2346 : i32 to index
        %swap3A_2351 = tpu.vector_load %swap3A_2349[%swap3A_2350] {strides = array<i32>} : memref<25600xf32, #tpu.memory_space<vmem>>, vector<16xf32>,
        tpu.vector_store %swap3A_2349[%swap3A_2350], %gather3A_2340 {strides = array<i32>} : memref<25600xf32, #tpu.memory_space<vmem>>, vector<16xf32>,
        %add3A_2352 = arith.constant 384 : i32
        %add3A_2353 = vector.broadcast %add3A_2352 : i32 to vector<16xi32>
        %add3A_2354 = arith.addi %get3A_2261, %add3A_2353 : vector<16xi32>
        %gather3A_2355 = tpu.vector_load_idx %arg10[%add3A_2354] : memref<1024xf32, #tpu.memory_space<vmem>>[vector<16xi32>], vector<16xf32>,
        %mul3A_2356 = arith.constant 1024 : i32
        %mul3A_2357 = arith.muli %scan3A_760, %mul3A_2356 : i32
        %add3A_2358 = arith.constant 768 : i32
        %add3A_2359 = arith.addi %mul3A_2357, %add3A_2358 : i32
        %add3A_2360 = arith.constant 96 : i32
        %add3A_2361 = arith.addi %add3A_2359, %add3A_2360 : i32
        %swap3A_2362 = arith.constant 0 : i32
        %swap3A_2363 = tpu.memref_slice %arg12[%rem3A_708, %swap3A_2362] : memref<2x25600xf32, #tpu.memory_space<vmem>> -> memref<1x25600xf32, #tpu.memory_space<vmem>>
        %swap3A_2364 = tpu.memref_squeeze %swap3A_2363 : memref<1x25600xf32, #tpu.memory_space<vmem>> -> memref<25600xf32, #tpu.memory_space<vmem>>
        %swap3A_2365 = arith.index_cast %add3A_2361 : i32 to index
        %swap3A_2366 = tpu.vector_load %swap3A_2364[%swap3A_2365] {strides = array<i32>} : memref<25600xf32, #tpu.memory_space<vmem>>, vector<16xf32>,
        tpu.vector_store %swap3A_2364[%swap3A_2365], %gather3A_2355 {strides = array<i32>} : memref<25600xf32, #tpu.memory_space<vmem>>, vector<16xf32>,
        %add3A_2367 = arith.constant 448 : i32
        %add3A_2368 = vector.broadcast %add3A_2367 : i32 to vector<16xi32>
        %add3A_2369 = arith.addi %get3A_2261, %add3A_2368 : vector<16xi32>
        %gather3A_2370 = tpu.vector_load_idx %arg10[%add3A_2369] : memref<1024xf32, #tpu.memory_space<vmem>>[vector<16xi32>], vector<16xf32>,
        %mul3A_2371 = arith.constant 1024 : i32
        %mul3A_2372 = arith.muli %scan3A_760, %mul3A_2371 : i32
        %add3A_2373 = arith.constant 896 : i32
        %add3A_2374 = arith.addi %mul3A_2372, %add3A_2373 : i32
        %add3A_2375 = arith.constant 96 : i32
        %add3A_2376 = arith.addi %add3A_2374, %add3A_2375 : i32
        %swap3A_2377 = arith.constant 0 : i32
        %swap3A_2378 = tpu.memref_slice %arg12[%rem3A_708, %swap3A_2377] : memref<2x25600xf32, #tpu.memory_space<vmem>> -> memref<1x25600xf32, #tpu.memory_space<vmem>>
        %swap3A_2379 = tpu.memref_squeeze %swap3A_2378 : memref<1x25600xf32, #tpu.memory_space<vmem>> -> memref<25600xf32, #tpu.memory_space<vmem>>
        %swap3A_2380 = arith.index_cast %add3A_2376 : i32 to index
        %swap3A_2381 = tpu.vector_load %swap3A_2379[%swap3A_2380] {strides = array<i32>} : memref<25600xf32, #tpu.memory_space<vmem>>, vector<16xf32>,
        tpu.vector_store %swap3A_2379[%swap3A_2380], %gather3A_2370 {strides = array<i32>} : memref<25600xf32, #tpu.memory_space<vmem>>, vector<16xf32>,
        %add3A_2382 = arith.constant 512 : i32
        %add3A_2383 = vector.broadcast %add3A_2382 : i32 to vector<16xi32>
        %add3A_2384 = arith.addi %get3A_2261, %add3A_2383 : vector<16xi32>
        %gather3A_2385 = tpu.vector_load_idx %arg10[%add3A_2384] : memref<1024xf32, #tpu.memory_space<vmem>>[vector<16xi32>], vector<16xf32>,
        %mul3A_2386 = arith.constant 1024 : i32
        %mul3A_2387 = arith.muli %scan3A_760, %mul3A_2386 : i32
        %add3A_2388 = arith.constant 0 : i32
        %add3A_2389 = arith.addi %mul3A_2387, %add3A_2388 : i32
        %add3A_2390 = arith.constant 96 : i32
        %add3A_2391 = arith.addi %add3A_2389, %add3A_2390 : i32
        %swap3A_2392 = arith.constant 0 : i32
        %swap3A_2393 = tpu.memref_slice %arg13[%rem3A_708, %swap3A_2392] : memref<2x25600xf32, #tpu.memory_space<vmem>> -> memref<1x25600xf32, #tpu.memory_space<vmem>>
        %swap3A_2394 = tpu.memref_squeeze %swap3A_2393 : memref<1x25600xf32, #tpu.memory_space<vmem>> -> memref<25600xf32, #tpu.memory_space<vmem>>
        %swap3A_2395 = arith.index_cast %add3A_2391 : i32 to index
        %swap3A_2396 = tpu.vector_load %swap3A_2394[%swap3A_2395] {strides = array<i32>} : memref<25600xf32, #tpu.memory_space<vmem>>, vector<16xf32>,
        tpu.vector_store %swap3A_2394[%swap3A_2395], %gather3A_2385 {strides = array<i32>} : memref<25600xf32, #tpu.memory_space<vmem>>, vector<16xf32>,
        %add3A_2397 = arith.constant 576 : i32
        %add3A_2398 = vector.broadcast %add3A_2397 : i32 to vector<16xi32>
        %add3A_2399 = arith.addi %get3A_2261, %add3A_2398 : vector<16xi32>
        %gather3A_2400 = tpu.vector_load_idx %arg10[%add3A_2399] : memref<1024xf32, #tpu.memory_space<vmem>>[vector<16xi32>], vector<16xf32>,
        %mul3A_2401 = arith.constant 1024 : i32
        %mul3A_2402 = arith.muli %scan3A_760, %mul3A_2401 : i32
        %add3A_2403 = arith.constant 128 : i32
        %add3A_2404 = arith.addi %mul3A_2402, %add3A_2403 : i32
        %add3A_2405 = arith.constant 96 : i32
        %add3A_2406 = arith.addi %add3A_2404, %add3A_2405 : i32
        %swap3A_2407 = arith.constant 0 : i32
        %swap3A_2408 = tpu.memref_slice %arg13[%rem3A_708, %swap3A_2407] : memref<2x25600xf32, #tpu.memory_space<vmem>> -> memref<1x25600xf32, #tpu.memory_space<vmem>>
        %swap3A_2409 = tpu.memref_squeeze %swap3A_2408 : memref<1x25600xf32, #tpu.memory_space<vmem>> -> memref<25600xf32, #tpu.memory_space<vmem>>
        %swap3A_2410 = arith.index_cast %add3A_2406 : i32 to index
        %swap3A_2411 = tpu.vector_load %swap3A_2409[%swap3A_2410] {strides = array<i32>} : memref<25600xf32, #tpu.memory_space<vmem>>, vector<16xf32>,
        tpu.vector_store %swap3A_2409[%swap3A_2410], %gather3A_2400 {strides = array<i32>} : memref<25600xf32, #tpu.memory_space<vmem>>, vector<16xf32>,
        %add3A_2412 = arith.constant 640 : i32
        %add3A_2413 = vector.broadcast %add3A_2412 : i32 to vector<16xi32>
        %add3A_2414 = arith.addi %get3A_2261, %add3A_2413 : vector<16xi32>
        %gather3A_2415 = tpu.vector_load_idx %arg10[%add3A_2414] : memref<1024xf32, #tpu.memory_space<vmem>>[vector<16xi32>], vector<16xf32>,
        %mul3A_2416 = arith.constant 1024 : i32
        %mul3A_2417 = arith.muli %scan3A_760, %mul3A_2416 : i32
        %add3A_2418 = arith.constant 256 : i32
        %add3A_2419 = arith.addi %mul3A_2417, %add3A_2418 : i32
        %add3A_2420 = arith.constant 96 : i32
        %add3A_2421 = arith.addi %add3A_2419, %add3A_2420 : i32
        %swap3A_2422 = arith.constant 0 : i32
        %swap3A_2423 = tpu.memref_slice %arg13[%rem3A_708, %swap3A_2422] : memref<2x25600xf32, #tpu.memory_space<vmem>> -> memref<1x25600xf32, #tpu.memory_space<vmem>>
        %swap3A_2424 = tpu.memref_squeeze %swap3A_2423 : memref<1x25600xf32, #tpu.memory_space<vmem>> -> memref<25600xf32, #tpu.memory_space<vmem>>
        %swap3A_2425 = arith.index_cast %add3A_2421 : i32 to index
        %swap3A_2426 = tpu.vector_load %swap3A_2424[%swap3A_2425] {strides = array<i32>} : memref<25600xf32, #tpu.memory_space<vmem>>, vector<16xf32>,
        tpu.vector_store %swap3A_2424[%swap3A_2425], %gather3A_2415 {strides = array<i32>} : memref<25600xf32, #tpu.memory_space<vmem>>, vector<16xf32>,
        %add3A_2427 = arith.constant 704 : i32
        %add3A_2428 = vector.broadcast %add3A_2427 : i32 to vector<16xi32>
        %add3A_2429 = arith.addi %get3A_2261, %add3A_2428 : vector<16xi32>
        %gather3A_2430 = tpu.vector_load_idx %arg10[%add3A_2429] : memref<1024xf32, #tpu.memory_space<vmem>>[vector<16xi32>], vector<16xf32>,
        %mul3A_2431 = arith.constant 1024 : i32
        %mul3A_2432 = arith.muli %scan3A_760, %mul3A_2431 : i32
        %add3A_2433 = arith.constant 384 : i32
        %add3A_2434 = arith.addi %mul3A_2432, %add3A_2433 : i32
        %add3A_2435 = arith.constant 96 : i32
        %add3A_2436 = arith.addi %add3A_2434, %add3A_2435 : i32
        %swap3A_2437 = arith.constant 0 : i32
        %swap3A_2438 = tpu.memref_slice %arg13[%rem3A_708, %swap3A_2437] : memref<2x25600xf32, #tpu.memory_space<vmem>> -> memref<1x25600xf32, #tpu.memory_space<vmem>>
        %swap3A_2439 = tpu.memref_squeeze %swap3A_2438 : memref<1x25600xf32, #tpu.memory_space<vmem>> -> memref<25600xf32, #tpu.memory_space<vmem>>
        %swap3A_2440 = arith.index_cast %add3A_2436 : i32 to index
        %swap3A_2441 = tpu.vector_load %swap3A_2439[%swap3A_2440] {strides = array<i32>} : memref<25600xf32, #tpu.memory_space<vmem>>, vector<16xf32>,
        tpu.vector_store %swap3A_2439[%swap3A_2440], %gather3A_2430 {strides = array<i32>} : memref<25600xf32, #tpu.memory_space<vmem>>, vector<16xf32>,
        %add3A_2442 = arith.constant 768 : i32
        %add3A_2443 = vector.broadcast %add3A_2442 : i32 to vector<16xi32>
        %add3A_2444 = arith.addi %get3A_2261, %add3A_2443 : vector<16xi32>
        %gather3A_2445 = tpu.vector_load_idx %arg10[%add3A_2444] : memref<1024xf32, #tpu.memory_space<vmem>>[vector<16xi32>], vector<16xf32>,
        %mul3A_2446 = arith.constant 1024 : i32
        %mul3A_2447 = arith.muli %scan3A_760, %mul3A_2446 : i32
        %add3A_2448 = arith.constant 512 : i32
        %add3A_2449 = arith.addi %mul3A_2447, %add3A_2448 : i32
        %add3A_2450 = arith.constant 96 : i32
        %add3A_2451 = arith.addi %add3A_2449, %add3A_2450 : i32
        %swap3A_2452 = arith.constant 0 : i32
        %swap3A_2453 = tpu.memref_slice %arg13[%rem3A_708, %swap3A_2452] : memref<2x25600xf32, #tpu.memory_space<vmem>> -> memref<1x25600xf32, #tpu.memory_space<vmem>>
        %swap3A_2454 = tpu.memref_squeeze %swap3A_2453 : memref<1x25600xf32, #tpu.memory_space<vmem>> -> memref<25600xf32, #tpu.memory_space<vmem>>
        %swap3A_2455 = arith.index_cast %add3A_2451 : i32 to index
        %swap3A_2456 = tpu.vector_load %swap3A_2454[%swap3A_2455] {strides = array<i32>} : memref<25600xf32, #tpu.memory_space<vmem>>, vector<16xf32>,
        tpu.vector_store %swap3A_2454[%swap3A_2455], %gather3A_2445 {strides = array<i32>} : memref<25600xf32, #tpu.memory_space<vmem>>, vector<16xf32>,
        %add3A_2457 = arith.constant 832 : i32
        %add3A_2458 = vector.broadcast %add3A_2457 : i32 to vector<16xi32>
        %add3A_2459 = arith.addi %get3A_2261, %add3A_2458 : vector<16xi32>
        %gather3A_2460 = tpu.vector_load_idx %arg10[%add3A_2459] : memref<1024xf32, #tpu.memory_space<vmem>>[vector<16xi32>], vector<16xf32>,
        %mul3A_2461 = arith.constant 1024 : i32
        %mul3A_2462 = arith.muli %scan3A_760, %mul3A_2461 : i32
        %add3A_2463 = arith.constant 640 : i32
        %add3A_2464 = arith.addi %mul3A_2462, %add3A_2463 : i32
        %add3A_2465 = arith.constant 96 : i32
        %add3A_2466 = arith.addi %add3A_2464, %add3A_2465 : i32
        %swap3A_2467 = arith.constant 0 : i32
        %swap3A_2468 = tpu.memref_slice %arg13[%rem3A_708, %swap3A_2467] : memref<2x25600xf32, #tpu.memory_space<vmem>> -> memref<1x25600xf32, #tpu.memory_space<vmem>>
        %swap3A_2469 = tpu.memref_squeeze %swap3A_2468 : memref<1x25600xf32, #tpu.memory_space<vmem>> -> memref<25600xf32, #tpu.memory_space<vmem>>
        %swap3A_2470 = arith.index_cast %add3A_2466 : i32 to index
        %swap3A_2471 = tpu.vector_load %swap3A_2469[%swap3A_2470] {strides = array<i32>} : memref<25600xf32, #tpu.memory_space<vmem>>, vector<16xf32>,
        tpu.vector_store %swap3A_2469[%swap3A_2470], %gather3A_2460 {strides = array<i32>} : memref<25600xf32, #tpu.memory_space<vmem>>, vector<16xf32>,
        %add3A_2472 = arith.constant 896 : i32
        %add3A_2473 = vector.broadcast %add3A_2472 : i32 to vector<16xi32>
        %add3A_2474 = arith.addi %get3A_2261, %add3A_2473 : vector<16xi32>
        %gather3A_2475 = tpu.vector_load_idx %arg10[%add3A_2474] : memref<1024xf32, #tpu.memory_space<vmem>>[vector<16xi32>], vector<16xf32>,
        %mul3A_2476 = arith.constant 1024 : i32
        %mul3A_2477 = arith.muli %scan3A_760, %mul3A_2476 : i32
        %add3A_2478 = arith.constant 768 : i32
        %add3A_2479 = arith.addi %mul3A_2477, %add3A_2478 : i32
        %add3A_2480 = arith.constant 96 : i32
        %add3A_2481 = arith.addi %add3A_2479, %add3A_2480 : i32
        %swap3A_2482 = arith.constant 0 : i32
        %swap3A_2483 = tpu.memref_slice %arg13[%rem3A_708, %swap3A_2482] : memref<2x25600xf32, #tpu.memory_space<vmem>> -> memref<1x25600xf32, #tpu.memory_space<vmem>>
        %swap3A_2484 = tpu.memref_squeeze %swap3A_2483 : memref<1x25600xf32, #tpu.memory_space<vmem>> -> memref<25600xf32, #tpu.memory_space<vmem>>
        %swap3A_2485 = arith.index_cast %add3A_2481 : i32 to index
        %swap3A_2486 = tpu.vector_load %swap3A_2484[%swap3A_2485] {strides = array<i32>} : memref<25600xf32, #tpu.memory_space<vmem>>, vector<16xf32>,
        tpu.vector_store %swap3A_2484[%swap3A_2485], %gather3A_2475 {strides = array<i32>} : memref<25600xf32, #tpu.memory_space<vmem>>, vector<16xf32>,
        %add3A_2487 = arith.constant 960 : i32
        %add3A_2488 = vector.broadcast %add3A_2487 : i32 to vector<16xi32>
        %add3A_2489 = arith.addi %get3A_2261, %add3A_2488 : vector<16xi32>
        %gather3A_2490 = tpu.vector_load_idx %arg10[%add3A_2489] : memref<1024xf32, #tpu.memory_space<vmem>>[vector<16xi32>], vector<16xf32>,
        %mul3A_2491 = arith.constant 1024 : i32
        %mul3A_2492 = arith.muli %scan3A_760, %mul3A_2491 : i32
        %add3A_2493 = arith.constant 896 : i32
        %add3A_2494 = arith.addi %mul3A_2492, %add3A_2493 : i32
        %add3A_2495 = arith.constant 96 : i32
        %add3A_2496 = arith.addi %add3A_2494, %add3A_2495 : i32
        %swap3A_2497 = arith.constant 0 : i32
        %swap3A_2498 = tpu.memref_slice %arg13[%rem3A_708, %swap3A_2497] : memref<2x25600xf32, #tpu.memory_space<vmem>> -> memref<1x25600xf32, #tpu.memory_space<vmem>>
        %swap3A_2499 = tpu.memref_squeeze %swap3A_2498 : memref<1x25600xf32, #tpu.memory_space<vmem>> -> memref<25600xf32, #tpu.memory_space<vmem>>
        %swap3A_2500 = arith.index_cast %add3A_2496 : i32 to index
        %swap3A_2501 = tpu.vector_load %swap3A_2499[%swap3A_2500] {strides = array<i32>} : memref<25600xf32, #tpu.memory_space<vmem>>, vector<16xf32>,
        tpu.vector_store %swap3A_2499[%swap3A_2500], %gather3A_2490 {strides = array<i32>} : memref<25600xf32, #tpu.memory_space<vmem>>, vector<16xf32>,
        %mul3A_2502 = arith.constant 128 : i32
        %mul3A_2503 = arith.muli %scan3A_760, %mul3A_2502 : i32
        %add3A_2504 = arith.constant 112 : i32
        %add3A_2505 = arith.addi %mul3A_2503, %add3A_2504 : i32
        %get3A_2506 = arith.constant 0 : i32
        %get3A_2507 = tpu.memref_slice %arg11[%rem3A_708, %get3A_2506] : memref<2x3200xi32, #tpu.memory_space<vmem>> -> memref<1x3200xi32, #tpu.memory_space<vmem>>
        %get3A_2508 = tpu.memref_squeeze %get3A_2507 : memref<1x3200xi32, #tpu.memory_space<vmem>> -> memref<3200xi32, #tpu.memory_space<vmem>>
        %get3A_2509 = arith.index_cast %add3A_2505 : i32 to index
        %get3A_2510 = tpu.vector_load %get3A_2508[%get3A_2509] {strides = array<i32>} : memref<3200xi32, #tpu.memory_space<vmem>>, vector<16xi32>,
        %add3A_2511 = arith.constant 0 : i32
        %add3A_2512 = vector.broadcast %add3A_2511 : i32 to vector<16xi32>
        %add3A_2513 = arith.addi %get3A_2510, %add3A_2512 : vector<16xi32>
        %gather3A_2514 = tpu.vector_load_idx %arg10[%add3A_2513] : memref<1024xf32, #tpu.memory_space<vmem>>[vector<16xi32>], vector<16xf32>,
        %mul3A_2515 = arith.constant 1024 : i32
        %mul3A_2516 = arith.muli %scan3A_760, %mul3A_2515 : i32
        %add3A_2517 = arith.constant 0 : i32
        %add3A_2518 = arith.addi %mul3A_2516, %add3A_2517 : i32
        %add3A_2519 = arith.constant 112 : i32
        %add3A_2520 = arith.addi %add3A_2518, %add3A_2519 : i32
        %swap3A_2521 = arith.constant 0 : i32
        %swap3A_2522 = tpu.memref_slice %arg12[%rem3A_708, %swap3A_2521] : memref<2x25600xf32, #tpu.memory_space<vmem>> -> memref<1x25600xf32, #tpu.memory_space<vmem>>
        %swap3A_2523 = tpu.memref_squeeze %swap3A_2522 : memref<1x25600xf32, #tpu.memory_space<vmem>> -> memref<25600xf32, #tpu.memory_space<vmem>>
        %swap3A_2524 = arith.index_cast %add3A_2520 : i32 to index
        %swap3A_2525 = tpu.vector_load %swap3A_2523[%swap3A_2524] {strides = array<i32>} : memref<25600xf32, #tpu.memory_space<vmem>>, vector<16xf32>,
        tpu.vector_store %swap3A_2523[%swap3A_2524], %gather3A_2514 {strides = array<i32>} : memref<25600xf32, #tpu.memory_space<vmem>>, vector<16xf32>,
        %add3A_2526 = arith.constant 64 : i32
        %add3A_2527 = vector.broadcast %add3A_2526 : i32 to vector<16xi32>
        %add3A_2528 = arith.addi %get3A_2510, %add3A_2527 : vector<16xi32>
        %gather3A_2529 = tpu.vector_load_idx %arg10[%add3A_2528] : memref<1024xf32, #tpu.memory_space<vmem>>[vector<16xi32>], vector<16xf32>,
        %mul3A_2530 = arith.constant 1024 : i32
        %mul3A_2531 = arith.muli %scan3A_760, %mul3A_2530 : i32
        %add3A_2532 = arith.constant 128 : i32
        %add3A_2533 = arith.addi %mul3A_2531, %add3A_2532 : i32
        %add3A_2534 = arith.constant 112 : i32
        %add3A_2535 = arith.addi %add3A_2533, %add3A_2534 : i32
        %swap3A_2536 = arith.constant 0 : i32
        %swap3A_2537 = tpu.memref_slice %arg12[%rem3A_708, %swap3A_2536] : memref<2x25600xf32, #tpu.memory_space<vmem>> -> memref<1x25600xf32, #tpu.memory_space<vmem>>
        %swap3A_2538 = tpu.memref_squeeze %swap3A_2537 : memref<1x25600xf32, #tpu.memory_space<vmem>> -> memref<25600xf32, #tpu.memory_space<vmem>>
        %swap3A_2539 = arith.index_cast %add3A_2535 : i32 to index
        %swap3A_2540 = tpu.vector_load %swap3A_2538[%swap3A_2539] {strides = array<i32>} : memref<25600xf32, #tpu.memory_space<vmem>>, vector<16xf32>,
        tpu.vector_store %swap3A_2538[%swap3A_2539], %gather3A_2529 {strides = array<i32>} : memref<25600xf32, #tpu.memory_space<vmem>>, vector<16xf32>,
        %add3A_2541 = arith.constant 128 : i32
        %add3A_2542 = vector.broadcast %add3A_2541 : i32 to vector<16xi32>
        %add3A_2543 = arith.addi %get3A_2510, %add3A_2542 : vector<16xi32>
        %gather3A_2544 = tpu.vector_load_idx %arg10[%add3A_2543] : memref<1024xf32, #tpu.memory_space<vmem>>[vector<16xi32>], vector<16xf32>,
        %mul3A_2545 = arith.constant 1024 : i32
        %mul3A_2546 = arith.muli %scan3A_760, %mul3A_2545 : i32
        %add3A_2547 = arith.constant 256 : i32
        %add3A_2548 = arith.addi %mul3A_2546, %add3A_2547 : i32
        %add3A_2549 = arith.constant 112 : i32
        %add3A_2550 = arith.addi %add3A_2548, %add3A_2549 : i32
        %swap3A_2551 = arith.constant 0 : i32
        %swap3A_2552 = tpu.memref_slice %arg12[%rem3A_708, %swap3A_2551] : memref<2x25600xf32, #tpu.memory_space<vmem>> -> memref<1x25600xf32, #tpu.memory_space<vmem>>
        %swap3A_2553 = tpu.memref_squeeze %swap3A_2552 : memref<1x25600xf32, #tpu.memory_space<vmem>> -> memref<25600xf32, #tpu.memory_space<vmem>>
        %swap3A_2554 = arith.index_cast %add3A_2550 : i32 to index
        %swap3A_2555 = tpu.vector_load %swap3A_2553[%swap3A_2554] {strides = array<i32>} : memref<25600xf32, #tpu.memory_space<vmem>>, vector<16xf32>,
        tpu.vector_store %swap3A_2553[%swap3A_2554], %gather3A_2544 {strides = array<i32>} : memref<25600xf32, #tpu.memory_space<vmem>>, vector<16xf32>,
        %add3A_2556 = arith.constant 192 : i32
        %add3A_2557 = vector.broadcast %add3A_2556 : i32 to vector<16xi32>
        %add3A_2558 = arith.addi %get3A_2510, %add3A_2557 : vector<16xi32>
        %gather3A_2559 = tpu.vector_load_idx %arg10[%add3A_2558] : memref<1024xf32, #tpu.memory_space<vmem>>[vector<16xi32>], vector<16xf32>,
        %mul3A_2560 = arith.constant 1024 : i32
        %mul3A_2561 = arith.muli %scan3A_760, %mul3A_2560 : i32
        %add3A_2562 = arith.constant 384 : i32
        %add3A_2563 = arith.addi %mul3A_2561, %add3A_2562 : i32
        %add3A_2564 = arith.constant 112 : i32
        %add3A_2565 = arith.addi %add3A_2563, %add3A_2564 : i32
        %swap3A_2566 = arith.constant 0 : i32
        %swap3A_2567 = tpu.memref_slice %arg12[%rem3A_708, %swap3A_2566] : memref<2x25600xf32, #tpu.memory_space<vmem>> -> memref<1x25600xf32, #tpu.memory_space<vmem>>
        %swap3A_2568 = tpu.memref_squeeze %swap3A_2567 : memref<1x25600xf32, #tpu.memory_space<vmem>> -> memref<25600xf32, #tpu.memory_space<vmem>>
        %swap3A_2569 = arith.index_cast %add3A_2565 : i32 to index
        %swap3A_2570 = tpu.vector_load %swap3A_2568[%swap3A_2569] {strides = array<i32>} : memref<25600xf32, #tpu.memory_space<vmem>>, vector<16xf32>,
        tpu.vector_store %swap3A_2568[%swap3A_2569], %gather3A_2559 {strides = array<i32>} : memref<25600xf32, #tpu.memory_space<vmem>>, vector<16xf32>,
        %add3A_2571 = arith.constant 256 : i32
        %add3A_2572 = vector.broadcast %add3A_2571 : i32 to vector<16xi32>
        %add3A_2573 = arith.addi %get3A_2510, %add3A_2572 : vector<16xi32>
        %gather3A_2574 = tpu.vector_load_idx %arg10[%add3A_2573] : memref<1024xf32, #tpu.memory_space<vmem>>[vector<16xi32>], vector<16xf32>,
        %mul3A_2575 = arith.constant 1024 : i32
        %mul3A_2576 = arith.muli %scan3A_760, %mul3A_2575 : i32
        %add3A_2577 = arith.constant 512 : i32
        %add3A_2578 = arith.addi %mul3A_2576, %add3A_2577 : i32
        %add3A_2579 = arith.constant 112 : i32
        %add3A_2580 = arith.addi %add3A_2578, %add3A_2579 : i32
        %swap3A_2581 = arith.constant 0 : i32
        %swap3A_2582 = tpu.memref_slice %arg12[%rem3A_708, %swap3A_2581] : memref<2x25600xf32, #tpu.memory_space<vmem>> -> memref<1x25600xf32, #tpu.memory_space<vmem>>
        %swap3A_2583 = tpu.memref_squeeze %swap3A_2582 : memref<1x25600xf32, #tpu.memory_space<vmem>> -> memref<25600xf32, #tpu.memory_space<vmem>>
        %swap3A_2584 = arith.index_cast %add3A_2580 : i32 to index
        %swap3A_2585 = tpu.vector_load %swap3A_2583[%swap3A_2584] {strides = array<i32>} : memref<25600xf32, #tpu.memory_space<vmem>>, vector<16xf32>,
        tpu.vector_store %swap3A_2583[%swap3A_2584], %gather3A_2574 {strides = array<i32>} : memref<25600xf32, #tpu.memory_space<vmem>>, vector<16xf32>,
        %add3A_2586 = arith.constant 320 : i32
        %add3A_2587 = vector.broadcast %add3A_2586 : i32 to vector<16xi32>
        %add3A_2588 = arith.addi %get3A_2510, %add3A_2587 : vector<16xi32>
        %gather3A_2589 = tpu.vector_load_idx %arg10[%add3A_2588] : memref<1024xf32, #tpu.memory_space<vmem>>[vector<16xi32>], vector<16xf32>,
        %mul3A_2590 = arith.constant 1024 : i32
        %mul3A_2591 = arith.muli %scan3A_760, %mul3A_2590 : i32
        %add3A_2592 = arith.constant 640 : i32
        %add3A_2593 = arith.addi %mul3A_2591, %add3A_2592 : i32
        %add3A_2594 = arith.constant 112 : i32
        %add3A_2595 = arith.addi %add3A_2593, %add3A_2594 : i32
        %swap3A_2596 = arith.constant 0 : i32
        %swap3A_2597 = tpu.memref_slice %arg12[%rem3A_708, %swap3A_2596] : memref<2x25600xf32, #tpu.memory_space<vmem>> -> memref<1x25600xf32, #tpu.memory_space<vmem>>
        %swap3A_2598 = tpu.memref_squeeze %swap3A_2597 : memref<1x25600xf32, #tpu.memory_space<vmem>> -> memref<25600xf32, #tpu.memory_space<vmem>>
        %swap3A_2599 = arith.index_cast %add3A_2595 : i32 to index
        %swap3A_2600 = tpu.vector_load %swap3A_2598[%swap3A_2599] {strides = array<i32>} : memref<25600xf32, #tpu.memory_space<vmem>>, vector<16xf32>,
        tpu.vector_store %swap3A_2598[%swap3A_2599], %gather3A_2589 {strides = array<i32>} : memref<25600xf32, #tpu.memory_space<vmem>>, vector<16xf32>,
        %add3A_2601 = arith.constant 384 : i32
        %add3A_2602 = vector.broadcast %add3A_2601 : i32 to vector<16xi32>
        %add3A_2603 = arith.addi %get3A_2510, %add3A_2602 : vector<16xi32>
        %gather3A_2604 = tpu.vector_load_idx %arg10[%add3A_2603] : memref<1024xf32, #tpu.memory_space<vmem>>[vector<16xi32>], vector<16xf32>,
        %mul3A_2605 = arith.constant 1024 : i32
        %mul3A_2606 = arith.muli %scan3A_760, %mul3A_2605 : i32
        %add3A_2607 = arith.constant 768 : i32
        %add3A_2608 = arith.addi %mul3A_2606, %add3A_2607 : i32
        %add3A_2609 = arith.constant 112 : i32
        %add3A_2610 = arith.addi %add3A_2608, %add3A_2609 : i32
        %swap3A_2611 = arith.constant 0 : i32
        %swap3A_2612 = tpu.memref_slice %arg12[%rem3A_708, %swap3A_2611] : memref<2x25600xf32, #tpu.memory_space<vmem>> -> memref<1x25600xf32, #tpu.memory_space<vmem>>
        %swap3A_2613 = tpu.memref_squeeze %swap3A_2612 : memref<1x25600xf32, #tpu.memory_space<vmem>> -> memref<25600xf32, #tpu.memory_space<vmem>>
        %swap3A_2614 = arith.index_cast %add3A_2610 : i32 to index
        %swap3A_2615 = tpu.vector_load %swap3A_2613[%swap3A_2614] {strides = array<i32>} : memref<25600xf32, #tpu.memory_space<vmem>>, vector<16xf32>,
        tpu.vector_store %swap3A_2613[%swap3A_2614], %gather3A_2604 {strides = array<i32>} : memref<25600xf32, #tpu.memory_space<vmem>>, vector<16xf32>,
        %add3A_2616 = arith.constant 448 : i32
        %add3A_2617 = vector.broadcast %add3A_2616 : i32 to vector<16xi32>
        %add3A_2618 = arith.addi %get3A_2510, %add3A_2617 : vector<16xi32>
        %gather3A_2619 = tpu.vector_load_idx %arg10[%add3A_2618] : memref<1024xf32, #tpu.memory_space<vmem>>[vector<16xi32>], vector<16xf32>,
        %mul3A_2620 = arith.constant 1024 : i32
        %mul3A_2621 = arith.muli %scan3A_760, %mul3A_2620 : i32
        %add3A_2622 = arith.constant 896 : i32
        %add3A_2623 = arith.addi %mul3A_2621, %add3A_2622 : i32
        %add3A_2624 = arith.constant 112 : i32
        %add3A_2625 = arith.addi %add3A_2623, %add3A_2624 : i32
        %swap3A_2626 = arith.constant 0 : i32
        %swap3A_2627 = tpu.memref_slice %arg12[%rem3A_708, %swap3A_2626] : memref<2x25600xf32, #tpu.memory_space<vmem>> -> memref<1x25600xf32, #tpu.memory_space<vmem>>
        %swap3A_2628 = tpu.memref_squeeze %swap3A_2627 : memref<1x25600xf32, #tpu.memory_space<vmem>> -> memref<25600xf32, #tpu.memory_space<vmem>>
        %swap3A_2629 = arith.index_cast %add3A_2625 : i32 to index
        %swap3A_2630 = tpu.vector_load %swap3A_2628[%swap3A_2629] {strides = array<i32>} : memref<25600xf32, #tpu.memory_space<vmem>>, vector<16xf32>,
        tpu.vector_store %swap3A_2628[%swap3A_2629], %gather3A_2619 {strides = array<i32>} : memref<25600xf32, #tpu.memory_space<vmem>>, vector<16xf32>,
        %add3A_2631 = arith.constant 512 : i32
        %add3A_2632 = vector.broadcast %add3A_2631 : i32 to vector<16xi32>
        %add3A_2633 = arith.addi %get3A_2510, %add3A_2632 : vector<16xi32>
        %gather3A_2634 = tpu.vector_load_idx %arg10[%add3A_2633] : memref<1024xf32, #tpu.memory_space<vmem>>[vector<16xi32>], vector<16xf32>,
        %mul3A_2635 = arith.constant 1024 : i32
        %mul3A_2636 = arith.muli %scan3A_760, %mul3A_2635 : i32
        %add3A_2637 = arith.constant 0 : i32
        %add3A_2638 = arith.addi %mul3A_2636, %add3A_2637 : i32
        %add3A_2639 = arith.constant 112 : i32
        %add3A_2640 = arith.addi %add3A_2638, %add3A_2639 : i32
        %swap3A_2641 = arith.constant 0 : i32
        %swap3A_2642 = tpu.memref_slice %arg13[%rem3A_708, %swap3A_2641] : memref<2x25600xf32, #tpu.memory_space<vmem>> -> memref<1x25600xf32, #tpu.memory_space<vmem>>
        %swap3A_2643 = tpu.memref_squeeze %swap3A_2642 : memref<1x25600xf32, #tpu.memory_space<vmem>> -> memref<25600xf32, #tpu.memory_space<vmem>>
        %swap3A_2644 = arith.index_cast %add3A_2640 : i32 to index
        %swap3A_2645 = tpu.vector_load %swap3A_2643[%swap3A_2644] {strides = array<i32>} : memref<25600xf32, #tpu.memory_space<vmem>>, vector<16xf32>,
        tpu.vector_store %swap3A_2643[%swap3A_2644], %gather3A_2634 {strides = array<i32>} : memref<25600xf32, #tpu.memory_space<vmem>>, vector<16xf32>,
        %add3A_2646 = arith.constant 576 : i32
        %add3A_2647 = vector.broadcast %add3A_2646 : i32 to vector<16xi32>
        %add3A_2648 = arith.addi %get3A_2510, %add3A_2647 : vector<16xi32>
        %gather3A_2649 = tpu.vector_load_idx %arg10[%add3A_2648] : memref<1024xf32, #tpu.memory_space<vmem>>[vector<16xi32>], vector<16xf32>,
        %mul3A_2650 = arith.constant 1024 : i32
        %mul3A_2651 = arith.muli %scan3A_760, %mul3A_2650 : i32
        %add3A_2652 = arith.constant 128 : i32
        %add3A_2653 = arith.addi %mul3A_2651, %add3A_2652 : i32
        %add3A_2654 = arith.constant 112 : i32
        %add3A_2655 = arith.addi %add3A_2653, %add3A_2654 : i32
        %swap3A_2656 = arith.constant 0 : i32
        %swap3A_2657 = tpu.memref_slice %arg13[%rem3A_708, %swap3A_2656] : memref<2x25600xf32, #tpu.memory_space<vmem>> -> memref<1x25600xf32, #tpu.memory_space<vmem>>
        %swap3A_2658 = tpu.memref_squeeze %swap3A_2657 : memref<1x25600xf32, #tpu.memory_space<vmem>> -> memref<25600xf32, #tpu.memory_space<vmem>>
        %swap3A_2659 = arith.index_cast %add3A_2655 : i32 to index
        %swap3A_2660 = tpu.vector_load %swap3A_2658[%swap3A_2659] {strides = array<i32>} : memref<25600xf32, #tpu.memory_space<vmem>>, vector<16xf32>,
        tpu.vector_store %swap3A_2658[%swap3A_2659], %gather3A_2649 {strides = array<i32>} : memref<25600xf32, #tpu.memory_space<vmem>>, vector<16xf32>,
        %add3A_2661 = arith.constant 640 : i32
        %add3A_2662 = vector.broadcast %add3A_2661 : i32 to vector<16xi32>
        %add3A_2663 = arith.addi %get3A_2510, %add3A_2662 : vector<16xi32>
        %gather3A_2664 = tpu.vector_load_idx %arg10[%add3A_2663] : memref<1024xf32, #tpu.memory_space<vmem>>[vector<16xi32>], vector<16xf32>,
        %mul3A_2665 = arith.constant 1024 : i32
        %mul3A_2666 = arith.muli %scan3A_760, %mul3A_2665 : i32
        %add3A_2667 = arith.constant 256 : i32
        %add3A_2668 = arith.addi %mul3A_2666, %add3A_2667 : i32
        %add3A_2669 = arith.constant 112 : i32
        %add3A_2670 = arith.addi %add3A_2668, %add3A_2669 : i32
        %swap3A_2671 = arith.constant 0 : i32
        %swap3A_2672 = tpu.memref_slice %arg13[%rem3A_708, %swap3A_2671] : memref<2x25600xf32, #tpu.memory_space<vmem>> -> memref<1x25600xf32, #tpu.memory_space<vmem>>
        %swap3A_2673 = tpu.memref_squeeze %swap3A_2672 : memref<1x25600xf32, #tpu.memory_space<vmem>> -> memref<25600xf32, #tpu.memory_space<vmem>>
        %swap3A_2674 = arith.index_cast %add3A_2670 : i32 to index
        %swap3A_2675 = tpu.vector_load %swap3A_2673[%swap3A_2674] {strides = array<i32>} : memref<25600xf32, #tpu.memory_space<vmem>>, vector<16xf32>,
        tpu.vector_store %swap3A_2673[%swap3A_2674], %gather3A_2664 {strides = array<i32>} : memref<25600xf32, #tpu.memory_space<vmem>>, vector<16xf32>,
        %add3A_2676 = arith.constant 704 : i32
        %add3A_2677 = vector.broadcast %add3A_2676 : i32 to vector<16xi32>
        %add3A_2678 = arith.addi %get3A_2510, %add3A_2677 : vector<16xi32>
        %gather3A_2679 = tpu.vector_load_idx %arg10[%add3A_2678] : memref<1024xf32, #tpu.memory_space<vmem>>[vector<16xi32>], vector<16xf32>,
        %mul3A_2680 = arith.constant 1024 : i32
        %mul3A_2681 = arith.muli %scan3A_760, %mul3A_2680 : i32
        %add3A_2682 = arith.constant 384 : i32
        %add3A_2683 = arith.addi %mul3A_2681, %add3A_2682 : i32
        %add3A_2684 = arith.constant 112 : i32
        %add3A_2685 = arith.addi %add3A_2683, %add3A_2684 : i32
        %swap3A_2686 = arith.constant 0 : i32
        %swap3A_2687 = tpu.memref_slice %arg13[%rem3A_708, %swap3A_2686] : memref<2x25600xf32, #tpu.memory_space<vmem>> -> memref<1x25600xf32, #tpu.memory_space<vmem>>
        %swap3A_2688 = tpu.memref_squeeze %swap3A_2687 : memref<1x25600xf32, #tpu.memory_space<vmem>> -> memref<25600xf32, #tpu.memory_space<vmem>>
        %swap3A_2689 = arith.index_cast %add3A_2685 : i32 to index
        %swap3A_2690 = tpu.vector_load %swap3A_2688[%swap3A_2689] {strides = array<i32>} : memref<25600xf32, #tpu.memory_space<vmem>>, vector<16xf32>,
        tpu.vector_store %swap3A_2688[%swap3A_2689], %gather3A_2679 {strides = array<i32>} : memref<25600xf32, #tpu.memory_space<vmem>>, vector<16xf32>,
        %add3A_2691 = arith.constant 768 : i32
        %add3A_2692 = vector.broadcast %add3A_2691 : i32 to vector<16xi32>
        %add3A_2693 = arith.addi %get3A_2510, %add3A_2692 : vector<16xi32>
        %gather3A_2694 = tpu.vector_load_idx %arg10[%add3A_2693] : memref<1024xf32, #tpu.memory_space<vmem>>[vector<16xi32>], vector<16xf32>,
        %mul3A_2695 = arith.constant 1024 : i32
        %mul3A_2696 = arith.muli %scan3A_760, %mul3A_2695 : i32
        %add3A_2697 = arith.constant 512 : i32
        %add3A_2698 = arith.addi %mul3A_2696, %add3A_2697 : i32
        %add3A_2699 = arith.constant 112 : i32
        %add3A_2700 = arith.addi %add3A_2698, %add3A_2699 : i32
        %swap3A_2701 = arith.constant 0 : i32
        %swap3A_2702 = tpu.memref_slice %arg13[%rem3A_708, %swap3A_2701] : memref<2x25600xf32, #tpu.memory_space<vmem>> -> memref<1x25600xf32, #tpu.memory_space<vmem>>
        %swap3A_2703 = tpu.memref_squeeze %swap3A_2702 : memref<1x25600xf32, #tpu.memory_space<vmem>> -> memref<25600xf32, #tpu.memory_space<vmem>>
        %swap3A_2704 = arith.index_cast %add3A_2700 : i32 to index
        %swap3A_2705 = tpu.vector_load %swap3A_2703[%swap3A_2704] {strides = array<i32>} : memref<25600xf32, #tpu.memory_space<vmem>>, vector<16xf32>,
        tpu.vector_store %swap3A_2703[%swap3A_2704], %gather3A_2694 {strides = array<i32>} : memref<25600xf32, #tpu.memory_space<vmem>>, vector<16xf32>,
        %add3A_2706 = arith.constant 832 : i32
        %add3A_2707 = vector.broadcast %add3A_2706 : i32 to vector<16xi32>
        %add3A_2708 = arith.addi %get3A_2510, %add3A_2707 : vector<16xi32>
        %gather3A_2709 = tpu.vector_load_idx %arg10[%add3A_2708] : memref<1024xf32, #tpu.memory_space<vmem>>[vector<16xi32>], vector<16xf32>,
        %mul3A_2710 = arith.constant 1024 : i32
        %mul3A_2711 = arith.muli %scan3A_760, %mul3A_2710 : i32
        %add3A_2712 = arith.constant 640 : i32
        %add3A_2713 = arith.addi %mul3A_2711, %add3A_2712 : i32
        %add3A_2714 = arith.constant 112 : i32
        %add3A_2715 = arith.addi %add3A_2713, %add3A_2714 : i32
        %swap3A_2716 = arith.constant 0 : i32
        %swap3A_2717 = tpu.memref_slice %arg13[%rem3A_708, %swap3A_2716] : memref<2x25600xf32, #tpu.memory_space<vmem>> -> memref<1x25600xf32, #tpu.memory_space<vmem>>
        %swap3A_2718 = tpu.memref_squeeze %swap3A_2717 : memref<1x25600xf32, #tpu.memory_space<vmem>> -> memref<25600xf32, #tpu.memory_space<vmem>>
        %swap3A_2719 = arith.index_cast %add3A_2715 : i32 to index
        %swap3A_2720 = tpu.vector_load %swap3A_2718[%swap3A_2719] {strides = array<i32>} : memref<25600xf32, #tpu.memory_space<vmem>>, vector<16xf32>,
        tpu.vector_store %swap3A_2718[%swap3A_2719], %gather3A_2709 {strides = array<i32>} : memref<25600xf32, #tpu.memory_space<vmem>>, vector<16xf32>,
        %add3A_2721 = arith.constant 896 : i32
        %add3A_2722 = vector.broadcast %add3A_2721 : i32 to vector<16xi32>
        %add3A_2723 = arith.addi %get3A_2510, %add3A_2722 : vector<16xi32>
        %gather3A_2724 = tpu.vector_load_idx %arg10[%add3A_2723] : memref<1024xf32, #tpu.memory_space<vmem>>[vector<16xi32>], vector<16xf32>,
        %mul3A_2725 = arith.constant 1024 : i32
        %mul3A_2726 = arith.muli %scan3A_760, %mul3A_2725 : i32
        %add3A_2727 = arith.constant 768 : i32
        %add3A_2728 = arith.addi %mul3A_2726, %add3A_2727 : i32
        %add3A_2729 = arith.constant 112 : i32
        %add3A_2730 = arith.addi %add3A_2728, %add3A_2729 : i32
        %swap3A_2731 = arith.constant 0 : i32
        %swap3A_2732 = tpu.memref_slice %arg13[%rem3A_708, %swap3A_2731] : memref<2x25600xf32, #tpu.memory_space<vmem>> -> memref<1x25600xf32, #tpu.memory_space<vmem>>
        %swap3A_2733 = tpu.memref_squeeze %swap3A_2732 : memref<1x25600xf32, #tpu.memory_space<vmem>> -> memref<25600xf32, #tpu.memory_space<vmem>>
        %swap3A_2734 = arith.index_cast %add3A_2730 : i32 to index
        %swap3A_2735 = tpu.vector_load %swap3A_2733[%swap3A_2734] {strides = array<i32>} : memref<25600xf32, #tpu.memory_space<vmem>>, vector<16xf32>,
        tpu.vector_store %swap3A_2733[%swap3A_2734], %gather3A_2724 {strides = array<i32>} : memref<25600xf32, #tpu.memory_space<vmem>>, vector<16xf32>,
        %add3A_2736 = arith.constant 960 : i32
        %add3A_2737 = vector.broadcast %add3A_2736 : i32 to vector<16xi32>
        %add3A_2738 = arith.addi %get3A_2510, %add3A_2737 : vector<16xi32>
        %gather3A_2739 = tpu.vector_load_idx %arg10[%add3A_2738] : memref<1024xf32, #tpu.memory_space<vmem>>[vector<16xi32>], vector<16xf32>,
        %mul3A_2740 = arith.constant 1024 : i32
        %mul3A_2741 = arith.muli %scan3A_760, %mul3A_2740 : i32
        %add3A_2742 = arith.constant 896 : i32
        %add3A_2743 = arith.addi %mul3A_2741, %add3A_2742 : i32
        %add3A_2744 = arith.constant 112 : i32
        %add3A_2745 = arith.addi %add3A_2743, %add3A_2744 : i32
        %swap3A_2746 = arith.constant 0 : i32
        %swap3A_2747 = tpu.memref_slice %arg13[%rem3A_708, %swap3A_2746] : memref<2x25600xf32, #tpu.memory_space<vmem>> -> memref<1x25600xf32, #tpu.memory_space<vmem>>
        %swap3A_2748 = tpu.memref_squeeze %swap3A_2747 : memref<1x25600xf32, #tpu.memory_space<vmem>> -> memref<25600xf32, #tpu.memory_space<vmem>>
        %swap3A_2749 = arith.index_cast %add3A_2745 : i32 to index
        %swap3A_2750 = tpu.vector_load %swap3A_2748[%swap3A_2749] {strides = array<i32>} : memref<25600xf32, #tpu.memory_space<vmem>>, vector<16xf32>,
        tpu.vector_store %swap3A_2748[%swap3A_2749], %gather3A_2739 {strides = array<i32>} : memref<25600xf32, #tpu.memory_space<vmem>>, vector<16xf32>,
      }
      %scan3A_737 = arith.constant 25 : i32
      %mul3A_738 = arith.constant 25600 : i32
      %mul3A_739 = arith.muli %add3A_711, %mul3A_738 : i32
      %dma_start3A_740 = arith.constant 0 : i32
      %dma_start3A_741 = tpu.memref_slice %arg12[%rem3A_708, %dma_start3A_740] : memref<2x25600xf32, #tpu.memory_space<vmem>> -> memref<1x25600xf32, #tpu.memory_space<vmem>>
      %dma_start3A_742 = tpu.memref_squeeze %dma_start3A_741 : memref<1x25600xf32, #tpu.memory_space<vmem>> -> memref<25600xf32, #tpu.memory_space<vmem>>
      %dma_start3A_743 = tpu.memref_slice %arg6[%mul3A_739] : memref<51200000xf32, #tpu.memory_space<hbm>> -> memref<25600xf32, #tpu.memory_space<hbm>>
      %dma_start3A_744 = tpu.memref_slice %arg6[%mul3A_739] : memref<51200000xf32, #tpu.memory_space<hbm>> -> memref<25600xf32, #tpu.memory_space<hbm>>
      %dma_start3A_745 = arith.constant 0 : i32
      %dma_start3A_746 = tpu.memref_slice %arg12[%rem3A_708, %dma_start3A_745] : memref<2x25600xf32, #tpu.memory_space<vmem>> -> memref<1x25600xf32, #tpu.memory_space<vmem>>
      %dma_start3A_747 = tpu.memref_squeeze %dma_start3A_746 : memref<1x25600xf32, #tpu.memory_space<vmem>> -> memref<25600xf32, #tpu.memory_space<vmem>>
      tpu.enqueue_dma source(%dma_start3A_747 : memref<25600xf32, #tpu.memory_space<vmem>>) target(%dma_start3A_744 : memref<25600xf32, #tpu.memory_space<hbm>>) target_semaphore(%arg15 : memref<!tpu.dma_semaphore, #tpu.memory_space<semaphore_mem>>)
      %mul3A_748 = arith.constant 25600 : i32
      %mul3A_749 = arith.muli %add3A_711, %mul3A_748 : i32
      %add3A_750 = arith.constant 25600000 : i32
      %add3A_751 = arith.addi %add3A_750, %mul3A_749 : i32
      %dma_start3A_752 = arith.constant 0 : i32
      %dma_start3A_753 = tpu.memref_slice %arg13[%rem3A_708, %dma_start3A_752] : memref<2x25600xf32, #tpu.memory_space<vmem>> -> memref<1x25600xf32, #tpu.memory_space<vmem>>
      %dma_start3A_754 = tpu.memref_squeeze %dma_start3A_753 : memref<1x25600xf32, #tpu.memory_space<vmem>> -> memref<25600xf32, #tpu.memory_space<vmem>>
      %dma_start3A_755 = tpu.memref_slice %arg6[%add3A_751] : memref<51200000xf32, #tpu.memory_space<hbm>> -> memref<25600xf32, #tpu.memory_space<hbm>>
      %dma_start3A_756 = tpu.memref_slice %arg6[%add3A_751] : memref<51200000xf32, #tpu.memory_space<hbm>> -> memref<25600xf32, #tpu.memory_space<hbm>>
      %dma_start3A_757 = arith.constant 0 : i32
      %dma_start3A_758 = tpu.memref_slice %arg13[%rem3A_708, %dma_start3A_757] : memref<2x25600xf32, #tpu.memory_space<vmem>> -> memref<1x25600xf32, #tpu.memory_space<vmem>>
      %dma_start3A_759 = tpu.memref_squeeze %dma_start3A_758 : memref<1x25600xf32, #tpu.memory_space<vmem>> -> memref<25600xf32, #tpu.memory_space<vmem>>
      tpu.enqueue_dma source(%dma_start3A_759 : memref<25600xf32, #tpu.memory_space<vmem>>) target(%dma_start3A_756 : memref<25600xf32, #tpu.memory_space<hbm>>) target_semaphore(%arg15 : memref<!tpu.dma_semaphore, #tpu.memory_space<semaphore_mem>>)
    }
    %while3A_675 = arith.constant 1 : i32
    scf.for %while3A_706 = %while3A_673 to %while3A_669 step %while3A_675  : i32 {
      %rem3A_707 = arith.constant 2 : i32
      %rem3A_708 = arith.remsi %while3A_706, %rem3A_707 : i32
      %mul3A_709 = arith.constant 32 : i32
      %mul3A_710 = arith.muli %while3A_706, %mul3A_709 : i32
      %add3A_711 = arith.addi %add3A, %mul3A_710 : i32
      %add3A_712 = arith.constant 1 : i32
      %add3A_713 = arith.addi %while3A_706, %add3A_712 : i32
      %lt3A_714 = arith.cmpi slt, %add3A_713, %select_n3A : i32
      %convert_element_type3A_715 = arith.extui %lt3A_714 : i1 to i32
      %cond3A_716 = arith.constant 0 : i32
      %cond3A_717 = arith.cmpi ne, %convert_element_type3A_715, %cond3A_716 : i32
      scf.if %cond3A_717 {
        %add3A_760 = arith.constant 1 : i32
        %add3A_761 = arith.addi %while3A_706, %add3A_760 : i32
        %sub3A_762 = arith.constant 1 : i32
        %sub3A_763 = arith.subi %sub3A_762, %rem3A_708 : i32
        %mul3A_764 = arith.constant 32 : i32
        %mul3A_765 = arith.muli %add3A_761, %mul3A_764 : i32
        %add3A_766 = arith.addi %add3A, %mul3A_765 : i32
        %mul3A_767 = arith.constant 3200 : i32
        %mul3A_768 = arith.muli %add3A_766, %mul3A_767 : i32
        %dma_start3A_769 = arith.constant 0 : i32
        %dma_start3A_770 = tpu.memref_slice %arg11[%sub3A_763, %dma_start3A_769] : memref<2x3200xi32, #tpu.memory_space<vmem>> -> memref<1x3200xi32, #tpu.memory_space<vmem>>
        %dma_start3A_771 = tpu.memref_squeeze %dma_start3A_770 : memref<1x3200xi32, #tpu.memory_space<vmem>> -> memref<3200xi32, #tpu.memory_space<vmem>>
        %dma_start3A_772 = tpu.memref_slice %arg2[%mul3A_768] : memref<3200000xi32, #tpu.memory_space<hbm>> -> memref<3200xi32, #tpu.memory_space<hbm>>
        %dma_start3A_773 = arith.constant 0 : i32
        %dma_start3A_774 = tpu.memref_slice %arg11[%sub3A_763, %dma_start3A_773] : memref<2x3200xi32, #tpu.memory_space<vmem>> -> memref<1x3200xi32, #tpu.memory_space<vmem>>
        %dma_start3A_775 = tpu.memref_squeeze %dma_start3A_774 : memref<1x3200xi32, #tpu.memory_space<vmem>> -> memref<3200xi32, #tpu.memory_space<vmem>>
        %dma_start3A_776 = tpu.memref_slice %arg2[%mul3A_768] : memref<3200000xi32, #tpu.memory_space<hbm>> -> memref<3200xi32, #tpu.memory_space<hbm>>
        tpu.enqueue_dma source(%dma_start3A_776 : memref<3200xi32, #tpu.memory_space<hbm>>) target(%dma_start3A_775 : memref<3200xi32, #tpu.memory_space<vmem>>) target_semaphore(%arg14 : memref<!tpu.dma_semaphore, #tpu.memory_space<semaphore_mem>>)
      } else {
      }
      %mul3A_718 = arith.constant 3200 : i32
      %mul3A_719 = arith.muli %add3A_711, %mul3A_718 : i32
      %dma_wait3A_720 = arith.constant 0 : i32
      %dma_wait3A_721 = tpu.memref_slice %arg11[%rem3A_708, %dma_wait3A_720] : memref<2x3200xi32, #tpu.memory_space<vmem>> -> memref<1x3200xi32, #tpu.memory_space<vmem>>
      %dma_wait3A_722 = tpu.memref_squeeze %dma_wait3A_721 : memref<1x3200xi32, #tpu.memory_space<vmem>> -> memref<3200xi32, #tpu.memory_space<vmem>>
      %dma_wait3A_723 = tpu.memref_slice %arg2[%mul3A_719] : memref<3200000xi32, #tpu.memory_space<hbm>> -> memref<3200xi32, #tpu.memory_space<hbm>>
      %dma_wait3A_724 = arith.constant 0 : i32
      %dma_wait3A_725 = tpu.memref_slice %arg11[%rem3A_708, %dma_wait3A_724] : memref<2x3200xi32, #tpu.memory_space<vmem>> -> memref<1x3200xi32, #tpu.memory_space<vmem>>
      %dma_wait3A_726 = tpu.memref_squeeze %dma_wait3A_725 : memref<1x3200xi32, #tpu.memory_space<vmem>> -> memref<3200xi32, #tpu.memory_space<vmem>>
      %dma_wait3A_727 = tpu.memref_slice %arg2[%mul3A_719] : memref<3200000xi32, #tpu.memory_space<hbm>> -> memref<3200xi32, #tpu.memory_space<hbm>>
      tpu.wait_dma2 semaphore(%arg14 : memref<!tpu.dma_semaphore, #tpu.memory_space<semaphore_mem>>) src(%dma_wait3A_727 : memref<3200xi32, #tpu.memory_space<hbm>>) dst(%dma_wait3A_726 : memref<3200xi32, #tpu.memory_space<vmem>>)
      %ge3A_728 = arith.constant 2 : i32
      %ge3A_729 = arith.cmpi sge, %while3A_706, %ge3A_728 : i32
      %convert_element_type3A_730 = arith.extui %ge3A_729 : i1 to i32
      %cond3A_731 = arith.constant 0 : i32
      %cond3A_732 = arith.cmpi ne, %convert_element_type3A_730, %cond3A_731 : i32
      scf.if %cond3A_732 {
        %sub3A_760 = arith.constant 2 : i32
        %sub3A_761 = arith.subi %while3A_706, %sub3A_760 : i32
        %mul3A_762 = arith.constant 32 : i32
        %mul3A_763 = arith.muli %sub3A_761, %mul3A_762 : i32
        %add3A_764 = arith.addi %add3A, %mul3A_763 : i32
        %mul3A_765 = arith.constant 25600 : i32
        %mul3A_766 = arith.muli %add3A_764, %mul3A_765 : i32
        %dma_wait3A_767 = arith.constant 0 : i32
        %dma_wait3A_768 = tpu.memref_slice %arg12[%rem3A_708, %dma_wait3A_767] : memref<2x25600xf32, #tpu.memory_space<vmem>> -> memref<1x25600xf32, #tpu.memory_space<vmem>>
        %dma_wait3A_769 = tpu.memref_squeeze %dma_wait3A_768 : memref<1x25600xf32, #tpu.memory_space<vmem>> -> memref<25600xf32, #tpu.memory_space<vmem>>
        %dma_wait3A_770 = tpu.memref_slice %arg6[%mul3A_766] : memref<51200000xf32, #tpu.memory_space<hbm>> -> memref<25600xf32, #tpu.memory_space<hbm>>
        %dma_wait3A_771 = tpu.memref_slice %arg6[%mul3A_766] : memref<51200000xf32, #tpu.memory_space<hbm>> -> memref<25600xf32, #tpu.memory_space<hbm>>
        %dma_wait3A_772 = arith.constant 0 : i32
        %dma_wait3A_773 = tpu.memref_slice %arg12[%rem3A_708, %dma_wait3A_772] : memref<2x25600xf32, #tpu.memory_space<vmem>> -> memref<1x25600xf32, #tpu.memory_space<vmem>>
        %dma_wait3A_774 = tpu.memref_squeeze %dma_wait3A_773 : memref<1x25600xf32, #tpu.memory_space<vmem>> -> memref<25600xf32, #tpu.memory_space<vmem>>
        tpu.wait_dma2 semaphore(%arg15 : memref<!tpu.dma_semaphore, #tpu.memory_space<semaphore_mem>>) src(%dma_wait3A_774 : memref<25600xf32, #tpu.memory_space<vmem>>) dst(%dma_wait3A_771 : memref<25600xf32, #tpu.memory_space<hbm>>)
        %mul3A_775 = arith.constant 25600 : i32
        %mul3A_776 = arith.muli %add3A_764, %mul3A_775 : i32
        %add3A_777 = arith.constant 25600000 : i32
        %add3A_778 = arith.addi %add3A_777, %mul3A_776 : i32
        %dma_wait3A_779 = arith.constant 0 : i32
        %dma_wait3A_780 = tpu.memref_slice %arg13[%rem3A_708, %dma_wait3A_779] : memref<2x25600xf32, #tpu.memory_space<vmem>> -> memref<1x25600xf32, #tpu.memory_space<vmem>>
        %dma_wait3A_781 = tpu.memref_squeeze %dma_wait3A_780 : memref<1x25600xf32, #tpu.memory_space<vmem>> -> memref<25600xf32, #tpu.memory_space<vmem>>
        %dma_wait3A_782 = tpu.memref_slice %arg6[%add3A_778] : memref<51200000xf32, #tpu.memory_space<hbm>> -> memref<25600xf32, #tpu.memory_space<hbm>>
        %dma_wait3A_783 = tpu.memref_slice %arg6[%add3A_778] : memref<51200000xf32, #tpu.memory_space<hbm>> -> memref<25600xf32, #tpu.memory_space<hbm>>
        %dma_wait3A_784 = arith.constant 0 : i32
        %dma_wait3A_785 = tpu.memref_slice %arg13[%rem3A_708, %dma_wait3A_784] : memref<2x25600xf32, #tpu.memory_space<vmem>> -> memref<1x25600xf32, #tpu.memory_space<vmem>>
        %dma_wait3A_786 = tpu.memref_squeeze %dma_wait3A_785 : memref<1x25600xf32, #tpu.memory_space<vmem>> -> memref<25600xf32, #tpu.memory_space<vmem>>
        tpu.wait_dma2 semaphore(%arg15 : memref<!tpu.dma_semaphore, #tpu.memory_space<semaphore_mem>>) src(%dma_wait3A_786 : memref<25600xf32, #tpu.memory_space<vmem>>) dst(%dma_wait3A_783 : memref<25600xf32, #tpu.memory_space<hbm>>)
      } else {
      }
      %scan3A = arith.constant 0 : i32
      %scan3A_733 = arith.constant 0 : i32
      %scan3A_734 = arith.constant 25 : i32
      %scan3A_735 = arith.addi %scan3A_733, %scan3A_734 : i32
      %scan3A_736 = arith.constant 1 : i32
      scf.for %scan3A_760 = %scan3A_733 to %scan3A_735 step %scan3A_736  : i32 {
        %mul3A_761 = arith.constant 128 : i32
        %mul3A_762 = arith.muli %scan3A_760, %mul3A_761 : i32
        %add3A_763 = arith.constant 0 : i32
        %add3A_764 = arith.addi %mul3A_762, %add3A_763 : i32
        %get3A_765 = arith.constant 0 : i32
        %get3A_766 = tpu.memref_slice %arg11[%rem3A_708, %get3A_765] : memref<2x3200xi32, #tpu.memory_space<vmem>> -> memref<1x3200xi32, #tpu.memory_space<vmem>>
        %get3A_767 = tpu.memref_squeeze %get3A_766 : memref<1x3200xi32, #tpu.memory_space<vmem>> -> memref<3200xi32, #tpu.memory_space<vmem>>
        %get3A_768 = arith.index_cast %add3A_764 : i32 to index
        %get3A_769 = tpu.vector_load %get3A_767[%get3A_768] {strides = array<i32>} : memref<3200xi32, #tpu.memory_space<vmem>>, vector<16xi32>,
        %add3A_770 = arith.constant 0 : i32
        %add3A_771 = vector.broadcast %add3A_770 : i32 to vector<16xi32>
        %add3A_772 = arith.addi %get3A_769, %add3A_771 : vector<16xi32>
        %gather3A = tpu.vector_load_idx %arg10[%add3A_772] : memref<1024xf32, #tpu.memory_space<vmem>>[vector<16xi32>], vector<16xf32>,
        %mul3A_773 = arith.constant 1024 : i32
        %mul3A_774 = arith.muli %scan3A_760, %mul3A_773 : i32
        %add3A_775 = arith.constant 0 : i32
        %add3A_776 = arith.addi %mul3A_774, %add3A_775 : i32
        %add3A_777 = arith.constant 0 : i32
        %add3A_778 = arith.addi %add3A_776, %add3A_777 : i32
        %swap3A = arith.constant 0 : i32
        %swap3A_779 = tpu.memref_slice %arg12[%rem3A_708, %swap3A] : memref<2x25600xf32, #tpu.memory_space<vmem>> -> memref<1x25600xf32, #tpu.memory_space<vmem>>
        %swap3A_780 = tpu.memref_squeeze %swap3A_779 : memref<1x25600xf32, #tpu.memory_space<vmem>> -> memref<25600xf32, #tpu.memory_space<vmem>>
        %swap3A_781 = arith.index_cast %add3A_778 : i32 to index
        %swap3A_782 = tpu.vector_load %swap3A_780[%swap3A_781] {strides = array<i32>} : memref<25600xf32, #tpu.memory_space<vmem>>, vector<16xf32>,
        tpu.vector_store %swap3A_780[%swap3A_781], %gather3A {strides = array<i32>} : memref<25600xf32, #tpu.memory_space<vmem>>, vector<16xf32>,
        %add3A_783 = arith.constant 64 : i32
        %add3A_784 = vector.broadcast %add3A_783 : i32 to vector<16xi32>
        %add3A_785 = arith.addi %get3A_769, %add3A_784 : vector<16xi32>
        %gather3A_786 = tpu.vector_load_idx %arg10[%add3A_785] : memref<1024xf32, #tpu.memory_space<vmem>>[vector<16xi32>], vector<16xf32>,
        %mul3A_787 = arith.constant 1024 : i32
        %mul3A_788 = arith.muli %scan3A_760, %mul3A_787 : i32
        %add3A_789 = arith.constant 128 : i32
        %add3A_790 = arith.addi %mul3A_788, %add3A_789 : i32
        %add3A_791 = arith.constant 0 : i32
        %add3A_792 = arith.addi %add3A_790, %add3A_791 : i32
        %swap3A_793 = arith.constant 0 : i32
        %swap3A_794 = tpu.memref_slice %arg12[%rem3A_708, %swap3A_793] : memref<2x25600xf32, #tpu.memory_space<vmem>> -> memref<1x25600xf32, #tpu.memory_space<vmem>>
        %swap3A_795 = tpu.memref_squeeze %swap3A_794 : memref<1x25600xf32, #tpu.memory_space<vmem>> -> memref<25600xf32, #tpu.memory_space<vmem>>
        %swap3A_796 = arith.index_cast %add3A_792 : i32 to index
        %swap3A_797 = tpu.vector_load %swap3A_795[%swap3A_796] {strides = array<i32>} : memref<25600xf32, #tpu.memory_space<vmem>>, vector<16xf32>,
        tpu.vector_store %swap3A_795[%swap3A_796], %gather3A_786 {strides = array<i32>} : memref<25600xf32, #tpu.memory_space<vmem>>, vector<16xf32>,
        %add3A_798 = arith.constant 128 : i32
        %add3A_799 = vector.broadcast %add3A_798 : i32 to vector<16xi32>
        %add3A_800 = arith.addi %get3A_769, %add3A_799 : vector<16xi32>
        %gather3A_801 = tpu.vector_load_idx %arg10[%add3A_800] : memref<1024xf32, #tpu.memory_space<vmem>>[vector<16xi32>], vector<16xf32>,
        %mul3A_802 = arith.constant 1024 : i32
        %mul3A_803 = arith.muli %scan3A_760, %mul3A_802 : i32
        %add3A_804 = arith.constant 256 : i32
        %add3A_805 = arith.addi %mul3A_803, %add3A_804 : i32
        %add3A_806 = arith.constant 0 : i32
        %add3A_807 = arith.addi %add3A_805, %add3A_806 : i32
        %swap3A_808 = arith.constant 0 : i32
        %swap3A_809 = tpu.memref_slice %arg12[%rem3A_708, %swap3A_808] : memref<2x25600xf32, #tpu.memory_space<vmem>> -> memref<1x25600xf32, #tpu.memory_space<vmem>>
        %swap3A_810 = tpu.memref_squeeze %swap3A_809 : memref<1x25600xf32, #tpu.memory_space<vmem>> -> memref<25600xf32, #tpu.memory_space<vmem>>
        %swap3A_811 = arith.index_cast %add3A_807 : i32 to index
        %swap3A_812 = tpu.vector_load %swap3A_810[%swap3A_811] {strides = array<i32>} : memref<25600xf32, #tpu.memory_space<vmem>>, vector<16xf32>,
        tpu.vector_store %swap3A_810[%swap3A_811], %gather3A_801 {strides = array<i32>} : memref<25600xf32, #tpu.memory_space<vmem>>, vector<16xf32>,
        %add3A_813 = arith.constant 192 : i32
        %add3A_814 = vector.broadcast %add3A_813 : i32 to vector<16xi32>
        %add3A_815 = arith.addi %get3A_769, %add3A_814 : vector<16xi32>
        %gather3A_816 = tpu.vector_load_idx %arg10[%add3A_815] : memref<1024xf32, #tpu.memory_space<vmem>>[vector<16xi32>], vector<16xf32>,
        %mul3A_817 = arith.constant 1024 : i32
        %mul3A_818 = arith.muli %scan3A_760, %mul3A_817 : i32
        %add3A_819 = arith.constant 384 : i32
        %add3A_820 = arith.addi %mul3A_818, %add3A_819 : i32
        %add3A_821 = arith.constant 0 : i32
        %add3A_822 = arith.addi %add3A_820, %add3A_821 : i32
        %swap3A_823 = arith.constant 0 : i32
        %swap3A_824 = tpu.memref_slice %arg12[%rem3A_708, %swap3A_823] : memref<2x25600xf32, #tpu.memory_space<vmem>> -> memref<1x25600xf32, #tpu.memory_space<vmem>>
        %swap3A_825 = tpu.memref_squeeze %swap3A_824 : memref<1x25600xf32, #tpu.memory_space<vmem>> -> memref<25600xf32, #tpu.memory_space<vmem>>
        %swap3A_826 = arith.index_cast %add3A_822 : i32 to index
        %swap3A_827 = tpu.vector_load %swap3A_825[%swap3A_826] {strides = array<i32>} : memref<25600xf32, #tpu.memory_space<vmem>>, vector<16xf32>,
        tpu.vector_store %swap3A_825[%swap3A_826], %gather3A_816 {strides = array<i32>} : memref<25600xf32, #tpu.memory_space<vmem>>, vector<16xf32>,
        %add3A_828 = arith.constant 256 : i32
        %add3A_829 = vector.broadcast %add3A_828 : i32 to vector<16xi32>
        %add3A_830 = arith.addi %get3A_769, %add3A_829 : vector<16xi32>
        %gather3A_831 = tpu.vector_load_idx %arg10[%add3A_830] : memref<1024xf32, #tpu.memory_space<vmem>>[vector<16xi32>], vector<16xf32>,
        %mul3A_832 = arith.constant 1024 : i32
        %mul3A_833 = arith.muli %scan3A_760, %mul3A_832 : i32
        %add3A_834 = arith.constant 512 : i32
        %add3A_835 = arith.addi %mul3A_833, %add3A_834 : i32
        %add3A_836 = arith.constant 0 : i32
        %add3A_837 = arith.addi %add3A_835, %add3A_836 : i32
        %swap3A_838 = arith.constant 0 : i32
        %swap3A_839 = tpu.memref_slice %arg12[%rem3A_708, %swap3A_838] : memref<2x25600xf32, #tpu.memory_space<vmem>> -> memref<1x25600xf32, #tpu.memory_space<vmem>>
        %swap3A_840 = tpu.memref_squeeze %swap3A_839 : memref<1x25600xf32, #tpu.memory_space<vmem>> -> memref<25600xf32, #tpu.memory_space<vmem>>
        %swap3A_841 = arith.index_cast %add3A_837 : i32 to index
        %swap3A_842 = tpu.vector_load %swap3A_840[%swap3A_841] {strides = array<i32>} : memref<25600xf32, #tpu.memory_space<vmem>>, vector<16xf32>,
        tpu.vector_store %swap3A_840[%swap3A_841], %gather3A_831 {strides = array<i32>} : memref<25600xf32, #tpu.memory_space<vmem>>, vector<16xf32>,
        %add3A_843 = arith.constant 320 : i32
        %add3A_844 = vector.broadcast %add3A_843 : i32 to vector<16xi32>
        %add3A_845 = arith.addi %get3A_769, %add3A_844 : vector<16xi32>
        %gather3A_846 = tpu.vector_load_idx %arg10[%add3A_845] : memref<1024xf32, #tpu.memory_space<vmem>>[vector<16xi32>], vector<16xf32>,
        %mul3A_847 = arith.constant 1024 : i32
        %mul3A_848 = arith.muli %scan3A_760, %mul3A_847 : i32
        %add3A_849 = arith.constant 640 : i32
        %add3A_850 = arith.addi %mul3A_848, %add3A_849 : i32
        %add3A_851 = arith.constant 0 : i32
        %add3A_852 = arith.addi %add3A_850, %add3A_851 : i32
        %swap3A_853 = arith.constant 0 : i32
        %swap3A_854 = tpu.memref_slice %arg12[%rem3A_708, %swap3A_853] : memref<2x25600xf32, #tpu.memory_space<vmem>> -> memref<1x25600xf32, #tpu.memory_space<vmem>>
        %swap3A_855 = tpu.memref_squeeze %swap3A_854 : memref<1x25600xf32, #tpu.memory_space<vmem>> -> memref<25600xf32, #tpu.memory_space<vmem>>
        %swap3A_856 = arith.index_cast %add3A_852 : i32 to index
        %swap3A_857 = tpu.vector_load %swap3A_855[%swap3A_856] {strides = array<i32>} : memref<25600xf32, #tpu.memory_space<vmem>>, vector<16xf32>,
        tpu.vector_store %swap3A_855[%swap3A_856], %gather3A_846 {strides = array<i32>} : memref<25600xf32, #tpu.memory_space<vmem>>, vector<16xf32>,
        %add3A_858 = arith.constant 384 : i32
        %add3A_859 = vector.broadcast %add3A_858 : i32 to vector<16xi32>
        %add3A_860 = arith.addi %get3A_769, %add3A_859 : vector<16xi32>
        %gather3A_861 = tpu.vector_load_idx %arg10[%add3A_860] : memref<1024xf32, #tpu.memory_space<vmem>>[vector<16xi32>], vector<16xf32>,
        %mul3A_862 = arith.constant 1024 : i32
        %mul3A_863 = arith.muli %scan3A_760, %mul3A_862 : i32
        %add3A_864 = arith.constant 768 : i32
        %add3A_865 = arith.addi %mul3A_863, %add3A_864 : i32
        %add3A_866 = arith.constant 0 : i32
        %add3A_867 = arith.addi %add3A_865, %add3A_866 : i32
        %swap3A_868 = arith.constant 0 : i32
        %swap3A_869 = tpu.memref_slice %arg12[%rem3A_708, %swap3A_868] : memref<2x25600xf32, #tpu.memory_space<vmem>> -> memref<1x25600xf32, #tpu.memory_space<vmem>>
        %swap3A_870 = tpu.memref_squeeze %swap3A_869 : memref<1x25600xf32, #tpu.memory_space<vmem>> -> memref<25600xf32, #tpu.memory_space<vmem>>
        %swap3A_871 = arith.index_cast %add3A_867 : i32 to index
        %swap3A_872 = tpu.vector_load %swap3A_870[%swap3A_871] {strides = array<i32>} : memref<25600xf32, #tpu.memory_space<vmem>>, vector<16xf32>,
        tpu.vector_store %swap3A_870[%swap3A_871], %gather3A_861 {strides = array<i32>} : memref<25600xf32, #tpu.memory_space<vmem>>, vector<16xf32>,
        %add3A_873 = arith.constant 448 : i32
        %add3A_874 = vector.broadcast %add3A_873 : i32 to vector<16xi32>
        %add3A_875 = arith.addi %get3A_769, %add3A_874 : vector<16xi32>
        %gather3A_876 = tpu.vector_load_idx %arg10[%add3A_875] : memref<1024xf32, #tpu.memory_space<vmem>>[vector<16xi32>], vector<16xf32>,
        %mul3A_877 = arith.constant 1024 : i32
        %mul3A_878 = arith.muli %scan3A_760, %mul3A_877 : i32
        %add3A_879 = arith.constant 896 : i32
        %add3A_880 = arith.addi %mul3A_878, %add3A_879 : i32
        %add3A_881 = arith.constant 0 : i32
        %add3A_882 = arith.addi %add3A_880, %add3A_881 : i32
        %swap3A_883 = arith.constant 0 : i32
        %swap3A_884 = tpu.memref_slice %arg12[%rem3A_708, %swap3A_883] : memref<2x25600xf32, #tpu.memory_space<vmem>> -> memref<1x25600xf32, #tpu.memory_space<vmem>>
        %swap3A_885 = tpu.memref_squeeze %swap3A_884 : memref<1x25600xf32, #tpu.memory_space<vmem>> -> memref<25600xf32, #tpu.memory_space<vmem>>
        %swap3A_886 = arith.index_cast %add3A_882 : i32 to index
        %swap3A_887 = tpu.vector_load %swap3A_885[%swap3A_886] {strides = array<i32>} : memref<25600xf32, #tpu.memory_space<vmem>>, vector<16xf32>,
        tpu.vector_store %swap3A_885[%swap3A_886], %gather3A_876 {strides = array<i32>} : memref<25600xf32, #tpu.memory_space<vmem>>, vector<16xf32>,
        %add3A_888 = arith.constant 512 : i32
        %add3A_889 = vector.broadcast %add3A_888 : i32 to vector<16xi32>
        %add3A_890 = arith.addi %get3A_769, %add3A_889 : vector<16xi32>
        %gather3A_891 = tpu.vector_load_idx %arg10[%add3A_890] : memref<1024xf32, #tpu.memory_space<vmem>>[vector<16xi32>], vector<16xf32>,
        %mul3A_892 = arith.constant 1024 : i32
        %mul3A_893 = arith.muli %scan3A_760, %mul3A_892 : i32
        %add3A_894 = arith.constant 0 : i32
        %add3A_895 = arith.addi %mul3A_893, %add3A_894 : i32
        %add3A_896 = arith.constant 0 : i32
        %add3A_897 = arith.addi %add3A_895, %add3A_896 : i32
        %swap3A_898 = arith.constant 0 : i32
        %swap3A_899 = tpu.memref_slice %arg13[%rem3A_708, %swap3A_898] : memref<2x25600xf32, #tpu.memory_space<vmem>> -> memref<1x25600xf32, #tpu.memory_space<vmem>>
        %swap3A_900 = tpu.memref_squeeze %swap3A_899 : memref<1x25600xf32, #tpu.memory_space<vmem>> -> memref<25600xf32, #tpu.memory_space<vmem>>
        %swap3A_901 = arith.index_cast %add3A_897 : i32 to index
        %swap3A_902 = tpu.vector_load %swap3A_900[%swap3A_901] {strides = array<i32>} : memref<25600xf32, #tpu.memory_space<vmem>>, vector<16xf32>,
        tpu.vector_store %swap3A_900[%swap3A_901], %gather3A_891 {strides = array<i32>} : memref<25600xf32, #tpu.memory_space<vmem>>, vector<16xf32>,
        %add3A_903 = arith.constant 576 : i32
        %add3A_904 = vector.broadcast %add3A_903 : i32 to vector<16xi32>
        %add3A_905 = arith.addi %get3A_769, %add3A_904 : vector<16xi32>
        %gather3A_906 = tpu.vector_load_idx %arg10[%add3A_905] : memref<1024xf32, #tpu.memory_space<vmem>>[vector<16xi32>], vector<16xf32>,
        %mul3A_907 = arith.constant 1024 : i32
        %mul3A_908 = arith.muli %scan3A_760, %mul3A_907 : i32
        %add3A_909 = arith.constant 128 : i32
        %add3A_910 = arith.addi %mul3A_908, %add3A_909 : i32
        %add3A_911 = arith.constant 0 : i32
        %add3A_912 = arith.addi %add3A_910, %add3A_911 : i32
        %swap3A_913 = arith.constant 0 : i32
        %swap3A_914 = tpu.memref_slice %arg13[%rem3A_708, %swap3A_913] : memref<2x25600xf32, #tpu.memory_space<vmem>> -> memref<1x25600xf32, #tpu.memory_space<vmem>>
        %swap3A_915 = tpu.memref_squeeze %swap3A_914 : memref<1x25600xf32, #tpu.memory_space<vmem>> -> memref<25600xf32, #tpu.memory_space<vmem>>
        %swap3A_916 = arith.index_cast %add3A_912 : i32 to index
        %swap3A_917 = tpu.vector_load %swap3A_915[%swap3A_916] {strides = array<i32>} : memref<25600xf32, #tpu.memory_space<vmem>>, vector<16xf32>,
        tpu.vector_store %swap3A_915[%swap3A_916], %gather3A_906 {strides = array<i32>} : memref<25600xf32, #tpu.memory_space<vmem>>, vector<16xf32>,
        %add3A_918 = arith.constant 640 : i32
        %add3A_919 = vector.broadcast %add3A_918 : i32 to vector<16xi32>
        %add3A_920 = arith.addi %get3A_769, %add3A_919 : vector<16xi32>
        %gather3A_921 = tpu.vector_load_idx %arg10[%add3A_920] : memref<1024xf32, #tpu.memory_space<vmem>>[vector<16xi32>], vector<16xf32>,
        %mul3A_922 = arith.constant 1024 : i32
        %mul3A_923 = arith.muli %scan3A_760, %mul3A_922 : i32
        %add3A_924 = arith.constant 256 : i32
        %add3A_925 = arith.addi %mul3A_923, %add3A_924 : i32
        %add3A_926 = arith.constant 0 : i32
        %add3A_927 = arith.addi %add3A_925, %add3A_926 : i32
        %swap3A_928 = arith.constant 0 : i32
        %swap3A_929 = tpu.memref_slice %arg13[%rem3A_708, %swap3A_928] : memref<2x25600xf32, #tpu.memory_space<vmem>> -> memref<1x25600xf32, #tpu.memory_space<vmem>>
        %swap3A_930 = tpu.memref_squeeze %swap3A_929 : memref<1x25600xf32, #tpu.memory_space<vmem>> -> memref<25600xf32, #tpu.memory_space<vmem>>
        %swap3A_931 = arith.index_cast %add3A_927 : i32 to index
        %swap3A_932 = tpu.vector_load %swap3A_930[%swap3A_931] {strides = array<i32>} : memref<25600xf32, #tpu.memory_space<vmem>>, vector<16xf32>,
        tpu.vector_store %swap3A_930[%swap3A_931], %gather3A_921 {strides = array<i32>} : memref<25600xf32, #tpu.memory_space<vmem>>, vector<16xf32>,
        %add3A_933 = arith.constant 704 : i32
        %add3A_934 = vector.broadcast %add3A_933 : i32 to vector<16xi32>
        %add3A_935 = arith.addi %get3A_769, %add3A_934 : vector<16xi32>
        %gather3A_936 = tpu.vector_load_idx %arg10[%add3A_935] : memref<1024xf32, #tpu.memory_space<vmem>>[vector<16xi32>], vector<16xf32>,
        %mul3A_937 = arith.constant 1024 : i32
        %mul3A_938 = arith.muli %scan3A_760, %mul3A_937 : i32
        %add3A_939 = arith.constant 384 : i32
        %add3A_940 = arith.addi %mul3A_938, %add3A_939 : i32
        %add3A_941 = arith.constant 0 : i32
        %add3A_942 = arith.addi %add3A_940, %add3A_941 : i32
        %swap3A_943 = arith.constant 0 : i32
        %swap3A_944 = tpu.memref_slice %arg13[%rem3A_708, %swap3A_943] : memref<2x25600xf32, #tpu.memory_space<vmem>> -> memref<1x25600xf32, #tpu.memory_space<vmem>>
        %swap3A_945 = tpu.memref_squeeze %swap3A_944 : memref<1x25600xf32, #tpu.memory_space<vmem>> -> memref<25600xf32, #tpu.memory_space<vmem>>
        %swap3A_946 = arith.index_cast %add3A_942 : i32 to index
        %swap3A_947 = tpu.vector_load %swap3A_945[%swap3A_946] {strides = array<i32>} : memref<25600xf32, #tpu.memory_space<vmem>>, vector<16xf32>,
        tpu.vector_store %swap3A_945[%swap3A_946], %gather3A_936 {strides = array<i32>} : memref<25600xf32, #tpu.memory_space<vmem>>, vector<16xf32>,
        %add3A_948 = arith.constant 768 : i32
        %add3A_949 = vector.broadcast %add3A_948 : i32 to vector<16xi32>
        %add3A_950 = arith.addi %get3A_769, %add3A_949 : vector<16xi32>
        %gather3A_951 = tpu.vector_load_idx %arg10[%add3A_950] : memref<1024xf32, #tpu.memory_space<vmem>>[vector<16xi32>], vector<16xf32>,
        %mul3A_952 = arith.constant 1024 : i32
        %mul3A_953 = arith.muli %scan3A_760, %mul3A_952 : i32
        %add3A_954 = arith.constant 512 : i32
        %add3A_955 = arith.addi %mul3A_953, %add3A_954 : i32
        %add3A_956 = arith.constant 0 : i32
        %add3A_957 = arith.addi %add3A_955, %add3A_956 : i32
        %swap3A_958 = arith.constant 0 : i32
        %swap3A_959 = tpu.memref_slice %arg13[%rem3A_708, %swap3A_958] : memref<2x25600xf32, #tpu.memory_space<vmem>> -> memref<1x25600xf32, #tpu.memory_space<vmem>>
        %swap3A_960 = tpu.memref_squeeze %swap3A_959 : memref<1x25600xf32, #tpu.memory_space<vmem>> -> memref<25600xf32, #tpu.memory_space<vmem>>
        %swap3A_961 = arith.index_cast %add3A_957 : i32 to index
        %swap3A_962 = tpu.vector_load %swap3A_960[%swap3A_961] {strides = array<i32>} : memref<25600xf32, #tpu.memory_space<vmem>>, vector<16xf32>,
        tpu.vector_store %swap3A_960[%swap3A_961], %gather3A_951 {strides = array<i32>} : memref<25600xf32, #tpu.memory_space<vmem>>, vector<16xf32>,
        %add3A_963 = arith.constant 832 : i32
        %add3A_964 = vector.broadcast %add3A_963 : i32 to vector<16xi32>
        %add3A_965 = arith.addi %get3A_769, %add3A_964 : vector<16xi32>
        %gather3A_966 = tpu.vector_load_idx %arg10[%add3A_965] : memref<1024xf32, #tpu.memory_space<vmem>>[vector<16xi32>], vector<16xf32>,
        %mul3A_967 = arith.constant 1024 : i32
        %mul3A_968 = arith.muli %scan3A_760, %mul3A_967 : i32
        %add3A_969 = arith.constant 640 : i32
        %add3A_970 = arith.addi %mul3A_968, %add3A_969 : i32
        %add3A_971 = arith.constant 0 : i32
        %add3A_972 = arith.addi %add3A_970, %add3A_971 : i32
        %swap3A_973 = arith.constant 0 : i32
        %swap3A_974 = tpu.memref_slice %arg13[%rem3A_708, %swap3A_973] : memref<2x25600xf32, #tpu.memory_space<vmem>> -> memref<1x25600xf32, #tpu.memory_space<vmem>>
        %swap3A_975 = tpu.memref_squeeze %swap3A_974 : memref<1x25600xf32, #tpu.memory_space<vmem>> -> memref<25600xf32, #tpu.memory_space<vmem>>
        %swap3A_976 = arith.index_cast %add3A_972 : i32 to index
        %swap3A_977 = tpu.vector_load %swap3A_975[%swap3A_976] {strides = array<i32>} : memref<25600xf32, #tpu.memory_space<vmem>>, vector<16xf32>,
        tpu.vector_store %swap3A_975[%swap3A_976], %gather3A_966 {strides = array<i32>} : memref<25600xf32, #tpu.memory_space<vmem>>, vector<16xf32>,
        %add3A_978 = arith.constant 896 : i32
        %add3A_979 = vector.broadcast %add3A_978 : i32 to vector<16xi32>
        %add3A_980 = arith.addi %get3A_769, %add3A_979 : vector<16xi32>
        %gather3A_981 = tpu.vector_load_idx %arg10[%add3A_980] : memref<1024xf32, #tpu.memory_space<vmem>>[vector<16xi32>], vector<16xf32>,
        %mul3A_982 = arith.constant 1024 : i32
        %mul3A_983 = arith.muli %scan3A_760, %mul3A_982 : i32
        %add3A_984 = arith.constant 768 : i32
        %add3A_985 = arith.addi %mul3A_983, %add3A_984 : i32
        %add3A_986 = arith.constant 0 : i32
        %add3A_987 = arith.addi %add3A_985, %add3A_986 : i32
        %swap3A_988 = arith.constant 0 : i32
        %swap3A_989 = tpu.memref_slice %arg13[%rem3A_708, %swap3A_988] : memref<2x25600xf32, #tpu.memory_space<vmem>> -> memref<1x25600xf32, #tpu.memory_space<vmem>>
        %swap3A_990 = tpu.memref_squeeze %swap3A_989 : memref<1x25600xf32, #tpu.memory_space<vmem>> -> memref<25600xf32, #tpu.memory_space<vmem>>
        %swap3A_991 = arith.index_cast %add3A_987 : i32 to index
        %swap3A_992 = tpu.vector_load %swap3A_990[%swap3A_991] {strides = array<i32>} : memref<25600xf32, #tpu.memory_space<vmem>>, vector<16xf32>,
        tpu.vector_store %swap3A_990[%swap3A_991], %gather3A_981 {strides = array<i32>} : memref<25600xf32, #tpu.memory_space<vmem>>, vector<16xf32>,
        %add3A_993 = arith.constant 960 : i32
        %add3A_994 = vector.broadcast %add3A_993 : i32 to vector<16xi32>
        %add3A_995 = arith.addi %get3A_769, %add3A_994 : vector<16xi32>
        %gather3A_996 = tpu.vector_load_idx %arg10[%add3A_995] : memref<1024xf32, #tpu.memory_space<vmem>>[vector<16xi32>], vector<16xf32>,
        %mul3A_997 = arith.constant 1024 : i32
        %mul3A_998 = arith.muli %scan3A_760, %mul3A_997 : i32
        %add3A_999 = arith.constant 896 : i32
        %add3A_1000 = arith.addi %mul3A_998, %add3A_999 : i32
        %add3A_1001 = arith.constant 0 : i32
        %add3A_1002 = arith.addi %add3A_1000, %add3A_1001 : i32
        %swap3A_1003 = arith.constant 0 : i32
        %swap3A_1004 = tpu.memref_slice %arg13[%rem3A_708, %swap3A_1003] : memref<2x25600xf32, #tpu.memory_space<vmem>> -> memref<1x25600xf32, #tpu.memory_space<vmem>>
        %swap3A_1005 = tpu.memref_squeeze %swap3A_1004 : memref<1x25600xf32, #tpu.memory_space<vmem>> -> memref<25600xf32, #tpu.memory_space<vmem>>
        %swap3A_1006 = arith.index_cast %add3A_1002 : i32 to index
        %swap3A_1007 = tpu.vector_load %swap3A_1005[%swap3A_1006] {strides = array<i32>} : memref<25600xf32, #tpu.memory_space<vmem>>, vector<16xf32>,
        tpu.vector_store %swap3A_1005[%swap3A_1006], %gather3A_996 {strides = array<i32>} : memref<25600xf32, #tpu.memory_space<vmem>>, vector<16xf32>,
        %mul3A_1008 = arith.constant 128 : i32
        %mul3A_1009 = arith.muli %scan3A_760, %mul3A_1008 : i32
        %add3A_1010 = arith.constant 16 : i32
        %add3A_1011 = arith.addi %mul3A_1009, %add3A_1010 : i32
        %get3A_1012 = arith.constant 0 : i32
        %get3A_1013 = tpu.memref_slice %arg11[%rem3A_708, %get3A_1012] : memref<2x3200xi32, #tpu.memory_space<vmem>> -> memref<1x3200xi32, #tpu.memory_space<vmem>>
        %get3A_1014 = tpu.memref_squeeze %get3A_1013 : memref<1x3200xi32, #tpu.memory_space<vmem>> -> memref<3200xi32, #tpu.memory_space<vmem>>
        %get3A_1015 = arith.index_cast %add3A_1011 : i32 to index
        %get3A_1016 = tpu.vector_load %get3A_1014[%get3A_1015] {strides = array<i32>} : memref<3200xi32, #tpu.memory_space<vmem>>, vector<16xi32>,
        %add3A_1017 = arith.constant 0 : i32
        %add3A_1018 = vector.broadcast %add3A_1017 : i32 to vector<16xi32>
        %add3A_1019 = arith.addi %get3A_1016, %add3A_1018 : vector<16xi32>
        %gather3A_1020 = tpu.vector_load_idx %arg10[%add3A_1019] : memref<1024xf32, #tpu.memory_space<vmem>>[vector<16xi32>], vector<16xf32>,
        %mul3A_1021 = arith.constant 1024 : i32
        %mul3A_1022 = arith.muli %scan3A_760, %mul3A_1021 : i32
        %add3A_1023 = arith.constant 0 : i32
        %add3A_1024 = arith.addi %mul3A_1022, %add3A_1023 : i32
        %add3A_1025 = arith.constant 16 : i32
        %add3A_1026 = arith.addi %add3A_1024, %add3A_1025 : i32
        %swap3A_1027 = arith.constant 0 : i32
        %swap3A_1028 = tpu.memref_slice %arg12[%rem3A_708, %swap3A_1027] : memref<2x25600xf32, #tpu.memory_space<vmem>> -> memref<1x25600xf32, #tpu.memory_space<vmem>>
        %swap3A_1029 = tpu.memref_squeeze %swap3A_1028 : memref<1x25600xf32, #tpu.memory_space<vmem>> -> memref<25600xf32, #tpu.memory_space<vmem>>
        %swap3A_1030 = arith.index_cast %add3A_1026 : i32 to index
        %swap3A_1031 = tpu.vector_load %swap3A_1029[%swap3A_1030] {strides = array<i32>} : memref<25600xf32, #tpu.memory_space<vmem>>, vector<16xf32>,
        tpu.vector_store %swap3A_1029[%swap3A_1030], %gather3A_1020 {strides = array<i32>} : memref<25600xf32, #tpu.memory_space<vmem>>, vector<16xf32>,
        %add3A_1032 = arith.constant 64 : i32
        %add3A_1033 = vector.broadcast %add3A_1032 : i32 to vector<16xi32>
        %add3A_1034 = arith.addi %get3A_1016, %add3A_1033 : vector<16xi32>
        %gather3A_1035 = tpu.vector_load_idx %arg10[%add3A_1034] : memref<1024xf32, #tpu.memory_space<vmem>>[vector<16xi32>], vector<16xf32>,
        %mul3A_1036 = arith.constant 1024 : i32
        %mul3A_1037 = arith.muli %scan3A_760, %mul3A_1036 : i32
        %add3A_1038 = arith.constant 128 : i32
        %add3A_1039 = arith.addi %mul3A_1037, %add3A_1038 : i32
        %add3A_1040 = arith.constant 16 : i32
        %add3A_1041 = arith.addi %add3A_1039, %add3A_1040 : i32
        %swap3A_1042 = arith.constant 0 : i32
        %swap3A_1043 = tpu.memref_slice %arg12[%rem3A_708, %swap3A_1042] : memref<2x25600xf32, #tpu.memory_space<vmem>> -> memref<1x25600xf32, #tpu.memory_space<vmem>>
        %swap3A_1044 = tpu.memref_squeeze %swap3A_1043 : memref<1x25600xf32, #tpu.memory_space<vmem>> -> memref<25600xf32, #tpu.memory_space<vmem>>
        %swap3A_1045 = arith.index_cast %add3A_1041 : i32 to index
        %swap3A_1046 = tpu.vector_load %swap3A_1044[%swap3A_1045] {strides = array<i32>} : memref<25600xf32, #tpu.memory_space<vmem>>, vector<16xf32>,
        tpu.vector_store %swap3A_1044[%swap3A_1045], %gather3A_1035 {strides = array<i32>} : memref<25600xf32, #tpu.memory_space<vmem>>, vector<16xf32>,
        %add3A_1047 = arith.constant 128 : i32
        %add3A_1048 = vector.broadcast %add3A_1047 : i32 to vector<16xi32>
        %add3A_1049 = arith.addi %get3A_1016, %add3A_1048 : vector<16xi32>
        %gather3A_1050 = tpu.vector_load_idx %arg10[%add3A_1049] : memref<1024xf32, #tpu.memory_space<vmem>>[vector<16xi32>], vector<16xf32>,
        %mul3A_1051 = arith.constant 1024 : i32
        %mul3A_1052 = arith.muli %scan3A_760, %mul3A_1051 : i32
        %add3A_1053 = arith.constant 256 : i32
        %add3A_1054 = arith.addi %mul3A_1052, %add3A_1053 : i32
        %add3A_1055 = arith.constant 16 : i32
        %add3A_1056 = arith.addi %add3A_1054, %add3A_1055 : i32
        %swap3A_1057 = arith.constant 0 : i32
        %swap3A_1058 = tpu.memref_slice %arg12[%rem3A_708, %swap3A_1057] : memref<2x25600xf32, #tpu.memory_space<vmem>> -> memref<1x25600xf32, #tpu.memory_space<vmem>>
        %swap3A_1059 = tpu.memref_squeeze %swap3A_1058 : memref<1x25600xf32, #tpu.memory_space<vmem>> -> memref<25600xf32, #tpu.memory_space<vmem>>
        %swap3A_1060 = arith.index_cast %add3A_1056 : i32 to index
        %swap3A_1061 = tpu.vector_load %swap3A_1059[%swap3A_1060] {strides = array<i32>} : memref<25600xf32, #tpu.memory_space<vmem>>, vector<16xf32>,
        tpu.vector_store %swap3A_1059[%swap3A_1060], %gather3A_1050 {strides = array<i32>} : memref<25600xf32, #tpu.memory_space<vmem>>, vector<16xf32>,
        %add3A_1062 = arith.constant 192 : i32
        %add3A_1063 = vector.broadcast %add3A_1062 : i32 to vector<16xi32>
        %add3A_1064 = arith.addi %get3A_1016, %add3A_1063 : vector<16xi32>
        %gather3A_1065 = tpu.vector_load_idx %arg10[%add3A_1064] : memref<1024xf32, #tpu.memory_space<vmem>>[vector<16xi32>], vector<16xf32>,
        %mul3A_1066 = arith.constant 1024 : i32
        %mul3A_1067 = arith.muli %scan3A_760, %mul3A_1066 : i32
        %add3A_1068 = arith.constant 384 : i32
        %add3A_1069 = arith.addi %mul3A_1067, %add3A_1068 : i32
        %add3A_1070 = arith.constant 16 : i32
        %add3A_1071 = arith.addi %add3A_1069, %add3A_1070 : i32
        %swap3A_1072 = arith.constant 0 : i32
        %swap3A_1073 = tpu.memref_slice %arg12[%rem3A_708, %swap3A_1072] : memref<2x25600xf32, #tpu.memory_space<vmem>> -> memref<1x25600xf32, #tpu.memory_space<vmem>>
        %swap3A_1074 = tpu.memref_squeeze %swap3A_1073 : memref<1x25600xf32, #tpu.memory_space<vmem>> -> memref<25600xf32, #tpu.memory_space<vmem>>
        %swap3A_1075 = arith.index_cast %add3A_1071 : i32 to index
        %swap3A_1076 = tpu.vector_load %swap3A_1074[%swap3A_1075] {strides = array<i32>} : memref<25600xf32, #tpu.memory_space<vmem>>, vector<16xf32>,
        tpu.vector_store %swap3A_1074[%swap3A_1075], %gather3A_1065 {strides = array<i32>} : memref<25600xf32, #tpu.memory_space<vmem>>, vector<16xf32>,
        %add3A_1077 = arith.constant 256 : i32
        %add3A_1078 = vector.broadcast %add3A_1077 : i32 to vector<16xi32>
        %add3A_1079 = arith.addi %get3A_1016, %add3A_1078 : vector<16xi32>
        %gather3A_1080 = tpu.vector_load_idx %arg10[%add3A_1079] : memref<1024xf32, #tpu.memory_space<vmem>>[vector<16xi32>], vector<16xf32>,
        %mul3A_1081 = arith.constant 1024 : i32
        %mul3A_1082 = arith.muli %scan3A_760, %mul3A_1081 : i32
        %add3A_1083 = arith.constant 512 : i32
        %add3A_1084 = arith.addi %mul3A_1082, %add3A_1083 : i32
        %add3A_1085 = arith.constant 16 : i32
        %add3A_1086 = arith.addi %add3A_1084, %add3A_1085 : i32
        %swap3A_1087 = arith.constant 0 : i32
        %swap3A_1088 = tpu.memref_slice %arg12[%rem3A_708, %swap3A_1087] : memref<2x25600xf32, #tpu.memory_space<vmem>> -> memref<1x25600xf32, #tpu.memory_space<vmem>>
        %swap3A_1089 = tpu.memref_squeeze %swap3A_1088 : memref<1x25600xf32, #tpu.memory_space<vmem>> -> memref<25600xf32, #tpu.memory_space<vmem>>
        %swap3A_1090 = arith.index_cast %add3A_1086 : i32 to index
        %swap3A_1091 = tpu.vector_load %swap3A_1089[%swap3A_1090] {strides = array<i32>} : memref<25600xf32, #tpu.memory_space<vmem>>, vector<16xf32>,
        tpu.vector_store %swap3A_1089[%swap3A_1090], %gather3A_1080 {strides = array<i32>} : memref<25600xf32, #tpu.memory_space<vmem>>, vector<16xf32>,
        %add3A_1092 = arith.constant 320 : i32
        %add3A_1093 = vector.broadcast %add3A_1092 : i32 to vector<16xi32>
        %add3A_1094 = arith.addi %get3A_1016, %add3A_1093 : vector<16xi32>
        %gather3A_1095 = tpu.vector_load_idx %arg10[%add3A_1094] : memref<1024xf32, #tpu.memory_space<vmem>>[vector<16xi32>], vector<16xf32>,
        %mul3A_1096 = arith.constant 1024 : i32
        %mul3A_1097 = arith.muli %scan3A_760, %mul3A_1096 : i32
        %add3A_1098 = arith.constant 640 : i32
        %add3A_1099 = arith.addi %mul3A_1097, %add3A_1098 : i32
        %add3A_1100 = arith.constant 16 : i32
        %add3A_1101 = arith.addi %add3A_1099, %add3A_1100 : i32
        %swap3A_1102 = arith.constant 0 : i32
        %swap3A_1103 = tpu.memref_slice %arg12[%rem3A_708, %swap3A_1102] : memref<2x25600xf32, #tpu.memory_space<vmem>> -> memref<1x25600xf32, #tpu.memory_space<vmem>>
        %swap3A_1104 = tpu.memref_squeeze %swap3A_1103 : memref<1x25600xf32, #tpu.memory_space<vmem>> -> memref<25600xf32, #tpu.memory_space<vmem>>
        %swap3A_1105 = arith.index_cast %add3A_1101 : i32 to index
        %swap3A_1106 = tpu.vector_load %swap3A_1104[%swap3A_1105] {strides = array<i32>} : memref<25600xf32, #tpu.memory_space<vmem>>, vector<16xf32>,
        tpu.vector_store %swap3A_1104[%swap3A_1105], %gather3A_1095 {strides = array<i32>} : memref<25600xf32, #tpu.memory_space<vmem>>, vector<16xf32>,
        %add3A_1107 = arith.constant 384 : i32
        %add3A_1108 = vector.broadcast %add3A_1107 : i32 to vector<16xi32>
        %add3A_1109 = arith.addi %get3A_1016, %add3A_1108 : vector<16xi32>
        %gather3A_1110 = tpu.vector_load_idx %arg10[%add3A_1109] : memref<1024xf32, #tpu.memory_space<vmem>>[vector<16xi32>], vector<16xf32>,
        %mul3A_1111 = arith.constant 1024 : i32
        %mul3A_1112 = arith.muli %scan3A_760, %mul3A_1111 : i32
        %add3A_1113 = arith.constant 768 : i32
        %add3A_1114 = arith.addi %mul3A_1112, %add3A_1113 : i32
        %add3A_1115 = arith.constant 16 : i32
        %add3A_1116 = arith.addi %add3A_1114, %add3A_1115 : i32
        %swap3A_1117 = arith.constant 0 : i32
        %swap3A_1118 = tpu.memref_slice %arg12[%rem3A_708, %swap3A_1117] : memref<2x25600xf32, #tpu.memory_space<vmem>> -> memref<1x25600xf32, #tpu.memory_space<vmem>>
        %swap3A_1119 = tpu.memref_squeeze %swap3A_1118 : memref<1x25600xf32, #tpu.memory_space<vmem>> -> memref<25600xf32, #tpu.memory_space<vmem>>
        %swap3A_1120 = arith.index_cast %add3A_1116 : i32 to index
        %swap3A_1121 = tpu.vector_load %swap3A_1119[%swap3A_1120] {strides = array<i32>} : memref<25600xf32, #tpu.memory_space<vmem>>, vector<16xf32>,
        tpu.vector_store %swap3A_1119[%swap3A_1120], %gather3A_1110 {strides = array<i32>} : memref<25600xf32, #tpu.memory_space<vmem>>, vector<16xf32>,
        %add3A_1122 = arith.constant 448 : i32
        %add3A_1123 = vector.broadcast %add3A_1122 : i32 to vector<16xi32>
        %add3A_1124 = arith.addi %get3A_1016, %add3A_1123 : vector<16xi32>
        %gather3A_1125 = tpu.vector_load_idx %arg10[%add3A_1124] : memref<1024xf32, #tpu.memory_space<vmem>>[vector<16xi32>], vector<16xf32>,
        %mul3A_1126 = arith.constant 1024 : i32
        %mul3A_1127 = arith.muli %scan3A_760, %mul3A_1126 : i32
        %add3A_1128 = arith.constant 896 : i32
        %add3A_1129 = arith.addi %mul3A_1127, %add3A_1128 : i32
        %add3A_1130 = arith.constant 16 : i32
        %add3A_1131 = arith.addi %add3A_1129, %add3A_1130 : i32
        %swap3A_1132 = arith.constant 0 : i32
        %swap3A_1133 = tpu.memref_slice %arg12[%rem3A_708, %swap3A_1132] : memref<2x25600xf32, #tpu.memory_space<vmem>> -> memref<1x25600xf32, #tpu.memory_space<vmem>>
        %swap3A_1134 = tpu.memref_squeeze %swap3A_1133 : memref<1x25600xf32, #tpu.memory_space<vmem>> -> memref<25600xf32, #tpu.memory_space<vmem>>
        %swap3A_1135 = arith.index_cast %add3A_1131 : i32 to index
        %swap3A_1136 = tpu.vector_load %swap3A_1134[%swap3A_1135] {strides = array<i32>} : memref<25600xf32, #tpu.memory_space<vmem>>, vector<16xf32>,
        tpu.vector_store %swap3A_1134[%swap3A_1135], %gather3A_1125 {strides = array<i32>} : memref<25600xf32, #tpu.memory_space<vmem>>, vector<16xf32>,
        %add3A_1137 = arith.constant 512 : i32
        %add3A_1138 = vector.broadcast %add3A_1137 : i32 to vector<16xi32>
        %add3A_1139 = arith.addi %get3A_1016, %add3A_1138 : vector<16xi32>
        %gather3A_1140 = tpu.vector_load_idx %arg10[%add3A_1139] : memref<1024xf32, #tpu.memory_space<vmem>>[vector<16xi32>], vector<16xf32>,
        %mul3A_1141 = arith.constant 1024 : i32
        %mul3A_1142 = arith.muli %scan3A_760, %mul3A_1141 : i32
        %add3A_1143 = arith.constant 0 : i32
        %add3A_1144 = arith.addi %mul3A_1142, %add3A_1143 : i32
        %add3A_1145 = arith.constant 16 : i32
        %add3A_1146 = arith.addi %add3A_1144, %add3A_1145 : i32
        %swap3A_1147 = arith.constant 0 : i32
        %swap3A_1148 = tpu.memref_slice %arg13[%rem3A_708, %swap3A_1147] : memref<2x25600xf32, #tpu.memory_space<vmem>> -> memref<1x25600xf32, #tpu.memory_space<vmem>>
        %swap3A_1149 = tpu.memref_squeeze %swap3A_1148 : memref<1x25600xf32, #tpu.memory_space<vmem>> -> memref<25600xf32, #tpu.memory_space<vmem>>
        %swap3A_1150 = arith.index_cast %add3A_1146 : i32 to index
        %swap3A_1151 = tpu.vector_load %swap3A_1149[%swap3A_1150] {strides = array<i32>} : memref<25600xf32, #tpu.memory_space<vmem>>, vector<16xf32>,
        tpu.vector_store %swap3A_1149[%swap3A_1150], %gather3A_1140 {strides = array<i32>} : memref<25600xf32, #tpu.memory_space<vmem>>, vector<16xf32>,
        %add3A_1152 = arith.constant 576 : i32
        %add3A_1153 = vector.broadcast %add3A_1152 : i32 to vector<16xi32>
        %add3A_1154 = arith.addi %get3A_1016, %add3A_1153 : vector<16xi32>
        %gather3A_1155 = tpu.vector_load_idx %arg10[%add3A_1154] : memref<1024xf32, #tpu.memory_space<vmem>>[vector<16xi32>], vector<16xf32>,
        %mul3A_1156 = arith.constant 1024 : i32
        %mul3A_1157 = arith.muli %scan3A_760, %mul3A_1156 : i32
        %add3A_1158 = arith.constant 128 : i32
        %add3A_1159 = arith.addi %mul3A_1157, %add3A_1158 : i32
        %add3A_1160 = arith.constant 16 : i32
        %add3A_1161 = arith.addi %add3A_1159, %add3A_1160 : i32
        %swap3A_1162 = arith.constant 0 : i32
        %swap3A_1163 = tpu.memref_slice %arg13[%rem3A_708, %swap3A_1162] : memref<2x25600xf32, #tpu.memory_space<vmem>> -> memref<1x25600xf32, #tpu.memory_space<vmem>>
        %swap3A_1164 = tpu.memref_squeeze %swap3A_1163 : memref<1x25600xf32, #tpu.memory_space<vmem>> -> memref<25600xf32, #tpu.memory_space<vmem>>
        %swap3A_1165 = arith.index_cast %add3A_1161 : i32 to index
        %swap3A_1166 = tpu.vector_load %swap3A_1164[%swap3A_1165] {strides = array<i32>} : memref<25600xf32, #tpu.memory_space<vmem>>, vector<16xf32>,
        tpu.vector_store %swap3A_1164[%swap3A_1165], %gather3A_1155 {strides = array<i32>} : memref<25600xf32, #tpu.memory_space<vmem>>, vector<16xf32>,
        %add3A_1167 = arith.constant 640 : i32
        %add3A_1168 = vector.broadcast %add3A_1167 : i32 to vector<16xi32>
        %add3A_1169 = arith.addi %get3A_1016, %add3A_1168 : vector<16xi32>
        %gather3A_1170 = tpu.vector_load_idx %arg10[%add3A_1169] : memref<1024xf32, #tpu.memory_space<vmem>>[vector<16xi32>], vector<16xf32>,
        %mul3A_1171 = arith.constant 1024 : i32
        %mul3A_1172 = arith.muli %scan3A_760, %mul3A_1171 : i32
        %add3A_1173 = arith.constant 256 : i32
        %add3A_1174 = arith.addi %mul3A_1172, %add3A_1173 : i32
        %add3A_1175 = arith.constant 16 : i32
        %add3A_1176 = arith.addi %add3A_1174, %add3A_1175 : i32
        %swap3A_1177 = arith.constant 0 : i32
        %swap3A_1178 = tpu.memref_slice %arg13[%rem3A_708, %swap3A_1177] : memref<2x25600xf32, #tpu.memory_space<vmem>> -> memref<1x25600xf32, #tpu.memory_space<vmem>>
        %swap3A_1179 = tpu.memref_squeeze %swap3A_1178 : memref<1x25600xf32, #tpu.memory_space<vmem>> -> memref<25600xf32, #tpu.memory_space<vmem>>
        %swap3A_1180 = arith.index_cast %add3A_1176 : i32 to index
        %swap3A_1181 = tpu.vector_load %swap3A_1179[%swap3A_1180] {strides = array<i32>} : memref<25600xf32, #tpu.memory_space<vmem>>, vector<16xf32>,
        tpu.vector_store %swap3A_1179[%swap3A_1180], %gather3A_1170 {strides = array<i32>} : memref<25600xf32, #tpu.memory_space<vmem>>, vector<16xf32>,
        %add3A_1182 = arith.constant 704 : i32
        %add3A_1183 = vector.broadcast %add3A_1182 : i32 to vector<16xi32>
        %add3A_1184 = arith.addi %get3A_1016, %add3A_1183 : vector<16xi32>
        %gather3A_1185 = tpu.vector_load_idx %arg10[%add3A_1184] : memref<1024xf32, #tpu.memory_space<vmem>>[vector<16xi32>], vector<16xf32>,
        %mul3A_1186 = arith.constant 1024 : i32
        %mul3A_1187 = arith.muli %scan3A_760, %mul3A_1186 : i32
        %add3A_1188 = arith.constant 384 : i32
        %add3A_1189 = arith.addi %mul3A_1187, %add3A_1188 : i32
        %add3A_1190 = arith.constant 16 : i32
        %add3A_1191 = arith.addi %add3A_1189, %add3A_1190 : i32
        %swap3A_1192 = arith.constant 0 : i32
        %swap3A_1193 = tpu.memref_slice %arg13[%rem3A_708, %swap3A_1192] : memref<2x25600xf32, #tpu.memory_space<vmem>> -> memref<1x25600xf32, #tpu.memory_space<vmem>>
        %swap3A_1194 = tpu.memref_squeeze %swap3A_1193 : memref<1x25600xf32, #tpu.memory_space<vmem>> -> memref<25600xf32, #tpu.memory_space<vmem>>
        %swap3A_1195 = arith.index_cast %add3A_1191 : i32 to index
        %swap3A_1196 = tpu.vector_load %swap3A_1194[%swap3A_1195] {strides = array<i32>} : memref<25600xf32, #tpu.memory_space<vmem>>, vector<16xf32>,
        tpu.vector_store %swap3A_1194[%swap3A_1195], %gather3A_1185 {strides = array<i32>} : memref<25600xf32, #tpu.memory_space<vmem>>, vector<16xf32>,
        %add3A_1197 = arith.constant 768 : i32
        %add3A_1198 = vector.broadcast %add3A_1197 : i32 to vector<16xi32>
        %add3A_1199 = arith.addi %get3A_1016, %add3A_1198 : vector<16xi32>
        %gather3A_1200 = tpu.vector_load_idx %arg10[%add3A_1199] : memref<1024xf32, #tpu.memory_space<vmem>>[vector<16xi32>], vector<16xf32>,
        %mul3A_1201 = arith.constant 1024 : i32
        %mul3A_1202 = arith.muli %scan3A_760, %mul3A_1201 : i32
        %add3A_1203 = arith.constant 512 : i32
        %add3A_1204 = arith.addi %mul3A_1202, %add3A_1203 : i32
        %add3A_1205 = arith.constant 16 : i32
        %add3A_1206 = arith.addi %add3A_1204, %add3A_1205 : i32
        %swap3A_1207 = arith.constant 0 : i32
        %swap3A_1208 = tpu.memref_slice %arg13[%rem3A_708, %swap3A_1207] : memref<2x25600xf32, #tpu.memory_space<vmem>> -> memref<1x25600xf32, #tpu.memory_space<vmem>>
        %swap3A_1209 = tpu.memref_squeeze %swap3A_1208 : memref<1x25600xf32, #tpu.memory_space<vmem>> -> memref<25600xf32, #tpu.memory_space<vmem>>
        %swap3A_1210 = arith.index_cast %add3A_1206 : i32 to index
        %swap3A_1211 = tpu.vector_load %swap3A_1209[%swap3A_1210] {strides = array<i32>} : memref<25600xf32, #tpu.memory_space<vmem>>, vector<16xf32>,
        tpu.vector_store %swap3A_1209[%swap3A_1210], %gather3A_1200 {strides = array<i32>} : memref<25600xf32, #tpu.memory_space<vmem>>, vector<16xf32>,
        %add3A_1212 = arith.constant 832 : i32
        %add3A_1213 = vector.broadcast %add3A_1212 : i32 to vector<16xi32>
        %add3A_1214 = arith.addi %get3A_1016, %add3A_1213 : vector<16xi32>
        %gather3A_1215 = tpu.vector_load_idx %arg10[%add3A_1214] : memref<1024xf32, #tpu.memory_space<vmem>>[vector<16xi32>], vector<16xf32>,
        %mul3A_1216 = arith.constant 1024 : i32
        %mul3A_1217 = arith.muli %scan3A_760, %mul3A_1216 : i32
        %add3A_1218 = arith.constant 640 : i32
        %add3A_1219 = arith.addi %mul3A_1217, %add3A_1218 : i32
        %add3A_1220 = arith.constant 16 : i32
        %add3A_1221 = arith.addi %add3A_1219, %add3A_1220 : i32
        %swap3A_1222 = arith.constant 0 : i32
        %swap3A_1223 = tpu.memref_slice %arg13[%rem3A_708, %swap3A_1222] : memref<2x25600xf32, #tpu.memory_space<vmem>> -> memref<1x25600xf32, #tpu.memory_space<vmem>>
        %swap3A_1224 = tpu.memref_squeeze %swap3A_1223 : memref<1x25600xf32, #tpu.memory_space<vmem>> -> memref<25600xf32, #tpu.memory_space<vmem>>
        %swap3A_1225 = arith.index_cast %add3A_1221 : i32 to index
        %swap3A_1226 = tpu.vector_load %swap3A_1224[%swap3A_1225] {strides = array<i32>} : memref<25600xf32, #tpu.memory_space<vmem>>, vector<16xf32>,
        tpu.vector_store %swap3A_1224[%swap3A_1225], %gather3A_1215 {strides = array<i32>} : memref<25600xf32, #tpu.memory_space<vmem>>, vector<16xf32>,
        %add3A_1227 = arith.constant 896 : i32
        %add3A_1228 = vector.broadcast %add3A_1227 : i32 to vector<16xi32>
        %add3A_1229 = arith.addi %get3A_1016, %add3A_1228 : vector<16xi32>
        %gather3A_1230 = tpu.vector_load_idx %arg10[%add3A_1229] : memref<1024xf32, #tpu.memory_space<vmem>>[vector<16xi32>], vector<16xf32>,
        %mul3A_1231 = arith.constant 1024 : i32
        %mul3A_1232 = arith.muli %scan3A_760, %mul3A_1231 : i32
        %add3A_1233 = arith.constant 768 : i32
        %add3A_1234 = arith.addi %mul3A_1232, %add3A_1233 : i32
        %add3A_1235 = arith.constant 16 : i32
        %add3A_1236 = arith.addi %add3A_1234, %add3A_1235 : i32
        %swap3A_1237 = arith.constant 0 : i32
        %swap3A_1238 = tpu.memref_slice %arg13[%rem3A_708, %swap3A_1237] : memref<2x25600xf32, #tpu.memory_space<vmem>> -> memref<1x25600xf32, #tpu.memory_space<vmem>>
        %swap3A_1239 = tpu.memref_squeeze %swap3A_1238 : memref<1x25600xf32, #tpu.memory_space<vmem>> -> memref<25600xf32, #tpu.memory_space<vmem>>
        %swap3A_1240 = arith.index_cast %add3A_1236 : i32 to index
        %swap3A_1241 = tpu.vector_load %swap3A_1239[%swap3A_1240] {strides = array<i32>} : memref<25600xf32, #tpu.memory_space<vmem>>, vector<16xf32>,
        tpu.vector_store %swap3A_1239[%swap3A_1240], %gather3A_1230 {strides = array<i32>} : memref<25600xf32, #tpu.memory_space<vmem>>, vector<16xf32>,
        %add3A_1242 = arith.constant 960 : i32
        %add3A_1243 = vector.broadcast %add3A_1242 : i32 to vector<16xi32>
        %add3A_1244 = arith.addi %get3A_1016, %add3A_1243 : vector<16xi32>
        %gather3A_1245 = tpu.vector_load_idx %arg10[%add3A_1244] : memref<1024xf32, #tpu.memory_space<vmem>>[vector<16xi32>], vector<16xf32>,
        %mul3A_1246 = arith.constant 1024 : i32
        %mul3A_1247 = arith.muli %scan3A_760, %mul3A_1246 : i32
        %add3A_1248 = arith.constant 896 : i32
        %add3A_1249 = arith.addi %mul3A_1247, %add3A_1248 : i32
        %add3A_1250 = arith.constant 16 : i32
        %add3A_1251 = arith.addi %add3A_1249, %add3A_1250 : i32
        %swap3A_1252 = arith.constant 0 : i32
        %swap3A_1253 = tpu.memref_slice %arg13[%rem3A_708, %swap3A_1252] : memref<2x25600xf32, #tpu.memory_space<vmem>> -> memref<1x25600xf32, #tpu.memory_space<vmem>>
        %swap3A_1254 = tpu.memref_squeeze %swap3A_1253 : memref<1x25600xf32, #tpu.memory_space<vmem>> -> memref<25600xf32, #tpu.memory_space<vmem>>
        %swap3A_1255 = arith.index_cast %add3A_1251 : i32 to index
        %swap3A_1256 = tpu.vector_load %swap3A_1254[%swap3A_1255] {strides = array<i32>} : memref<25600xf32, #tpu.memory_space<vmem>>, vector<16xf32>,
        tpu.vector_store %swap3A_1254[%swap3A_1255], %gather3A_1245 {strides = array<i32>} : memref<25600xf32, #tpu.memory_space<vmem>>, vector<16xf32>,
        %mul3A_1257 = arith.constant 128 : i32
        %mul3A_1258 = arith.muli %scan3A_760, %mul3A_1257 : i32
        %add3A_1259 = arith.constant 32 : i32
        %add3A_1260 = arith.addi %mul3A_1258, %add3A_1259 : i32
        %get3A_1261 = arith.constant 0 : i32
        %get3A_1262 = tpu.memref_slice %arg11[%rem3A_708, %get3A_1261] : memref<2x3200xi32, #tpu.memory_space<vmem>> -> memref<1x3200xi32, #tpu.memory_space<vmem>>
        %get3A_1263 = tpu.memref_squeeze %get3A_1262 : memref<1x3200xi32, #tpu.memory_space<vmem>> -> memref<3200xi32, #tpu.memory_space<vmem>>
        %get3A_1264 = arith.index_cast %add3A_1260 : i32 to index
        %get3A_1265 = tpu.vector_load %get3A_1263[%get3A_1264] {strides = array<i32>} : memref<3200xi32, #tpu.memory_space<vmem>>, vector<16xi32>,
        %add3A_1266 = arith.constant 0 : i32
        %add3A_1267 = vector.broadcast %add3A_1266 : i32 to vector<16xi32>
        %add3A_1268 = arith.addi %get3A_1265, %add3A_1267 : vector<16xi32>
        %gather3A_1269 = tpu.vector_load_idx %arg10[%add3A_1268] : memref<1024xf32, #tpu.memory_space<vmem>>[vector<16xi32>], vector<16xf32>,
        %mul3A_1270 = arith.constant 1024 : i32
        %mul3A_1271 = arith.muli %scan3A_760, %mul3A_1270 : i32
        %add3A_1272 = arith.constant 0 : i32
        %add3A_1273 = arith.addi %mul3A_1271, %add3A_1272 : i32
        %add3A_1274 = arith.constant 32 : i32
        %add3A_1275 = arith.addi %add3A_1273, %add3A_1274 : i32
        %swap3A_1276 = arith.constant 0 : i32
        %swap3A_1277 = tpu.memref_slice %arg12[%rem3A_708, %swap3A_1276] : memref<2x25600xf32, #tpu.memory_space<vmem>> -> memref<1x25600xf32, #tpu.memory_space<vmem>>
        %swap3A_1278 = tpu.memref_squeeze %swap3A_1277 : memref<1x25600xf32, #tpu.memory_space<vmem>> -> memref<25600xf32, #tpu.memory_space<vmem>>
        %swap3A_1279 = arith.index_cast %add3A_1275 : i32 to index
        %swap3A_1280 = tpu.vector_load %swap3A_1278[%swap3A_1279] {strides = array<i32>} : memref<25600xf32, #tpu.memory_space<vmem>>, vector<16xf32>,
        tpu.vector_store %swap3A_1278[%swap3A_1279], %gather3A_1269 {strides = array<i32>} : memref<25600xf32, #tpu.memory_space<vmem>>, vector<16xf32>,
        %add3A_1281 = arith.constant 64 : i32
        %add3A_1282 = vector.broadcast %add3A_1281 : i32 to vector<16xi32>
        %add3A_1283 = arith.addi %get3A_1265, %add3A_1282 : vector<16xi32>
        %gather3A_1284 = tpu.vector_load_idx %arg10[%add3A_1283] : memref<1024xf32, #tpu.memory_space<vmem>>[vector<16xi32>], vector<16xf32>,
        %mul3A_1285 = arith.constant 1024 : i32
        %mul3A_1286 = arith.muli %scan3A_760, %mul3A_1285 : i32
        %add3A_1287 = arith.constant 128 : i32
        %add3A_1288 = arith.addi %mul3A_1286, %add3A_1287 : i32
        %add3A_1289 = arith.constant 32 : i32
        %add3A_1290 = arith.addi %add3A_1288, %add3A_1289 : i32
        %swap3A_1291 = arith.constant 0 : i32
        %swap3A_1292 = tpu.memref_slice %arg12[%rem3A_708, %swap3A_1291] : memref<2x25600xf32, #tpu.memory_space<vmem>> -> memref<1x25600xf32, #tpu.memory_space<vmem>>
        %swap3A_1293 = tpu.memref_squeeze %swap3A_1292 : memref<1x25600xf32, #tpu.memory_space<vmem>> -> memref<25600xf32, #tpu.memory_space<vmem>>
        %swap3A_1294 = arith.index_cast %add3A_1290 : i32 to index
        %swap3A_1295 = tpu.vector_load %swap3A_1293[%swap3A_1294] {strides = array<i32>} : memref<25600xf32, #tpu.memory_space<vmem>>, vector<16xf32>,
        tpu.vector_store %swap3A_1293[%swap3A_1294], %gather3A_1284 {strides = array<i32>} : memref<25600xf32, #tpu.memory_space<vmem>>, vector<16xf32>,
        %add3A_1296 = arith.constant 128 : i32
        %add3A_1297 = vector.broadcast %add3A_1296 : i32 to vector<16xi32>
        %add3A_1298 = arith.addi %get3A_1265, %add3A_1297 : vector<16xi32>
        %gather3A_1299 = tpu.vector_load_idx %arg10[%add3A_1298] : memref<1024xf32, #tpu.memory_space<vmem>>[vector<16xi32>], vector<16xf32>,
        %mul3A_1300 = arith.constant 1024 : i32
        %mul3A_1301 = arith.muli %scan3A_760, %mul3A_1300 : i32
        %add3A_1302 = arith.constant 256 : i32
        %add3A_1303 = arith.addi %mul3A_1301, %add3A_1302 : i32
        %add3A_1304 = arith.constant 32 : i32
        %add3A_1305 = arith.addi %add3A_1303, %add3A_1304 : i32
        %swap3A_1306 = arith.constant 0 : i32
        %swap3A_1307 = tpu.memref_slice %arg12[%rem3A_708, %swap3A_1306] : memref<2x25600xf32, #tpu.memory_space<vmem>> -> memref<1x25600xf32, #tpu.memory_space<vmem>>
        %swap3A_1308 = tpu.memref_squeeze %swap3A_1307 : memref<1x25600xf32, #tpu.memory_space<vmem>> -> memref<25600xf32, #tpu.memory_space<vmem>>
        %swap3A_1309 = arith.index_cast %add3A_1305 : i32 to index
        %swap3A_1310 = tpu.vector_load %swap3A_1308[%swap3A_1309] {strides = array<i32>} : memref<25600xf32, #tpu.memory_space<vmem>>, vector<16xf32>,
        tpu.vector_store %swap3A_1308[%swap3A_1309], %gather3A_1299 {strides = array<i32>} : memref<25600xf32, #tpu.memory_space<vmem>>, vector<16xf32>,
        %add3A_1311 = arith.constant 192 : i32
        %add3A_1312 = vector.broadcast %add3A_1311 : i32 to vector<16xi32>
        %add3A_1313 = arith.addi %get3A_1265, %add3A_1312 : vector<16xi32>
        %gather3A_1314 = tpu.vector_load_idx %arg10[%add3A_1313] : memref<1024xf32, #tpu.memory_space<vmem>>[vector<16xi32>], vector<16xf32>,
        %mul3A_1315 = arith.constant 1024 : i32
        %mul3A_1316 = arith.muli %scan3A_760, %mul3A_1315 : i32
        %add3A_1317 = arith.constant 384 : i32
        %add3A_1318 = arith.addi %mul3A_1316, %add3A_1317 : i32
        %add3A_1319 = arith.constant 32 : i32
        %add3A_1320 = arith.addi %add3A_1318, %add3A_1319 : i32
        %swap3A_1321 = arith.constant 0 : i32
        %swap3A_1322 = tpu.memref_slice %arg12[%rem3A_708, %swap3A_1321] : memref<2x25600xf32, #tpu.memory_space<vmem>> -> memref<1x25600xf32, #tpu.memory_space<vmem>>
        %swap3A_1323 = tpu.memref_squeeze %swap3A_1322 : memref<1x25600xf32, #tpu.memory_space<vmem>> -> memref<25600xf32, #tpu.memory_space<vmem>>
        %swap3A_1324 = arith.index_cast %add3A_1320 : i32 to index
        %swap3A_1325 = tpu.vector_load %swap3A_1323[%swap3A_1324] {strides = array<i32>} : memref<25600xf32, #tpu.memory_space<vmem>>, vector<16xf32>,
        tpu.vector_store %swap3A_1323[%swap3A_1324], %gather3A_1314 {strides = array<i32>} : memref<25600xf32, #tpu.memory_space<vmem>>, vector<16xf32>,
        %add3A_1326 = arith.constant 256 : i32
        %add3A_1327 = vector.broadcast %add3A_1326 : i32 to vector<16xi32>
        %add3A_1328 = arith.addi %get3A_1265, %add3A_1327 : vector<16xi32>
        %gather3A_1329 = tpu.vector_load_idx %arg10[%add3A_1328] : memref<1024xf32, #tpu.memory_space<vmem>>[vector<16xi32>], vector<16xf32>,
        %mul3A_1330 = arith.constant 1024 : i32
        %mul3A_1331 = arith.muli %scan3A_760, %mul3A_1330 : i32
        %add3A_1332 = arith.constant 512 : i32
        %add3A_1333 = arith.addi %mul3A_1331, %add3A_1332 : i32
        %add3A_1334 = arith.constant 32 : i32
        %add3A_1335 = arith.addi %add3A_1333, %add3A_1334 : i32
        %swap3A_1336 = arith.constant 0 : i32
        %swap3A_1337 = tpu.memref_slice %arg12[%rem3A_708, %swap3A_1336] : memref<2x25600xf32, #tpu.memory_space<vmem>> -> memref<1x25600xf32, #tpu.memory_space<vmem>>
        %swap3A_1338 = tpu.memref_squeeze %swap3A_1337 : memref<1x25600xf32, #tpu.memory_space<vmem>> -> memref<25600xf32, #tpu.memory_space<vmem>>
        %swap3A_1339 = arith.index_cast %add3A_1335 : i32 to index
        %swap3A_1340 = tpu.vector_load %swap3A_1338[%swap3A_1339] {strides = array<i32>} : memref<25600xf32, #tpu.memory_space<vmem>>, vector<16xf32>,
        tpu.vector_store %swap3A_1338[%swap3A_1339], %gather3A_1329 {strides = array<i32>} : memref<25600xf32, #tpu.memory_space<vmem>>, vector<16xf32>,
        %add3A_1341 = arith.constant 320 : i32
        %add3A_1342 = vector.broadcast %add3A_1341 : i32 to vector<16xi32>
        %add3A_1343 = arith.addi %get3A_1265, %add3A_1342 : vector<16xi32>
        %gather3A_1344 = tpu.vector_load_idx %arg10[%add3A_1343] : memref<1024xf32, #tpu.memory_space<vmem>>[vector<16xi32>], vector<16xf32>,
        %mul3A_1345 = arith.constant 1024 : i32
        %mul3A_1346 = arith.muli %scan3A_760, %mul3A_1345 : i32
        %add3A_1347 = arith.constant 640 : i32
        %add3A_1348 = arith.addi %mul3A_1346, %add3A_1347 : i32
        %add3A_1349 = arith.constant 32 : i32
        %add3A_1350 = arith.addi %add3A_1348, %add3A_1349 : i32
        %swap3A_1351 = arith.constant 0 : i32
        %swap3A_1352 = tpu.memref_slice %arg12[%rem3A_708, %swap3A_1351] : memref<2x25600xf32, #tpu.memory_space<vmem>> -> memref<1x25600xf32, #tpu.memory_space<vmem>>
        %swap3A_1353 = tpu.memref_squeeze %swap3A_1352 : memref<1x25600xf32, #tpu.memory_space<vmem>> -> memref<25600xf32, #tpu.memory_space<vmem>>
        %swap3A_1354 = arith.index_cast %add3A_1350 : i32 to index
        %swap3A_1355 = tpu.vector_load %swap3A_1353[%swap3A_1354] {strides = array<i32>} : memref<25600xf32, #tpu.memory_space<vmem>>, vector<16xf32>,
        tpu.vector_store %swap3A_1353[%swap3A_1354], %gather3A_1344 {strides = array<i32>} : memref<25600xf32, #tpu.memory_space<vmem>>, vector<16xf32>,
        %add3A_1356 = arith.constant 384 : i32
        %add3A_1357 = vector.broadcast %add3A_1356 : i32 to vector<16xi32>
        %add3A_1358 = arith.addi %get3A_1265, %add3A_1357 : vector<16xi32>
        %gather3A_1359 = tpu.vector_load_idx %arg10[%add3A_1358] : memref<1024xf32, #tpu.memory_space<vmem>>[vector<16xi32>], vector<16xf32>,
        %mul3A_1360 = arith.constant 1024 : i32
        %mul3A_1361 = arith.muli %scan3A_760, %mul3A_1360 : i32
        %add3A_1362 = arith.constant 768 : i32
        %add3A_1363 = arith.addi %mul3A_1361, %add3A_1362 : i32
        %add3A_1364 = arith.constant 32 : i32
        %add3A_1365 = arith.addi %add3A_1363, %add3A_1364 : i32
        %swap3A_1366 = arith.constant 0 : i32
        %swap3A_1367 = tpu.memref_slice %arg12[%rem3A_708, %swap3A_1366] : memref<2x25600xf32, #tpu.memory_space<vmem>> -> memref<1x25600xf32, #tpu.memory_space<vmem>>
        %swap3A_1368 = tpu.memref_squeeze %swap3A_1367 : memref<1x25600xf32, #tpu.memory_space<vmem>> -> memref<25600xf32, #tpu.memory_space<vmem>>
        %swap3A_1369 = arith.index_cast %add3A_1365 : i32 to index
        %swap3A_1370 = tpu.vector_load %swap3A_1368[%swap3A_1369] {strides = array<i32>} : memref<25600xf32, #tpu.memory_space<vmem>>, vector<16xf32>,
        tpu.vector_store %swap3A_1368[%swap3A_1369], %gather3A_1359 {strides = array<i32>} : memref<25600xf32, #tpu.memory_space<vmem>>, vector<16xf32>,
        %add3A_1371 = arith.constant 448 : i32
        %add3A_1372 = vector.broadcast %add3A_1371 : i32 to vector<16xi32>
        %add3A_1373 = arith.addi %get3A_1265, %add3A_1372 : vector<16xi32>
        %gather3A_1374 = tpu.vector_load_idx %arg10[%add3A_1373] : memref<1024xf32, #tpu.memory_space<vmem>>[vector<16xi32>], vector<16xf32>,
        %mul3A_1375 = arith.constant 1024 : i32
        %mul3A_1376 = arith.muli %scan3A_760, %mul3A_1375 : i32
        %add3A_1377 = arith.constant 896 : i32
        %add3A_1378 = arith.addi %mul3A_1376, %add3A_1377 : i32
        %add3A_1379 = arith.constant 32 : i32
        %add3A_1380 = arith.addi %add3A_1378, %add3A_1379 : i32
        %swap3A_1381 = arith.constant 0 : i32
        %swap3A_1382 = tpu.memref_slice %arg12[%rem3A_708, %swap3A_1381] : memref<2x25600xf32, #tpu.memory_space<vmem>> -> memref<1x25600xf32, #tpu.memory_space<vmem>>
        %swap3A_1383 = tpu.memref_squeeze %swap3A_1382 : memref<1x25600xf32, #tpu.memory_space<vmem>> -> memref<25600xf32, #tpu.memory_space<vmem>>
        %swap3A_1384 = arith.index_cast %add3A_1380 : i32 to index
        %swap3A_1385 = tpu.vector_load %swap3A_1383[%swap3A_1384] {strides = array<i32>} : memref<25600xf32, #tpu.memory_space<vmem>>, vector<16xf32>,
        tpu.vector_store %swap3A_1383[%swap3A_1384], %gather3A_1374 {strides = array<i32>} : memref<25600xf32, #tpu.memory_space<vmem>>, vector<16xf32>,
        %add3A_1386 = arith.constant 512 : i32
        %add3A_1387 = vector.broadcast %add3A_1386 : i32 to vector<16xi32>
        %add3A_1388 = arith.addi %get3A_1265, %add3A_1387 : vector<16xi32>
        %gather3A_1389 = tpu.vector_load_idx %arg10[%add3A_1388] : memref<1024xf32, #tpu.memory_space<vmem>>[vector<16xi32>], vector<16xf32>,
        %mul3A_1390 = arith.constant 1024 : i32
        %mul3A_1391 = arith.muli %scan3A_760, %mul3A_1390 : i32
        %add3A_1392 = arith.constant 0 : i32
        %add3A_1393 = arith.addi %mul3A_1391, %add3A_1392 : i32
        %add3A_1394 = arith.constant 32 : i32
        %add3A_1395 = arith.addi %add3A_1393, %add3A_1394 : i32
        %swap3A_1396 = arith.constant 0 : i32
        %swap3A_1397 = tpu.memref_slice %arg13[%rem3A_708, %swap3A_1396] : memref<2x25600xf32, #tpu.memory_space<vmem>> -> memref<1x25600xf32, #tpu.memory_space<vmem>>
        %swap3A_1398 = tpu.memref_squeeze %swap3A_1397 : memref<1x25600xf32, #tpu.memory_space<vmem>> -> memref<25600xf32, #tpu.memory_space<vmem>>
        %swap3A_1399 = arith.index_cast %add3A_1395 : i32 to index
        %swap3A_1400 = tpu.vector_load %swap3A_1398[%swap3A_1399] {strides = array<i32>} : memref<25600xf32, #tpu.memory_space<vmem>>, vector<16xf32>,
        tpu.vector_store %swap3A_1398[%swap3A_1399], %gather3A_1389 {strides = array<i32>} : memref<25600xf32, #tpu.memory_space<vmem>>, vector<16xf32>,
        %add3A_1401 = arith.constant 576 : i32
        %add3A_1402 = vector.broadcast %add3A_1401 : i32 to vector<16xi32>
        %add3A_1403 = arith.addi %get3A_1265, %add3A_1402 : vector<16xi32>
        %gather3A_1404 = tpu.vector_load_idx %arg10[%add3A_1403] : memref<1024xf32, #tpu.memory_space<vmem>>[vector<16xi32>], vector<16xf32>,
        %mul3A_1405 = arith.constant 1024 : i32
        %mul3A_1406 = arith.muli %scan3A_760, %mul3A_1405 : i32
        %add3A_1407 = arith.constant 128 : i32
        %add3A_1408 = arith.addi %mul3A_1406, %add3A_1407 : i32
        %add3A_1409 = arith.constant 32 : i32
        %add3A_1410 = arith.addi %add3A_1408, %add3A_1409 : i32
        %swap3A_1411 = arith.constant 0 : i32
        %swap3A_1412 = tpu.memref_slice %arg13[%rem3A_708, %swap3A_1411] : memref<2x25600xf32, #tpu.memory_space<vmem>> -> memref<1x25600xf32, #tpu.memory_space<vmem>>
        %swap3A_1413 = tpu.memref_squeeze %swap3A_1412 : memref<1x25600xf32, #tpu.memory_space<vmem>> -> memref<25600xf32, #tpu.memory_space<vmem>>
        %swap3A_1414 = arith.index_cast %add3A_1410 : i32 to index
        %swap3A_1415 = tpu.vector_load %swap3A_1413[%swap3A_1414] {strides = array<i32>} : memref<25600xf32, #tpu.memory_space<vmem>>, vector<16xf32>,
        tpu.vector_store %swap3A_1413[%swap3A_1414], %gather3A_1404 {strides = array<i32>} : memref<25600xf32, #tpu.memory_space<vmem>>, vector<16xf32>,
        %add3A_1416 = arith.constant 640 : i32
        %add3A_1417 = vector.broadcast %add3A_1416 : i32 to vector<16xi32>
        %add3A_1418 = arith.addi %get3A_1265, %add3A_1417 : vector<16xi32>
        %gather3A_1419 = tpu.vector_load_idx %arg10[%add3A_1418] : memref<1024xf32, #tpu.memory_space<vmem>>[vector<16xi32>], vector<16xf32>,
        %mul3A_1420 = arith.constant 1024 : i32
        %mul3A_1421 = arith.muli %scan3A_760, %mul3A_1420 : i32
        %add3A_1422 = arith.constant 256 : i32
        %add3A_1423 = arith.addi %mul3A_1421, %add3A_1422 : i32
        %add3A_1424 = arith.constant 32 : i32
        %add3A_1425 = arith.addi %add3A_1423, %add3A_1424 : i32
        %swap3A_1426 = arith.constant 0 : i32
        %swap3A_1427 = tpu.memref_slice %arg13[%rem3A_708, %swap3A_1426] : memref<2x25600xf32, #tpu.memory_space<vmem>> -> memref<1x25600xf32, #tpu.memory_space<vmem>>
        %swap3A_1428 = tpu.memref_squeeze %swap3A_1427 : memref<1x25600xf32, #tpu.memory_space<vmem>> -> memref<25600xf32, #tpu.memory_space<vmem>>
        %swap3A_1429 = arith.index_cast %add3A_1425 : i32 to index
        %swap3A_1430 = tpu.vector_load %swap3A_1428[%swap3A_1429] {strides = array<i32>} : memref<25600xf32, #tpu.memory_space<vmem>>, vector<16xf32>,
        tpu.vector_store %swap3A_1428[%swap3A_1429], %gather3A_1419 {strides = array<i32>} : memref<25600xf32, #tpu.memory_space<vmem>>, vector<16xf32>,
        %add3A_1431 = arith.constant 704 : i32
        %add3A_1432 = vector.broadcast %add3A_1431 : i32 to vector<16xi32>
        %add3A_1433 = arith.addi %get3A_1265, %add3A_1432 : vector<16xi32>
        %gather3A_1434 = tpu.vector_load_idx %arg10[%add3A_1433] : memref<1024xf32, #tpu.memory_space<vmem>>[vector<16xi32>], vector<16xf32>,
        %mul3A_1435 = arith.constant 1024 : i32
        %mul3A_1436 = arith.muli %scan3A_760, %mul3A_1435 : i32
        %add3A_1437 = arith.constant 384 : i32
        %add3A_1438 = arith.addi %mul3A_1436, %add3A_1437 : i32
        %add3A_1439 = arith.constant 32 : i32
        %add3A_1440 = arith.addi %add3A_1438, %add3A_1439 : i32
        %swap3A_1441 = arith.constant 0 : i32
        %swap3A_1442 = tpu.memref_slice %arg13[%rem3A_708, %swap3A_1441] : memref<2x25600xf32, #tpu.memory_space<vmem>> -> memref<1x25600xf32, #tpu.memory_space<vmem>>
        %swap3A_1443 = tpu.memref_squeeze %swap3A_1442 : memref<1x25600xf32, #tpu.memory_space<vmem>> -> memref<25600xf32, #tpu.memory_space<vmem>>
        %swap3A_1444 = arith.index_cast %add3A_1440 : i32 to index
        %swap3A_1445 = tpu.vector_load %swap3A_1443[%swap3A_1444] {strides = array<i32>} : memref<25600xf32, #tpu.memory_space<vmem>>, vector<16xf32>,
        tpu.vector_store %swap3A_1443[%swap3A_1444], %gather3A_1434 {strides = array<i32>} : memref<25600xf32, #tpu.memory_space<vmem>>, vector<16xf32>,
        %add3A_1446 = arith.constant 768 : i32
        %add3A_1447 = vector.broadcast %add3A_1446 : i32 to vector<16xi32>
        %add3A_1448 = arith.addi %get3A_1265, %add3A_1447 : vector<16xi32>
        %gather3A_1449 = tpu.vector_load_idx %arg10[%add3A_1448] : memref<1024xf32, #tpu.memory_space<vmem>>[vector<16xi32>], vector<16xf32>,
        %mul3A_1450 = arith.constant 1024 : i32
        %mul3A_1451 = arith.muli %scan3A_760, %mul3A_1450 : i32
        %add3A_1452 = arith.constant 512 : i32
        %add3A_1453 = arith.addi %mul3A_1451, %add3A_1452 : i32
        %add3A_1454 = arith.constant 32 : i32
        %add3A_1455 = arith.addi %add3A_1453, %add3A_1454 : i32
        %swap3A_1456 = arith.constant 0 : i32
        %swap3A_1457 = tpu.memref_slice %arg13[%rem3A_708, %swap3A_1456] : memref<2x25600xf32, #tpu.memory_space<vmem>> -> memref<1x25600xf32, #tpu.memory_space<vmem>>
        %swap3A_1458 = tpu.memref_squeeze %swap3A_1457 : memref<1x25600xf32, #tpu.memory_space<vmem>> -> memref<25600xf32, #tpu.memory_space<vmem>>
        %swap3A_1459 = arith.index_cast %add3A_1455 : i32 to index
        %swap3A_1460 = tpu.vector_load %swap3A_1458[%swap3A_1459] {strides = array<i32>} : memref<25600xf32, #tpu.memory_space<vmem>>, vector<16xf32>,
        tpu.vector_store %swap3A_1458[%swap3A_1459], %gather3A_1449 {strides = array<i32>} : memref<25600xf32, #tpu.memory_space<vmem>>, vector<16xf32>,
        %add3A_1461 = arith.constant 832 : i32
        %add3A_1462 = vector.broadcast %add3A_1461 : i32 to vector<16xi32>
        %add3A_1463 = arith.addi %get3A_1265, %add3A_1462 : vector<16xi32>
        %gather3A_1464 = tpu.vector_load_idx %arg10[%add3A_1463] : memref<1024xf32, #tpu.memory_space<vmem>>[vector<16xi32>], vector<16xf32>,
        %mul3A_1465 = arith.constant 1024 : i32
        %mul3A_1466 = arith.muli %scan3A_760, %mul3A_1465 : i32
        %add3A_1467 = arith.constant 640 : i32
        %add3A_1468 = arith.addi %mul3A_1466, %add3A_1467 : i32
        %add3A_1469 = arith.constant 32 : i32
        %add3A_1470 = arith.addi %add3A_1468, %add3A_1469 : i32
        %swap3A_1471 = arith.constant 0 : i32
        %swap3A_1472 = tpu.memref_slice %arg13[%rem3A_708, %swap3A_1471] : memref<2x25600xf32, #tpu.memory_space<vmem>> -> memref<1x25600xf32, #tpu.memory_space<vmem>>
        %swap3A_1473 = tpu.memref_squeeze %swap3A_1472 : memref<1x25600xf32, #tpu.memory_space<vmem>> -> memref<25600xf32, #tpu.memory_space<vmem>>
        %swap3A_1474 = arith.index_cast %add3A_1470 : i32 to index
        %swap3A_1475 = tpu.vector_load %swap3A_1473[%swap3A_1474] {strides = array<i32>} : memref<25600xf32, #tpu.memory_space<vmem>>, vector<16xf32>,
        tpu.vector_store %swap3A_1473[%swap3A_1474], %gather3A_1464 {strides = array<i32>} : memref<25600xf32, #tpu.memory_space<vmem>>, vector<16xf32>,
        %add3A_1476 = arith.constant 896 : i32
        %add3A_1477 = vector.broadcast %add3A_1476 : i32 to vector<16xi32>
        %add3A_1478 = arith.addi %get3A_1265, %add3A_1477 : vector<16xi32>
        %gather3A_1479 = tpu.vector_load_idx %arg10[%add3A_1478] : memref<1024xf32, #tpu.memory_space<vmem>>[vector<16xi32>], vector<16xf32>,
        %mul3A_1480 = arith.constant 1024 : i32
        %mul3A_1481 = arith.muli %scan3A_760, %mul3A_1480 : i32
        %add3A_1482 = arith.constant 768 : i32
        %add3A_1483 = arith.addi %mul3A_1481, %add3A_1482 : i32
        %add3A_1484 = arith.constant 32 : i32
        %add3A_1485 = arith.addi %add3A_1483, %add3A_1484 : i32
        %swap3A_1486 = arith.constant 0 : i32
        %swap3A_1487 = tpu.memref_slice %arg13[%rem3A_708, %swap3A_1486] : memref<2x25600xf32, #tpu.memory_space<vmem>> -> memref<1x25600xf32, #tpu.memory_space<vmem>>
        %swap3A_1488 = tpu.memref_squeeze %swap3A_1487 : memref<1x25600xf32, #tpu.memory_space<vmem>> -> memref<25600xf32, #tpu.memory_space<vmem>>
        %swap3A_1489 = arith.index_cast %add3A_1485 : i32 to index
        %swap3A_1490 = tpu.vector_load %swap3A_1488[%swap3A_1489] {strides = array<i32>} : memref<25600xf32, #tpu.memory_space<vmem>>, vector<16xf32>,
        tpu.vector_store %swap3A_1488[%swap3A_1489], %gather3A_1479 {strides = array<i32>} : memref<25600xf32, #tpu.memory_space<vmem>>, vector<16xf32>,
        %add3A_1491 = arith.constant 960 : i32
        %add3A_1492 = vector.broadcast %add3A_1491 : i32 to vector<16xi32>
        %add3A_1493 = arith.addi %get3A_1265, %add3A_1492 : vector<16xi32>
        %gather3A_1494 = tpu.vector_load_idx %arg10[%add3A_1493] : memref<1024xf32, #tpu.memory_space<vmem>>[vector<16xi32>], vector<16xf32>,
        %mul3A_1495 = arith.constant 1024 : i32
        %mul3A_1496 = arith.muli %scan3A_760, %mul3A_1495 : i32
        %add3A_1497 = arith.constant 896 : i32
        %add3A_1498 = arith.addi %mul3A_1496, %add3A_1497 : i32
        %add3A_1499 = arith.constant 32 : i32
        %add3A_1500 = arith.addi %add3A_1498, %add3A_1499 : i32
        %swap3A_1501 = arith.constant 0 : i32
        %swap3A_1502 = tpu.memref_slice %arg13[%rem3A_708, %swap3A_1501] : memref<2x25600xf32, #tpu.memory_space<vmem>> -> memref<1x25600xf32, #tpu.memory_space<vmem>>
        %swap3A_1503 = tpu.memref_squeeze %swap3A_1502 : memref<1x25600xf32, #tpu.memory_space<vmem>> -> memref<25600xf32, #tpu.memory_space<vmem>>
        %swap3A_1504 = arith.index_cast %add3A_1500 : i32 to index
        %swap3A_1505 = tpu.vector_load %swap3A_1503[%swap3A_1504] {strides = array<i32>} : memref<25600xf32, #tpu.memory_space<vmem>>, vector<16xf32>,
        tpu.vector_store %swap3A_1503[%swap3A_1504], %gather3A_1494 {strides = array<i32>} : memref<25600xf32, #tpu.memory_space<vmem>>, vector<16xf32>,
        %mul3A_1506 = arith.constant 128 : i32
        %mul3A_1507 = arith.muli %scan3A_760, %mul3A_1506 : i32
        %add3A_1508 = arith.constant 48 : i32
        %add3A_1509 = arith.addi %mul3A_1507, %add3A_1508 : i32
        %get3A_1510 = arith.constant 0 : i32
        %get3A_1511 = tpu.memref_slice %arg11[%rem3A_708, %get3A_1510] : memref<2x3200xi32, #tpu.memory_space<vmem>> -> memref<1x3200xi32, #tpu.memory_space<vmem>>
        %get3A_1512 = tpu.memref_squeeze %get3A_1511 : memref<1x3200xi32, #tpu.memory_space<vmem>> -> memref<3200xi32, #tpu.memory_space<vmem>>
        %get3A_1513 = arith.index_cast %add3A_1509 : i32 to index
        %get3A_1514 = tpu.vector_load %get3A_1512[%get3A_1513] {strides = array<i32>} : memref<3200xi32, #tpu.memory_space<vmem>>, vector<16xi32>,
        %add3A_1515 = arith.constant 0 : i32
        %add3A_1516 = vector.broadcast %add3A_1515 : i32 to vector<16xi32>
        %add3A_1517 = arith.addi %get3A_1514, %add3A_1516 : vector<16xi32>
        %gather3A_1518 = tpu.vector_load_idx %arg10[%add3A_1517] : memref<1024xf32, #tpu.memory_space<vmem>>[vector<16xi32>], vector<16xf32>,
        %mul3A_1519 = arith.constant 1024 : i32
        %mul3A_1520 = arith.muli %scan3A_760, %mul3A_1519 : i32
        %add3A_1521 = arith.constant 0 : i32
        %add3A_1522 = arith.addi %mul3A_1520, %add3A_1521 : i32
        %add3A_1523 = arith.constant 48 : i32
        %add3A_1524 = arith.addi %add3A_1522, %add3A_1523 : i32
        %swap3A_1525 = arith.constant 0 : i32
        %swap3A_1526 = tpu.memref_slice %arg12[%rem3A_708, %swap3A_1525] : memref<2x25600xf32, #tpu.memory_space<vmem>> -> memref<1x25600xf32, #tpu.memory_space<vmem>>
        %swap3A_1527 = tpu.memref_squeeze %swap3A_1526 : memref<1x25600xf32, #tpu.memory_space<vmem>> -> memref<25600xf32, #tpu.memory_space<vmem>>
        %swap3A_1528 = arith.index_cast %add3A_1524 : i32 to index
        %swap3A_1529 = tpu.vector_load %swap3A_1527[%swap3A_1528] {strides = array<i32>} : memref<25600xf32, #tpu.memory_space<vmem>>, vector<16xf32>,
        tpu.vector_store %swap3A_1527[%swap3A_1528], %gather3A_1518 {strides = array<i32>} : memref<25600xf32, #tpu.memory_space<vmem>>, vector<16xf32>,
        %add3A_1530 = arith.constant 64 : i32
        %add3A_1531 = vector.broadcast %add3A_1530 : i32 to vector<16xi32>
        %add3A_1532 = arith.addi %get3A_1514, %add3A_1531 : vector<16xi32>
        %gather3A_1533 = tpu.vector_load_idx %arg10[%add3A_1532] : memref<1024xf32, #tpu.memory_space<vmem>>[vector<16xi32>], vector<16xf32>,
        %mul3A_1534 = arith.constant 1024 : i32
        %mul3A_1535 = arith.muli %scan3A_760, %mul3A_1534 : i32
        %add3A_1536 = arith.constant 128 : i32
        %add3A_1537 = arith.addi %mul3A_1535, %add3A_1536 : i32
        %add3A_1538 = arith.constant 48 : i32
        %add3A_1539 = arith.addi %add3A_1537, %add3A_1538 : i32
        %swap3A_1540 = arith.constant 0 : i32
        %swap3A_1541 = tpu.memref_slice %arg12[%rem3A_708, %swap3A_1540] : memref<2x25600xf32, #tpu.memory_space<vmem>> -> memref<1x25600xf32, #tpu.memory_space<vmem>>
        %swap3A_1542 = tpu.memref_squeeze %swap3A_1541 : memref<1x25600xf32, #tpu.memory_space<vmem>> -> memref<25600xf32, #tpu.memory_space<vmem>>
        %swap3A_1543 = arith.index_cast %add3A_1539 : i32 to index
        %swap3A_1544 = tpu.vector_load %swap3A_1542[%swap3A_1543] {strides = array<i32>} : memref<25600xf32, #tpu.memory_space<vmem>>, vector<16xf32>,
        tpu.vector_store %swap3A_1542[%swap3A_1543], %gather3A_1533 {strides = array<i32>} : memref<25600xf32, #tpu.memory_space<vmem>>, vector<16xf32>,
        %add3A_1545 = arith.constant 128 : i32
        %add3A_1546 = vector.broadcast %add3A_1545 : i32 to vector<16xi32>
        %add3A_1547 = arith.addi %get3A_1514, %add3A_1546 : vector<16xi32>
        %gather3A_1548 = tpu.vector_load_idx %arg10[%add3A_1547] : memref<1024xf32, #tpu.memory_space<vmem>>[vector<16xi32>], vector<16xf32>,
        %mul3A_1549 = arith.constant 1024 : i32
        %mul3A_1550 = arith.muli %scan3A_760, %mul3A_1549 : i32
        %add3A_1551 = arith.constant 256 : i32
        %add3A_1552 = arith.addi %mul3A_1550, %add3A_1551 : i32
        %add3A_1553 = arith.constant 48 : i32
        %add3A_1554 = arith.addi %add3A_1552, %add3A_1553 : i32
        %swap3A_1555 = arith.constant 0 : i32
        %swap3A_1556 = tpu.memref_slice %arg12[%rem3A_708, %swap3A_1555] : memref<2x25600xf32, #tpu.memory_space<vmem>> -> memref<1x25600xf32, #tpu.memory_space<vmem>>
        %swap3A_1557 = tpu.memref_squeeze %swap3A_1556 : memref<1x25600xf32, #tpu.memory_space<vmem>> -> memref<25600xf32, #tpu.memory_space<vmem>>
        %swap3A_1558 = arith.index_cast %add3A_1554 : i32 to index
        %swap3A_1559 = tpu.vector_load %swap3A_1557[%swap3A_1558] {strides = array<i32>} : memref<25600xf32, #tpu.memory_space<vmem>>, vector<16xf32>,
        tpu.vector_store %swap3A_1557[%swap3A_1558], %gather3A_1548 {strides = array<i32>} : memref<25600xf32, #tpu.memory_space<vmem>>, vector<16xf32>,
        %add3A_1560 = arith.constant 192 : i32
        %add3A_1561 = vector.broadcast %add3A_1560 : i32 to vector<16xi32>
        %add3A_1562 = arith.addi %get3A_1514, %add3A_1561 : vector<16xi32>
        %gather3A_1563 = tpu.vector_load_idx %arg10[%add3A_1562] : memref<1024xf32, #tpu.memory_space<vmem>>[vector<16xi32>], vector<16xf32>,
        %mul3A_1564 = arith.constant 1024 : i32
        %mul3A_1565 = arith.muli %scan3A_760, %mul3A_1564 : i32
        %add3A_1566 = arith.constant 384 : i32
        %add3A_1567 = arith.addi %mul3A_1565, %add3A_1566 : i32
        %add3A_1568 = arith.constant 48 : i32
        %add3A_1569 = arith.addi %add3A_1567, %add3A_1568 : i32
        %swap3A_1570 = arith.constant 0 : i32
        %swap3A_1571 = tpu.memref_slice %arg12[%rem3A_708, %swap3A_1570] : memref<2x25600xf32, #tpu.memory_space<vmem>> -> memref<1x25600xf32, #tpu.memory_space<vmem>>
        %swap3A_1572 = tpu.memref_squeeze %swap3A_1571 : memref<1x25600xf32, #tpu.memory_space<vmem>> -> memref<25600xf32, #tpu.memory_space<vmem>>
        %swap3A_1573 = arith.index_cast %add3A_1569 : i32 to index
        %swap3A_1574 = tpu.vector_load %swap3A_1572[%swap3A_1573] {strides = array<i32>} : memref<25600xf32, #tpu.memory_space<vmem>>, vector<16xf32>,
        tpu.vector_store %swap3A_1572[%swap3A_1573], %gather3A_1563 {strides = array<i32>} : memref<25600xf32, #tpu.memory_space<vmem>>, vector<16xf32>,
        %add3A_1575 = arith.constant 256 : i32
        %add3A_1576 = vector.broadcast %add3A_1575 : i32 to vector<16xi32>
        %add3A_1577 = arith.addi %get3A_1514, %add3A_1576 : vector<16xi32>
        %gather3A_1578 = tpu.vector_load_idx %arg10[%add3A_1577] : memref<1024xf32, #tpu.memory_space<vmem>>[vector<16xi32>], vector<16xf32>,
        %mul3A_1579 = arith.constant 1024 : i32
        %mul3A_1580 = arith.muli %scan3A_760, %mul3A_1579 : i32
        %add3A_1581 = arith.constant 512 : i32
        %add3A_1582 = arith.addi %mul3A_1580, %add3A_1581 : i32
        %add3A_1583 = arith.constant 48 : i32
        %add3A_1584 = arith.addi %add3A_1582, %add3A_1583 : i32
        %swap3A_1585 = arith.constant 0 : i32
        %swap3A_1586 = tpu.memref_slice %arg12[%rem3A_708, %swap3A_1585] : memref<2x25600xf32, #tpu.memory_space<vmem>> -> memref<1x25600xf32, #tpu.memory_space<vmem>>
        %swap3A_1587 = tpu.memref_squeeze %swap3A_1586 : memref<1x25600xf32, #tpu.memory_space<vmem>> -> memref<25600xf32, #tpu.memory_space<vmem>>
        %swap3A_1588 = arith.index_cast %add3A_1584 : i32 to index
        %swap3A_1589 = tpu.vector_load %swap3A_1587[%swap3A_1588] {strides = array<i32>} : memref<25600xf32, #tpu.memory_space<vmem>>, vector<16xf32>,
        tpu.vector_store %swap3A_1587[%swap3A_1588], %gather3A_1578 {strides = array<i32>} : memref<25600xf32, #tpu.memory_space<vmem>>, vector<16xf32>,
        %add3A_1590 = arith.constant 320 : i32
        %add3A_1591 = vector.broadcast %add3A_1590 : i32 to vector<16xi32>
        %add3A_1592 = arith.addi %get3A_1514, %add3A_1591 : vector<16xi32>
        %gather3A_1593 = tpu.vector_load_idx %arg10[%add3A_1592] : memref<1024xf32, #tpu.memory_space<vmem>>[vector<16xi32>], vector<16xf32>,
        %mul3A_1594 = arith.constant 1024 : i32
        %mul3A_1595 = arith.muli %scan3A_760, %mul3A_1594 : i32
        %add3A_1596 = arith.constant 640 : i32
        %add3A_1597 = arith.addi %mul3A_1595, %add3A_1596 : i32
        %add3A_1598 = arith.constant 48 : i32
        %add3A_1599 = arith.addi %add3A_1597, %add3A_1598 : i32
        %swap3A_1600 = arith.constant 0 : i32
        %swap3A_1601 = tpu.memref_slice %arg12[%rem3A_708, %swap3A_1600] : memref<2x25600xf32, #tpu.memory_space<vmem>> -> memref<1x25600xf32, #tpu.memory_space<vmem>>
        %swap3A_1602 = tpu.memref_squeeze %swap3A_1601 : memref<1x25600xf32, #tpu.memory_space<vmem>> -> memref<25600xf32, #tpu.memory_space<vmem>>
        %swap3A_1603 = arith.index_cast %add3A_1599 : i32 to index
        %swap3A_1604 = tpu.vector_load %swap3A_1602[%swap3A_1603] {strides = array<i32>} : memref<25600xf32, #tpu.memory_space<vmem>>, vector<16xf32>,
        tpu.vector_store %swap3A_1602[%swap3A_1603], %gather3A_1593 {strides = array<i32>} : memref<25600xf32, #tpu.memory_space<vmem>>, vector<16xf32>,
        %add3A_1605 = arith.constant 384 : i32
        %add3A_1606 = vector.broadcast %add3A_1605 : i32 to vector<16xi32>
        %add3A_1607 = arith.addi %get3A_1514, %add3A_1606 : vector<16xi32>
        %gather3A_1608 = tpu.vector_load_idx %arg10[%add3A_1607] : memref<1024xf32, #tpu.memory_space<vmem>>[vector<16xi32>], vector<16xf32>,
        %mul3A_1609 = arith.constant 1024 : i32
        %mul3A_1610 = arith.muli %scan3A_760, %mul3A_1609 : i32
        %add3A_1611 = arith.constant 768 : i32
        %add3A_1612 = arith.addi %mul3A_1610, %add3A_1611 : i32
        %add3A_1613 = arith.constant 48 : i32
        %add3A_1614 = arith.addi %add3A_1612, %add3A_1613 : i32
        %swap3A_1615 = arith.constant 0 : i32
        %swap3A_1616 = tpu.memref_slice %arg12[%rem3A_708, %swap3A_1615] : memref<2x25600xf32, #tpu.memory_space<vmem>> -> memref<1x25600xf32, #tpu.memory_space<vmem>>
        %swap3A_1617 = tpu.memref_squeeze %swap3A_1616 : memref<1x25600xf32, #tpu.memory_space<vmem>> -> memref<25600xf32, #tpu.memory_space<vmem>>
        %swap3A_1618 = arith.index_cast %add3A_1614 : i32 to index
        %swap3A_1619 = tpu.vector_load %swap3A_1617[%swap3A_1618] {strides = array<i32>} : memref<25600xf32, #tpu.memory_space<vmem>>, vector<16xf32>,
        tpu.vector_store %swap3A_1617[%swap3A_1618], %gather3A_1608 {strides = array<i32>} : memref<25600xf32, #tpu.memory_space<vmem>>, vector<16xf32>,
        %add3A_1620 = arith.constant 448 : i32
        %add3A_1621 = vector.broadcast %add3A_1620 : i32 to vector<16xi32>
        %add3A_1622 = arith.addi %get3A_1514, %add3A_1621 : vector<16xi32>
        %gather3A_1623 = tpu.vector_load_idx %arg10[%add3A_1622] : memref<1024xf32, #tpu.memory_space<vmem>>[vector<16xi32>], vector<16xf32>,
        %mul3A_1624 = arith.constant 1024 : i32
        %mul3A_1625 = arith.muli %scan3A_760, %mul3A_1624 : i32
        %add3A_1626 = arith.constant 896 : i32
        %add3A_1627 = arith.addi %mul3A_1625, %add3A_1626 : i32
        %add3A_1628 = arith.constant 48 : i32
        %add3A_1629 = arith.addi %add3A_1627, %add3A_1628 : i32
        %swap3A_1630 = arith.constant 0 : i32
        %swap3A_1631 = tpu.memref_slice %arg12[%rem3A_708, %swap3A_1630] : memref<2x25600xf32, #tpu.memory_space<vmem>> -> memref<1x25600xf32, #tpu.memory_space<vmem>>
        %swap3A_1632 = tpu.memref_squeeze %swap3A_1631 : memref<1x25600xf32, #tpu.memory_space<vmem>> -> memref<25600xf32, #tpu.memory_space<vmem>>
        %swap3A_1633 = arith.index_cast %add3A_1629 : i32 to index
        %swap3A_1634 = tpu.vector_load %swap3A_1632[%swap3A_1633] {strides = array<i32>} : memref<25600xf32, #tpu.memory_space<vmem>>, vector<16xf32>,
        tpu.vector_store %swap3A_1632[%swap3A_1633], %gather3A_1623 {strides = array<i32>} : memref<25600xf32, #tpu.memory_space<vmem>>, vector<16xf32>,
        %add3A_1635 = arith.constant 512 : i32
        %add3A_1636 = vector.broadcast %add3A_1635 : i32 to vector<16xi32>
        %add3A_1637 = arith.addi %get3A_1514, %add3A_1636 : vector<16xi32>
        %gather3A_1638 = tpu.vector_load_idx %arg10[%add3A_1637] : memref<1024xf32, #tpu.memory_space<vmem>>[vector<16xi32>], vector<16xf32>,
        %mul3A_1639 = arith.constant 1024 : i32
        %mul3A_1640 = arith.muli %scan3A_760, %mul3A_1639 : i32
        %add3A_1641 = arith.constant 0 : i32
        %add3A_1642 = arith.addi %mul3A_1640, %add3A_1641 : i32
        %add3A_1643 = arith.constant 48 : i32
        %add3A_1644 = arith.addi %add3A_1642, %add3A_1643 : i32
        %swap3A_1645 = arith.constant 0 : i32
        %swap3A_1646 = tpu.memref_slice %arg13[%rem3A_708, %swap3A_1645] : memref<2x25600xf32, #tpu.memory_space<vmem>> -> memref<1x25600xf32, #tpu.memory_space<vmem>>
        %swap3A_1647 = tpu.memref_squeeze %swap3A_1646 : memref<1x25600xf32, #tpu.memory_space<vmem>> -> memref<25600xf32, #tpu.memory_space<vmem>>
        %swap3A_1648 = arith.index_cast %add3A_1644 : i32 to index
        %swap3A_1649 = tpu.vector_load %swap3A_1647[%swap3A_1648] {strides = array<i32>} : memref<25600xf32, #tpu.memory_space<vmem>>, vector<16xf32>,
        tpu.vector_store %swap3A_1647[%swap3A_1648], %gather3A_1638 {strides = array<i32>} : memref<25600xf32, #tpu.memory_space<vmem>>, vector<16xf32>,
        %add3A_1650 = arith.constant 576 : i32
        %add3A_1651 = vector.broadcast %add3A_1650 : i32 to vector<16xi32>
        %add3A_1652 = arith.addi %get3A_1514, %add3A_1651 : vector<16xi32>
        %gather3A_1653 = tpu.vector_load_idx %arg10[%add3A_1652] : memref<1024xf32, #tpu.memory_space<vmem>>[vector<16xi32>], vector<16xf32>,
        %mul3A_1654 = arith.constant 1024 : i32
        %mul3A_1655 = arith.muli %scan3A_760, %mul3A_1654 : i32
        %add3A_1656 = arith.constant 128 : i32
        %add3A_1657 = arith.addi %mul3A_1655, %add3A_1656 : i32
        %add3A_1658 = arith.constant 48 : i32
        %add3A_1659 = arith.addi %add3A_1657, %add3A_1658 : i32
        %swap3A_1660 = arith.constant 0 : i32
        %swap3A_1661 = tpu.memref_slice %arg13[%rem3A_708, %swap3A_1660] : memref<2x25600xf32, #tpu.memory_space<vmem>> -> memref<1x25600xf32, #tpu.memory_space<vmem>>
        %swap3A_1662 = tpu.memref_squeeze %swap3A_1661 : memref<1x25600xf32, #tpu.memory_space<vmem>> -> memref<25600xf32, #tpu.memory_space<vmem>>
        %swap3A_1663 = arith.index_cast %add3A_1659 : i32 to index
        %swap3A_1664 = tpu.vector_load %swap3A_1662[%swap3A_1663] {strides = array<i32>} : memref<25600xf32, #tpu.memory_space<vmem>>, vector<16xf32>,
        tpu.vector_store %swap3A_1662[%swap3A_1663], %gather3A_1653 {strides = array<i32>} : memref<25600xf32, #tpu.memory_space<vmem>>, vector<16xf32>,
        %add3A_1665 = arith.constant 640 : i32
        %add3A_1666 = vector.broadcast %add3A_1665 : i32 to vector<16xi32>
        %add3A_1667 = arith.addi %get3A_1514, %add3A_1666 : vector<16xi32>
        %gather3A_1668 = tpu.vector_load_idx %arg10[%add3A_1667] : memref<1024xf32, #tpu.memory_space<vmem>>[vector<16xi32>], vector<16xf32>,
        %mul3A_1669 = arith.constant 1024 : i32
        %mul3A_1670 = arith.muli %scan3A_760, %mul3A_1669 : i32
        %add3A_1671 = arith.constant 256 : i32
        %add3A_1672 = arith.addi %mul3A_1670, %add3A_1671 : i32
        %add3A_1673 = arith.constant 48 : i32
        %add3A_1674 = arith.addi %add3A_1672, %add3A_1673 : i32
        %swap3A_1675 = arith.constant 0 : i32
        %swap3A_1676 = tpu.memref_slice %arg13[%rem3A_708, %swap3A_1675] : memref<2x25600xf32, #tpu.memory_space<vmem>> -> memref<1x25600xf32, #tpu.memory_space<vmem>>
        %swap3A_1677 = tpu.memref_squeeze %swap3A_1676 : memref<1x25600xf32, #tpu.memory_space<vmem>> -> memref<25600xf32, #tpu.memory_space<vmem>>
        %swap3A_1678 = arith.index_cast %add3A_1674 : i32 to index
        %swap3A_1679 = tpu.vector_load %swap3A_1677[%swap3A_1678] {strides = array<i32>} : memref<25600xf32, #tpu.memory_space<vmem>>, vector<16xf32>,
        tpu.vector_store %swap3A_1677[%swap3A_1678], %gather3A_1668 {strides = array<i32>} : memref<25600xf32, #tpu.memory_space<vmem>>, vector<16xf32>,
        %add3A_1680 = arith.constant 704 : i32
        %add3A_1681 = vector.broadcast %add3A_1680 : i32 to vector<16xi32>
        %add3A_1682 = arith.addi %get3A_1514, %add3A_1681 : vector<16xi32>
        %gather3A_1683 = tpu.vector_load_idx %arg10[%add3A_1682] : memref<1024xf32, #tpu.memory_space<vmem>>[vector<16xi32>], vector<16xf32>,
        %mul3A_1684 = arith.constant 1024 : i32
        %mul3A_1685 = arith.muli %scan3A_760, %mul3A_1684 : i32
        %add3A_1686 = arith.constant 384 : i32
        %add3A_1687 = arith.addi %mul3A_1685, %add3A_1686 : i32
        %add3A_1688 = arith.constant 48 : i32
        %add3A_1689 = arith.addi %add3A_1687, %add3A_1688 : i32
        %swap3A_1690 = arith.constant 0 : i32
        %swap3A_1691 = tpu.memref_slice %arg13[%rem3A_708, %swap3A_1690] : memref<2x25600xf32, #tpu.memory_space<vmem>> -> memref<1x25600xf32, #tpu.memory_space<vmem>>
        %swap3A_1692 = tpu.memref_squeeze %swap3A_1691 : memref<1x25600xf32, #tpu.memory_space<vmem>> -> memref<25600xf32, #tpu.memory_space<vmem>>
        %swap3A_1693 = arith.index_cast %add3A_1689 : i32 to index
        %swap3A_1694 = tpu.vector_load %swap3A_1692[%swap3A_1693] {strides = array<i32>} : memref<25600xf32, #tpu.memory_space<vmem>>, vector<16xf32>,
        tpu.vector_store %swap3A_1692[%swap3A_1693], %gather3A_1683 {strides = array<i32>} : memref<25600xf32, #tpu.memory_space<vmem>>, vector<16xf32>,
        %add3A_1695 = arith.constant 768 : i32
        %add3A_1696 = vector.broadcast %add3A_1695 : i32 to vector<16xi32>
        %add3A_1697 = arith.addi %get3A_1514, %add3A_1696 : vector<16xi32>
        %gather3A_1698 = tpu.vector_load_idx %arg10[%add3A_1697] : memref<1024xf32, #tpu.memory_space<vmem>>[vector<16xi32>], vector<16xf32>,
        %mul3A_1699 = arith.constant 1024 : i32
        %mul3A_1700 = arith.muli %scan3A_760, %mul3A_1699 : i32
        %add3A_1701 = arith.constant 512 : i32
        %add3A_1702 = arith.addi %mul3A_1700, %add3A_1701 : i32
        %add3A_1703 = arith.constant 48 : i32
        %add3A_1704 = arith.addi %add3A_1702, %add3A_1703 : i32
        %swap3A_1705 = arith.constant 0 : i32
        %swap3A_1706 = tpu.memref_slice %arg13[%rem3A_708, %swap3A_1705] : memref<2x25600xf32, #tpu.memory_space<vmem>> -> memref<1x25600xf32, #tpu.memory_space<vmem>>
        %swap3A_1707 = tpu.memref_squeeze %swap3A_1706 : memref<1x25600xf32, #tpu.memory_space<vmem>> -> memref<25600xf32, #tpu.memory_space<vmem>>
        %swap3A_1708 = arith.index_cast %add3A_1704 : i32 to index
        %swap3A_1709 = tpu.vector_load %swap3A_1707[%swap3A_1708] {strides = array<i32>} : memref<25600xf32, #tpu.memory_space<vmem>>, vector<16xf32>,
        tpu.vector_store %swap3A_1707[%swap3A_1708], %gather3A_1698 {strides = array<i32>} : memref<25600xf32, #tpu.memory_space<vmem>>, vector<16xf32>,
        %add3A_1710 = arith.constant 832 : i32
        %add3A_1711 = vector.broadcast %add3A_1710 : i32 to vector<16xi32>
        %add3A_1712 = arith.addi %get3A_1514, %add3A_1711 : vector<16xi32>
        %gather3A_1713 = tpu.vector_load_idx %arg10[%add3A_1712] : memref<1024xf32, #tpu.memory_space<vmem>>[vector<16xi32>], vector<16xf32>,
        %mul3A_1714 = arith.constant 1024 : i32
        %mul3A_1715 = arith.muli %scan3A_760, %mul3A_1714 : i32
        %add3A_1716 = arith.constant 640 : i32
        %add3A_1717 = arith.addi %mul3A_1715, %add3A_1716 : i32
        %add3A_1718 = arith.constant 48 : i32
        %add3A_1719 = arith.addi %add3A_1717, %add3A_1718 : i32
        %swap3A_1720 = arith.constant 0 : i32
        %swap3A_1721 = tpu.memref_slice %arg13[%rem3A_708, %swap3A_1720] : memref<2x25600xf32, #tpu.memory_space<vmem>> -> memref<1x25600xf32, #tpu.memory_space<vmem>>
        %swap3A_1722 = tpu.memref_squeeze %swap3A_1721 : memref<1x25600xf32, #tpu.memory_space<vmem>> -> memref<25600xf32, #tpu.memory_space<vmem>>
        %swap3A_1723 = arith.index_cast %add3A_1719 : i32 to index
        %swap3A_1724 = tpu.vector_load %swap3A_1722[%swap3A_1723] {strides = array<i32>} : memref<25600xf32, #tpu.memory_space<vmem>>, vector<16xf32>,
        tpu.vector_store %swap3A_1722[%swap3A_1723], %gather3A_1713 {strides = array<i32>} : memref<25600xf32, #tpu.memory_space<vmem>>, vector<16xf32>,
        %add3A_1725 = arith.constant 896 : i32
        %add3A_1726 = vector.broadcast %add3A_1725 : i32 to vector<16xi32>
        %add3A_1727 = arith.addi %get3A_1514, %add3A_1726 : vector<16xi32>
        %gather3A_1728 = tpu.vector_load_idx %arg10[%add3A_1727] : memref<1024xf32, #tpu.memory_space<vmem>>[vector<16xi32>], vector<16xf32>,
        %mul3A_1729 = arith.constant 1024 : i32
        %mul3A_1730 = arith.muli %scan3A_760, %mul3A_1729 : i32
        %add3A_1731 = arith.constant 768 : i32
        %add3A_1732 = arith.addi %mul3A_1730, %add3A_1731 : i32
        %add3A_1733 = arith.constant 48 : i32
        %add3A_1734 = arith.addi %add3A_1732, %add3A_1733 : i32
        %swap3A_1735 = arith.constant 0 : i32
        %swap3A_1736 = tpu.memref_slice %arg13[%rem3A_708, %swap3A_1735] : memref<2x25600xf32, #tpu.memory_space<vmem>> -> memref<1x25600xf32, #tpu.memory_space<vmem>>
        %swap3A_1737 = tpu.memref_squeeze %swap3A_1736 : memref<1x25600xf32, #tpu.memory_space<vmem>> -> memref<25600xf32, #tpu.memory_space<vmem>>
        %swap3A_1738 = arith.index_cast %add3A_1734 : i32 to index
        %swap3A_1739 = tpu.vector_load %swap3A_1737[%swap3A_1738] {strides = array<i32>} : memref<25600xf32, #tpu.memory_space<vmem>>, vector<16xf32>,
        tpu.vector_store %swap3A_1737[%swap3A_1738], %gather3A_1728 {strides = array<i32>} : memref<25600xf32, #tpu.memory_space<vmem>>, vector<16xf32>,
        %add3A_1740 = arith.constant 960 : i32
        %add3A_1741 = vector.broadcast %add3A_1740 : i32 to vector<16xi32>
        %add3A_1742 = arith.addi %get3A_1514, %add3A_1741 : vector<16xi32>
        %gather3A_1743 = tpu.vector_load_idx %arg10[%add3A_1742] : memref<1024xf32, #tpu.memory_space<vmem>>[vector<16xi32>], vector<16xf32>,
        %mul3A_1744 = arith.constant 1024 : i32
        %mul3A_1745 = arith.muli %scan3A_760, %mul3A_1744 : i32
        %add3A_1746 = arith.constant 896 : i32
        %add3A_1747 = arith.addi %mul3A_1745, %add3A_1746 : i32
        %add3A_1748 = arith.constant 48 : i32
        %add3A_1749 = arith.addi %add3A_1747, %add3A_1748 : i32
        %swap3A_1750 = arith.constant 0 : i32
        %swap3A_1751 = tpu.memref_slice %arg13[%rem3A_708, %swap3A_1750] : memref<2x25600xf32, #tpu.memory_space<vmem>> -> memref<1x25600xf32, #tpu.memory_space<vmem>>
        %swap3A_1752 = tpu.memref_squeeze %swap3A_1751 : memref<1x25600xf32, #tpu.memory_space<vmem>> -> memref<25600xf32, #tpu.memory_space<vmem>>
        %swap3A_1753 = arith.index_cast %add3A_1749 : i32 to index
        %swap3A_1754 = tpu.vector_load %swap3A_1752[%swap3A_1753] {strides = array<i32>} : memref<25600xf32, #tpu.memory_space<vmem>>, vector<16xf32>,
        tpu.vector_store %swap3A_1752[%swap3A_1753], %gather3A_1743 {strides = array<i32>} : memref<25600xf32, #tpu.memory_space<vmem>>, vector<16xf32>,
        %mul3A_1755 = arith.constant 128 : i32
        %mul3A_1756 = arith.muli %scan3A_760, %mul3A_1755 : i32
        %add3A_1757 = arith.constant 64 : i32
        %add3A_1758 = arith.addi %mul3A_1756, %add3A_1757 : i32
        %get3A_1759 = arith.constant 0 : i32
        %get3A_1760 = tpu.memref_slice %arg11[%rem3A_708, %get3A_1759] : memref<2x3200xi32, #tpu.memory_space<vmem>> -> memref<1x3200xi32, #tpu.memory_space<vmem>>
        %get3A_1761 = tpu.memref_squeeze %get3A_1760 : memref<1x3200xi32, #tpu.memory_space<vmem>> -> memref<3200xi32, #tpu.memory_space<vmem>>
        %get3A_1762 = arith.index_cast %add3A_1758 : i32 to index
        %get3A_1763 = tpu.vector_load %get3A_1761[%get3A_1762] {strides = array<i32>} : memref<3200xi32, #tpu.memory_space<vmem>>, vector<16xi32>,
        %add3A_1764 = arith.constant 0 : i32
        %add3A_1765 = vector.broadcast %add3A_1764 : i32 to vector<16xi32>
        %add3A_1766 = arith.addi %get3A_1763, %add3A_1765 : vector<16xi32>
        %gather3A_1767 = tpu.vector_load_idx %arg10[%add3A_1766] : memref<1024xf32, #tpu.memory_space<vmem>>[vector<16xi32>], vector<16xf32>,
        %mul3A_1768 = arith.constant 1024 : i32
        %mul3A_1769 = arith.muli %scan3A_760, %mul3A_1768 : i32
        %add3A_1770 = arith.constant 0 : i32
        %add3A_1771 = arith.addi %mul3A_1769, %add3A_1770 : i32
        %add3A_1772 = arith.constant 64 : i32
        %add3A_1773 = arith.addi %add3A_1771, %add3A_1772 : i32
        %swap3A_1774 = arith.constant 0 : i32
        %swap3A_1775 = tpu.memref_slice %arg12[%rem3A_708, %swap3A_1774] : memref<2x25600xf32, #tpu.memory_space<vmem>> -> memref<1x25600xf32, #tpu.memory_space<vmem>>
        %swap3A_1776 = tpu.memref_squeeze %swap3A_1775 : memref<1x25600xf32, #tpu.memory_space<vmem>> -> memref<25600xf32, #tpu.memory_space<vmem>>
        %swap3A_1777 = arith.index_cast %add3A_1773 : i32 to index
        %swap3A_1778 = tpu.vector_load %swap3A_1776[%swap3A_1777] {strides = array<i32>} : memref<25600xf32, #tpu.memory_space<vmem>>, vector<16xf32>,
        tpu.vector_store %swap3A_1776[%swap3A_1777], %gather3A_1767 {strides = array<i32>} : memref<25600xf32, #tpu.memory_space<vmem>>, vector<16xf32>,
        %add3A_1779 = arith.constant 64 : i32
        %add3A_1780 = vector.broadcast %add3A_1779 : i32 to vector<16xi32>
        %add3A_1781 = arith.addi %get3A_1763, %add3A_1780 : vector<16xi32>
        %gather3A_1782 = tpu.vector_load_idx %arg10[%add3A_1781] : memref<1024xf32, #tpu.memory_space<vmem>>[vector<16xi32>], vector<16xf32>,
        %mul3A_1783 = arith.constant 1024 : i32
        %mul3A_1784 = arith.muli %scan3A_760, %mul3A_1783 : i32
        %add3A_1785 = arith.constant 128 : i32
        %add3A_1786 = arith.addi %mul3A_1784, %add3A_1785 : i32
        %add3A_1787 = arith.constant 64 : i32
        %add3A_1788 = arith.addi %add3A_1786, %add3A_1787 : i32
        %swap3A_1789 = arith.constant 0 : i32
        %swap3A_1790 = tpu.memref_slice %arg12[%rem3A_708, %swap3A_1789] : memref<2x25600xf32, #tpu.memory_space<vmem>> -> memref<1x25600xf32, #tpu.memory_space<vmem>>
        %swap3A_1791 = tpu.memref_squeeze %swap3A_1790 : memref<1x25600xf32, #tpu.memory_space<vmem>> -> memref<25600xf32, #tpu.memory_space<vmem>>
        %swap3A_1792 = arith.index_cast %add3A_1788 : i32 to index
        %swap3A_1793 = tpu.vector_load %swap3A_1791[%swap3A_1792] {strides = array<i32>} : memref<25600xf32, #tpu.memory_space<vmem>>, vector<16xf32>,
        tpu.vector_store %swap3A_1791[%swap3A_1792], %gather3A_1782 {strides = array<i32>} : memref<25600xf32, #tpu.memory_space<vmem>>, vector<16xf32>,
        %add3A_1794 = arith.constant 128 : i32
        %add3A_1795 = vector.broadcast %add3A_1794 : i32 to vector<16xi32>
        %add3A_1796 = arith.addi %get3A_1763, %add3A_1795 : vector<16xi32>
        %gather3A_1797 = tpu.vector_load_idx %arg10[%add3A_1796] : memref<1024xf32, #tpu.memory_space<vmem>>[vector<16xi32>], vector<16xf32>,
        %mul3A_1798 = arith.constant 1024 : i32
        %mul3A_1799 = arith.muli %scan3A_760, %mul3A_1798 : i32
        %add3A_1800 = arith.constant 256 : i32
        %add3A_1801 = arith.addi %mul3A_1799, %add3A_1800 : i32
        %add3A_1802 = arith.constant 64 : i32
        %add3A_1803 = arith.addi %add3A_1801, %add3A_1802 : i32
        %swap3A_1804 = arith.constant 0 : i32
        %swap3A_1805 = tpu.memref_slice %arg12[%rem3A_708, %swap3A_1804] : memref<2x25600xf32, #tpu.memory_space<vmem>> -> memref<1x25600xf32, #tpu.memory_space<vmem>>
        %swap3A_1806 = tpu.memref_squeeze %swap3A_1805 : memref<1x25600xf32, #tpu.memory_space<vmem>> -> memref<25600xf32, #tpu.memory_space<vmem>>
        %swap3A_1807 = arith.index_cast %add3A_1803 : i32 to index
        %swap3A_1808 = tpu.vector_load %swap3A_1806[%swap3A_1807] {strides = array<i32>} : memref<25600xf32, #tpu.memory_space<vmem>>, vector<16xf32>,
        tpu.vector_store %swap3A_1806[%swap3A_1807], %gather3A_1797 {strides = array<i32>} : memref<25600xf32, #tpu.memory_space<vmem>>, vector<16xf32>,
        %add3A_1809 = arith.constant 192 : i32
        %add3A_1810 = vector.broadcast %add3A_1809 : i32 to vector<16xi32>
        %add3A_1811 = arith.addi %get3A_1763, %add3A_1810 : vector<16xi32>
        %gather3A_1812 = tpu.vector_load_idx %arg10[%add3A_1811] : memref<1024xf32, #tpu.memory_space<vmem>>[vector<16xi32>], vector<16xf32>,
        %mul3A_1813 = arith.constant 1024 : i32
        %mul3A_1814 = arith.muli %scan3A_760, %mul3A_1813 : i32
        %add3A_1815 = arith.constant 384 : i32
        %add3A_1816 = arith.addi %mul3A_1814, %add3A_1815 : i32
        %add3A_1817 = arith.constant 64 : i32
        %add3A_1818 = arith.addi %add3A_1816, %add3A_1817 : i32
        %swap3A_1819 = arith.constant 0 : i32
        %swap3A_1820 = tpu.memref_slice %arg12[%rem3A_708, %swap3A_1819] : memref<2x25600xf32, #tpu.memory_space<vmem>> -> memref<1x25600xf32, #tpu.memory_space<vmem>>
        %swap3A_1821 = tpu.memref_squeeze %swap3A_1820 : memref<1x25600xf32, #tpu.memory_space<vmem>> -> memref<25600xf32, #tpu.memory_space<vmem>>
        %swap3A_1822 = arith.index_cast %add3A_1818 : i32 to index
        %swap3A_1823 = tpu.vector_load %swap3A_1821[%swap3A_1822] {strides = array<i32>} : memref<25600xf32, #tpu.memory_space<vmem>>, vector<16xf32>,
        tpu.vector_store %swap3A_1821[%swap3A_1822], %gather3A_1812 {strides = array<i32>} : memref<25600xf32, #tpu.memory_space<vmem>>, vector<16xf32>,
        %add3A_1824 = arith.constant 256 : i32
        %add3A_1825 = vector.broadcast %add3A_1824 : i32 to vector<16xi32>
        %add3A_1826 = arith.addi %get3A_1763, %add3A_1825 : vector<16xi32>
        %gather3A_1827 = tpu.vector_load_idx %arg10[%add3A_1826] : memref<1024xf32, #tpu.memory_space<vmem>>[vector<16xi32>], vector<16xf32>,
        %mul3A_1828 = arith.constant 1024 : i32
        %mul3A_1829 = arith.muli %scan3A_760, %mul3A_1828 : i32
        %add3A_1830 = arith.constant 512 : i32
        %add3A_1831 = arith.addi %mul3A_1829, %add3A_1830 : i32
        %add3A_1832 = arith.constant 64 : i32
        %add3A_1833 = arith.addi %add3A_1831, %add3A_1832 : i32
        %swap3A_1834 = arith.constant 0 : i32
        %swap3A_1835 = tpu.memref_slice %arg12[%rem3A_708, %swap3A_1834] : memref<2x25600xf32, #tpu.memory_space<vmem>> -> memref<1x25600xf32, #tpu.memory_space<vmem>>
        %swap3A_1836 = tpu.memref_squeeze %swap3A_1835 : memref<1x25600xf32, #tpu.memory_space<vmem>> -> memref<25600xf32, #tpu.memory_space<vmem>>
        %swap3A_1837 = arith.index_cast %add3A_1833 : i32 to index
        %swap3A_1838 = tpu.vector_load %swap3A_1836[%swap3A_1837] {strides = array<i32>} : memref<25600xf32, #tpu.memory_space<vmem>>, vector<16xf32>,
        tpu.vector_store %swap3A_1836[%swap3A_1837], %gather3A_1827 {strides = array<i32>} : memref<25600xf32, #tpu.memory_space<vmem>>, vector<16xf32>,
        %add3A_1839 = arith.constant 320 : i32
        %add3A_1840 = vector.broadcast %add3A_1839 : i32 to vector<16xi32>
        %add3A_1841 = arith.addi %get3A_1763, %add3A_1840 : vector<16xi32>
        %gather3A_1842 = tpu.vector_load_idx %arg10[%add3A_1841] : memref<1024xf32, #tpu.memory_space<vmem>>[vector<16xi32>], vector<16xf32>,
        %mul3A_1843 = arith.constant 1024 : i32
        %mul3A_1844 = arith.muli %scan3A_760, %mul3A_1843 : i32
        %add3A_1845 = arith.constant 640 : i32
        %add3A_1846 = arith.addi %mul3A_1844, %add3A_1845 : i32
        %add3A_1847 = arith.constant 64 : i32
        %add3A_1848 = arith.addi %add3A_1846, %add3A_1847 : i32
        %swap3A_1849 = arith.constant 0 : i32
        %swap3A_1850 = tpu.memref_slice %arg12[%rem3A_708, %swap3A_1849] : memref<2x25600xf32, #tpu.memory_space<vmem>> -> memref<1x25600xf32, #tpu.memory_space<vmem>>
        %swap3A_1851 = tpu.memref_squeeze %swap3A_1850 : memref<1x25600xf32, #tpu.memory_space<vmem>> -> memref<25600xf32, #tpu.memory_space<vmem>>
        %swap3A_1852 = arith.index_cast %add3A_1848 : i32 to index
        %swap3A_1853 = tpu.vector_load %swap3A_1851[%swap3A_1852] {strides = array<i32>} : memref<25600xf32, #tpu.memory_space<vmem>>, vector<16xf32>,
        tpu.vector_store %swap3A_1851[%swap3A_1852], %gather3A_1842 {strides = array<i32>} : memref<25600xf32, #tpu.memory_space<vmem>>, vector<16xf32>,
        %add3A_1854 = arith.constant 384 : i32
        %add3A_1855 = vector.broadcast %add3A_1854 : i32 to vector<16xi32>
        %add3A_1856 = arith.addi %get3A_1763, %add3A_1855 : vector<16xi32>
        %gather3A_1857 = tpu.vector_load_idx %arg10[%add3A_1856] : memref<1024xf32, #tpu.memory_space<vmem>>[vector<16xi32>], vector<16xf32>,
        %mul3A_1858 = arith.constant 1024 : i32
        %mul3A_1859 = arith.muli %scan3A_760, %mul3A_1858 : i32
        %add3A_1860 = arith.constant 768 : i32
        %add3A_1861 = arith.addi %mul3A_1859, %add3A_1860 : i32
        %add3A_1862 = arith.constant 64 : i32
        %add3A_1863 = arith.addi %add3A_1861, %add3A_1862 : i32
        %swap3A_1864 = arith.constant 0 : i32
        %swap3A_1865 = tpu.memref_slice %arg12[%rem3A_708, %swap3A_1864] : memref<2x25600xf32, #tpu.memory_space<vmem>> -> memref<1x25600xf32, #tpu.memory_space<vmem>>
        %swap3A_1866 = tpu.memref_squeeze %swap3A_1865 : memref<1x25600xf32, #tpu.memory_space<vmem>> -> memref<25600xf32, #tpu.memory_space<vmem>>
        %swap3A_1867 = arith.index_cast %add3A_1863 : i32 to index
        %swap3A_1868 = tpu.vector_load %swap3A_1866[%swap3A_1867] {strides = array<i32>} : memref<25600xf32, #tpu.memory_space<vmem>>, vector<16xf32>,
        tpu.vector_store %swap3A_1866[%swap3A_1867], %gather3A_1857 {strides = array<i32>} : memref<25600xf32, #tpu.memory_space<vmem>>, vector<16xf32>,
        %add3A_1869 = arith.constant 448 : i32
        %add3A_1870 = vector.broadcast %add3A_1869 : i32 to vector<16xi32>
        %add3A_1871 = arith.addi %get3A_1763, %add3A_1870 : vector<16xi32>
        %gather3A_1872 = tpu.vector_load_idx %arg10[%add3A_1871] : memref<1024xf32, #tpu.memory_space<vmem>>[vector<16xi32>], vector<16xf32>,
        %mul3A_1873 = arith.constant 1024 : i32
        %mul3A_1874 = arith.muli %scan3A_760, %mul3A_1873 : i32
        %add3A_1875 = arith.constant 896 : i32
        %add3A_1876 = arith.addi %mul3A_1874, %add3A_1875 : i32
        %add3A_1877 = arith.constant 64 : i32
        %add3A_1878 = arith.addi %add3A_1876, %add3A_1877 : i32
        %swap3A_1879 = arith.constant 0 : i32
        %swap3A_1880 = tpu.memref_slice %arg12[%rem3A_708, %swap3A_1879] : memref<2x25600xf32, #tpu.memory_space<vmem>> -> memref<1x25600xf32, #tpu.memory_space<vmem>>
        %swap3A_1881 = tpu.memref_squeeze %swap3A_1880 : memref<1x25600xf32, #tpu.memory_space<vmem>> -> memref<25600xf32, #tpu.memory_space<vmem>>
        %swap3A_1882 = arith.index_cast %add3A_1878 : i32 to index
        %swap3A_1883 = tpu.vector_load %swap3A_1881[%swap3A_1882] {strides = array<i32>} : memref<25600xf32, #tpu.memory_space<vmem>>, vector<16xf32>,
        tpu.vector_store %swap3A_1881[%swap3A_1882], %gather3A_1872 {strides = array<i32>} : memref<25600xf32, #tpu.memory_space<vmem>>, vector<16xf32>,
        %add3A_1884 = arith.constant 512 : i32
        %add3A_1885 = vector.broadcast %add3A_1884 : i32 to vector<16xi32>
        %add3A_1886 = arith.addi %get3A_1763, %add3A_1885 : vector<16xi32>
        %gather3A_1887 = tpu.vector_load_idx %arg10[%add3A_1886] : memref<1024xf32, #tpu.memory_space<vmem>>[vector<16xi32>], vector<16xf32>,
        %mul3A_1888 = arith.constant 1024 : i32
        %mul3A_1889 = arith.muli %scan3A_760, %mul3A_1888 : i32
        %add3A_1890 = arith.constant 0 : i32
        %add3A_1891 = arith.addi %mul3A_1889, %add3A_1890 : i32
        %add3A_1892 = arith.constant 64 : i32
        %add3A_1893 = arith.addi %add3A_1891, %add3A_1892 : i32
        %swap3A_1894 = arith.constant 0 : i32
        %swap3A_1895 = tpu.memref_slice %arg13[%rem3A_708, %swap3A_1894] : memref<2x25600xf32, #tpu.memory_space<vmem>> -> memref<1x25600xf32, #tpu.memory_space<vmem>>
        %swap3A_1896 = tpu.memref_squeeze %swap3A_1895 : memref<1x25600xf32, #tpu.memory_space<vmem>> -> memref<25600xf32, #tpu.memory_space<vmem>>
        %swap3A_1897 = arith.index_cast %add3A_1893 : i32 to index
        %swap3A_1898 = tpu.vector_load %swap3A_1896[%swap3A_1897] {strides = array<i32>} : memref<25600xf32, #tpu.memory_space<vmem>>, vector<16xf32>,
        tpu.vector_store %swap3A_1896[%swap3A_1897], %gather3A_1887 {strides = array<i32>} : memref<25600xf32, #tpu.memory_space<vmem>>, vector<16xf32>,
        %add3A_1899 = arith.constant 576 : i32
        %add3A_1900 = vector.broadcast %add3A_1899 : i32 to vector<16xi32>
        %add3A_1901 = arith.addi %get3A_1763, %add3A_1900 : vector<16xi32>
        %gather3A_1902 = tpu.vector_load_idx %arg10[%add3A_1901] : memref<1024xf32, #tpu.memory_space<vmem>>[vector<16xi32>], vector<16xf32>,
        %mul3A_1903 = arith.constant 1024 : i32
        %mul3A_1904 = arith.muli %scan3A_760, %mul3A_1903 : i32
        %add3A_1905 = arith.constant 128 : i32
        %add3A_1906 = arith.addi %mul3A_1904, %add3A_1905 : i32
        %add3A_1907 = arith.constant 64 : i32
        %add3A_1908 = arith.addi %add3A_1906, %add3A_1907 : i32
        %swap3A_1909 = arith.constant 0 : i32
        %swap3A_1910 = tpu.memref_slice %arg13[%rem3A_708, %swap3A_1909] : memref<2x25600xf32, #tpu.memory_space<vmem>> -> memref<1x25600xf32, #tpu.memory_space<vmem>>
        %swap3A_1911 = tpu.memref_squeeze %swap3A_1910 : memref<1x25600xf32, #tpu.memory_space<vmem>> -> memref<25600xf32, #tpu.memory_space<vmem>>
        %swap3A_1912 = arith.index_cast %add3A_1908 : i32 to index
        %swap3A_1913 = tpu.vector_load %swap3A_1911[%swap3A_1912] {strides = array<i32>} : memref<25600xf32, #tpu.memory_space<vmem>>, vector<16xf32>,
        tpu.vector_store %swap3A_1911[%swap3A_1912], %gather3A_1902 {strides = array<i32>} : memref<25600xf32, #tpu.memory_space<vmem>>, vector<16xf32>,
        %add3A_1914 = arith.constant 640 : i32
        %add3A_1915 = vector.broadcast %add3A_1914 : i32 to vector<16xi32>
        %add3A_1916 = arith.addi %get3A_1763, %add3A_1915 : vector<16xi32>
        %gather3A_1917 = tpu.vector_load_idx %arg10[%add3A_1916] : memref<1024xf32, #tpu.memory_space<vmem>>[vector<16xi32>], vector<16xf32>,
        %mul3A_1918 = arith.constant 1024 : i32
        %mul3A_1919 = arith.muli %scan3A_760, %mul3A_1918 : i32
        %add3A_1920 = arith.constant 256 : i32
        %add3A_1921 = arith.addi %mul3A_1919, %add3A_1920 : i32
        %add3A_1922 = arith.constant 64 : i32
        %add3A_1923 = arith.addi %add3A_1921, %add3A_1922 : i32
        %swap3A_1924 = arith.constant 0 : i32
        %swap3A_1925 = tpu.memref_slice %arg13[%rem3A_708, %swap3A_1924] : memref<2x25600xf32, #tpu.memory_space<vmem>> -> memref<1x25600xf32, #tpu.memory_space<vmem>>
        %swap3A_1926 = tpu.memref_squeeze %swap3A_1925 : memref<1x25600xf32, #tpu.memory_space<vmem>> -> memref<25600xf32, #tpu.memory_space<vmem>>
        %swap3A_1927 = arith.index_cast %add3A_1923 : i32 to index
        %swap3A_1928 = tpu.vector_load %swap3A_1926[%swap3A_1927] {strides = array<i32>} : memref<25600xf32, #tpu.memory_space<vmem>>, vector<16xf32>,
        tpu.vector_store %swap3A_1926[%swap3A_1927], %gather3A_1917 {strides = array<i32>} : memref<25600xf32, #tpu.memory_space<vmem>>, vector<16xf32>,
        %add3A_1929 = arith.constant 704 : i32
        %add3A_1930 = vector.broadcast %add3A_1929 : i32 to vector<16xi32>
        %add3A_1931 = arith.addi %get3A_1763, %add3A_1930 : vector<16xi32>
        %gather3A_1932 = tpu.vector_load_idx %arg10[%add3A_1931] : memref<1024xf32, #tpu.memory_space<vmem>>[vector<16xi32>], vector<16xf32>,
        %mul3A_1933 = arith.constant 1024 : i32
        %mul3A_1934 = arith.muli %scan3A_760, %mul3A_1933 : i32
        %add3A_1935 = arith.constant 384 : i32
        %add3A_1936 = arith.addi %mul3A_1934, %add3A_1935 : i32
        %add3A_1937 = arith.constant 64 : i32
        %add3A_1938 = arith.addi %add3A_1936, %add3A_1937 : i32
        %swap3A_1939 = arith.constant 0 : i32
        %swap3A_1940 = tpu.memref_slice %arg13[%rem3A_708, %swap3A_1939] : memref<2x25600xf32, #tpu.memory_space<vmem>> -> memref<1x25600xf32, #tpu.memory_space<vmem>>
        %swap3A_1941 = tpu.memref_squeeze %swap3A_1940 : memref<1x25600xf32, #tpu.memory_space<vmem>> -> memref<25600xf32, #tpu.memory_space<vmem>>
        %swap3A_1942 = arith.index_cast %add3A_1938 : i32 to index
        %swap3A_1943 = tpu.vector_load %swap3A_1941[%swap3A_1942] {strides = array<i32>} : memref<25600xf32, #tpu.memory_space<vmem>>, vector<16xf32>,
        tpu.vector_store %swap3A_1941[%swap3A_1942], %gather3A_1932 {strides = array<i32>} : memref<25600xf32, #tpu.memory_space<vmem>>, vector<16xf32>,
        %add3A_1944 = arith.constant 768 : i32
        %add3A_1945 = vector.broadcast %add3A_1944 : i32 to vector<16xi32>
        %add3A_1946 = arith.addi %get3A_1763, %add3A_1945 : vector<16xi32>
        %gather3A_1947 = tpu.vector_load_idx %arg10[%add3A_1946] : memref<1024xf32, #tpu.memory_space<vmem>>[vector<16xi32>], vector<16xf32>,
        %mul3A_1948 = arith.constant 1024 : i32
        %mul3A_1949 = arith.muli %scan3A_760, %mul3A_1948 : i32
        %add3A_1950 = arith.constant 512 : i32
        %add3A_1951 = arith.addi %mul3A_1949, %add3A_1950 : i32
        %add3A_1952 = arith.constant 64 : i32
        %add3A_1953 = arith.addi %add3A_1951, %add3A_1952 : i32
        %swap3A_1954 = arith.constant 0 : i32
        %swap3A_1955 = tpu.memref_slice %arg13[%rem3A_708, %swap3A_1954] : memref<2x25600xf32, #tpu.memory_space<vmem>> -> memref<1x25600xf32, #tpu.memory_space<vmem>>
        %swap3A_1956 = tpu.memref_squeeze %swap3A_1955 : memref<1x25600xf32, #tpu.memory_space<vmem>> -> memref<25600xf32, #tpu.memory_space<vmem>>
        %swap3A_1957 = arith.index_cast %add3A_1953 : i32 to index
        %swap3A_1958 = tpu.vector_load %swap3A_1956[%swap3A_1957] {strides = array<i32>} : memref<25600xf32, #tpu.memory_space<vmem>>, vector<16xf32>,
        tpu.vector_store %swap3A_1956[%swap3A_1957], %gather3A_1947 {strides = array<i32>} : memref<25600xf32, #tpu.memory_space<vmem>>, vector<16xf32>,
        %add3A_1959 = arith.constant 832 : i32
        %add3A_1960 = vector.broadcast %add3A_1959 : i32 to vector<16xi32>
        %add3A_1961 = arith.addi %get3A_1763, %add3A_1960 : vector<16xi32>
        %gather3A_1962 = tpu.vector_load_idx %arg10[%add3A_1961] : memref<1024xf32, #tpu.memory_space<vmem>>[vector<16xi32>], vector<16xf32>,
        %mul3A_1963 = arith.constant 1024 : i32
        %mul3A_1964 = arith.muli %scan3A_760, %mul3A_1963 : i32
        %add3A_1965 = arith.constant 640 : i32
        %add3A_1966 = arith.addi %mul3A_1964, %add3A_1965 : i32
        %add3A_1967 = arith.constant 64 : i32
        %add3A_1968 = arith.addi %add3A_1966, %add3A_1967 : i32
        %swap3A_1969 = arith.constant 0 : i32
        %swap3A_1970 = tpu.memref_slice %arg13[%rem3A_708, %swap3A_1969] : memref<2x25600xf32, #tpu.memory_space<vmem>> -> memref<1x25600xf32, #tpu.memory_space<vmem>>
        %swap3A_1971 = tpu.memref_squeeze %swap3A_1970 : memref<1x25600xf32, #tpu.memory_space<vmem>> -> memref<25600xf32, #tpu.memory_space<vmem>>
        %swap3A_1972 = arith.index_cast %add3A_1968 : i32 to index
        %swap3A_1973 = tpu.vector_load %swap3A_1971[%swap3A_1972] {strides = array<i32>} : memref<25600xf32, #tpu.memory_space<vmem>>, vector<16xf32>,
        tpu.vector_store %swap3A_1971[%swap3A_1972], %gather3A_1962 {strides = array<i32>} : memref<25600xf32, #tpu.memory_space<vmem>>, vector<16xf32>,
        %add3A_1974 = arith.constant 896 : i32
        %add3A_1975 = vector.broadcast %add3A_1974 : i32 to vector<16xi32>
        %add3A_1976 = arith.addi %get3A_1763, %add3A_1975 : vector<16xi32>
        %gather3A_1977 = tpu.vector_load_idx %arg10[%add3A_1976] : memref<1024xf32, #tpu.memory_space<vmem>>[vector<16xi32>], vector<16xf32>,
        %mul3A_1978 = arith.constant 1024 : i32
        %mul3A_1979 = arith.muli %scan3A_760, %mul3A_1978 : i32
        %add3A_1980 = arith.constant 768 : i32
        %add3A_1981 = arith.addi %mul3A_1979, %add3A_1980 : i32
        %add3A_1982 = arith.constant 64 : i32
        %add3A_1983 = arith.addi %add3A_1981, %add3A_1982 : i32
        %swap3A_1984 = arith.constant 0 : i32
        %swap3A_1985 = tpu.memref_slice %arg13[%rem3A_708, %swap3A_1984] : memref<2x25600xf32, #tpu.memory_space<vmem>> -> memref<1x25600xf32, #tpu.memory_space<vmem>>
        %swap3A_1986 = tpu.memref_squeeze %swap3A_1985 : memref<1x25600xf32, #tpu.memory_space<vmem>> -> memref<25600xf32, #tpu.memory_space<vmem>>
        %swap3A_1987 = arith.index_cast %add3A_1983 : i32 to index
        %swap3A_1988 = tpu.vector_load %swap3A_1986[%swap3A_1987] {strides = array<i32>} : memref<25600xf32, #tpu.memory_space<vmem>>, vector<16xf32>,
        tpu.vector_store %swap3A_1986[%swap3A_1987], %gather3A_1977 {strides = array<i32>} : memref<25600xf32, #tpu.memory_space<vmem>>, vector<16xf32>,
        %add3A_1989 = arith.constant 960 : i32
        %add3A_1990 = vector.broadcast %add3A_1989 : i32 to vector<16xi32>
        %add3A_1991 = arith.addi %get3A_1763, %add3A_1990 : vector<16xi32>
        %gather3A_1992 = tpu.vector_load_idx %arg10[%add3A_1991] : memref<1024xf32, #tpu.memory_space<vmem>>[vector<16xi32>], vector<16xf32>,
        %mul3A_1993 = arith.constant 1024 : i32
        %mul3A_1994 = arith.muli %scan3A_760, %mul3A_1993 : i32
        %add3A_1995 = arith.constant 896 : i32
        %add3A_1996 = arith.addi %mul3A_1994, %add3A_1995 : i32
        %add3A_1997 = arith.constant 64 : i32
        %add3A_1998 = arith.addi %add3A_1996, %add3A_1997 : i32
        %swap3A_1999 = arith.constant 0 : i32
        %swap3A_2000 = tpu.memref_slice %arg13[%rem3A_708, %swap3A_1999] : memref<2x25600xf32, #tpu.memory_space<vmem>> -> memref<1x25600xf32, #tpu.memory_space<vmem>>
        %swap3A_2001 = tpu.memref_squeeze %swap3A_2000 : memref<1x25600xf32, #tpu.memory_space<vmem>> -> memref<25600xf32, #tpu.memory_space<vmem>>
        %swap3A_2002 = arith.index_cast %add3A_1998 : i32 to index
        %swap3A_2003 = tpu.vector_load %swap3A_2001[%swap3A_2002] {strides = array<i32>} : memref<25600xf32, #tpu.memory_space<vmem>>, vector<16xf32>,
        tpu.vector_store %swap3A_2001[%swap3A_2002], %gather3A_1992 {strides = array<i32>} : memref<25600xf32, #tpu.memory_space<vmem>>, vector<16xf32>,
        %mul3A_2004 = arith.constant 128 : i32
        %mul3A_2005 = arith.muli %scan3A_760, %mul3A_2004 : i32
        %add3A_2006 = arith.constant 80 : i32
        %add3A_2007 = arith.addi %mul3A_2005, %add3A_2006 : i32
        %get3A_2008 = arith.constant 0 : i32
        %get3A_2009 = tpu.memref_slice %arg11[%rem3A_708, %get3A_2008] : memref<2x3200xi32, #tpu.memory_space<vmem>> -> memref<1x3200xi32, #tpu.memory_space<vmem>>
        %get3A_2010 = tpu.memref_squeeze %get3A_2009 : memref<1x3200xi32, #tpu.memory_space<vmem>> -> memref<3200xi32, #tpu.memory_space<vmem>>
        %get3A_2011 = arith.index_cast %add3A_2007 : i32 to index
        %get3A_2012 = tpu.vector_load %get3A_2010[%get3A_2011] {strides = array<i32>} : memref<3200xi32, #tpu.memory_space<vmem>>, vector<16xi32>,
        %add3A_2013 = arith.constant 0 : i32
        %add3A_2014 = vector.broadcast %add3A_2013 : i32 to vector<16xi32>
        %add3A_2015 = arith.addi %get3A_2012, %add3A_2014 : vector<16xi32>
        %gather3A_2016 = tpu.vector_load_idx %arg10[%add3A_2015] : memref<1024xf32, #tpu.memory_space<vmem>>[vector<16xi32>], vector<16xf32>,
        %mul3A_2017 = arith.constant 1024 : i32
        %mul3A_2018 = arith.muli %scan3A_760, %mul3A_2017 : i32
        %add3A_2019 = arith.constant 0 : i32
        %add3A_2020 = arith.addi %mul3A_2018, %add3A_2019 : i32
        %add3A_2021 = arith.constant 80 : i32
        %add3A_2022 = arith.addi %add3A_2020, %add3A_2021 : i32
        %swap3A_2023 = arith.constant 0 : i32
        %swap3A_2024 = tpu.memref_slice %arg12[%rem3A_708, %swap3A_2023] : memref<2x25600xf32, #tpu.memory_space<vmem>> -> memref<1x25600xf32, #tpu.memory_space<vmem>>
        %swap3A_2025 = tpu.memref_squeeze %swap3A_2024 : memref<1x25600xf32, #tpu.memory_space<vmem>> -> memref<25600xf32, #tpu.memory_space<vmem>>
        %swap3A_2026 = arith.index_cast %add3A_2022 : i32 to index
        %swap3A_2027 = tpu.vector_load %swap3A_2025[%swap3A_2026] {strides = array<i32>} : memref<25600xf32, #tpu.memory_space<vmem>>, vector<16xf32>,
        tpu.vector_store %swap3A_2025[%swap3A_2026], %gather3A_2016 {strides = array<i32>} : memref<25600xf32, #tpu.memory_space<vmem>>, vector<16xf32>,
        %add3A_2028 = arith.constant 64 : i32
        %add3A_2029 = vector.broadcast %add3A_2028 : i32 to vector<16xi32>
        %add3A_2030 = arith.addi %get3A_2012, %add3A_2029 : vector<16xi32>
        %gather3A_2031 = tpu.vector_load_idx %arg10[%add3A_2030] : memref<1024xf32, #tpu.memory_space<vmem>>[vector<16xi32>], vector<16xf32>,
        %mul3A_2032 = arith.constant 1024 : i32
        %mul3A_2033 = arith.muli %scan3A_760, %mul3A_2032 : i32
        %add3A_2034 = arith.constant 128 : i32
        %add3A_2035 = arith.addi %mul3A_2033, %add3A_2034 : i32
        %add3A_2036 = arith.constant 80 : i32
        %add3A_2037 = arith.addi %add3A_2035, %add3A_2036 : i32
        %swap3A_2038 = arith.constant 0 : i32
        %swap3A_2039 = tpu.memref_slice %arg12[%rem3A_708, %swap3A_2038] : memref<2x25600xf32, #tpu.memory_space<vmem>> -> memref<1x25600xf32, #tpu.memory_space<vmem>>
        %swap3A_2040 = tpu.memref_squeeze %swap3A_2039 : memref<1x25600xf32, #tpu.memory_space<vmem>> -> memref<25600xf32, #tpu.memory_space<vmem>>
        %swap3A_2041 = arith.index_cast %add3A_2037 : i32 to index
        %swap3A_2042 = tpu.vector_load %swap3A_2040[%swap3A_2041] {strides = array<i32>} : memref<25600xf32, #tpu.memory_space<vmem>>, vector<16xf32>,
        tpu.vector_store %swap3A_2040[%swap3A_2041], %gather3A_2031 {strides = array<i32>} : memref<25600xf32, #tpu.memory_space<vmem>>, vector<16xf32>,
        %add3A_2043 = arith.constant 128 : i32
        %add3A_2044 = vector.broadcast %add3A_2043 : i32 to vector<16xi32>
        %add3A_2045 = arith.addi %get3A_2012, %add3A_2044 : vector<16xi32>
        %gather3A_2046 = tpu.vector_load_idx %arg10[%add3A_2045] : memref<1024xf32, #tpu.memory_space<vmem>>[vector<16xi32>], vector<16xf32>,
        %mul3A_2047 = arith.constant 1024 : i32
        %mul3A_2048 = arith.muli %scan3A_760, %mul3A_2047 : i32
        %add3A_2049 = arith.constant 256 : i32
        %add3A_2050 = arith.addi %mul3A_2048, %add3A_2049 : i32
        %add3A_2051 = arith.constant 80 : i32
        %add3A_2052 = arith.addi %add3A_2050, %add3A_2051 : i32
        %swap3A_2053 = arith.constant 0 : i32
        %swap3A_2054 = tpu.memref_slice %arg12[%rem3A_708, %swap3A_2053] : memref<2x25600xf32, #tpu.memory_space<vmem>> -> memref<1x25600xf32, #tpu.memory_space<vmem>>
        %swap3A_2055 = tpu.memref_squeeze %swap3A_2054 : memref<1x25600xf32, #tpu.memory_space<vmem>> -> memref<25600xf32, #tpu.memory_space<vmem>>
        %swap3A_2056 = arith.index_cast %add3A_2052 : i32 to index
        %swap3A_2057 = tpu.vector_load %swap3A_2055[%swap3A_2056] {strides = array<i32>} : memref<25600xf32, #tpu.memory_space<vmem>>, vector<16xf32>,
        tpu.vector_store %swap3A_2055[%swap3A_2056], %gather3A_2046 {strides = array<i32>} : memref<25600xf32, #tpu.memory_space<vmem>>, vector<16xf32>,
        %add3A_2058 = arith.constant 192 : i32
        %add3A_2059 = vector.broadcast %add3A_2058 : i32 to vector<16xi32>
        %add3A_2060 = arith.addi %get3A_2012, %add3A_2059 : vector<16xi32>
        %gather3A_2061 = tpu.vector_load_idx %arg10[%add3A_2060] : memref<1024xf32, #tpu.memory_space<vmem>>[vector<16xi32>], vector<16xf32>,
        %mul3A_2062 = arith.constant 1024 : i32
        %mul3A_2063 = arith.muli %scan3A_760, %mul3A_2062 : i32
        %add3A_2064 = arith.constant 384 : i32
        %add3A_2065 = arith.addi %mul3A_2063, %add3A_2064 : i32
        %add3A_2066 = arith.constant 80 : i32
        %add3A_2067 = arith.addi %add3A_2065, %add3A_2066 : i32
        %swap3A_2068 = arith.constant 0 : i32
        %swap3A_2069 = tpu.memref_slice %arg12[%rem3A_708, %swap3A_2068] : memref<2x25600xf32, #tpu.memory_space<vmem>> -> memref<1x25600xf32, #tpu.memory_space<vmem>>
        %swap3A_2070 = tpu.memref_squeeze %swap3A_2069 : memref<1x25600xf32, #tpu.memory_space<vmem>> -> memref<25600xf32, #tpu.memory_space<vmem>>
        %swap3A_2071 = arith.index_cast %add3A_2067 : i32 to index
        %swap3A_2072 = tpu.vector_load %swap3A_2070[%swap3A_2071] {strides = array<i32>} : memref<25600xf32, #tpu.memory_space<vmem>>, vector<16xf32>,
        tpu.vector_store %swap3A_2070[%swap3A_2071], %gather3A_2061 {strides = array<i32>} : memref<25600xf32, #tpu.memory_space<vmem>>, vector<16xf32>,
        %add3A_2073 = arith.constant 256 : i32
        %add3A_2074 = vector.broadcast %add3A_2073 : i32 to vector<16xi32>
        %add3A_2075 = arith.addi %get3A_2012, %add3A_2074 : vector<16xi32>
        %gather3A_2076 = tpu.vector_load_idx %arg10[%add3A_2075] : memref<1024xf32, #tpu.memory_space<vmem>>[vector<16xi32>], vector<16xf32>,
        %mul3A_2077 = arith.constant 1024 : i32
        %mul3A_2078 = arith.muli %scan3A_760, %mul3A_2077 : i32
        %add3A_2079 = arith.constant 512 : i32
        %add3A_2080 = arith.addi %mul3A_2078, %add3A_2079 : i32
        %add3A_2081 = arith.constant 80 : i32
        %add3A_2082 = arith.addi %add3A_2080, %add3A_2081 : i32
        %swap3A_2083 = arith.constant 0 : i32
        %swap3A_2084 = tpu.memref_slice %arg12[%rem3A_708, %swap3A_2083] : memref<2x25600xf32, #tpu.memory_space<vmem>> -> memref<1x25600xf32, #tpu.memory_space<vmem>>
        %swap3A_2085 = tpu.memref_squeeze %swap3A_2084 : memref<1x25600xf32, #tpu.memory_space<vmem>> -> memref<25600xf32, #tpu.memory_space<vmem>>
        %swap3A_2086 = arith.index_cast %add3A_2082 : i32 to index
        %swap3A_2087 = tpu.vector_load %swap3A_2085[%swap3A_2086] {strides = array<i32>} : memref<25600xf32, #tpu.memory_space<vmem>>, vector<16xf32>,
        tpu.vector_store %swap3A_2085[%swap3A_2086], %gather3A_2076 {strides = array<i32>} : memref<25600xf32, #tpu.memory_space<vmem>>, vector<16xf32>,
        %add3A_2088 = arith.constant 320 : i32
        %add3A_2089 = vector.broadcast %add3A_2088 : i32 to vector<16xi32>
        %add3A_2090 = arith.addi %get3A_2012, %add3A_2089 : vector<16xi32>
        %gather3A_2091 = tpu.vector_load_idx %arg10[%add3A_2090] : memref<1024xf32, #tpu.memory_space<vmem>>[vector<16xi32>], vector<16xf32>,
        %mul3A_2092 = arith.constant 1024 : i32
        %mul3A_2093 = arith.muli %scan3A_760, %mul3A_2092 : i32
        %add3A_2094 = arith.constant 640 : i32
        %add3A_2095 = arith.addi %mul3A_2093, %add3A_2094 : i32
        %add3A_2096 = arith.constant 80 : i32
        %add3A_2097 = arith.addi %add3A_2095, %add3A_2096 : i32
        %swap3A_2098 = arith.constant 0 : i32
        %swap3A_2099 = tpu.memref_slice %arg12[%rem3A_708, %swap3A_2098] : memref<2x25600xf32, #tpu.memory_space<vmem>> -> memref<1x25600xf32, #tpu.memory_space<vmem>>
        %swap3A_2100 = tpu.memref_squeeze %swap3A_2099 : memref<1x25600xf32, #tpu.memory_space<vmem>> -> memref<25600xf32, #tpu.memory_space<vmem>>
        %swap3A_2101 = arith.index_cast %add3A_2097 : i32 to index
        %swap3A_2102 = tpu.vector_load %swap3A_2100[%swap3A_2101] {strides = array<i32>} : memref<25600xf32, #tpu.memory_space<vmem>>, vector<16xf32>,
        tpu.vector_store %swap3A_2100[%swap3A_2101], %gather3A_2091 {strides = array<i32>} : memref<25600xf32, #tpu.memory_space<vmem>>, vector<16xf32>,
        %add3A_2103 = arith.constant 384 : i32
        %add3A_2104 = vector.broadcast %add3A_2103 : i32 to vector<16xi32>
        %add3A_2105 = arith.addi %get3A_2012, %add3A_2104 : vector<16xi32>
        %gather3A_2106 = tpu.vector_load_idx %arg10[%add3A_2105] : memref<1024xf32, #tpu.memory_space<vmem>>[vector<16xi32>], vector<16xf32>,
        %mul3A_2107 = arith.constant 1024 : i32
        %mul3A_2108 = arith.muli %scan3A_760, %mul3A_2107 : i32
        %add3A_2109 = arith.constant 768 : i32
        %add3A_2110 = arith.addi %mul3A_2108, %add3A_2109 : i32
        %add3A_2111 = arith.constant 80 : i32
        %add3A_2112 = arith.addi %add3A_2110, %add3A_2111 : i32
        %swap3A_2113 = arith.constant 0 : i32
        %swap3A_2114 = tpu.memref_slice %arg12[%rem3A_708, %swap3A_2113] : memref<2x25600xf32, #tpu.memory_space<vmem>> -> memref<1x25600xf32, #tpu.memory_space<vmem>>
        %swap3A_2115 = tpu.memref_squeeze %swap3A_2114 : memref<1x25600xf32, #tpu.memory_space<vmem>> -> memref<25600xf32, #tpu.memory_space<vmem>>
        %swap3A_2116 = arith.index_cast %add3A_2112 : i32 to index
        %swap3A_2117 = tpu.vector_load %swap3A_2115[%swap3A_2116] {strides = array<i32>} : memref<25600xf32, #tpu.memory_space<vmem>>, vector<16xf32>,
        tpu.vector_store %swap3A_2115[%swap3A_2116], %gather3A_2106 {strides = array<i32>} : memref<25600xf32, #tpu.memory_space<vmem>>, vector<16xf32>,
        %add3A_2118 = arith.constant 448 : i32
        %add3A_2119 = vector.broadcast %add3A_2118 : i32 to vector<16xi32>
        %add3A_2120 = arith.addi %get3A_2012, %add3A_2119 : vector<16xi32>
        %gather3A_2121 = tpu.vector_load_idx %arg10[%add3A_2120] : memref<1024xf32, #tpu.memory_space<vmem>>[vector<16xi32>], vector<16xf32>,
        %mul3A_2122 = arith.constant 1024 : i32
        %mul3A_2123 = arith.muli %scan3A_760, %mul3A_2122 : i32
        %add3A_2124 = arith.constant 896 : i32
        %add3A_2125 = arith.addi %mul3A_2123, %add3A_2124 : i32
        %add3A_2126 = arith.constant 80 : i32
        %add3A_2127 = arith.addi %add3A_2125, %add3A_2126 : i32
        %swap3A_2128 = arith.constant 0 : i32
        %swap3A_2129 = tpu.memref_slice %arg12[%rem3A_708, %swap3A_2128] : memref<2x25600xf32, #tpu.memory_space<vmem>> -> memref<1x25600xf32, #tpu.memory_space<vmem>>
        %swap3A_2130 = tpu.memref_squeeze %swap3A_2129 : memref<1x25600xf32, #tpu.memory_space<vmem>> -> memref<25600xf32, #tpu.memory_space<vmem>>
        %swap3A_2131 = arith.index_cast %add3A_2127 : i32 to index
        %swap3A_2132 = tpu.vector_load %swap3A_2130[%swap3A_2131] {strides = array<i32>} : memref<25600xf32, #tpu.memory_space<vmem>>, vector<16xf32>,
        tpu.vector_store %swap3A_2130[%swap3A_2131], %gather3A_2121 {strides = array<i32>} : memref<25600xf32, #tpu.memory_space<vmem>>, vector<16xf32>,
        %add3A_2133 = arith.constant 512 : i32
        %add3A_2134 = vector.broadcast %add3A_2133 : i32 to vector<16xi32>
        %add3A_2135 = arith.addi %get3A_2012, %add3A_2134 : vector<16xi32>
        %gather3A_2136 = tpu.vector_load_idx %arg10[%add3A_2135] : memref<1024xf32, #tpu.memory_space<vmem>>[vector<16xi32>], vector<16xf32>,
        %mul3A_2137 = arith.constant 1024 : i32
        %mul3A_2138 = arith.muli %scan3A_760, %mul3A_2137 : i32
        %add3A_2139 = arith.constant 0 : i32
        %add3A_2140 = arith.addi %mul3A_2138, %add3A_2139 : i32
        %add3A_2141 = arith.constant 80 : i32
        %add3A_2142 = arith.addi %add3A_2140, %add3A_2141 : i32
        %swap3A_2143 = arith.constant 0 : i32
        %swap3A_2144 = tpu.memref_slice %arg13[%rem3A_708, %swap3A_2143] : memref<2x25600xf32, #tpu.memory_space<vmem>> -> memref<1x25600xf32, #tpu.memory_space<vmem>>
        %swap3A_2145 = tpu.memref_squeeze %swap3A_2144 : memref<1x25600xf32, #tpu.memory_space<vmem>> -> memref<25600xf32, #tpu.memory_space<vmem>>
        %swap3A_2146 = arith.index_cast %add3A_2142 : i32 to index
        %swap3A_2147 = tpu.vector_load %swap3A_2145[%swap3A_2146] {strides = array<i32>} : memref<25600xf32, #tpu.memory_space<vmem>>, vector<16xf32>,
        tpu.vector_store %swap3A_2145[%swap3A_2146], %gather3A_2136 {strides = array<i32>} : memref<25600xf32, #tpu.memory_space<vmem>>, vector<16xf32>,
        %add3A_2148 = arith.constant 576 : i32
        %add3A_2149 = vector.broadcast %add3A_2148 : i32 to vector<16xi32>
        %add3A_2150 = arith.addi %get3A_2012, %add3A_2149 : vector<16xi32>
        %gather3A_2151 = tpu.vector_load_idx %arg10[%add3A_2150] : memref<1024xf32, #tpu.memory_space<vmem>>[vector<16xi32>], vector<16xf32>,
        %mul3A_2152 = arith.constant 1024 : i32
        %mul3A_2153 = arith.muli %scan3A_760, %mul3A_2152 : i32
        %add3A_2154 = arith.constant 128 : i32
        %add3A_2155 = arith.addi %mul3A_2153, %add3A_2154 : i32
        %add3A_2156 = arith.constant 80 : i32
        %add3A_2157 = arith.addi %add3A_2155, %add3A_2156 : i32
        %swap3A_2158 = arith.constant 0 : i32
        %swap3A_2159 = tpu.memref_slice %arg13[%rem3A_708, %swap3A_2158] : memref<2x25600xf32, #tpu.memory_space<vmem>> -> memref<1x25600xf32, #tpu.memory_space<vmem>>
        %swap3A_2160 = tpu.memref_squeeze %swap3A_2159 : memref<1x25600xf32, #tpu.memory_space<vmem>> -> memref<25600xf32, #tpu.memory_space<vmem>>
        %swap3A_2161 = arith.index_cast %add3A_2157 : i32 to index
        %swap3A_2162 = tpu.vector_load %swap3A_2160[%swap3A_2161] {strides = array<i32>} : memref<25600xf32, #tpu.memory_space<vmem>>, vector<16xf32>,
        tpu.vector_store %swap3A_2160[%swap3A_2161], %gather3A_2151 {strides = array<i32>} : memref<25600xf32, #tpu.memory_space<vmem>>, vector<16xf32>,
        %add3A_2163 = arith.constant 640 : i32
        %add3A_2164 = vector.broadcast %add3A_2163 : i32 to vector<16xi32>
        %add3A_2165 = arith.addi %get3A_2012, %add3A_2164 : vector<16xi32>
        %gather3A_2166 = tpu.vector_load_idx %arg10[%add3A_2165] : memref<1024xf32, #tpu.memory_space<vmem>>[vector<16xi32>], vector<16xf32>,
        %mul3A_2167 = arith.constant 1024 : i32
        %mul3A_2168 = arith.muli %scan3A_760, %mul3A_2167 : i32
        %add3A_2169 = arith.constant 256 : i32
        %add3A_2170 = arith.addi %mul3A_2168, %add3A_2169 : i32
        %add3A_2171 = arith.constant 80 : i32
        %add3A_2172 = arith.addi %add3A_2170, %add3A_2171 : i32
        %swap3A_2173 = arith.constant 0 : i32
        %swap3A_2174 = tpu.memref_slice %arg13[%rem3A_708, %swap3A_2173] : memref<2x25600xf32, #tpu.memory_space<vmem>> -> memref<1x25600xf32, #tpu.memory_space<vmem>>
        %swap3A_2175 = tpu.memref_squeeze %swap3A_2174 : memref<1x25600xf32, #tpu.memory_space<vmem>> -> memref<25600xf32, #tpu.memory_space<vmem>>
        %swap3A_2176 = arith.index_cast %add3A_2172 : i32 to index
        %swap3A_2177 = tpu.vector_load %swap3A_2175[%swap3A_2176] {strides = array<i32>} : memref<25600xf32, #tpu.memory_space<vmem>>, vector<16xf32>,
        tpu.vector_store %swap3A_2175[%swap3A_2176], %gather3A_2166 {strides = array<i32>} : memref<25600xf32, #tpu.memory_space<vmem>>, vector<16xf32>,
        %add3A_2178 = arith.constant 704 : i32
        %add3A_2179 = vector.broadcast %add3A_2178 : i32 to vector<16xi32>
        %add3A_2180 = arith.addi %get3A_2012, %add3A_2179 : vector<16xi32>
        %gather3A_2181 = tpu.vector_load_idx %arg10[%add3A_2180] : memref<1024xf32, #tpu.memory_space<vmem>>[vector<16xi32>], vector<16xf32>,
        %mul3A_2182 = arith.constant 1024 : i32
        %mul3A_2183 = arith.muli %scan3A_760, %mul3A_2182 : i32
        %add3A_2184 = arith.constant 384 : i32
        %add3A_2185 = arith.addi %mul3A_2183, %add3A_2184 : i32
        %add3A_2186 = arith.constant 80 : i32
        %add3A_2187 = arith.addi %add3A_2185, %add3A_2186 : i32
        %swap3A_2188 = arith.constant 0 : i32
        %swap3A_2189 = tpu.memref_slice %arg13[%rem3A_708, %swap3A_2188] : memref<2x25600xf32, #tpu.memory_space<vmem>> -> memref<1x25600xf32, #tpu.memory_space<vmem>>
        %swap3A_2190 = tpu.memref_squeeze %swap3A_2189 : memref<1x25600xf32, #tpu.memory_space<vmem>> -> memref<25600xf32, #tpu.memory_space<vmem>>
        %swap3A_2191 = arith.index_cast %add3A_2187 : i32 to index
        %swap3A_2192 = tpu.vector_load %swap3A_2190[%swap3A_2191] {strides = array<i32>} : memref<25600xf32, #tpu.memory_space<vmem>>, vector<16xf32>,
        tpu.vector_store %swap3A_2190[%swap3A_2191], %gather3A_2181 {strides = array<i32>} : memref<25600xf32, #tpu.memory_space<vmem>>, vector<16xf32>,
        %add3A_2193 = arith.constant 768 : i32
        %add3A_2194 = vector.broadcast %add3A_2193 : i32 to vector<16xi32>
        %add3A_2195 = arith.addi %get3A_2012, %add3A_2194 : vector<16xi32>
        %gather3A_2196 = tpu.vector_load_idx %arg10[%add3A_2195] : memref<1024xf32, #tpu.memory_space<vmem>>[vector<16xi32>], vector<16xf32>,
        %mul3A_2197 = arith.constant 1024 : i32
        %mul3A_2198 = arith.muli %scan3A_760, %mul3A_2197 : i32
        %add3A_2199 = arith.constant 512 : i32
        %add3A_2200 = arith.addi %mul3A_2198, %add3A_2199 : i32
        %add3A_2201 = arith.constant 80 : i32
        %add3A_2202 = arith.addi %add3A_2200, %add3A_2201 : i32
        %swap3A_2203 = arith.constant 0 : i32
        %swap3A_2204 = tpu.memref_slice %arg13[%rem3A_708, %swap3A_2203] : memref<2x25600xf32, #tpu.memory_space<vmem>> -> memref<1x25600xf32, #tpu.memory_space<vmem>>
        %swap3A_2205 = tpu.memref_squeeze %swap3A_2204 : memref<1x25600xf32, #tpu.memory_space<vmem>> -> memref<25600xf32, #tpu.memory_space<vmem>>
        %swap3A_2206 = arith.index_cast %add3A_2202 : i32 to index
        %swap3A_2207 = tpu.vector_load %swap3A_2205[%swap3A_2206] {strides = array<i32>} : memref<25600xf32, #tpu.memory_space<vmem>>, vector<16xf32>,
        tpu.vector_store %swap3A_2205[%swap3A_2206], %gather3A_2196 {strides = array<i32>} : memref<25600xf32, #tpu.memory_space<vmem>>, vector<16xf32>,
        %add3A_2208 = arith.constant 832 : i32
        %add3A_2209 = vector.broadcast %add3A_2208 : i32 to vector<16xi32>
        %add3A_2210 = arith.addi %get3A_2012, %add3A_2209 : vector<16xi32>
        %gather3A_2211 = tpu.vector_load_idx %arg10[%add3A_2210] : memref<1024xf32, #tpu.memory_space<vmem>>[vector<16xi32>], vector<16xf32>,
        %mul3A_2212 = arith.constant 1024 : i32
        %mul3A_2213 = arith.muli %scan3A_760, %mul3A_2212 : i32
        %add3A_2214 = arith.constant 640 : i32
        %add3A_2215 = arith.addi %mul3A_2213, %add3A_2214 : i32
        %add3A_2216 = arith.constant 80 : i32
        %add3A_2217 = arith.addi %add3A_2215, %add3A_2216 : i32
        %swap3A_2218 = arith.constant 0 : i32
        %swap3A_2219 = tpu.memref_slice %arg13[%rem3A_708, %swap3A_2218] : memref<2x25600xf32, #tpu.memory_space<vmem>> -> memref<1x25600xf32, #tpu.memory_space<vmem>>
        %swap3A_2220 = tpu.memref_squeeze %swap3A_2219 : memref<1x25600xf32, #tpu.memory_space<vmem>> -> memref<25600xf32, #tpu.memory_space<vmem>>
        %swap3A_2221 = arith.index_cast %add3A_2217 : i32 to index
        %swap3A_2222 = tpu.vector_load %swap3A_2220[%swap3A_2221] {strides = array<i32>} : memref<25600xf32, #tpu.memory_space<vmem>>, vector<16xf32>,
        tpu.vector_store %swap3A_2220[%swap3A_2221], %gather3A_2211 {strides = array<i32>} : memref<25600xf32, #tpu.memory_space<vmem>>, vector<16xf32>,
        %add3A_2223 = arith.constant 896 : i32
        %add3A_2224 = vector.broadcast %add3A_2223 : i32 to vector<16xi32>
        %add3A_2225 = arith.addi %get3A_2012, %add3A_2224 : vector<16xi32>
        %gather3A_2226 = tpu.vector_load_idx %arg10[%add3A_2225] : memref<1024xf32, #tpu.memory_space<vmem>>[vector<16xi32>], vector<16xf32>,
        %mul3A_2227 = arith.constant 1024 : i32
        %mul3A_2228 = arith.muli %scan3A_760, %mul3A_2227 : i32
        %add3A_2229 = arith.constant 768 : i32
        %add3A_2230 = arith.addi %mul3A_2228, %add3A_2229 : i32
        %add3A_2231 = arith.constant 80 : i32
        %add3A_2232 = arith.addi %add3A_2230, %add3A_2231 : i32
        %swap3A_2233 = arith.constant 0 : i32
        %swap3A_2234 = tpu.memref_slice %arg13[%rem3A_708, %swap3A_2233] : memref<2x25600xf32, #tpu.memory_space<vmem>> -> memref<1x25600xf32, #tpu.memory_space<vmem>>
        %swap3A_2235 = tpu.memref_squeeze %swap3A_2234 : memref<1x25600xf32, #tpu.memory_space<vmem>> -> memref<25600xf32, #tpu.memory_space<vmem>>
        %swap3A_2236 = arith.index_cast %add3A_2232 : i32 to index
        %swap3A_2237 = tpu.vector_load %swap3A_2235[%swap3A_2236] {strides = array<i32>} : memref<25600xf32, #tpu.memory_space<vmem>>, vector<16xf32>,
        tpu.vector_store %swap3A_2235[%swap3A_2236], %gather3A_2226 {strides = array<i32>} : memref<25600xf32, #tpu.memory_space<vmem>>, vector<16xf32>,
        %add3A_2238 = arith.constant 960 : i32
        %add3A_2239 = vector.broadcast %add3A_2238 : i32 to vector<16xi32>
        %add3A_2240 = arith.addi %get3A_2012, %add3A_2239 : vector<16xi32>
        %gather3A_2241 = tpu.vector_load_idx %arg10[%add3A_2240] : memref<1024xf32, #tpu.memory_space<vmem>>[vector<16xi32>], vector<16xf32>,
        %mul3A_2242 = arith.constant 1024 : i32
        %mul3A_2243 = arith.muli %scan3A_760, %mul3A_2242 : i32
        %add3A_2244 = arith.constant 896 : i32
        %add3A_2245 = arith.addi %mul3A_2243, %add3A_2244 : i32
        %add3A_2246 = arith.constant 80 : i32
        %add3A_2247 = arith.addi %add3A_2245, %add3A_2246 : i32
        %swap3A_2248 = arith.constant 0 : i32
        %swap3A_2249 = tpu.memref_slice %arg13[%rem3A_708, %swap3A_2248] : memref<2x25600xf32, #tpu.memory_space<vmem>> -> memref<1x25600xf32, #tpu.memory_space<vmem>>
        %swap3A_2250 = tpu.memref_squeeze %swap3A_2249 : memref<1x25600xf32, #tpu.memory_space<vmem>> -> memref<25600xf32, #tpu.memory_space<vmem>>
        %swap3A_2251 = arith.index_cast %add3A_2247 : i32 to index
        %swap3A_2252 = tpu.vector_load %swap3A_2250[%swap3A_2251] {strides = array<i32>} : memref<25600xf32, #tpu.memory_space<vmem>>, vector<16xf32>,
        tpu.vector_store %swap3A_2250[%swap3A_2251], %gather3A_2241 {strides = array<i32>} : memref<25600xf32, #tpu.memory_space<vmem>>, vector<16xf32>,
        %mul3A_2253 = arith.constant 128 : i32
        %mul3A_2254 = arith.muli %scan3A_760, %mul3A_2253 : i32
        %add3A_2255 = arith.constant 96 : i32
        %add3A_2256 = arith.addi %mul3A_2254, %add3A_2255 : i32
        %get3A_2257 = arith.constant 0 : i32
        %get3A_2258 = tpu.memref_slice %arg11[%rem3A_708, %get3A_2257] : memref<2x3200xi32, #tpu.memory_space<vmem>> -> memref<1x3200xi32, #tpu.memory_space<vmem>>
        %get3A_2259 = tpu.memref_squeeze %get3A_2258 : memref<1x3200xi32, #tpu.memory_space<vmem>> -> memref<3200xi32, #tpu.memory_space<vmem>>
        %get3A_2260 = arith.index_cast %add3A_2256 : i32 to index
        %get3A_2261 = tpu.vector_load %get3A_2259[%get3A_2260] {strides = array<i32>} : memref<3200xi32, #tpu.memory_space<vmem>>, vector<16xi32>,
        %add3A_2262 = arith.constant 0 : i32
        %add3A_2263 = vector.broadcast %add3A_2262 : i32 to vector<16xi32>
        %add3A_2264 = arith.addi %get3A_2261, %add3A_2263 : vector<16xi32>
        %gather3A_2265 = tpu.vector_load_idx %arg10[%add3A_2264] : memref<1024xf32, #tpu.memory_space<vmem>>[vector<16xi32>], vector<16xf32>,
        %mul3A_2266 = arith.constant 1024 : i32
        %mul3A_2267 = arith.muli %scan3A_760, %mul3A_2266 : i32
        %add3A_2268 = arith.constant 0 : i32
        %add3A_2269 = arith.addi %mul3A_2267, %add3A_2268 : i32
        %add3A_2270 = arith.constant 96 : i32
        %add3A_2271 = arith.addi %add3A_2269, %add3A_2270 : i32
        %swap3A_2272 = arith.constant 0 : i32
        %swap3A_2273 = tpu.memref_slice %arg12[%rem3A_708, %swap3A_2272] : memref<2x25600xf32, #tpu.memory_space<vmem>> -> memref<1x25600xf32, #tpu.memory_space<vmem>>
        %swap3A_2274 = tpu.memref_squeeze %swap3A_2273 : memref<1x25600xf32, #tpu.memory_space<vmem>> -> memref<25600xf32, #tpu.memory_space<vmem>>
        %swap3A_2275 = arith.index_cast %add3A_2271 : i32 to index
        %swap3A_2276 = tpu.vector_load %swap3A_2274[%swap3A_2275] {strides = array<i32>} : memref<25600xf32, #tpu.memory_space<vmem>>, vector<16xf32>,
        tpu.vector_store %swap3A_2274[%swap3A_2275], %gather3A_2265 {strides = array<i32>} : memref<25600xf32, #tpu.memory_space<vmem>>, vector<16xf32>,
        %add3A_2277 = arith.constant 64 : i32
        %add3A_2278 = vector.broadcast %add3A_2277 : i32 to vector<16xi32>
        %add3A_2279 = arith.addi %get3A_2261, %add3A_2278 : vector<16xi32>
        %gather3A_2280 = tpu.vector_load_idx %arg10[%add3A_2279] : memref<1024xf32, #tpu.memory_space<vmem>>[vector<16xi32>], vector<16xf32>,
        %mul3A_2281 = arith.constant 1024 : i32
        %mul3A_2282 = arith.muli %scan3A_760, %mul3A_2281 : i32
        %add3A_2283 = arith.constant 128 : i32
        %add3A_2284 = arith.addi %mul3A_2282, %add3A_2283 : i32
        %add3A_2285 = arith.constant 96 : i32
        %add3A_2286 = arith.addi %add3A_2284, %add3A_2285 : i32
        %swap3A_2287 = arith.constant 0 : i32
        %swap3A_2288 = tpu.memref_slice %arg12[%rem3A_708, %swap3A_2287] : memref<2x25600xf32, #tpu.memory_space<vmem>> -> memref<1x25600xf32, #tpu.memory_space<vmem>>
        %swap3A_2289 = tpu.memref_squeeze %swap3A_2288 : memref<1x25600xf32, #tpu.memory_space<vmem>> -> memref<25600xf32, #tpu.memory_space<vmem>>
        %swap3A_2290 = arith.index_cast %add3A_2286 : i32 to index
        %swap3A_2291 = tpu.vector_load %swap3A_2289[%swap3A_2290] {strides = array<i32>} : memref<25600xf32, #tpu.memory_space<vmem>>, vector<16xf32>,
        tpu.vector_store %swap3A_2289[%swap3A_2290], %gather3A_2280 {strides = array<i32>} : memref<25600xf32, #tpu.memory_space<vmem>>, vector<16xf32>,
        %add3A_2292 = arith.constant 128 : i32
        %add3A_2293 = vector.broadcast %add3A_2292 : i32 to vector<16xi32>
        %add3A_2294 = arith.addi %get3A_2261, %add3A_2293 : vector<16xi32>
        %gather3A_2295 = tpu.vector_load_idx %arg10[%add3A_2294] : memref<1024xf32, #tpu.memory_space<vmem>>[vector<16xi32>], vector<16xf32>,
        %mul3A_2296 = arith.constant 1024 : i32
        %mul3A_2297 = arith.muli %scan3A_760, %mul3A_2296 : i32
        %add3A_2298 = arith.constant 256 : i32
        %add3A_2299 = arith.addi %mul3A_2297, %add3A_2298 : i32
        %add3A_2300 = arith.constant 96 : i32
        %add3A_2301 = arith.addi %add3A_2299, %add3A_2300 : i32
        %swap3A_2302 = arith.constant 0 : i32
        %swap3A_2303 = tpu.memref_slice %arg12[%rem3A_708, %swap3A_2302] : memref<2x25600xf32, #tpu.memory_space<vmem>> -> memref<1x25600xf32, #tpu.memory_space<vmem>>
        %swap3A_2304 = tpu.memref_squeeze %swap3A_2303 : memref<1x25600xf32, #tpu.memory_space<vmem>> -> memref<25600xf32, #tpu.memory_space<vmem>>
        %swap3A_2305 = arith.index_cast %add3A_2301 : i32 to index
        %swap3A_2306 = tpu.vector_load %swap3A_2304[%swap3A_2305] {strides = array<i32>} : memref<25600xf32, #tpu.memory_space<vmem>>, vector<16xf32>,
        tpu.vector_store %swap3A_2304[%swap3A_2305], %gather3A_2295 {strides = array<i32>} : memref<25600xf32, #tpu.memory_space<vmem>>, vector<16xf32>,
        %add3A_2307 = arith.constant 192 : i32
        %add3A_2308 = vector.broadcast %add3A_2307 : i32 to vector<16xi32>
        %add3A_2309 = arith.addi %get3A_2261, %add3A_2308 : vector<16xi32>
        %gather3A_2310 = tpu.vector_load_idx %arg10[%add3A_2309] : memref<1024xf32, #tpu.memory_space<vmem>>[vector<16xi32>], vector<16xf32>,
        %mul3A_2311 = arith.constant 1024 : i32
        %mul3A_2312 = arith.muli %scan3A_760, %mul3A_2311 : i32
        %add3A_2313 = arith.constant 384 : i32
        %add3A_2314 = arith.addi %mul3A_2312, %add3A_2313 : i32
        %add3A_2315 = arith.constant 96 : i32
        %add3A_2316 = arith.addi %add3A_2314, %add3A_2315 : i32
        %swap3A_2317 = arith.constant 0 : i32
        %swap3A_2318 = tpu.memref_slice %arg12[%rem3A_708, %swap3A_2317] : memref<2x25600xf32, #tpu.memory_space<vmem>> -> memref<1x25600xf32, #tpu.memory_space<vmem>>
        %swap3A_2319 = tpu.memref_squeeze %swap3A_2318 : memref<1x25600xf32, #tpu.memory_space<vmem>> -> memref<25600xf32, #tpu.memory_space<vmem>>
        %swap3A_2320 = arith.index_cast %add3A_2316 : i32 to index
        %swap3A_2321 = tpu.vector_load %swap3A_2319[%swap3A_2320] {strides = array<i32>} : memref<25600xf32, #tpu.memory_space<vmem>>, vector<16xf32>,
        tpu.vector_store %swap3A_2319[%swap3A_2320], %gather3A_2310 {strides = array<i32>} : memref<25600xf32, #tpu.memory_space<vmem>>, vector<16xf32>,
        %add3A_2322 = arith.constant 256 : i32
        %add3A_2323 = vector.broadcast %add3A_2322 : i32 to vector<16xi32>
        %add3A_2324 = arith.addi %get3A_2261, %add3A_2323 : vector<16xi32>
        %gather3A_2325 = tpu.vector_load_idx %arg10[%add3A_2324] : memref<1024xf32, #tpu.memory_space<vmem>>[vector<16xi32>], vector<16xf32>,
        %mul3A_2326 = arith.constant 1024 : i32
        %mul3A_2327 = arith.muli %scan3A_760, %mul3A_2326 : i32
        %add3A_2328 = arith.constant 512 : i32
        %add3A_2329 = arith.addi %mul3A_2327, %add3A_2328 : i32
        %add3A_2330 = arith.constant 96 : i32
        %add3A_2331 = arith.addi %add3A_2329, %add3A_2330 : i32
        %swap3A_2332 = arith.constant 0 : i32
        %swap3A_2333 = tpu.memref_slice %arg12[%rem3A_708, %swap3A_2332] : memref<2x25600xf32, #tpu.memory_space<vmem>> -> memref<1x25600xf32, #tpu.memory_space<vmem>>
        %swap3A_2334 = tpu.memref_squeeze %swap3A_2333 : memref<1x25600xf32, #tpu.memory_space<vmem>> -> memref<25600xf32, #tpu.memory_space<vmem>>
        %swap3A_2335 = arith.index_cast %add3A_2331 : i32 to index
        %swap3A_2336 = tpu.vector_load %swap3A_2334[%swap3A_2335] {strides = array<i32>} : memref<25600xf32, #tpu.memory_space<vmem>>, vector<16xf32>,
        tpu.vector_store %swap3A_2334[%swap3A_2335], %gather3A_2325 {strides = array<i32>} : memref<25600xf32, #tpu.memory_space<vmem>>, vector<16xf32>,
        %add3A_2337 = arith.constant 320 : i32
        %add3A_2338 = vector.broadcast %add3A_2337 : i32 to vector<16xi32>
        %add3A_2339 = arith.addi %get3A_2261, %add3A_2338 : vector<16xi32>
        %gather3A_2340 = tpu.vector_load_idx %arg10[%add3A_2339] : memref<1024xf32, #tpu.memory_space<vmem>>[vector<16xi32>], vector<16xf32>,
        %mul3A_2341 = arith.constant 1024 : i32
        %mul3A_2342 = arith.muli %scan3A_760, %mul3A_2341 : i32
        %add3A_2343 = arith.constant 640 : i32
        %add3A_2344 = arith.addi %mul3A_2342, %add3A_2343 : i32
        %add3A_2345 = arith.constant 96 : i32
        %add3A_2346 = arith.addi %add3A_2344, %add3A_2345 : i32
        %swap3A_2347 = arith.constant 0 : i32
        %swap3A_2348 = tpu.memref_slice %arg12[%rem3A_708, %swap3A_2347] : memref<2x25600xf32, #tpu.memory_space<vmem>> -> memref<1x25600xf32, #tpu.memory_space<vmem>>
        %swap3A_2349 = tpu.memref_squeeze %swap3A_2348 : memref<1x25600xf32, #tpu.memory_space<vmem>> -> memref<25600xf32, #tpu.memory_space<vmem>>
        %swap3A_2350 = arith.index_cast %add3A_2346 : i32 to index
        %swap3A_2351 = tpu.vector_load %swap3A_2349[%swap3A_2350] {strides = array<i32>} : memref<25600xf32, #tpu.memory_space<vmem>>, vector<16xf32>,
        tpu.vector_store %swap3A_2349[%swap3A_2350], %gather3A_2340 {strides = array<i32>} : memref<25600xf32, #tpu.memory_space<vmem>>, vector<16xf32>,
        %add3A_2352 = arith.constant 384 : i32
        %add3A_2353 = vector.broadcast %add3A_2352 : i32 to vector<16xi32>
        %add3A_2354 = arith.addi %get3A_2261, %add3A_2353 : vector<16xi32>
        %gather3A_2355 = tpu.vector_load_idx %arg10[%add3A_2354] : memref<1024xf32, #tpu.memory_space<vmem>>[vector<16xi32>], vector<16xf32>,
        %mul3A_2356 = arith.constant 1024 : i32
        %mul3A_2357 = arith.muli %scan3A_760, %mul3A_2356 : i32
        %add3A_2358 = arith.constant 768 : i32
        %add3A_2359 = arith.addi %mul3A_2357, %add3A_2358 : i32
        %add3A_2360 = arith.constant 96 : i32
        %add3A_2361 = arith.addi %add3A_2359, %add3A_2360 : i32
        %swap3A_2362 = arith.constant 0 : i32
        %swap3A_2363 = tpu.memref_slice %arg12[%rem3A_708, %swap3A_2362] : memref<2x25600xf32, #tpu.memory_space<vmem>> -> memref<1x25600xf32, #tpu.memory_space<vmem>>
        %swap3A_2364 = tpu.memref_squeeze %swap3A_2363 : memref<1x25600xf32, #tpu.memory_space<vmem>> -> memref<25600xf32, #tpu.memory_space<vmem>>
        %swap3A_2365 = arith.index_cast %add3A_2361 : i32 to index
        %swap3A_2366 = tpu.vector_load %swap3A_2364[%swap3A_2365] {strides = array<i32>} : memref<25600xf32, #tpu.memory_space<vmem>>, vector<16xf32>,
        tpu.vector_store %swap3A_2364[%swap3A_2365], %gather3A_2355 {strides = array<i32>} : memref<25600xf32, #tpu.memory_space<vmem>>, vector<16xf32>,
        %add3A_2367 = arith.constant 448 : i32
        %add3A_2368 = vector.broadcast %add3A_2367 : i32 to vector<16xi32>
        %add3A_2369 = arith.addi %get3A_2261, %add3A_2368 : vector<16xi32>
        %gather3A_2370 = tpu.vector_load_idx %arg10[%add3A_2369] : memref<1024xf32, #tpu.memory_space<vmem>>[vector<16xi32>], vector<16xf32>,
        %mul3A_2371 = arith.constant 1024 : i32
        %mul3A_2372 = arith.muli %scan3A_760, %mul3A_2371 : i32
        %add3A_2373 = arith.constant 896 : i32
        %add3A_2374 = arith.addi %mul3A_2372, %add3A_2373 : i32
        %add3A_2375 = arith.constant 96 : i32
        %add3A_2376 = arith.addi %add3A_2374, %add3A_2375 : i32
        %swap3A_2377 = arith.constant 0 : i32
        %swap3A_2378 = tpu.memref_slice %arg12[%rem3A_708, %swap3A_2377] : memref<2x25600xf32, #tpu.memory_space<vmem>> -> memref<1x25600xf32, #tpu.memory_space<vmem>>
        %swap3A_2379 = tpu.memref_squeeze %swap3A_2378 : memref<1x25600xf32, #tpu.memory_space<vmem>> -> memref<25600xf32, #tpu.memory_space<vmem>>
        %swap3A_2380 = arith.index_cast %add3A_2376 : i32 to index
        %swap3A_2381 = tpu.vector_load %swap3A_2379[%swap3A_2380] {strides = array<i32>} : memref<25600xf32, #tpu.memory_space<vmem>>, vector<16xf32>,
        tpu.vector_store %swap3A_2379[%swap3A_2380], %gather3A_2370 {strides = array<i32>} : memref<25600xf32, #tpu.memory_space<vmem>>, vector<16xf32>,
        %add3A_2382 = arith.constant 512 : i32
        %add3A_2383 = vector.broadcast %add3A_2382 : i32 to vector<16xi32>
        %add3A_2384 = arith.addi %get3A_2261, %add3A_2383 : vector<16xi32>
        %gather3A_2385 = tpu.vector_load_idx %arg10[%add3A_2384] : memref<1024xf32, #tpu.memory_space<vmem>>[vector<16xi32>], vector<16xf32>,
        %mul3A_2386 = arith.constant 1024 : i32
        %mul3A_2387 = arith.muli %scan3A_760, %mul3A_2386 : i32
        %add3A_2388 = arith.constant 0 : i32
        %add3A_2389 = arith.addi %mul3A_2387, %add3A_2388 : i32
        %add3A_2390 = arith.constant 96 : i32
        %add3A_2391 = arith.addi %add3A_2389, %add3A_2390 : i32
        %swap3A_2392 = arith.constant 0 : i32
        %swap3A_2393 = tpu.memref_slice %arg13[%rem3A_708, %swap3A_2392] : memref<2x25600xf32, #tpu.memory_space<vmem>> -> memref<1x25600xf32, #tpu.memory_space<vmem>>
        %swap3A_2394 = tpu.memref_squeeze %swap3A_2393 : memref<1x25600xf32, #tpu.memory_space<vmem>> -> memref<25600xf32, #tpu.memory_space<vmem>>
        %swap3A_2395 = arith.index_cast %add3A_2391 : i32 to index
        %swap3A_2396 = tpu.vector_load %swap3A_2394[%swap3A_2395] {strides = array<i32>} : memref<25600xf32, #tpu.memory_space<vmem>>, vector<16xf32>,
        tpu.vector_store %swap3A_2394[%swap3A_2395], %gather3A_2385 {strides = array<i32>} : memref<25600xf32, #tpu.memory_space<vmem>>, vector<16xf32>,
        %add3A_2397 = arith.constant 576 : i32
        %add3A_2398 = vector.broadcast %add3A_2397 : i32 to vector<16xi32>
        %add3A_2399 = arith.addi %get3A_2261, %add3A_2398 : vector<16xi32>
        %gather3A_2400 = tpu.vector_load_idx %arg10[%add3A_2399] : memref<1024xf32, #tpu.memory_space<vmem>>[vector<16xi32>], vector<16xf32>,
        %mul3A_2401 = arith.constant 1024 : i32
        %mul3A_2402 = arith.muli %scan3A_760, %mul3A_2401 : i32
        %add3A_2403 = arith.constant 128 : i32
        %add3A_2404 = arith.addi %mul3A_2402, %add3A_2403 : i32
        %add3A_2405 = arith.constant 96 : i32
        %add3A_2406 = arith.addi %add3A_2404, %add3A_2405 : i32
        %swap3A_2407 = arith.constant 0 : i32
        %swap3A_2408 = tpu.memref_slice %arg13[%rem3A_708, %swap3A_2407] : memref<2x25600xf32, #tpu.memory_space<vmem>> -> memref<1x25600xf32, #tpu.memory_space<vmem>>
        %swap3A_2409 = tpu.memref_squeeze %swap3A_2408 : memref<1x25600xf32, #tpu.memory_space<vmem>> -> memref<25600xf32, #tpu.memory_space<vmem>>
        %swap3A_2410 = arith.index_cast %add3A_2406 : i32 to index
        %swap3A_2411 = tpu.vector_load %swap3A_2409[%swap3A_2410] {strides = array<i32>} : memref<25600xf32, #tpu.memory_space<vmem>>, vector<16xf32>,
        tpu.vector_store %swap3A_2409[%swap3A_2410], %gather3A_2400 {strides = array<i32>} : memref<25600xf32, #tpu.memory_space<vmem>>, vector<16xf32>,
        %add3A_2412 = arith.constant 640 : i32
        %add3A_2413 = vector.broadcast %add3A_2412 : i32 to vector<16xi32>
        %add3A_2414 = arith.addi %get3A_2261, %add3A_2413 : vector<16xi32>
        %gather3A_2415 = tpu.vector_load_idx %arg10[%add3A_2414] : memref<1024xf32, #tpu.memory_space<vmem>>[vector<16xi32>], vector<16xf32>,
        %mul3A_2416 = arith.constant 1024 : i32
        %mul3A_2417 = arith.muli %scan3A_760, %mul3A_2416 : i32
        %add3A_2418 = arith.constant 256 : i32
        %add3A_2419 = arith.addi %mul3A_2417, %add3A_2418 : i32
        %add3A_2420 = arith.constant 96 : i32
        %add3A_2421 = arith.addi %add3A_2419, %add3A_2420 : i32
        %swap3A_2422 = arith.constant 0 : i32
        %swap3A_2423 = tpu.memref_slice %arg13[%rem3A_708, %swap3A_2422] : memref<2x25600xf32, #tpu.memory_space<vmem>> -> memref<1x25600xf32, #tpu.memory_space<vmem>>
        %swap3A_2424 = tpu.memref_squeeze %swap3A_2423 : memref<1x25600xf32, #tpu.memory_space<vmem>> -> memref<25600xf32, #tpu.memory_space<vmem>>
        %swap3A_2425 = arith.index_cast %add3A_2421 : i32 to index
        %swap3A_2426 = tpu.vector_load %swap3A_2424[%swap3A_2425] {strides = array<i32>} : memref<25600xf32, #tpu.memory_space<vmem>>, vector<16xf32>,
        tpu.vector_store %swap3A_2424[%swap3A_2425], %gather3A_2415 {strides = array<i32>} : memref<25600xf32, #tpu.memory_space<vmem>>, vector<16xf32>,
        %add3A_2427 = arith.constant 704 : i32
        %add3A_2428 = vector.broadcast %add3A_2427 : i32 to vector<16xi32>
        %add3A_2429 = arith.addi %get3A_2261, %add3A_2428 : vector<16xi32>
        %gather3A_2430 = tpu.vector_load_idx %arg10[%add3A_2429] : memref<1024xf32, #tpu.memory_space<vmem>>[vector<16xi32>], vector<16xf32>,
        %mul3A_2431 = arith.constant 1024 : i32
        %mul3A_2432 = arith.muli %scan3A_760, %mul3A_2431 : i32
        %add3A_2433 = arith.constant 384 : i32
        %add3A_2434 = arith.addi %mul3A_2432, %add3A_2433 : i32
        %add3A_2435 = arith.constant 96 : i32
        %add3A_2436 = arith.addi %add3A_2434, %add3A_2435 : i32
        %swap3A_2437 = arith.constant 0 : i32
        %swap3A_2438 = tpu.memref_slice %arg13[%rem3A_708, %swap3A_2437] : memref<2x25600xf32, #tpu.memory_space<vmem>> -> memref<1x25600xf32, #tpu.memory_space<vmem>>
        %swap3A_2439 = tpu.memref_squeeze %swap3A_2438 : memref<1x25600xf32, #tpu.memory_space<vmem>> -> memref<25600xf32, #tpu.memory_space<vmem>>
        %swap3A_2440 = arith.index_cast %add3A_2436 : i32 to index
        %swap3A_2441 = tpu.vector_load %swap3A_2439[%swap3A_2440] {strides = array<i32>} : memref<25600xf32, #tpu.memory_space<vmem>>, vector<16xf32>,
        tpu.vector_store %swap3A_2439[%swap3A_2440], %gather3A_2430 {strides = array<i32>} : memref<25600xf32, #tpu.memory_space<vmem>>, vector<16xf32>,
        %add3A_2442 = arith.constant 768 : i32
        %add3A_2443 = vector.broadcast %add3A_2442 : i32 to vector<16xi32>
        %add3A_2444 = arith.addi %get3A_2261, %add3A_2443 : vector<16xi32>
        %gather3A_2445 = tpu.vector_load_idx %arg10[%add3A_2444] : memref<1024xf32, #tpu.memory_space<vmem>>[vector<16xi32>], vector<16xf32>,
        %mul3A_2446 = arith.constant 1024 : i32
        %mul3A_2447 = arith.muli %scan3A_760, %mul3A_2446 : i32
        %add3A_2448 = arith.constant 512 : i32
        %add3A_2449 = arith.addi %mul3A_2447, %add3A_2448 : i32
        %add3A_2450 = arith.constant 96 : i32
        %add3A_2451 = arith.addi %add3A_2449, %add3A_2450 : i32
        %swap3A_2452 = arith.constant 0 : i32
        %swap3A_2453 = tpu.memref_slice %arg13[%rem3A_708, %swap3A_2452] : memref<2x25600xf32, #tpu.memory_space<vmem>> -> memref<1x25600xf32, #tpu.memory_space<vmem>>
        %swap3A_2454 = tpu.memref_squeeze %swap3A_2453 : memref<1x25600xf32, #tpu.memory_space<vmem>> -> memref<25600xf32, #tpu.memory_space<vmem>>
        %swap3A_2455 = arith.index_cast %add3A_2451 : i32 to index
        %swap3A_2456 = tpu.vector_load %swap3A_2454[%swap3A_2455] {strides = array<i32>} : memref<25600xf32, #tpu.memory_space<vmem>>, vector<16xf32>,
        tpu.vector_store %swap3A_2454[%swap3A_2455], %gather3A_2445 {strides = array<i32>} : memref<25600xf32, #tpu.memory_space<vmem>>, vector<16xf32>,
        %add3A_2457 = arith.constant 832 : i32
        %add3A_2458 = vector.broadcast %add3A_2457 : i32 to vector<16xi32>
        %add3A_2459 = arith.addi %get3A_2261, %add3A_2458 : vector<16xi32>
        %gather3A_2460 = tpu.vector_load_idx %arg10[%add3A_2459] : memref<1024xf32, #tpu.memory_space<vmem>>[vector<16xi32>], vector<16xf32>,
        %mul3A_2461 = arith.constant 1024 : i32
        %mul3A_2462 = arith.muli %scan3A_760, %mul3A_2461 : i32
        %add3A_2463 = arith.constant 640 : i32
        %add3A_2464 = arith.addi %mul3A_2462, %add3A_2463 : i32
        %add3A_2465 = arith.constant 96 : i32
        %add3A_2466 = arith.addi %add3A_2464, %add3A_2465 : i32
        %swap3A_2467 = arith.constant 0 : i32
        %swap3A_2468 = tpu.memref_slice %arg13[%rem3A_708, %swap3A_2467] : memref<2x25600xf32, #tpu.memory_space<vmem>> -> memref<1x25600xf32, #tpu.memory_space<vmem>>
        %swap3A_2469 = tpu.memref_squeeze %swap3A_2468 : memref<1x25600xf32, #tpu.memory_space<vmem>> -> memref<25600xf32, #tpu.memory_space<vmem>>
        %swap3A_2470 = arith.index_cast %add3A_2466 : i32 to index
        %swap3A_2471 = tpu.vector_load %swap3A_2469[%swap3A_2470] {strides = array<i32>} : memref<25600xf32, #tpu.memory_space<vmem>>, vector<16xf32>,
        tpu.vector_store %swap3A_2469[%swap3A_2470], %gather3A_2460 {strides = array<i32>} : memref<25600xf32, #tpu.memory_space<vmem>>, vector<16xf32>,
        %add3A_2472 = arith.constant 896 : i32
        %add3A_2473 = vector.broadcast %add3A_2472 : i32 to vector<16xi32>
        %add3A_2474 = arith.addi %get3A_2261, %add3A_2473 : vector<16xi32>
        %gather3A_2475 = tpu.vector_load_idx %arg10[%add3A_2474] : memref<1024xf32, #tpu.memory_space<vmem>>[vector<16xi32>], vector<16xf32>,
        %mul3A_2476 = arith.constant 1024 : i32
        %mul3A_2477 = arith.muli %scan3A_760, %mul3A_2476 : i32
        %add3A_2478 = arith.constant 768 : i32
        %add3A_2479 = arith.addi %mul3A_2477, %add3A_2478 : i32
        %add3A_2480 = arith.constant 96 : i32
        %add3A_2481 = arith.addi %add3A_2479, %add3A_2480 : i32
        %swap3A_2482 = arith.constant 0 : i32
        %swap3A_2483 = tpu.memref_slice %arg13[%rem3A_708, %swap3A_2482] : memref<2x25600xf32, #tpu.memory_space<vmem>> -> memref<1x25600xf32, #tpu.memory_space<vmem>>
        %swap3A_2484 = tpu.memref_squeeze %swap3A_2483 : memref<1x25600xf32, #tpu.memory_space<vmem>> -> memref<25600xf32, #tpu.memory_space<vmem>>
        %swap3A_2485 = arith.index_cast %add3A_2481 : i32 to index
        %swap3A_2486 = tpu.vector_load %swap3A_2484[%swap3A_2485] {strides = array<i32>} : memref<25600xf32, #tpu.memory_space<vmem>>, vector<16xf32>,
        tpu.vector_store %swap3A_2484[%swap3A_2485], %gather3A_2475 {strides = array<i32>} : memref<25600xf32, #tpu.memory_space<vmem>>, vector<16xf32>,
        %add3A_2487 = arith.constant 960 : i32
        %add3A_2488 = vector.broadcast %add3A_2487 : i32 to vector<16xi32>
        %add3A_2489 = arith.addi %get3A_2261, %add3A_2488 : vector<16xi32>
        %gather3A_2490 = tpu.vector_load_idx %arg10[%add3A_2489] : memref<1024xf32, #tpu.memory_space<vmem>>[vector<16xi32>], vector<16xf32>,
        %mul3A_2491 = arith.constant 1024 : i32
        %mul3A_2492 = arith.muli %scan3A_760, %mul3A_2491 : i32
        %add3A_2493 = arith.constant 896 : i32
        %add3A_2494 = arith.addi %mul3A_2492, %add3A_2493 : i32
        %add3A_2495 = arith.constant 96 : i32
        %add3A_2496 = arith.addi %add3A_2494, %add3A_2495 : i32
        %swap3A_2497 = arith.constant 0 : i32
        %swap3A_2498 = tpu.memref_slice %arg13[%rem3A_708, %swap3A_2497] : memref<2x25600xf32, #tpu.memory_space<vmem>> -> memref<1x25600xf32, #tpu.memory_space<vmem>>
        %swap3A_2499 = tpu.memref_squeeze %swap3A_2498 : memref<1x25600xf32, #tpu.memory_space<vmem>> -> memref<25600xf32, #tpu.memory_space<vmem>>
        %swap3A_2500 = arith.index_cast %add3A_2496 : i32 to index
        %swap3A_2501 = tpu.vector_load %swap3A_2499[%swap3A_2500] {strides = array<i32>} : memref<25600xf32, #tpu.memory_space<vmem>>, vector<16xf32>,
        tpu.vector_store %swap3A_2499[%swap3A_2500], %gather3A_2490 {strides = array<i32>} : memref<25600xf32, #tpu.memory_space<vmem>>, vector<16xf32>,
        %mul3A_2502 = arith.constant 128 : i32
        %mul3A_2503 = arith.muli %scan3A_760, %mul3A_2502 : i32
        %add3A_2504 = arith.constant 112 : i32
        %add3A_2505 = arith.addi %mul3A_2503, %add3A_2504 : i32
        %get3A_2506 = arith.constant 0 : i32
        %get3A_2507 = tpu.memref_slice %arg11[%rem3A_708, %get3A_2506] : memref<2x3200xi32, #tpu.memory_space<vmem>> -> memref<1x3200xi32, #tpu.memory_space<vmem>>
        %get3A_2508 = tpu.memref_squeeze %get3A_2507 : memref<1x3200xi32, #tpu.memory_space<vmem>> -> memref<3200xi32, #tpu.memory_space<vmem>>
        %get3A_2509 = arith.index_cast %add3A_2505 : i32 to index
        %get3A_2510 = tpu.vector_load %get3A_2508[%get3A_2509] {strides = array<i32>} : memref<3200xi32, #tpu.memory_space<vmem>>, vector<16xi32>,
        %add3A_2511 = arith.constant 0 : i32
        %add3A_2512 = vector.broadcast %add3A_2511 : i32 to vector<16xi32>
        %add3A_2513 = arith.addi %get3A_2510, %add3A_2512 : vector<16xi32>
        %gather3A_2514 = tpu.vector_load_idx %arg10[%add3A_2513] : memref<1024xf32, #tpu.memory_space<vmem>>[vector<16xi32>], vector<16xf32>,
        %mul3A_2515 = arith.constant 1024 : i32
        %mul3A_2516 = arith.muli %scan3A_760, %mul3A_2515 : i32
        %add3A_2517 = arith.constant 0 : i32
        %add3A_2518 = arith.addi %mul3A_2516, %add3A_2517 : i32
        %add3A_2519 = arith.constant 112 : i32
        %add3A_2520 = arith.addi %add3A_2518, %add3A_2519 : i32
        %swap3A_2521 = arith.constant 0 : i32
        %swap3A_2522 = tpu.memref_slice %arg12[%rem3A_708, %swap3A_2521] : memref<2x25600xf32, #tpu.memory_space<vmem>> -> memref<1x25600xf32, #tpu.memory_space<vmem>>
        %swap3A_2523 = tpu.memref_squeeze %swap3A_2522 : memref<1x25600xf32, #tpu.memory_space<vmem>> -> memref<25600xf32, #tpu.memory_space<vmem>>
        %swap3A_2524 = arith.index_cast %add3A_2520 : i32 to index
        %swap3A_2525 = tpu.vector_load %swap3A_2523[%swap3A_2524] {strides = array<i32>} : memref<25600xf32, #tpu.memory_space<vmem>>, vector<16xf32>,
        tpu.vector_store %swap3A_2523[%swap3A_2524], %gather3A_2514 {strides = array<i32>} : memref<25600xf32, #tpu.memory_space<vmem>>, vector<16xf32>,
        %add3A_2526 = arith.constant 64 : i32
        %add3A_2527 = vector.broadcast %add3A_2526 : i32 to vector<16xi32>
        %add3A_2528 = arith.addi %get3A_2510, %add3A_2527 : vector<16xi32>
        %gather3A_2529 = tpu.vector_load_idx %arg10[%add3A_2528] : memref<1024xf32, #tpu.memory_space<vmem>>[vector<16xi32>], vector<16xf32>,
        %mul3A_2530 = arith.constant 1024 : i32
        %mul3A_2531 = arith.muli %scan3A_760, %mul3A_2530 : i32
        %add3A_2532 = arith.constant 128 : i32
        %add3A_2533 = arith.addi %mul3A_2531, %add3A_2532 : i32
        %add3A_2534 = arith.constant 112 : i32
        %add3A_2535 = arith.addi %add3A_2533, %add3A_2534 : i32
        %swap3A_2536 = arith.constant 0 : i32
        %swap3A_2537 = tpu.memref_slice %arg12[%rem3A_708, %swap3A_2536] : memref<2x25600xf32, #tpu.memory_space<vmem>> -> memref<1x25600xf32, #tpu.memory_space<vmem>>
        %swap3A_2538 = tpu.memref_squeeze %swap3A_2537 : memref<1x25600xf32, #tpu.memory_space<vmem>> -> memref<25600xf32, #tpu.memory_space<vmem>>
        %swap3A_2539 = arith.index_cast %add3A_2535 : i32 to index
        %swap3A_2540 = tpu.vector_load %swap3A_2538[%swap3A_2539] {strides = array<i32>} : memref<25600xf32, #tpu.memory_space<vmem>>, vector<16xf32>,
        tpu.vector_store %swap3A_2538[%swap3A_2539], %gather3A_2529 {strides = array<i32>} : memref<25600xf32, #tpu.memory_space<vmem>>, vector<16xf32>,
        %add3A_2541 = arith.constant 128 : i32
        %add3A_2542 = vector.broadcast %add3A_2541 : i32 to vector<16xi32>
        %add3A_2543 = arith.addi %get3A_2510, %add3A_2542 : vector<16xi32>
        %gather3A_2544 = tpu.vector_load_idx %arg10[%add3A_2543] : memref<1024xf32, #tpu.memory_space<vmem>>[vector<16xi32>], vector<16xf32>,
        %mul3A_2545 = arith.constant 1024 : i32
        %mul3A_2546 = arith.muli %scan3A_760, %mul3A_2545 : i32
        %add3A_2547 = arith.constant 256 : i32
        %add3A_2548 = arith.addi %mul3A_2546, %add3A_2547 : i32
        %add3A_2549 = arith.constant 112 : i32
        %add3A_2550 = arith.addi %add3A_2548, %add3A_2549 : i32
        %swap3A_2551 = arith.constant 0 : i32
        %swap3A_2552 = tpu.memref_slice %arg12[%rem3A_708, %swap3A_2551] : memref<2x25600xf32, #tpu.memory_space<vmem>> -> memref<1x25600xf32, #tpu.memory_space<vmem>>
        %swap3A_2553 = tpu.memref_squeeze %swap3A_2552 : memref<1x25600xf32, #tpu.memory_space<vmem>> -> memref<25600xf32, #tpu.memory_space<vmem>>
        %swap3A_2554 = arith.index_cast %add3A_2550 : i32 to index
        %swap3A_2555 = tpu.vector_load %swap3A_2553[%swap3A_2554] {strides = array<i32>} : memref<25600xf32, #tpu.memory_space<vmem>>, vector<16xf32>,
        tpu.vector_store %swap3A_2553[%swap3A_2554], %gather3A_2544 {strides = array<i32>} : memref<25600xf32, #tpu.memory_space<vmem>>, vector<16xf32>,
        %add3A_2556 = arith.constant 192 : i32
        %add3A_2557 = vector.broadcast %add3A_2556 : i32 to vector<16xi32>
        %add3A_2558 = arith.addi %get3A_2510, %add3A_2557 : vector<16xi32>
        %gather3A_2559 = tpu.vector_load_idx %arg10[%add3A_2558] : memref<1024xf32, #tpu.memory_space<vmem>>[vector<16xi32>], vector<16xf32>,
        %mul3A_2560 = arith.constant 1024 : i32
        %mul3A_2561 = arith.muli %scan3A_760, %mul3A_2560 : i32
        %add3A_2562 = arith.constant 384 : i32
        %add3A_2563 = arith.addi %mul3A_2561, %add3A_2562 : i32
        %add3A_2564 = arith.constant 112 : i32
        %add3A_2565 = arith.addi %add3A_2563, %add3A_2564 : i32
        %swap3A_2566 = arith.constant 0 : i32
        %swap3A_2567 = tpu.memref_slice %arg12[%rem3A_708, %swap3A_2566] : memref<2x25600xf32, #tpu.memory_space<vmem>> -> memref<1x25600xf32, #tpu.memory_space<vmem>>
        %swap3A_2568 = tpu.memref_squeeze %swap3A_2567 : memref<1x25600xf32, #tpu.memory_space<vmem>> -> memref<25600xf32, #tpu.memory_space<vmem>>
        %swap3A_2569 = arith.index_cast %add3A_2565 : i32 to index
        %swap3A_2570 = tpu.vector_load %swap3A_2568[%swap3A_2569] {strides = array<i32>} : memref<25600xf32, #tpu.memory_space<vmem>>, vector<16xf32>,
        tpu.vector_store %swap3A_2568[%swap3A_2569], %gather3A_2559 {strides = array<i32>} : memref<25600xf32, #tpu.memory_space<vmem>>, vector<16xf32>,
        %add3A_2571 = arith.constant 256 : i32
        %add3A_2572 = vector.broadcast %add3A_2571 : i32 to vector<16xi32>
        %add3A_2573 = arith.addi %get3A_2510, %add3A_2572 : vector<16xi32>
        %gather3A_2574 = tpu.vector_load_idx %arg10[%add3A_2573] : memref<1024xf32, #tpu.memory_space<vmem>>[vector<16xi32>], vector<16xf32>,
        %mul3A_2575 = arith.constant 1024 : i32
        %mul3A_2576 = arith.muli %scan3A_760, %mul3A_2575 : i32
        %add3A_2577 = arith.constant 512 : i32
        %add3A_2578 = arith.addi %mul3A_2576, %add3A_2577 : i32
        %add3A_2579 = arith.constant 112 : i32
        %add3A_2580 = arith.addi %add3A_2578, %add3A_2579 : i32
        %swap3A_2581 = arith.constant 0 : i32
        %swap3A_2582 = tpu.memref_slice %arg12[%rem3A_708, %swap3A_2581] : memref<2x25600xf32, #tpu.memory_space<vmem>> -> memref<1x25600xf32, #tpu.memory_space<vmem>>
        %swap3A_2583 = tpu.memref_squeeze %swap3A_2582 : memref<1x25600xf32, #tpu.memory_space<vmem>> -> memref<25600xf32, #tpu.memory_space<vmem>>
        %swap3A_2584 = arith.index_cast %add3A_2580 : i32 to index
        %swap3A_2585 = tpu.vector_load %swap3A_2583[%swap3A_2584] {strides = array<i32>} : memref<25600xf32, #tpu.memory_space<vmem>>, vector<16xf32>,
        tpu.vector_store %swap3A_2583[%swap3A_2584], %gather3A_2574 {strides = array<i32>} : memref<25600xf32, #tpu.memory_space<vmem>>, vector<16xf32>,
        %add3A_2586 = arith.constant 320 : i32
        %add3A_2587 = vector.broadcast %add3A_2586 : i32 to vector<16xi32>
        %add3A_2588 = arith.addi %get3A_2510, %add3A_2587 : vector<16xi32>
        %gather3A_2589 = tpu.vector_load_idx %arg10[%add3A_2588] : memref<1024xf32, #tpu.memory_space<vmem>>[vector<16xi32>], vector<16xf32>,
        %mul3A_2590 = arith.constant 1024 : i32
        %mul3A_2591 = arith.muli %scan3A_760, %mul3A_2590 : i32
        %add3A_2592 = arith.constant 640 : i32
        %add3A_2593 = arith.addi %mul3A_2591, %add3A_2592 : i32
        %add3A_2594 = arith.constant 112 : i32
        %add3A_2595 = arith.addi %add3A_2593, %add3A_2594 : i32
        %swap3A_2596 = arith.constant 0 : i32
        %swap3A_2597 = tpu.memref_slice %arg12[%rem3A_708, %swap3A_2596] : memref<2x25600xf32, #tpu.memory_space<vmem>> -> memref<1x25600xf32, #tpu.memory_space<vmem>>
        %swap3A_2598 = tpu.memref_squeeze %swap3A_2597 : memref<1x25600xf32, #tpu.memory_space<vmem>> -> memref<25600xf32, #tpu.memory_space<vmem>>
        %swap3A_2599 = arith.index_cast %add3A_2595 : i32 to index
        %swap3A_2600 = tpu.vector_load %swap3A_2598[%swap3A_2599] {strides = array<i32>} : memref<25600xf32, #tpu.memory_space<vmem>>, vector<16xf32>,
        tpu.vector_store %swap3A_2598[%swap3A_2599], %gather3A_2589 {strides = array<i32>} : memref<25600xf32, #tpu.memory_space<vmem>>, vector<16xf32>,
        %add3A_2601 = arith.constant 384 : i32
        %add3A_2602 = vector.broadcast %add3A_2601 : i32 to vector<16xi32>
        %add3A_2603 = arith.addi %get3A_2510, %add3A_2602 : vector<16xi32>
        %gather3A_2604 = tpu.vector_load_idx %arg10[%add3A_2603] : memref<1024xf32, #tpu.memory_space<vmem>>[vector<16xi32>], vector<16xf32>,
        %mul3A_2605 = arith.constant 1024 : i32
        %mul3A_2606 = arith.muli %scan3A_760, %mul3A_2605 : i32
        %add3A_2607 = arith.constant 768 : i32
        %add3A_2608 = arith.addi %mul3A_2606, %add3A_2607 : i32
        %add3A_2609 = arith.constant 112 : i32
        %add3A_2610 = arith.addi %add3A_2608, %add3A_2609 : i32
        %swap3A_2611 = arith.constant 0 : i32
        %swap3A_2612 = tpu.memref_slice %arg12[%rem3A_708, %swap3A_2611] : memref<2x25600xf32, #tpu.memory_space<vmem>> -> memref<1x25600xf32, #tpu.memory_space<vmem>>
        %swap3A_2613 = tpu.memref_squeeze %swap3A_2612 : memref<1x25600xf32, #tpu.memory_space<vmem>> -> memref<25600xf32, #tpu.memory_space<vmem>>
        %swap3A_2614 = arith.index_cast %add3A_2610 : i32 to index
        %swap3A_2615 = tpu.vector_load %swap3A_2613[%swap3A_2614] {strides = array<i32>} : memref<25600xf32, #tpu.memory_space<vmem>>, vector<16xf32>,
        tpu.vector_store %swap3A_2613[%swap3A_2614], %gather3A_2604 {strides = array<i32>} : memref<25600xf32, #tpu.memory_space<vmem>>, vector<16xf32>,
        %add3A_2616 = arith.constant 448 : i32
        %add3A_2617 = vector.broadcast %add3A_2616 : i32 to vector<16xi32>
        %add3A_2618 = arith.addi %get3A_2510, %add3A_2617 : vector<16xi32>
        %gather3A_2619 = tpu.vector_load_idx %arg10[%add3A_2618] : memref<1024xf32, #tpu.memory_space<vmem>>[vector<16xi32>], vector<16xf32>,
        %mul3A_2620 = arith.constant 1024 : i32
        %mul3A_2621 = arith.muli %scan3A_760, %mul3A_2620 : i32
        %add3A_2622 = arith.constant 896 : i32
        %add3A_2623 = arith.addi %mul3A_2621, %add3A_2622 : i32
        %add3A_2624 = arith.constant 112 : i32
        %add3A_2625 = arith.addi %add3A_2623, %add3A_2624 : i32
        %swap3A_2626 = arith.constant 0 : i32
        %swap3A_2627 = tpu.memref_slice %arg12[%rem3A_708, %swap3A_2626] : memref<2x25600xf32, #tpu.memory_space<vmem>> -> memref<1x25600xf32, #tpu.memory_space<vmem>>
        %swap3A_2628 = tpu.memref_squeeze %swap3A_2627 : memref<1x25600xf32, #tpu.memory_space<vmem>> -> memref<25600xf32, #tpu.memory_space<vmem>>
        %swap3A_2629 = arith.index_cast %add3A_2625 : i32 to index
        %swap3A_2630 = tpu.vector_load %swap3A_2628[%swap3A_2629] {strides = array<i32>} : memref<25600xf32, #tpu.memory_space<vmem>>, vector<16xf32>,
        tpu.vector_store %swap3A_2628[%swap3A_2629], %gather3A_2619 {strides = array<i32>} : memref<25600xf32, #tpu.memory_space<vmem>>, vector<16xf32>,
        %add3A_2631 = arith.constant 512 : i32
        %add3A_2632 = vector.broadcast %add3A_2631 : i32 to vector<16xi32>
        %add3A_2633 = arith.addi %get3A_2510, %add3A_2632 : vector<16xi32>
        %gather3A_2634 = tpu.vector_load_idx %arg10[%add3A_2633] : memref<1024xf32, #tpu.memory_space<vmem>>[vector<16xi32>], vector<16xf32>,
        %mul3A_2635 = arith.constant 1024 : i32
        %mul3A_2636 = arith.muli %scan3A_760, %mul3A_2635 : i32
        %add3A_2637 = arith.constant 0 : i32
        %add3A_2638 = arith.addi %mul3A_2636, %add3A_2637 : i32
        %add3A_2639 = arith.constant 112 : i32
        %add3A_2640 = arith.addi %add3A_2638, %add3A_2639 : i32
        %swap3A_2641 = arith.constant 0 : i32
        %swap3A_2642 = tpu.memref_slice %arg13[%rem3A_708, %swap3A_2641] : memref<2x25600xf32, #tpu.memory_space<vmem>> -> memref<1x25600xf32, #tpu.memory_space<vmem>>
        %swap3A_2643 = tpu.memref_squeeze %swap3A_2642 : memref<1x25600xf32, #tpu.memory_space<vmem>> -> memref<25600xf32, #tpu.memory_space<vmem>>
        %swap3A_2644 = arith.index_cast %add3A_2640 : i32 to index
        %swap3A_2645 = tpu.vector_load %swap3A_2643[%swap3A_2644] {strides = array<i32>} : memref<25600xf32, #tpu.memory_space<vmem>>, vector<16xf32>,
        tpu.vector_store %swap3A_2643[%swap3A_2644], %gather3A_2634 {strides = array<i32>} : memref<25600xf32, #tpu.memory_space<vmem>>, vector<16xf32>,
        %add3A_2646 = arith.constant 576 : i32
        %add3A_2647 = vector.broadcast %add3A_2646 : i32 to vector<16xi32>
        %add3A_2648 = arith.addi %get3A_2510, %add3A_2647 : vector<16xi32>
        %gather3A_2649 = tpu.vector_load_idx %arg10[%add3A_2648] : memref<1024xf32, #tpu.memory_space<vmem>>[vector<16xi32>], vector<16xf32>,
        %mul3A_2650 = arith.constant 1024 : i32
        %mul3A_2651 = arith.muli %scan3A_760, %mul3A_2650 : i32
        %add3A_2652 = arith.constant 128 : i32
        %add3A_2653 = arith.addi %mul3A_2651, %add3A_2652 : i32
        %add3A_2654 = arith.constant 112 : i32
        %add3A_2655 = arith.addi %add3A_2653, %add3A_2654 : i32
        %swap3A_2656 = arith.constant 0 : i32
        %swap3A_2657 = tpu.memref_slice %arg13[%rem3A_708, %swap3A_2656] : memref<2x25600xf32, #tpu.memory_space<vmem>> -> memref<1x25600xf32, #tpu.memory_space<vmem>>
        %swap3A_2658 = tpu.memref_squeeze %swap3A_2657 : memref<1x25600xf32, #tpu.memory_space<vmem>> -> memref<25600xf32, #tpu.memory_space<vmem>>
        %swap3A_2659 = arith.index_cast %add3A_2655 : i32 to index
        %swap3A_2660 = tpu.vector_load %swap3A_2658[%swap3A_2659] {strides = array<i32>} : memref<25600xf32, #tpu.memory_space<vmem>>, vector<16xf32>,
        tpu.vector_store %swap3A_2658[%swap3A_2659], %gather3A_2649 {strides = array<i32>} : memref<25600xf32, #tpu.memory_space<vmem>>, vector<16xf32>,
        %add3A_2661 = arith.constant 640 : i32
        %add3A_2662 = vector.broadcast %add3A_2661 : i32 to vector<16xi32>
        %add3A_2663 = arith.addi %get3A_2510, %add3A_2662 : vector<16xi32>
        %gather3A_2664 = tpu.vector_load_idx %arg10[%add3A_2663] : memref<1024xf32, #tpu.memory_space<vmem>>[vector<16xi32>], vector<16xf32>,
        %mul3A_2665 = arith.constant 1024 : i32
        %mul3A_2666 = arith.muli %scan3A_760, %mul3A_2665 : i32
        %add3A_2667 = arith.constant 256 : i32
        %add3A_2668 = arith.addi %mul3A_2666, %add3A_2667 : i32
        %add3A_2669 = arith.constant 112 : i32
        %add3A_2670 = arith.addi %add3A_2668, %add3A_2669 : i32
        %swap3A_2671 = arith.constant 0 : i32
        %swap3A_2672 = tpu.memref_slice %arg13[%rem3A_708, %swap3A_2671] : memref<2x25600xf32, #tpu.memory_space<vmem>> -> memref<1x25600xf32, #tpu.memory_space<vmem>>
        %swap3A_2673 = tpu.memref_squeeze %swap3A_2672 : memref<1x25600xf32, #tpu.memory_space<vmem>> -> memref<25600xf32, #tpu.memory_space<vmem>>
        %swap3A_2674 = arith.index_cast %add3A_2670 : i32 to index
        %swap3A_2675 = tpu.vector_load %swap3A_2673[%swap3A_2674] {strides = array<i32>} : memref<25600xf32, #tpu.memory_space<vmem>>, vector<16xf32>,
        tpu.vector_store %swap3A_2673[%swap3A_2674], %gather3A_2664 {strides = array<i32>} : memref<25600xf32, #tpu.memory_space<vmem>>, vector<16xf32>,
        %add3A_2676 = arith.constant 704 : i32
        %add3A_2677 = vector.broadcast %add3A_2676 : i32 to vector<16xi32>
        %add3A_2678 = arith.addi %get3A_2510, %add3A_2677 : vector<16xi32>
        %gather3A_2679 = tpu.vector_load_idx %arg10[%add3A_2678] : memref<1024xf32, #tpu.memory_space<vmem>>[vector<16xi32>], vector<16xf32>,
        %mul3A_2680 = arith.constant 1024 : i32
        %mul3A_2681 = arith.muli %scan3A_760, %mul3A_2680 : i32
        %add3A_2682 = arith.constant 384 : i32
        %add3A_2683 = arith.addi %mul3A_2681, %add3A_2682 : i32
        %add3A_2684 = arith.constant 112 : i32
        %add3A_2685 = arith.addi %add3A_2683, %add3A_2684 : i32
        %swap3A_2686 = arith.constant 0 : i32
        %swap3A_2687 = tpu.memref_slice %arg13[%rem3A_708, %swap3A_2686] : memref<2x25600xf32, #tpu.memory_space<vmem>> -> memref<1x25600xf32, #tpu.memory_space<vmem>>
        %swap3A_2688 = tpu.memref_squeeze %swap3A_2687 : memref<1x25600xf32, #tpu.memory_space<vmem>> -> memref<25600xf32, #tpu.memory_space<vmem>>
        %swap3A_2689 = arith.index_cast %add3A_2685 : i32 to index
        %swap3A_2690 = tpu.vector_load %swap3A_2688[%swap3A_2689] {strides = array<i32>} : memref<25600xf32, #tpu.memory_space<vmem>>, vector<16xf32>,
        tpu.vector_store %swap3A_2688[%swap3A_2689], %gather3A_2679 {strides = array<i32>} : memref<25600xf32, #tpu.memory_space<vmem>>, vector<16xf32>,
        %add3A_2691 = arith.constant 768 : i32
        %add3A_2692 = vector.broadcast %add3A_2691 : i32 to vector<16xi32>
        %add3A_2693 = arith.addi %get3A_2510, %add3A_2692 : vector<16xi32>
        %gather3A_2694 = tpu.vector_load_idx %arg10[%add3A_2693] : memref<1024xf32, #tpu.memory_space<vmem>>[vector<16xi32>], vector<16xf32>,
        %mul3A_2695 = arith.constant 1024 : i32
        %mul3A_2696 = arith.muli %scan3A_760, %mul3A_2695 : i32
        %add3A_2697 = arith.constant 512 : i32
        %add3A_2698 = arith.addi %mul3A_2696, %add3A_2697 : i32
        %add3A_2699 = arith.constant 112 : i32
        %add3A_2700 = arith.addi %add3A_2698, %add3A_2699 : i32
        %swap3A_2701 = arith.constant 0 : i32
        %swap3A_2702 = tpu.memref_slice %arg13[%rem3A_708, %swap3A_2701] : memref<2x25600xf32, #tpu.memory_space<vmem>> -> memref<1x25600xf32, #tpu.memory_space<vmem>>
        %swap3A_2703 = tpu.memref_squeeze %swap3A_2702 : memref<1x25600xf32, #tpu.memory_space<vmem>> -> memref<25600xf32, #tpu.memory_space<vmem>>
        %swap3A_2704 = arith.index_cast %add3A_2700 : i32 to index
        %swap3A_2705 = tpu.vector_load %swap3A_2703[%swap3A_2704] {strides = array<i32>} : memref<25600xf32, #tpu.memory_space<vmem>>, vector<16xf32>,
        tpu.vector_store %swap3A_2703[%swap3A_2704], %gather3A_2694 {strides = array<i32>} : memref<25600xf32, #tpu.memory_space<vmem>>, vector<16xf32>,
        %add3A_2706 = arith.constant 832 : i32
        %add3A_2707 = vector.broadcast %add3A_2706 : i32 to vector<16xi32>
        %add3A_2708 = arith.addi %get3A_2510, %add3A_2707 : vector<16xi32>
        %gather3A_2709 = tpu.vector_load_idx %arg10[%add3A_2708] : memref<1024xf32, #tpu.memory_space<vmem>>[vector<16xi32>], vector<16xf32>,
        %mul3A_2710 = arith.constant 1024 : i32
        %mul3A_2711 = arith.muli %scan3A_760, %mul3A_2710 : i32
        %add3A_2712 = arith.constant 640 : i32
        %add3A_2713 = arith.addi %mul3A_2711, %add3A_2712 : i32
        %add3A_2714 = arith.constant 112 : i32
        %add3A_2715 = arith.addi %add3A_2713, %add3A_2714 : i32
        %swap3A_2716 = arith.constant 0 : i32
        %swap3A_2717 = tpu.memref_slice %arg13[%rem3A_708, %swap3A_2716] : memref<2x25600xf32, #tpu.memory_space<vmem>> -> memref<1x25600xf32, #tpu.memory_space<vmem>>
        %swap3A_2718 = tpu.memref_squeeze %swap3A_2717 : memref<1x25600xf32, #tpu.memory_space<vmem>> -> memref<25600xf32, #tpu.memory_space<vmem>>
        %swap3A_2719 = arith.index_cast %add3A_2715 : i32 to index
        %swap3A_2720 = tpu.vector_load %swap3A_2718[%swap3A_2719] {strides = array<i32>} : memref<25600xf32, #tpu.memory_space<vmem>>, vector<16xf32>,
        tpu.vector_store %swap3A_2718[%swap3A_2719], %gather3A_2709 {strides = array<i32>} : memref<25600xf32, #tpu.memory_space<vmem>>, vector<16xf32>,
        %add3A_2721 = arith.constant 896 : i32
        %add3A_2722 = vector.broadcast %add3A_2721 : i32 to vector<16xi32>
        %add3A_2723 = arith.addi %get3A_2510, %add3A_2722 : vector<16xi32>
        %gather3A_2724 = tpu.vector_load_idx %arg10[%add3A_2723] : memref<1024xf32, #tpu.memory_space<vmem>>[vector<16xi32>], vector<16xf32>,
        %mul3A_2725 = arith.constant 1024 : i32
        %mul3A_2726 = arith.muli %scan3A_760, %mul3A_2725 : i32
        %add3A_2727 = arith.constant 768 : i32
        %add3A_2728 = arith.addi %mul3A_2726, %add3A_2727 : i32
        %add3A_2729 = arith.constant 112 : i32
        %add3A_2730 = arith.addi %add3A_2728, %add3A_2729 : i32
        %swap3A_2731 = arith.constant 0 : i32
        %swap3A_2732 = tpu.memref_slice %arg13[%rem3A_708, %swap3A_2731] : memref<2x25600xf32, #tpu.memory_space<vmem>> -> memref<1x25600xf32, #tpu.memory_space<vmem>>
        %swap3A_2733 = tpu.memref_squeeze %swap3A_2732 : memref<1x25600xf32, #tpu.memory_space<vmem>> -> memref<25600xf32, #tpu.memory_space<vmem>>
        %swap3A_2734 = arith.index_cast %add3A_2730 : i32 to index
        %swap3A_2735 = tpu.vector_load %swap3A_2733[%swap3A_2734] {strides = array<i32>} : memref<25600xf32, #tpu.memory_space<vmem>>, vector<16xf32>,
        tpu.vector_store %swap3A_2733[%swap3A_2734], %gather3A_2724 {strides = array<i32>} : memref<25600xf32, #tpu.memory_space<vmem>>, vector<16xf32>,
        %add3A_2736 = arith.constant 960 : i32
        %add3A_2737 = vector.broadcast %add3A_2736 : i32 to vector<16xi32>
        %add3A_2738 = arith.addi %get3A_2510, %add3A_2737 : vector<16xi32>
        %gather3A_2739 = tpu.vector_load_idx %arg10[%add3A_2738] : memref<1024xf32, #tpu.memory_space<vmem>>[vector<16xi32>], vector<16xf32>,
        %mul3A_2740 = arith.constant 1024 : i32
        %mul3A_2741 = arith.muli %scan3A_760, %mul3A_2740 : i32
        %add3A_2742 = arith.constant 896 : i32
        %add3A_2743 = arith.addi %mul3A_2741, %add3A_2742 : i32
        %add3A_2744 = arith.constant 112 : i32
        %add3A_2745 = arith.addi %add3A_2743, %add3A_2744 : i32
        %swap3A_2746 = arith.constant 0 : i32
        %swap3A_2747 = tpu.memref_slice %arg13[%rem3A_708, %swap3A_2746] : memref<2x25600xf32, #tpu.memory_space<vmem>> -> memref<1x25600xf32, #tpu.memory_space<vmem>>
        %swap3A_2748 = tpu.memref_squeeze %swap3A_2747 : memref<1x25600xf32, #tpu.memory_space<vmem>> -> memref<25600xf32, #tpu.memory_space<vmem>>
        %swap3A_2749 = arith.index_cast %add3A_2745 : i32 to index
        %swap3A_2750 = tpu.vector_load %swap3A_2748[%swap3A_2749] {strides = array<i32>} : memref<25600xf32, #tpu.memory_space<vmem>>, vector<16xf32>,
        tpu.vector_store %swap3A_2748[%swap3A_2749], %gather3A_2739 {strides = array<i32>} : memref<25600xf32, #tpu.memory_space<vmem>>, vector<16xf32>,
      }
      %scan3A_737 = arith.constant 25 : i32
      %mul3A_738 = arith.constant 25600 : i32
      %mul3A_739 = arith.muli %add3A_711, %mul3A_738 : i32
      %dma_start3A_740 = arith.constant 0 : i32
      %dma_start3A_741 = tpu.memref_slice %arg12[%rem3A_708, %dma_start3A_740] : memref<2x25600xf32, #tpu.memory_space<vmem>> -> memref<1x25600xf32, #tpu.memory_space<vmem>>
      %dma_start3A_742 = tpu.memref_squeeze %dma_start3A_741 : memref<1x25600xf32, #tpu.memory_space<vmem>> -> memref<25600xf32, #tpu.memory_space<vmem>>
      %dma_start3A_743 = tpu.memref_slice %arg6[%mul3A_739] : memref<51200000xf32, #tpu.memory_space<hbm>> -> memref<25600xf32, #tpu.memory_space<hbm>>
      %dma_start3A_744 = tpu.memref_slice %arg6[%mul3A_739] : memref<51200000xf32, #tpu.memory_space<hbm>> -> memref<25600xf32, #tpu.memory_space<hbm>>
      %dma_start3A_745 = arith.constant 0 : i32
      %dma_start3A_746 = tpu.memref_slice %arg12[%rem3A_708, %dma_start3A_745] : memref<2x25600xf32, #tpu.memory_space<vmem>> -> memref<1x25600xf32, #tpu.memory_space<vmem>>
      %dma_start3A_747 = tpu.memref_squeeze %dma_start3A_746 : memref<1x25600xf32, #tpu.memory_space<vmem>> -> memref<25600xf32, #tpu.memory_space<vmem>>
      tpu.enqueue_dma source(%dma_start3A_747 : memref<25600xf32, #tpu.memory_space<vmem>>) target(%dma_start3A_744 : memref<25600xf32, #tpu.memory_space<hbm>>) target_semaphore(%arg15 : memref<!tpu.dma_semaphore, #tpu.memory_space<semaphore_mem>>)
      %mul3A_748 = arith.constant 25600 : i32
      %mul3A_749 = arith.muli %add3A_711, %mul3A_748 : i32
      %add3A_750 = arith.constant 25600000 : i32
      %add3A_751 = arith.addi %add3A_750, %mul3A_749 : i32
      %dma_start3A_752 = arith.constant 0 : i32
      %dma_start3A_753 = tpu.memref_slice %arg13[%rem3A_708, %dma_start3A_752] : memref<2x25600xf32, #tpu.memory_space<vmem>> -> memref<1x25600xf32, #tpu.memory_space<vmem>>
      %dma_start3A_754 = tpu.memref_squeeze %dma_start3A_753 : memref<1x25600xf32, #tpu.memory_space<vmem>> -> memref<25600xf32, #tpu.memory_space<vmem>>
      %dma_start3A_755 = tpu.memref_slice %arg6[%add3A_751] : memref<51200000xf32, #tpu.memory_space<hbm>> -> memref<25600xf32, #tpu.memory_space<hbm>>
      %dma_start3A_756 = tpu.memref_slice %arg6[%add3A_751] : memref<51200000xf32, #tpu.memory_space<hbm>> -> memref<25600xf32, #tpu.memory_space<hbm>>
      %dma_start3A_757 = arith.constant 0 : i32
      %dma_start3A_758 = tpu.memref_slice %arg13[%rem3A_708, %dma_start3A_757] : memref<2x25600xf32, #tpu.memory_space<vmem>> -> memref<1x25600xf32, #tpu.memory_space<vmem>>
      %dma_start3A_759 = tpu.memref_squeeze %dma_start3A_758 : memref<1x25600xf32, #tpu.memory_space<vmem>> -> memref<25600xf32, #tpu.memory_space<vmem>>
      tpu.enqueue_dma source(%dma_start3A_759 : memref<25600xf32, #tpu.memory_space<vmem>>) target(%dma_start3A_756 : memref<25600xf32, #tpu.memory_space<hbm>>) target_semaphore(%arg15 : memref<!tpu.dma_semaphore, #tpu.memory_space<semaphore_mem>>)
    }
    %ge3A = arith.constant 2 : i32
    %ge3A_676 = arith.cmpi sge, %select_n3A, %ge3A : i32
    %convert_element_type3A = arith.extui %ge3A_676 : i1 to i32
    %cond3A = arith.constant 0 : i32
    %cond3A_677 = arith.cmpi ne, %convert_element_type3A, %cond3A : i32
    scf.if %cond3A_677 {
      %sub3A_706 = arith.constant 2 : i32
      %sub3A_707 = arith.subi %select_n3A, %sub3A_706 : i32
      %sub3A_708 = arith.constant 2 : i32
      %sub3A_709 = arith.subi %select_n3A, %sub3A_708 : i32
      %rem3A_710 = arith.constant 2 : i32
      %rem3A_711 = arith.remsi %sub3A_709, %rem3A_710 : i32
      %mul3A_712 = arith.constant 32 : i32
      %mul3A_713 = arith.muli %sub3A_707, %mul3A_712 : i32
      %add3A_714 = arith.addi %add3A, %mul3A_713 : i32
      %mul3A_715 = arith.constant 25600 : i32
      %mul3A_716 = arith.muli %add3A_714, %mul3A_715 : i32
      %dma_wait3A_717 = arith.constant 0 : i32
      %dma_wait3A_718 = tpu.memref_slice %arg12[%rem3A_711, %dma_wait3A_717] : memref<2x25600xf32, #tpu.memory_space<vmem>> -> memref<1x25600xf32, #tpu.memory_space<vmem>>
      %dma_wait3A_719 = tpu.memref_squeeze %dma_wait3A_718 : memref<1x25600xf32, #tpu.memory_space<vmem>> -> memref<25600xf32, #tpu.memory_space<vmem>>
      %dma_wait3A_720 = tpu.memref_slice %arg6[%mul3A_716] : memref<51200000xf32, #tpu.memory_space<hbm>> -> memref<25600xf32, #tpu.memory_space<hbm>>
      %dma_wait3A_721 = tpu.memref_slice %arg6[%mul3A_716] : memref<51200000xf32, #tpu.memory_space<hbm>> -> memref<25600xf32, #tpu.memory_space<hbm>>
      %dma_wait3A_722 = arith.constant 0 : i32
      %dma_wait3A_723 = tpu.memref_slice %arg12[%rem3A_711, %dma_wait3A_722] : memref<2x25600xf32, #tpu.memory_space<vmem>> -> memref<1x25600xf32, #tpu.memory_space<vmem>>
      %dma_wait3A_724 = tpu.memref_squeeze %dma_wait3A_723 : memref<1x25600xf32, #tpu.memory_space<vmem>> -> memref<25600xf32, #tpu.memory_space<vmem>>
      tpu.wait_dma2 semaphore(%arg15 : memref<!tpu.dma_semaphore, #tpu.memory_space<semaphore_mem>>) src(%dma_wait3A_724 : memref<25600xf32, #tpu.memory_space<vmem>>) dst(%dma_wait3A_721 : memref<25600xf32, #tpu.memory_space<hbm>>)
      %mul3A_725 = arith.constant 25600 : i32
      %mul3A_726 = arith.muli %add3A_714, %mul3A_725 : i32
      %add3A_727 = arith.constant 25600000 : i32
      %add3A_728 = arith.addi %add3A_727, %mul3A_726 : i32
      %dma_wait3A_729 = arith.constant 0 : i32
      %dma_wait3A_730 = tpu.memref_slice %arg13[%rem3A_711, %dma_wait3A_729] : memref<2x25600xf32, #tpu.memory_space<vmem>> -> memref<1x25600xf32, #tpu.memory_space<vmem>>
      %dma_wait3A_731 = tpu.memref_squeeze %dma_wait3A_730 : memref<1x25600xf32, #tpu.memory_space<vmem>> -> memref<25600xf32, #tpu.memory_space<vmem>>
      %dma_wait3A_732 = tpu.memref_slice %arg6[%add3A_728] : memref<51200000xf32, #tpu.memory_space<hbm>> -> memref<25600xf32, #tpu.memory_space<hbm>>
      %dma_wait3A_733 = tpu.memref_slice %arg6[%add3A_728] : memref<51200000xf32, #tpu.memory_space<hbm>> -> memref<25600xf32, #tpu.memory_space<hbm>>
      %dma_wait3A_734 = arith.constant 0 : i32
      %dma_wait3A_735 = tpu.memref_slice %arg13[%rem3A_711, %dma_wait3A_734] : memref<2x25600xf32, #tpu.memory_space<vmem>> -> memref<1x25600xf32, #tpu.memory_space<vmem>>
      %dma_wait3A_736 = tpu.memref_squeeze %dma_wait3A_735 : memref<1x25600xf32, #tpu.memory_space<vmem>> -> memref<25600xf32, #tpu.memory_space<vmem>>
      tpu.wait_dma2 semaphore(%arg15 : memref<!tpu.dma_semaphore, #tpu.memory_space<semaphore_mem>>) src(%dma_wait3A_736 : memref<25600xf32, #tpu.memory_space<vmem>>) dst(%dma_wait3A_733 : memref<25600xf32, #tpu.memory_space<hbm>>)
    } else {
    }
    %sub3A = arith.constant 1 : i32
    %sub3A_678 = arith.subi %select_n3A, %sub3A : i32
    %sub3A_679 = arith.constant 1 : i32
    %sub3A_680 = arith.subi %select_n3A, %sub3A_679 : i32
    %rem3A = arith.constant 2 : i32
    %rem3A_681 = arith.remsi %sub3A_680, %rem3A : i32
    %mul3A_682 = arith.constant 32 : i32
    %mul3A_683 = arith.muli %sub3A_678, %mul3A_682 : i32
    %add3A_684 = arith.addi %add3A, %mul3A_683 : i32
    %mul3A_685 = arith.constant 25600 : i32
    %mul3A_686 = arith.muli %add3A_684, %mul3A_685 : i32
    %dma_wait3A = arith.constant 0 : i32
    %dma_wait3A_687 = tpu.memref_slice %arg12[%rem3A_681, %dma_wait3A] : memref<2x25600xf32, #tpu.memory_space<vmem>> -> memref<1x25600xf32, #tpu.memory_space<vmem>>
    %dma_wait3A_688 = tpu.memref_squeeze %dma_wait3A_687 : memref<1x25600xf32, #tpu.memory_space<vmem>> -> memref<25600xf32, #tpu.memory_space<vmem>>
    %dma_wait3A_689 = tpu.memref_slice %arg6[%mul3A_686] : memref<51200000xf32, #tpu.memory_space<hbm>> -> memref<25600xf32, #tpu.memory_space<hbm>>
    %dma_wait3A_690 = tpu.memref_slice %arg6[%mul3A_686] : memref<51200000xf32, #tpu.memory_space<hbm>> -> memref<25600xf32, #tpu.memory_space<hbm>>
    %dma_wait3A_691 = arith.constant 0 : i32
    %dma_wait3A_692 = tpu.memref_slice %arg12[%rem3A_681, %dma_wait3A_691] : memref<2x25600xf32, #tpu.memory_space<vmem>> -> memref<1x25600xf32, #tpu.memory_space<vmem>>
    %dma_wait3A_693 = tpu.memref_squeeze %dma_wait3A_692 : memref<1x25600xf32, #tpu.memory_space<vmem>> -> memref<25600xf32, #tpu.memory_space<vmem>>
    tpu.wait_dma2 semaphore(%arg15 : memref<!tpu.dma_semaphore, #tpu.memory_space<semaphore_mem>>) src(%dma_wait3A_693 : memref<25600xf32, #tpu.memory_space<vmem>>) dst(%dma_wait3A_690 : memref<25600xf32, #tpu.memory_space<hbm>>)
    %mul3A_694 = arith.constant 25600 : i32
    %mul3A_695 = arith.muli %add3A_684, %mul3A_694 : i32
    %add3A_696 = arith.constant 25600000 : i32
    %add3A_697 = arith.addi %add3A_696, %mul3A_695 : i32
    %dma_wait3A_698 = arith.constant 0 : i32
    %dma_wait3A_699 = tpu.memref_slice %arg13[%rem3A_681, %dma_wait3A_698] : memref<2x25600xf32, #tpu.memory_space<vmem>> -> memref<1x25600xf32, #tpu.memory_space<vmem>>
    %dma_wait3A_700 = tpu.memref_squeeze %dma_wait3A_699 : memref<1x25600xf32, #tpu.memory_space<vmem>> -> memref<25600xf32, #tpu.memory_space<vmem>>
    %dma_wait3A_701 = tpu.memref_slice %arg6[%add3A_697] : memref<51200000xf32, #tpu.memory_space<hbm>> -> memref<25600xf32, #tpu.memory_space<hbm>>
    %dma_wait3A_702 = tpu.memref_slice %arg6[%add3A_697] : memref<51200000xf32, #tpu.memory_space<hbm>> -> memref<25600xf32, #tpu.memory_space<hbm>>
    %dma_wait3A_703 = arith.constant 0 : i32
    %dma_wait3A_704 = tpu.memref_slice %arg13[%rem3A_681, %dma_wait3A_703] : memref<2x25600xf32, #tpu.memory_space<vmem>> -> memref<1x25600xf32, #tpu.memory_space<vmem>>
    %dma_wait3A_705 = tpu.memref_squeeze %dma_wait3A_704 : memref<1x25600xf32, #tpu.memory_space<vmem>> -> memref<25600xf32, #tpu.memory_space<vmem>>
    tpu.wait_dma2 semaphore(%arg15 : memref<!tpu.dma_semaphore, #tpu.memory_space<semaphore_mem>>) src(%dma_wait3A_705 : memref<25600xf32, #tpu.memory_space<vmem>>) dst(%dma_wait3A_702 : memref<25600xf32, #tpu.memory_space<hbm>>)
    return
  }
}

</mosaic_0001>

<sc_bundles>
// kernel: kernel.3.cloned.1.call-start
scs
__scs_entry_jumppad:
0x0: {  	(pc) =	sbr.rel $0x88, $3  }
0x1: {  	(tag) =	ssettag $0x0;
	lr =	simm.s32 $0x1  }
0x2: {  	[smem:$0x3F9D] =	sst lr;
	_ =	strace $0xD0000000  }
0x3: {  	_ = 	snop  }
0x4: {  	_ = 	snop  }
0x5: {  	_ = 	snop  }
0x6: {  	_ = 	snop  }
0x7: {  	_ = 	snop  }
__scs_overlays_trampoline_lowered:
0x8: {  	[smem:$0x3FAC] =	sst s0  }
0x9: {  	[smem:$0x3FAD] =	sst s1  }
0xa: {  	[smem:$0x3FAE] =	sst s2  }
0xb: {  	[smem:$0x3FAF] =	sst s3  }
0xc: {  	[smem:$0x3FB0] =	sst s4  }
0xd: {  	[smem:$0x3FB1] =	sst s5  }
0xe: {  	[smem:$0x3FB2] =	sst s6  }
0xf: {  	[smem:$0x3FB3] =	sst s7  }
0x10: {  	[smem:$0x3FB4] =	sst s8  }
0x11: {  	[smem:$0x3FB5] =	sst s9;
	s0 =	simm.s32 @!p0 $0x0  }
0x12: {  	s1 =	sld [smem:$0x3F9B];
	s0 =	simm.s32 @p0 $0x1  }
0x13: {  	[smem:$0x3FB6] =	sst s0;
	s0 =	simm.s32 @!p1 $0x0  }
0x14: {  	s2 =	sld [smem:$0x3F9A];
	s0 =	simm.s32 @p1 $0x1  }
0x15: {  	[smem:$0x3FB7] =	sst s0;
	s0 =	simm.s32 @!p2 $0x0  }
0x16: {  	s3 =	sld [smem:$0x3FDB];
	s0 =	simm.s32 @p2 $0x1  }
0x17: {  	s4 =	simm.s32 $0x1BF5;
	[smem:$0x3FB9] =	sst s0  }
0x18: {  	s0 =	sld [smem:$0x3F9C];
	_ =	swait.ge [sflag:s4], $0x0  }
0x19: {  	s7 =	sld [smem:$0x3F9D]  }
0x1a: {  	s8 =	sadd.s32 $0xFFFFE003, lr  }
0x1b: {  	s9 =	sadd.s32 $0xFFFFFEF7, lr;
	s5 =	simm.s32 $0xFFFFFFFF;
	p2 =	slt.u32 s8, $0xFFFFF086  }
0x1c: {  	p1 =	slt.u32 s9, $0xF7A;
	s5 =	simm.s32 @!p2 $0x0  }
0x1d: {  	s5 =	simm.s32 @p1 $0x1;
	p0 =	seq.s32 s7, s2  }
0x1e: {  	s7 =	smul.u32 @!p0 $0xF7A, s2;
	p2 =	seq.s32 @!p0 s5, $0x0  }
0x1f: {  	s9 =	smul.u32 $0xF7A, s1;
	s8 =	simm.s32 @!p0 $0x1BF5;
	p2 =	por !p2, p0  }
0x20: {  	[sflag:s8] =	ssyncset.s32 @!p0 $0xFFFFF086;
	s6 =	sadd.s32 @!p0 s3, s7;
	s7 =	simm.s32 @!p0 $0x108  }
0x21: {  	s3 =	sadd.s32 s3, s9;
	s6 =	sadd.s32 @!p0 $0x88, s6;
	s7 =	simm.s32 @p2 $0x1082  }
0x22: {  	[simem:s7], [sflag:s8] =	dma.local @!p0 [hbm:s6], $0xF7A  }
0x23: {  	s9 =	sor.u32 $0xD0000000, s2;
	s6 =	simm.s32 $0x108;
	_ =	swait.ge @!p0 [sflag:s8], $0x0  }
0x24: {  	s3 =	sadd.s32 $0x88, s3;
	s6 =	simm.s32 @!p1 $0x1082;
	[sflag:s4] =	ssyncset.s32 $0xFFFFF086  }
0x25: {  	[simem:s6], [sflag:s4] =	dma.local [hbm:s3], $0xF7A  }
0x26: {  	[smem:$0x3F9D] =	sst s1;
	(tag) =	ssettag s2;
	_ =	strace s9  }
0x27: {  	s1 =	sld [smem:$0x3FAD]  }
0x28: {  	s2 =	sld [smem:$0x3FAE]  }
0x29: {  	s4 =	sld [smem:$0x3FB0]  }
0x2a: {  	p0 =	seq.s32 s5, $0x0;
	s5 =	sld [smem:$0x3FB1]  }
0x2b: {  	s6 =	sld [smem:$0x3FB2]  }
0x2c: {  	s7 =	sld [smem:$0x3FB3]  }
0x2d: {  	s3 =	simm.s32 $0x108;
	s8 =	sld [smem:$0x3FB4]  }
0x2e: {  	s3 =	simm.s32 @!p0 $0x1082;
	s9 =	sld [smem:$0x3FB5]  }
0x2f: {  	lr =	sadd.s32 s0, s3;
	s0 =	sld [smem:$0x3FAC]  }
0x30: {  	s3 =	sld [smem:$0x3FAF]  }
0x31: {  	[smem:$0x3FB8] =	sst s10  }
0x32: {  	s10 =	sld [smem:$0x3FB6];
	_ =	sdelay $0x3  }
0x33: {  	p0 =	seq.s32 s10, $0x1;
	s10 =	sld [smem:$0x3FB8];
	_ =	sdelay $0x3  }
0x34: {  	[smem:$0x3FB8] =	sst s10  }
0x35: {  	s10 =	sld [smem:$0x3FB7];
	_ =	sdelay $0x3  }
0x36: {  	p1 =	seq.s32 s10, $0x1;
	s10 =	sld [smem:$0x3FB8];
	_ =	sdelay $0x3  }
0x37: {  	[smem:$0x3FB8] =	sst s10  }
0x38: {  	s10 =	sld [smem:$0x3FB9]  }
0x39: {  	_ = 	snop;
	(pc) =	sbr.ind lr, $3  }
0x3a: {  	_ = 	snop  }
0x3b: {  	_ = 	snop  }
0x3c: {  	p2 =	seq.s32 s10, $0x1;
	s10 =	sld [smem:$0x3FB8]  }
0x3d: {  	_ =	shalt  }
0x3e: {  	_ =	shalt  }
0x3f: {  	_ =	shalt  }
0x40: {  	_ =	shalt  }
0x41: {  	_ =	shalt  }
0x42: {  	_ =	shalt  }
0x43: {  	_ =	shalt  }
0x44: {  	_ =	shalt  }
0x45: {  	_ =	shalt  }
0x46: {  	_ =	shalt  }
0x47: {  	_ =	shalt  }
0x48: {  	_ =	shalt  }
0x49: {  	_ =	shalt  }
0x4a: {  	_ =	shalt  }
0x4b: {  	_ =	shalt  }
0x4c: {  	_ =	shalt  }
0x4d: {  	_ =	shalt  }
0x4e: {  	_ =	shalt  }
0x4f: {  	_ =	shalt  }
0x50: {  	_ =	shalt  }
0x51: {  	_ =	shalt  }
0x52: {  	_ =	shalt  }
0x53: {  	_ =	shalt  }
0x54: {  	_ =	shalt  }
0x55: {  	_ =	shalt  }
0x56: {  	_ =	shalt  }
0x57: {  	_ =	shalt  }
0x58: {  	_ =	shalt  }
0x59: {  	_ =	shalt  }
0x5a: {  	_ =	shalt  }
0x5b: {  	_ =	shalt  }
0x5c: {  	_ =	shalt  }
0x5d: {  	_ =	shalt  }
0x5e: {  	_ =	shalt  }
0x5f: {  	_ =	shalt  }
0x60: {  	_ =	shalt  }
0x61: {  	_ =	shalt  }
0x62: {  	_ =	shalt  }
0x63: {  	_ =	shalt  }
0x64: {  	_ =	shalt  }
0x65: {  	_ =	shalt  }
0x66: {  	_ =	shalt  }
0x67: {  	_ =	shalt  }
0x68: {  	_ =	shalt  }
0x69: {  	_ =	shalt  }
0x6a: {  	_ =	shalt  }
0x6b: {  	_ =	shalt  }
0x6c: {  	_ =	shalt  }
0x6d: {  	_ =	shalt  }
0x6e: {  	_ =	shalt  }
0x6f: {  	_ =	shalt  }
0x70: {  	_ =	shalt  }
0x71: {  	_ =	shalt  }
0x72: {  	_ =	shalt  }
0x73: {  	_ =	shalt  }
0x74: {  	_ =	shalt  }
0x75: {  	_ =	shalt  }
0x76: {  	_ =	shalt  }
0x77: {  	_ =	shalt  }
0x78: {  	_ =	shalt  }
0x79: {  	_ =	shalt  }
0x7a: {  	_ =	shalt  }
0x7b: {  	_ =	shalt  }
0x7c: {  	_ =	shalt  }
0x7d: {  	_ =	shalt  }
0x7e: {  	_ =	shalt  }
0x7f: {  	_ =	shalt  }
0x80: {  	_ =	shalt  }
0x81: {  	_ =	shalt  }
0x82: {  	_ =	shalt  }
0x83: {  	_ =	shalt  }
0x84: {  	_ =	shalt  }
0x85: {  	_ =	shalt  }
0x86: {  	_ =	shalt  }
0x87: {  	_ =	shalt  }
.Lfunc_end0:
.L_simem_size_0:
called_computation_lowered:
.L_overlay_start_0:
0x88: {  	s2 =	sld [smem:$0x3FD9]  }
0x89: {  	s3 =	sld [smem:$0x3FFE];
	_ =	sdelay $0x1  }
0x8a: {  	s1 =	srdreg.scid  }
0x8b: {  	s0 =	sand.u32 $0x1, s1  }
0x8c: {  	s17 =	sshll.u32 s0, $0xA;
	s2 =	sadd.s32 s3, s2  }
0x8d: {  	s2 =	sadd.s32 s2, s17  }
0x8e: {  	[smem:$0x3FC4] =	sst s2  }
0x8f: {  	_ = 	snop  }
0x90: {  	s2 =	sld [smem:$0x3FD0];
	(tm) =	ssettm $0x1  }
0x91: {  	s18 =	sld [smem:$0x3FFB];
	_ =	sdelay $0x3  }
0x92: {  	_ =	strace s18  }
0x93: {  	s3 =	sld [smem:$0x3FFC];
	_ =	sdelay $0x3  }
0x94: {  	_ =	strace s3  }
0x95: {  	s3 =	sld [smem:$0x3FFD];
	_ =	sdelay $0x3  }
0x96: {  	_ =	strace s3  }
0x97: {  	_ =	strace $0x8FFFFFFF  }
0x98: {  	s19 =	sld [smem:$0x3FDB];
	_ =	sdelay $0x1  }
0x99: {  	s4 =	simm.s32 $_scs_section_size  }
0x9a: {  	s5 =	simm.s32 $_size__tile_overlayer_lowered;
	s6 =	simm.s32 $_tile_overlayer_lowered  }
0x9b: {  	s22 =	simm.s32 $0x1BFF;
	s21 =	sshll.u32 s6, $0x1;
	s3 =	sadd.s32 s4, s19  }
0x9c: {  	s7 =	simm.s32 $0x0;
	s20 =	sshll.u32 s5, $0x1;
	s5 =	sadd.s32 s21, s3  }
0x9d: {  	[timem:s7], [sflag:s22] =	dma.local [hbm:s5], s20  }
0x9e: {  	_ =	swait.ge [sflag:s22], s20  }
0x9f: {  	s4 =	ssub.s32 $0x0, s20;
	[sflag:s22] =	ssyncset.done $0x0  }
0xa0: {  	[sflag:s22] =	ssyncadd.s32 s4;
	_ =	sdelay $0x1  }
0xa1: {  	s23 =	simm.s32 $0x1B8B  }
0xa2: {  	_ =	swait.ge [sflag:s23], $0x1  }
0xa3: {  	[sflag:s23] =	ssyncset.done $0x0  }
0xa4: {  	s25 =	simm.s32 $0x1B8E;
	s24 =	sld [smem:$0x3FFE];
	[sflag:s23] =	ssyncadd.s32 $0xFFFFFFFF  }
0xa5: {  	s26 =	simm.s32 $execute0_lowered;
	[smem:$0x3FD2] =	sst s25  }
0xa6: {  	s5 =	sshll.u32 s26, $0x1;
	_ =	strace $0x80000046;
	[dreg:$0x1] =	wrdreg $0xFFFFFFFF  }
0xa7: {  	s28 =	simm.s32 $_size_execute0_lowered;
	s3 =	sadd.s32 s3, s5;
	[dreg:$0x0] =	wrdreg $0x0  }
0xa8: {  	s5 =	sshll.u32 s28, $0x1;
	[dreg:$0x2] =	wrdreg s3  }
0xa9: {  	[dreg:$0x3] =	wrdreg s5  }
0xaa: {  	[dreg:$0x4] =	wrdreg $0xC0  }
0xab: {  	_ =	task [dreg:s7], $0x5FFFF  }
0xac: {  	[dreg:$0x1] =	wrdreg $0xFFFFFFFF  }
0xad: {  	[dreg:$0x0] =	wrdreg $0x60  }
0xae: {  	[dreg:$0x2] =	wrdreg s24  }
0xaf: {  	[dreg:$0x3] =	wrdreg s2  }
0xb0: {  	[dreg:$0x4] =	wrdreg $0x9  }
0xb1: {  	_ =	task.clear_ibuf [dreg:s7], $0x5FFFF;
	_ =	strace $0x90000046  }
0xb2: {  	s29 =	simm.s32 $0x9;
	_ =	strace $0x80000048  }
0xb3: {  	_ =	swait.ge [sflag:s29], $0x1  }
0xb4: {  	[sflag:s29] =	ssyncadd.s32 $0xFFFFFFFF  }
0xb5: {  	_ =	strace $0x90000048  }
0xb6: {  	_ =	sfence  }
0xb7: {  	s30 =	sld [smem:$0x0];
	_ =	sdelay $0x2  }
0xb8: {  	s31 =	sshll.u32 s1, $0xD;
	s1 =	sshrl.u32 s1, $0x2  }
0xb9: {  	s3 =	sand.u32 $0x4000, s31;
	s1 =	sadd.s32 s1, s30  }
0xba: {  	s0 =	sor.u32 s3, s0;
	s1 =	sshll.u32 s1, $0x11  }
0xbb: {  	s0 =	sor.u32 s1, s0  }
0xbc: {  	s0 =	sadd.s32 $0x8F2B, s0  }
0xbd: {  	[sflag:s0] =	ssyncadd.remote.s32 $0x1  }
0xbe: {  	_ =	sfence.sel $0xFFFF  }
0xbf: {  	[dreg:$0x0] =	wrdreg $0xFFFFFFFF;
	(pc) =	sbr.abs _section_cstart, $3  }
0xc0: {  	[dreg:$0x1] =	wrdreg $0xFFFFFFFF  }
0xc1: {  	_ =	task.clear_ibuf [dreg:s7], $0x2FFFF;
	_ =	strace $0x9FFFFFFF  }
0xc2: {  	(tm) =	ssettm $0x7FFFFFFF  }
0xc3: {  	_ =	shalt  }
tec
execute0_lowered:
.L_overlay_start_1:
0x0: {  	(tag) =	ssettag $0x1  }
0x1: {  	v0 =	vlaneseq.u32  }
0x2: {  	v0 =	vmul.u32 $0x40, v0;
	_ =	sdelay $0x1  }
0x3: {  	v1 =	vor.u32 $0x1, v0;
	v2 =	vor.u32 $0x2, v0  }
0x4: {  	v3 =	vor.u32 $0x3, v0;
	v4 =	vor.u32 $0x4, v0;
	v5 =	vor.u32 $0x5, v0  }
0x5: {  	v6 =	vor.u32 $0x6, v0;
	v7 =	vor.u32 $0x7, v0;
	v8 =	vor.u32 $0x8, v0  }
0x6: {  	v9 =	vor.u32 $0x9, v0;
	v10 =	vor.u32 $0xA, v0;
	v11 =	vor.u32 $0xB, v0  }
0x7: {  	v12 =	vor.u32 $0xC, v0;
	v13 =	vor.u32 $0xD, v0;
	v14 =	vor.u32 $0xE, v0  }
0x8: {  	v15 =	vor.u32 $0xF, v0;
	v16 =	vor.u32 $0x10, v0;
	v17 =	vor.u32 $0x11, v0  }
0x9: {  	v18 =	vor.u32 $0x12, v0;
	v19 =	vor.u32 $0x13, v0;
	v20 =	vor.u32 $0x14, v0  }
0xa: {  	v21 =	vor.u32 $0x15, v0;
	v22 =	vor.u32 $0x16, v0;
	v23 =	vor.u32 $0x17, v0  }
0xb: {  	s8 =	rddreg [dreg:$0x0];
	v24 =	vor.u32 $0x18, v0;
	v25 =	vor.u32 $0x19, v0;
	v26 =	vor.u32 $0x1A, v0  }
0xc: {  	s1 =	rddreg [dreg:$0x1];
	v27 =	vor.u32 $0x1B, v0;
	v28 =	vor.u32 $0x1C, v0;
	v29 =	vor.u32 $0x1D, v0  }
0xd: {  	s0 =	rddreg [dreg:$0x2];
	s2 =	simm.s32 $0x0;
	s5 =	srdreg.scid;
	v30 =	vor.u32 $0x1E, v0;
	v31 =	vor.u32 $0x1F, v0;
	v32 =	vor.u32 $0x20, v0  }
0xe: {  	s3 =	stileid.u32;
	s13 =	simm.s32 $0x50;
	s14 =	simm.s32 $0xB0;
	v33 =	vor.u32 $0x21, v0;
	v34 =	vor.u32 $0x22, v0;
	v35 =	vor.u32 $0x23, v0  }
0xf: {  	s15 =	simm.s32 $0xD0;
	s16 =	simm.s32 $0x4D0;
	s17 =	simm.s32 $0x1;
	v36 =	vor.u32 $0x24, v0;
	v37 =	vor.u32 $0x25, v0;
	v38 =	vor.u32 $0x26, v0  }
0x10: {  	s18 =	simm.s32 $0x2;
	s19 =	simm.s32 $0x0;
	[smem:$0x7FF] =	sst s2;
	v39 =	vor.u32 $0x27, v0;
	v40 =	vor.u32 $0x28, v0;
	v41 =	vor.u32 $0x29, v0  }
0x11: {  	s4 =	sadd.s32 $0xA00, s8;
	s9 =	sand.u32 $0x1, s5;
	s7 =	sshll.u32 s3, $0x1;
	v42 =	vor.u32 $0x2A, v0;
	v43 =	vor.u32 $0x2B, v0;
	v44 =	vor.u32 $0x2C, v0  }
0x12: {  	s5 =	sadd.s32 $0x400, s8;
	s6 =	sadd.s32 $0x600, s8;
	s8 =	sadd.s32 $0x800, s8;
	v45 =	vor.u32 $0x2D, v0;
	v46 =	vor.u32 $0x2E, v0;
	v47 =	vor.u32 $0x2F, v0  }
0x13: {  	p0 =	slt.u32 s3, $0x4;
	s7 =	sor.u32 s9, s7;
	s10 =	ssub.s32 $0x2, s9;
	v48 =	vor.u32 $0x30, v0;
	v49 =	vor.u32 $0x31, v0;
	v50 =	vor.u32 $0x32, v0  }
0x14: {  	s9 =	simm.s32 $0x20;
	s11 =	smul.u32 $0x190, s7;
	s12 =	sshrl.u32 s10, $0x1;
	v51 =	vor.u32 $0x33, v0;
	v52 =	vor.u32 $0x34, v0;
	v53 =	vor.u32 $0x35, v0;
	[tilespmem:$0x1FFF0] =	vst v1  }
0x15: {  	s9 =	simm.s32 @!p0 $0x1F;
	v54 =	vor.u32 $0x36, v0;
	v55 =	vor.u32 $0x37, v0;
	v56 =	vor.u32 $0x38, v0;
	s12 =	ssub.s32 s10, s12;
	_ =	strace $0x80000047  }
0x16: {  	v57 =	vor.u32 $0x39, v0;
	v58 =	vor.u32 $0x3A, v0;
	v59 =	vor.u32 $0x3B, v0;
	s10 =	sadd.s32 s4, s11;
	s11 =	smax.u32 s12, $0x1;
	s12 =	simm.s32 $0x3  }
.LBB2_1:
0x17: {  	[tilespmem:s2], [sflag:$0x3] =	stream.linear.gather [hbm4b:s5+s2], $0x50, $0x38;
	[tilespmem:$0x1ADD0] =	vst v63  }
0x18: {  	_ =	swait.ge [sflag:s12], $0x50  }
0x19: {  	[sflag:s12] =	ssyncset.done $0x0  }
0x1a: {  	[sflag:s12] =	ssyncadd.s32 $0xFFFFFFB0  }
0x1b: {  	[tilespmem:s13], [sflag:$0x3] =	stream.linear.gather [hbm4b:s6+s2], $0x60, $0x38;
	[tilespmem:$0x1ADD0] =	vst v63  }
0x1c: {  	_ =	swait.ge [sflag:s12], $0x60  }
0x1d: {  	[sflag:s12] =	ssyncset.done $0x0  }
0x1e: {  	[sflag:s12] =	ssyncadd.s32 $0xFFFFFFA0  }
0x1f: {  	[tilespmem:s14], [sflag:$0x3] =	stream.linear.gather [hbm4b:s8+s2], $0x20, $0x38;
	[tilespmem:$0x1ADD0] =	vst v63  }
0x20: {  	_ =	swait.ge [sflag:s12], $0x20  }
0x21: {  	[sflag:s12] =	ssyncset.done $0x0  }
0x22: {  	[sflag:s12] =	ssyncadd.s32 $0xFFFFFFE0  }
0x23: {  	v60 =	vld [tilespmem:$0x0]  }
0x24: {  	v61 =	vld [tilespmem:$0x50];
	_ =	sdelay $0x1  }
0x25: {  	v62 =	vld [tilespmem:$0xB0];
	_ =	sdelay $0x2  }
0x26: {  	v61 =	vadd.f32 v61, v60;
	_ =	sdelay $0x1  }
0x27: {  	v62 =	vadd.f32 v62, v61;
	_ =	sdelay $0x1  }
0x28: {  	v1 =	vld [tilespmem:$0x1FFF0];
	[tilespmem:v0+s15+$0x0] =	vst.idx.msk $0xffff, v62  }
0x29: {  	v62 =	vld [tilespmem:$0xC0];
	_ =	sdelay $0x4  }
0x2a: {  	v61 =	vadd.f32 v62, v61;
	_ =	sdelay $0x1  }
0x2b: {  	[tilespmem:v1+s15+$0x0] =	vst.idx.msk $0xffff, v61  }
0x2c: {  	v61 =	vld [tilespmem:$0x60];
	_ =	sdelay $0x1  }
0x2d: {  	v62 =	vld [tilespmem:$0xB0];
	_ =	sdelay $0x2  }
0x2e: {  	v61 =	vadd.f32 v61, v60;
	_ =	sdelay $0x1  }
0x2f: {  	v62 =	vadd.f32 v62, v61;
	_ =	sdelay $0x1  }
0x30: {  	[tilespmem:v2+s15+$0x0] =	vst.idx.msk $0xffff, v62  }
0x31: {  	v62 =	vld [tilespmem:$0xC0];
	_ =	sdelay $0x4  }
0x32: {  	v61 =	vadd.f32 v62, v61;
	_ =	sdelay $0x1  }
0x33: {  	[tilespmem:v3+s15+$0x0] =	vst.idx.msk $0xffff, v61  }
0x34: {  	v61 =	vld [tilespmem:$0x70];
	_ =	sdelay $0x1  }
0x35: {  	v62 =	vld [tilespmem:$0xB0];
	_ =	sdelay $0x2  }
0x36: {  	v61 =	vadd.f32 v61, v60;
	_ =	sdelay $0x1  }
0x37: {  	v62 =	vadd.f32 v62, v61;
	_ =	sdelay $0x1  }
0x38: {  	[tilespmem:v4+s15+$0x0] =	vst.idx.msk $0xffff, v62  }
0x39: {  	v62 =	vld [tilespmem:$0xC0];
	_ =	sdelay $0x4  }
0x3a: {  	v61 =	vadd.f32 v62, v61;
	_ =	sdelay $0x1  }
0x3b: {  	[tilespmem:v5+s15+$0x0] =	vst.idx.msk $0xffff, v61  }
0x3c: {  	v61 =	vld [tilespmem:$0x80];
	_ =	sdelay $0x1  }
0x3d: {  	v62 =	vld [tilespmem:$0xB0];
	_ =	sdelay $0x2  }
0x3e: {  	v61 =	vadd.f32 v61, v60;
	_ =	sdelay $0x1  }
0x3f: {  	v62 =	vadd.f32 v62, v61;
	_ =	sdelay $0x1  }
0x40: {  	[tilespmem:v6+s15+$0x0] =	vst.idx.msk $0xffff, v62  }
0x41: {  	v62 =	vld [tilespmem:$0xC0];
	_ =	sdelay $0x4  }
0x42: {  	v61 =	vadd.f32 v62, v61;
	_ =	sdelay $0x1  }
0x43: {  	[tilespmem:v7+s15+$0x0] =	vst.idx.msk $0xffff, v61  }
0x44: {  	v61 =	vld [tilespmem:$0x90];
	_ =	sdelay $0x1  }
0x45: {  	v62 =	vld [tilespmem:$0xB0];
	_ =	sdelay $0x2  }
0x46: {  	v61 =	vadd.f32 v61, v60;
	_ =	sdelay $0x1  }
0x47: {  	v62 =	vadd.f32 v62, v61;
	_ =	sdelay $0x1  }
0x48: {  	[tilespmem:v8+s15+$0x0] =	vst.idx.msk $0xffff, v62  }
0x49: {  	v62 =	vld [tilespmem:$0xC0];
	_ =	sdelay $0x4  }
0x4a: {  	v61 =	vadd.f32 v62, v61;
	_ =	sdelay $0x1  }
0x4b: {  	[tilespmem:v9+s15+$0x0] =	vst.idx.msk $0xffff, v61  }
0x4c: {  	v61 =	vld [tilespmem:$0xA0];
	_ =	sdelay $0x1  }
0x4d: {  	v62 =	vld [tilespmem:$0xB0];
	_ =	sdelay $0x2  }
0x4e: {  	v60 =	vadd.f32 v61, v60;
	_ =	sdelay $0x1  }
0x4f: {  	v61 =	vadd.f32 v62, v60;
	_ =	sdelay $0x1  }
0x50: {  	[tilespmem:v10+s15+$0x0] =	vst.idx.msk $0xffff, v61  }
0x51: {  	v61 =	vld [tilespmem:$0xC0];
	_ =	sdelay $0x4  }
0x52: {  	v60 =	vadd.f32 v61, v60;
	_ =	sdelay $0x1  }
0x53: {  	[tilespmem:v11+s15+$0x0] =	vst.idx.msk $0xffff, v60  }
0x54: {  	v60 =	vld [tilespmem:$0x10]  }
0x55: {  	v61 =	vld [tilespmem:$0x50];
	_ =	sdelay $0x1  }
0x56: {  	v62 =	vld [tilespmem:$0xB0];
	_ =	sdelay $0x2  }
0x57: {  	v61 =	vadd.f32 v61, v60;
	_ =	sdelay $0x1  }
0x58: {  	v62 =	vadd.f32 v62, v61;
	_ =	sdelay $0x1  }
0x59: {  	[tilespmem:v12+s15+$0x0] =	vst.idx.msk $0xffff, v62  }
0x5a: {  	v62 =	vld [tilespmem:$0xC0];
	_ =	sdelay $0x4  }
0x5b: {  	v61 =	vadd.f32 v62, v61;
	_ =	sdelay $0x1  }
0x5c: {  	[tilespmem:v13+s15+$0x0] =	vst.idx.msk $0xffff, v61  }
0x5d: {  	v61 =	vld [tilespmem:$0x60];
	_ =	sdelay $0x1  }
0x5e: {  	v62 =	vld [tilespmem:$0xB0];
	_ =	sdelay $0x2  }
0x5f: {  	v61 =	vadd.f32 v61, v60;
	_ =	sdelay $0x1  }
0x60: {  	v62 =	vadd.f32 v62, v61;
	_ =	sdelay $0x1  }
0x61: {  	[tilespmem:v14+s15+$0x0] =	vst.idx.msk $0xffff, v62  }
0x62: {  	v62 =	vld [tilespmem:$0xC0];
	_ =	sdelay $0x4  }
0x63: {  	v61 =	vadd.f32 v62, v61;
	_ =	sdelay $0x1  }
0x64: {  	[tilespmem:v15+s15+$0x0] =	vst.idx.msk $0xffff, v61  }
0x65: {  	v61 =	vld [tilespmem:$0x70];
	_ =	sdelay $0x1  }
0x66: {  	v62 =	vld [tilespmem:$0xB0];
	_ =	sdelay $0x2  }
0x67: {  	v61 =	vadd.f32 v61, v60;
	_ =	sdelay $0x1  }
0x68: {  	v62 =	vadd.f32 v62, v61;
	_ =	sdelay $0x1  }
0x69: {  	[tilespmem:v16+s15+$0x0] =	vst.idx.msk $0xffff, v62  }
0x6a: {  	v62 =	vld [tilespmem:$0xC0];
	_ =	sdelay $0x4  }
0x6b: {  	v61 =	vadd.f32 v62, v61;
	_ =	sdelay $0x1  }
0x6c: {  	[tilespmem:v17+s15+$0x0] =	vst.idx.msk $0xffff, v61  }
0x6d: {  	v61 =	vld [tilespmem:$0x80];
	_ =	sdelay $0x1  }
0x6e: {  	v62 =	vld [tilespmem:$0xB0];
	_ =	sdelay $0x2  }
0x6f: {  	v61 =	vadd.f32 v61, v60;
	_ =	sdelay $0x1  }
0x70: {  	v62 =	vadd.f32 v62, v61;
	_ =	sdelay $0x1  }
0x71: {  	[tilespmem:v18+s15+$0x0] =	vst.idx.msk $0xffff, v62  }
0x72: {  	v62 =	vld [tilespmem:$0xC0];
	_ =	sdelay $0x4  }
0x73: {  	v61 =	vadd.f32 v62, v61;
	_ =	sdelay $0x1  }
0x74: {  	[tilespmem:v19+s15+$0x0] =	vst.idx.msk $0xffff, v61  }
0x75: {  	v61 =	vld [tilespmem:$0x90];
	_ =	sdelay $0x1  }
0x76: {  	v62 =	vld [tilespmem:$0xB0];
	_ =	sdelay $0x2  }
0x77: {  	v61 =	vadd.f32 v61, v60;
	_ =	sdelay $0x1  }
0x78: {  	v62 =	vadd.f32 v62, v61;
	_ =	sdelay $0x1  }
0x79: {  	[tilespmem:v20+s15+$0x0] =	vst.idx.msk $0xffff, v62  }
0x7a: {  	v62 =	vld [tilespmem:$0xC0];
	_ =	sdelay $0x4  }
0x7b: {  	v61 =	vadd.f32 v62, v61;
	_ =	sdelay $0x1  }
0x7c: {  	[tilespmem:v21+s15+$0x0] =	vst.idx.msk $0xffff, v61  }
0x7d: {  	v61 =	vld [tilespmem:$0xA0];
	_ =	sdelay $0x1  }
0x7e: {  	v62 =	vld [tilespmem:$0xB0];
	_ =	sdelay $0x2  }
0x7f: {  	v60 =	vadd.f32 v61, v60;
	_ =	sdelay $0x1  }
0x80: {  	v61 =	vadd.f32 v62, v60;
	_ =	sdelay $0x1  }
0x81: {  	[tilespmem:v22+s15+$0x0] =	vst.idx.msk $0xffff, v61  }
0x82: {  	v61 =	vld [tilespmem:$0xC0];
	_ =	sdelay $0x4  }
0x83: {  	v60 =	vadd.f32 v61, v60;
	_ =	sdelay $0x1  }
0x84: {  	[tilespmem:v23+s15+$0x0] =	vst.idx.msk $0xffff, v60  }
0x85: {  	v60 =	vld [tilespmem:$0x20]  }
0x86: {  	v61 =	vld [tilespmem:$0x50];
	_ =	sdelay $0x1  }
0x87: {  	v62 =	vld [tilespmem:$0xB0];
	_ =	sdelay $0x2  }
0x88: {  	v61 =	vadd.f32 v61, v60;
	_ =	sdelay $0x1  }
0x89: {  	v62 =	vadd.f32 v62, v61;
	_ =	sdelay $0x1  }
0x8a: {  	[tilespmem:v24+s15+$0x0] =	vst.idx.msk $0xffff, v62  }
0x8b: {  	v62 =	vld [tilespmem:$0xC0];
	_ =	sdelay $0x4  }
0x8c: {  	v61 =	vadd.f32 v62, v61;
	_ =	sdelay $0x1  }
0x8d: {  	[tilespmem:v25+s15+$0x0] =	vst.idx.msk $0xffff, v61  }
0x8e: {  	v61 =	vld [tilespmem:$0x60];
	_ =	sdelay $0x1  }
0x8f: {  	v62 =	vld [tilespmem:$0xB0];
	_ =	sdelay $0x2  }
0x90: {  	v61 =	vadd.f32 v61, v60;
	_ =	sdelay $0x1  }
0x91: {  	v62 =	vadd.f32 v62, v61;
	_ =	sdelay $0x1  }
0x92: {  	[tilespmem:v26+s15+$0x0] =	vst.idx.msk $0xffff, v62  }
0x93: {  	v62 =	vld [tilespmem:$0xC0];
	_ =	sdelay $0x4  }
0x94: {  	v61 =	vadd.f32 v62, v61;
	_ =	sdelay $0x1  }
0x95: {  	[tilespmem:v27+s15+$0x0] =	vst.idx.msk $0xffff, v61  }
0x96: {  	v61 =	vld [tilespmem:$0x70];
	_ =	sdelay $0x1  }
0x97: {  	v62 =	vld [tilespmem:$0xB0];
	_ =	sdelay $0x2  }
0x98: {  	v61 =	vadd.f32 v61, v60;
	_ =	sdelay $0x1  }
0x99: {  	v62 =	vadd.f32 v62, v61;
	_ =	sdelay $0x1  }
0x9a: {  	[tilespmem:v28+s15+$0x0] =	vst.idx.msk $0xffff, v62  }
0x9b: {  	v62 =	vld [tilespmem:$0xC0];
	_ =	sdelay $0x4  }
0x9c: {  	v61 =	vadd.f32 v62, v61;
	_ =	sdelay $0x1  }
0x9d: {  	[tilespmem:v29+s15+$0x0] =	vst.idx.msk $0xffff, v61  }
0x9e: {  	v61 =	vld [tilespmem:$0x80];
	_ =	sdelay $0x1  }
0x9f: {  	v62 =	vld [tilespmem:$0xB0];
	_ =	sdelay $0x2  }
0xa0: {  	v61 =	vadd.f32 v61, v60;
	_ =	sdelay $0x1  }
0xa1: {  	v62 =	vadd.f32 v62, v61;
	_ =	sdelay $0x1  }
0xa2: {  	[tilespmem:v30+s15+$0x0] =	vst.idx.msk $0xffff, v62  }
0xa3: {  	v62 =	vld [tilespmem:$0xC0];
	_ =	sdelay $0x4  }
0xa4: {  	v61 =	vadd.f32 v62, v61;
	_ =	sdelay $0x1  }
0xa5: {  	[tilespmem:v31+s15+$0x0] =	vst.idx.msk $0xffff, v61  }
0xa6: {  	v61 =	vld [tilespmem:$0x90];
	_ =	sdelay $0x1  }
0xa7: {  	v62 =	vld [tilespmem:$0xB0];
	_ =	sdelay $0x2  }
0xa8: {  	v61 =	vadd.f32 v61, v60;
	_ =	sdelay $0x1  }
0xa9: {  	v62 =	vadd.f32 v62, v61;
	_ =	sdelay $0x1  }
0xaa: {  	[tilespmem:v32+s15+$0x0] =	vst.idx.msk $0xffff, v62  }
0xab: {  	v62 =	vld [tilespmem:$0xC0];
	_ =	sdelay $0x4  }
0xac: {  	v61 =	vadd.f32 v62, v61;
	_ =	sdelay $0x1  }
0xad: {  	[tilespmem:v33+s15+$0x0] =	vst.idx.msk $0xffff, v61  }
0xae: {  	v61 =	vld [tilespmem:$0xA0];
	_ =	sdelay $0x1  }
0xaf: {  	v62 =	vld [tilespmem:$0xB0];
	_ =	sdelay $0x2  }
0xb0: {  	v60 =	vadd.f32 v61, v60;
	_ =	sdelay $0x1  }
0xb1: {  	v61 =	vadd.f32 v62, v60;
	_ =	sdelay $0x1  }
0xb2: {  	[tilespmem:v34+s15+$0x0] =	vst.idx.msk $0xffff, v61  }
0xb3: {  	v61 =	vld [tilespmem:$0xC0];
	_ =	sdelay $0x4  }
0xb4: {  	v60 =	vadd.f32 v61, v60;
	_ =	sdelay $0x1  }
0xb5: {  	[tilespmem:v35+s15+$0x0] =	vst.idx.msk $0xffff, v60  }
0xb6: {  	v60 =	vld [tilespmem:$0x30]  }
0xb7: {  	v61 =	vld [tilespmem:$0x50];
	_ =	sdelay $0x1  }
0xb8: {  	v62 =	vld [tilespmem:$0xB0];
	_ =	sdelay $0x2  }
0xb9: {  	v61 =	vadd.f32 v61, v60;
	_ =	sdelay $0x1  }
0xba: {  	v62 =	vadd.f32 v62, v61;
	_ =	sdelay $0x1  }
0xbb: {  	[tilespmem:v36+s15+$0x0] =	vst.idx.msk $0xffff, v62  }
0xbc: {  	v62 =	vld [tilespmem:$0xC0];
	_ =	sdelay $0x4  }
0xbd: {  	v61 =	vadd.f32 v62, v61;
	_ =	sdelay $0x1  }
0xbe: {  	[tilespmem:v37+s15+$0x0] =	vst.idx.msk $0xffff, v61  }
0xbf: {  	v61 =	vld [tilespmem:$0x60];
	_ =	sdelay $0x1  }
0xc0: {  	v62 =	vld [tilespmem:$0xB0];
	_ =	sdelay $0x2  }
0xc1: {  	v61 =	vadd.f32 v61, v60;
	_ =	sdelay $0x1  }
0xc2: {  	v62 =	vadd.f32 v62, v61;
	_ =	sdelay $0x1  }
0xc3: {  	[tilespmem:v38+s15+$0x0] =	vst.idx.msk $0xffff, v62  }
0xc4: {  	v62 =	vld [tilespmem:$0xC0];
	_ =	sdelay $0x4  }
0xc5: {  	v61 =	vadd.f32 v62, v61;
	_ =	sdelay $0x1  }
0xc6: {  	[tilespmem:v39+s15+$0x0] =	vst.idx.msk $0xffff, v61  }
0xc7: {  	v61 =	vld [tilespmem:$0x70];
	_ =	sdelay $0x1  }
0xc8: {  	v62 =	vld [tilespmem:$0xB0];
	_ =	sdelay $0x2  }
0xc9: {  	v61 =	vadd.f32 v61, v60;
	_ =	sdelay $0x1  }
0xca: {  	v62 =	vadd.f32 v62, v61;
	_ =	sdelay $0x1  }
0xcb: {  	[tilespmem:v40+s15+$0x0] =	vst.idx.msk $0xffff, v62  }
0xcc: {  	v62 =	vld [tilespmem:$0xC0];
	_ =	sdelay $0x4  }
0xcd: {  	v61 =	vadd.f32 v62, v61;
	_ =	sdelay $0x1  }
0xce: {  	[tilespmem:v41+s15+$0x0] =	vst.idx.msk $0xffff, v61  }
0xcf: {  	v61 =	vld [tilespmem:$0x80];
	_ =	sdelay $0x1  }
0xd0: {  	v62 =	vld [tilespmem:$0xB0];
	_ =	sdelay $0x2  }
0xd1: {  	v61 =	vadd.f32 v61, v60;
	_ =	sdelay $0x1  }
0xd2: {  	v62 =	vadd.f32 v62, v61;
	_ =	sdelay $0x1  }
0xd3: {  	[tilespmem:v42+s15+$0x0] =	vst.idx.msk $0xffff, v62  }
0xd4: {  	v62 =	vld [tilespmem:$0xC0];
	_ =	sdelay $0x4  }
0xd5: {  	v61 =	vadd.f32 v62, v61;
	_ =	sdelay $0x1  }
0xd6: {  	[tilespmem:v43+s15+$0x0] =	vst.idx.msk $0xffff, v61  }
0xd7: {  	v61 =	vld [tilespmem:$0x90];
	_ =	sdelay $0x1  }
0xd8: {  	v62 =	vld [tilespmem:$0xB0];
	_ =	sdelay $0x2  }
0xd9: {  	v61 =	vadd.f32 v61, v60;
	_ =	sdelay $0x1  }
0xda: {  	v62 =	vadd.f32 v62, v61;
	_ =	sdelay $0x1  }
0xdb: {  	[tilespmem:v44+s15+$0x0] =	vst.idx.msk $0xffff, v62  }
0xdc: {  	v62 =	vld [tilespmem:$0xC0];
	_ =	sdelay $0x4  }
0xdd: {  	v61 =	vadd.f32 v62, v61;
	_ =	sdelay $0x1  }
0xde: {  	[tilespmem:v45+s15+$0x0] =	vst.idx.msk $0xffff, v61  }
0xdf: {  	v61 =	vld [tilespmem:$0xA0];
	_ =	sdelay $0x1  }
0xe0: {  	v62 =	vld [tilespmem:$0xB0];
	_ =	sdelay $0x2  }
0xe1: {  	v60 =	vadd.f32 v61, v60;
	_ =	sdelay $0x1  }
0xe2: {  	v61 =	vadd.f32 v62, v60;
	_ =	sdelay $0x1  }
0xe3: {  	[tilespmem:v46+s15+$0x0] =	vst.idx.msk $0xffff, v61  }
0xe4: {  	v61 =	vld [tilespmem:$0xC0];
	_ =	sdelay $0x4  }
0xe5: {  	v60 =	vadd.f32 v61, v60;
	_ =	sdelay $0x1  }
0xe6: {  	[tilespmem:v47+s15+$0x0] =	vst.idx.msk $0xffff, v60  }
0xe7: {  	v60 =	vld [tilespmem:$0x40]  }
0xe8: {  	v61 =	vld [tilespmem:$0x50];
	_ =	sdelay $0x1  }
0xe9: {  	v62 =	vld [tilespmem:$0xB0];
	_ =	sdelay $0x2  }
0xea: {  	v61 =	vadd.f32 v61, v60;
	_ =	sdelay $0x1  }
0xeb: {  	v62 =	vadd.f32 v62, v61;
	_ =	sdelay $0x1  }
0xec: {  	[tilespmem:v48+s15+$0x0] =	vst.idx.msk $0xffff, v62  }
0xed: {  	v62 =	vld [tilespmem:$0xC0];
	_ =	sdelay $0x4  }
0xee: {  	v61 =	vadd.f32 v62, v61;
	_ =	sdelay $0x1  }
0xef: {  	[tilespmem:v49+s15+$0x0] =	vst.idx.msk $0xffff, v61  }
0xf0: {  	v61 =	vld [tilespmem:$0x60];
	_ =	sdelay $0x1  }
0xf1: {  	v62 =	vld [tilespmem:$0xB0];
	_ =	sdelay $0x2  }
0xf2: {  	v61 =	vadd.f32 v61, v60;
	_ =	sdelay $0x1  }
0xf3: {  	v62 =	vadd.f32 v62, v61;
	_ =	sdelay $0x1  }
0xf4: {  	[tilespmem:v50+s15+$0x0] =	vst.idx.msk $0xffff, v62  }
0xf5: {  	v62 =	vld [tilespmem:$0xC0];
	_ =	sdelay $0x4  }
0xf6: {  	v61 =	vadd.f32 v62, v61;
	_ =	sdelay $0x1  }
0xf7: {  	[tilespmem:v51+s15+$0x0] =	vst.idx.msk $0xffff, v61  }
0xf8: {  	v61 =	vld [tilespmem:$0x70];
	_ =	sdelay $0x1  }
0xf9: {  	v62 =	vld [tilespmem:$0xB0];
	_ =	sdelay $0x2  }
0xfa: {  	v61 =	vadd.f32 v61, v60;
	_ =	sdelay $0x1  }
0xfb: {  	v62 =	vadd.f32 v62, v61;
	_ =	sdelay $0x1  }
0xfc: {  	[tilespmem:v52+s15+$0x0] =	vst.idx.msk $0xffff, v62  }
0xfd: {  	v62 =	vld [tilespmem:$0xC0];
	_ =	sdelay $0x4  }
0xfe: {  	v61 =	vadd.f32 v62, v61;
	_ =	sdelay $0x1  }
0xff: {  	[tilespmem:v53+s15+$0x0] =	vst.idx.msk $0xffff, v61  }
0x100: {  	v61 =	vld [tilespmem:$0x80];
	_ =	sdelay $0x1  }
0x101: {  	v62 =	vld [tilespmem:$0xB0];
	_ =	sdelay $0x2  }
0x102: {  	v61 =	vadd.f32 v61, v60;
	_ =	sdelay $0x1  }
0x103: {  	v62 =	vadd.f32 v62, v61;
	_ =	sdelay $0x1  }
0x104: {  	[tilespmem:v54+s15+$0x0] =	vst.idx.msk $0xffff, v62  }
0x105: {  	v62 =	vld [tilespmem:$0xC0];
	_ =	sdelay $0x4  }
0x106: {  	v61 =	vadd.f32 v62, v61;
	_ =	sdelay $0x1  }
0x107: {  	[tilespmem:v55+s15+$0x0] =	vst.idx.msk $0xffff, v61  }
0x108: {  	v61 =	vld [tilespmem:$0x90];
	_ =	sdelay $0x1  }
0x109: {  	v62 =	vld [tilespmem:$0xB0];
	_ =	sdelay $0x2  }
0x10a: {  	v61 =	vadd.f32 v61, v60;
	_ =	sdelay $0x1  }
0x10b: {  	v62 =	vadd.f32 v62, v61;
	_ =	sdelay $0x1  }
0x10c: {  	[tilespmem:v56+s15+$0x0] =	vst.idx.msk $0xffff, v62  }
0x10d: {  	v62 =	vld [tilespmem:$0xC0];
	_ =	sdelay $0x4  }
0x10e: {  	v61 =	vadd.f32 v62, v61;
	_ =	sdelay $0x1  }
0x10f: {  	[tilespmem:v57+s15+$0x0] =	vst.idx.msk $0xffff, v61  }
0x110: {  	v61 =	vld [tilespmem:$0xA0];
	_ =	sdelay $0x1  }
0x111: {  	v62 =	vld [tilespmem:$0xB0];
	_ =	sdelay $0x2  }
0x112: {  	v60 =	vadd.f32 v61, v60;
	_ =	sdelay $0x1  }
0x113: {  	v61 =	vadd.f32 v62, v60;
	_ =	sdelay $0x1  }
0x114: {  	[tilespmem:v58+s15+$0x0] =	vst.idx.msk $0xffff, v61  }
0x115: {  	v61 =	vld [tilespmem:$0xC0];
	_ =	sdelay $0x4  }
0x116: {  	v60 =	vadd.f32 v61, v60;
	_ =	sdelay $0x1  }
0x117: {  	p0 =	por $0x0, $0x0;
	s20 =	simm.s32 $0x0;
	[tilespmem:v59+s15+$0x0] =	vst.idx.msk $0xffff, v60  }
0x118: {  	[tilespmem:s16], [sflag:$0x1] =	stream.linear.gather [hbm4b:s10+s2], $0xC80, $0x38;
	[tilespmem:$0x1ADD0] =	vst v63  }
.LBB2_2:
0x119: {  	s22 =	smov.u32 s20;
	s20 =	sadd.s32 $0x1, s20  }
0x11a: {  	s23 =	sand.u32 $0x1, s22;
	p1 =	sge.u32 s20, s9  }
0x11b: {  	s21 =	sxor.u32 @!p1 $0x1, s23;
	s24 =	sshll.u32 @!p1 s20, $0x5  }
0x11c: {  	s21 =	smul.u32 @!p1 $0x3200, s21;
	s24 =	sor.u32 @!p1 s7, s24  }
0x11d: {  	s24 =	smul.u32 @!p1 $0x190, s24  }
0x11e: {  	s21 =	sshrl.u32 @!p1 s21, $0x2  }
0x11f: {  	s25 =	simm.s32 @!p1 $0x0;
	s21 =	sadd.s32 @!p1 $0x4D0, s21;
	s24 =	sadd.s32 @!p1 s4, s24  }
0x120: {  	[tilespmem:s21], [sflag:$0x1] =	stream.linear.gather @!p1 [hbm4b:s24+s25], $0xC80, $0x38;
	[tilespmem:$0x1ADD0] =	vst v63  }
0x121: {  	s29 =	smul.u32 $0x6400, s23;
	s21 =	simm.s32 $0x1;
	_ =	swait.ge [sflag:s17], $0xC80  }
0x122: {  	p1 =	slt.u32 s22, $0x2;
	s21 =	simm.s32 @!p0 $0x0;
	[sflag:s17] =	ssyncset.done $0x0  }
0x123: {  	s25 =	simm.s32 @!p1 $0x2;
	s31 =	smul.u32 $0x3200, s21;
	[sflag:s17] =	ssyncadd.s32 $0xFFFFF380  }
0x124: {  	s21 =	smul.u32 $0x19000, s21;
	_ =	swait.ge @!p1 [sflag:s25], $0x6400  }
0x125: {  	s23 =	sadd.s32 $0x1DD0, s29;
	s22 =	sshll.u32 s22, $0x5;
	[sflag:s25] =	ssyncset.done @!p1 $0x0  }
0x126: {  	s24 =	sshrl.u32 s31, $0x2;
	s26 =	sshrl.u32 s21, $0x2;
	[sflag:s25] =	ssyncadd.s32 @!p1 $0xFFFF9C00  }
0x127: {  	s21 =	sadd.s32 $0x510, s24;
	s28 =	sadd.s32 $0xE7D0, s26;
	_ =	swait.ge @!p1 [sflag:s25], $0x6400  }
0x128: {  	s26 =	sadd.s32 $0x1FD0, s26;
	s24 =	sor.u32 s7, s22;
	[sflag:s25] =	ssyncset.done @!p1 $0x0  }
0x129: {  	s22 =	sadd.s32 $0xE5D0, s29;
	v60 =	vmov s26;
	v61 =	vmov s28;
	[sflag:s25] =	ssyncadd.s32 @!p1 $0xFFFF9C00;
	s25 =	simm.s32 $0x0  }
.LBB2_3:
0x12a: {  	v62 =	vld [tilespmem:s21+$0xFFFFFFC0];
	_ =	sdelay $0x7  }
0x12b: {  	v63 =	vld.idx.msk [tilespmem:v62+s15+$0x0], $0xffff  }
0x12c: {  	v1 =	vadd.s32 $0x40, v62;
	_ =	sdelay $0x2  }
0x12d: {  	s26 =	sshra.s32 s25, $0x2  }
0x12e: {  	[tilespmem:v60+s26+$0xFFFFFE00 ss:$0x1] =	vst.idx.msk $0xffff, v63  }
0x12f: {  	v1 =	vld.idx.msk [tilespmem:v1+s15+$0x0], $0xffff  }
0x130: {  	v63 =	vadd.s32 $0x80, v62;
	_ =	sdelay $0x3  }
0x131: {  	[tilespmem:v60+s26+$0xFFFFFE80 ss:$0x1] =	vst.idx.msk $0xffff, v1  }
0x132: {  	v1 =	vld.idx.msk [tilespmem:v63+s15+$0x0], $0xffff  }
0x133: {  	v63 =	vadd.s32 $0xC0, v62;
	_ =	sdelay $0x3  }
0x134: {  	[tilespmem:v60+s26+$0xFFFFFF00 ss:$0x1] =	vst.idx.msk $0xffff, v1  }
0x135: {  	v1 =	vld.idx.msk [tilespmem:v63+s15+$0x0], $0xffff  }
0x136: {  	v63 =	vadd.s32 $0x100, v62;
	_ =	sdelay $0x3  }
0x137: {  	[tilespmem:v60+s26+$0xFFFFFF80 ss:$0x1] =	vst.idx.msk $0xffff, v1  }
0x138: {  	v1 =	vld.idx.msk [tilespmem:v63+s15+$0x0], $0xffff  }
0x139: {  	v63 =	vadd.s32 $0x140, v62;
	_ =	sdelay $0x3  }
0x13a: {  	[tilespmem:v60+s26+$0x0 ss:$0x1] =	vst.idx.msk $0xffff, v1  }
0x13b: {  	v1 =	vld.idx.msk [tilespmem:v63+s15+$0x0], $0xffff  }
0x13c: {  	v63 =	vadd.s32 $0x180, v62;
	_ =	sdelay $0x3  }
0x13d: {  	[tilespmem:v60+s26+$0x80 ss:$0x1] =	vst.idx.msk $0xffff, v1  }
0x13e: {  	v1 =	vld.idx.msk [tilespmem:v63+s15+$0x0], $0xffff  }
0x13f: {  	v63 =	vadd.s32 $0x1C0, v62;
	_ =	sdelay $0x3  }
0x140: {  	[tilespmem:v60+s26+$0x100 ss:$0x1] =	vst.idx.msk $0xffff, v1  }
0x141: {  	v1 =	vld.idx.msk [tilespmem:v63+s15+$0x0], $0xffff  }
0x142: {  	v63 =	vadd.s32 $0x200, v62;
	_ =	sdelay $0x3  }
0x143: {  	[tilespmem:v60+s26+$0x180 ss:$0x1] =	vst.idx.msk $0xffff, v1  }
0x144: {  	v1 =	vld.idx.msk [tilespmem:v63+s15+$0x0], $0xffff  }
0x145: {  	v63 =	vadd.s32 $0x240, v62;
	_ =	sdelay $0x3  }
0x146: {  	[tilespmem:v61+s26+$0xFFFFFE00 ss:$0x1] =	vst.idx.msk $0xffff, v1  }
0x147: {  	v1 =	vld.idx.msk [tilespmem:v63+s15+$0x0], $0xffff  }
0x148: {  	v63 =	vadd.s32 $0x280, v62;
	_ =	sdelay $0x3  }
0x149: {  	[tilespmem:v61+s26+$0xFFFFFE80 ss:$0x1] =	vst.idx.msk $0xffff, v1  }
0x14a: {  	v1 =	vld.idx.msk [tilespmem:v63+s15+$0x0], $0xffff  }
0x14b: {  	v63 =	vadd.s32 $0x2C0, v62;
	_ =	sdelay $0x3  }
0x14c: {  	[tilespmem:v61+s26+$0xFFFFFF00 ss:$0x1] =	vst.idx.msk $0xffff, v1  }
0x14d: {  	v1 =	vld.idx.msk [tilespmem:v63+s15+$0x0], $0xffff  }
0x14e: {  	v63 =	vadd.s32 $0x300, v62;
	_ =	sdelay $0x3  }
0x14f: {  	[tilespmem:v61+s26+$0xFFFFFF80 ss:$0x1] =	vst.idx.msk $0xffff, v1  }
0x150: {  	v1 =	vld.idx.msk [tilespmem:v63+s15+$0x0], $0xffff  }
0x151: {  	v63 =	vadd.s32 $0x340, v62;
	_ =	sdelay $0x3  }
0x152: {  	[tilespmem:v61+s26+$0x0 ss:$0x1] =	vst.idx.msk $0xffff, v1  }
0x153: {  	v1 =	vld.idx.msk [tilespmem:v63+s15+$0x0], $0xffff  }
0x154: {  	v63 =	vadd.s32 $0x380, v62;
	_ =	sdelay $0x3  }
0x155: {  	[tilespmem:v61+s26+$0x80 ss:$0x1] =	vst.idx.msk $0xffff, v1  }
0x156: {  	v1 =	vld.idx.msk [tilespmem:v63+s15+$0x0], $0xffff  }
0x157: {  	v62 =	vadd.s32 $0x3C0, v62;
	_ =	sdelay $0x3  }
0x158: {  	[tilespmem:v61+s26+$0x100 ss:$0x1] =	vst.idx.msk $0xffff, v1  }
0x159: {  	v1 =	vld.idx.msk [tilespmem:v62+s15+$0x0], $0xffff;
	_ =	sdelay $0x4  }
0x15a: {  	[tilespmem:v61+s26+$0x180 ss:$0x1] =	vst.idx.msk $0xffff, v1  }
0x15b: {  	v1 =	vld [tilespmem:s21+$0xFFFFFFD0];
	_ =	sdelay $0x7  }
0x15c: {  	v62 =	vld.idx.msk [tilespmem:v1+s15+$0x0], $0xffff  }
0x15d: {  	v63 =	vadd.s32 $0x40, v1;
	_ =	sdelay $0x3  }
0x15e: {  	[tilespmem:v60+s26+$0xFFFFFE10 ss:$0x1] =	vst.idx.msk $0xffff, v62  }
0x15f: {  	v62 =	vld.idx.msk [tilespmem:v63+s15+$0x0], $0xffff  }
0x160: {  	v63 =	vadd.s32 $0x80, v1;
	_ =	sdelay $0x3  }
0x161: {  	[tilespmem:v60+s26+$0xFFFFFE90 ss:$0x1] =	vst.idx.msk $0xffff, v62  }
0x162: {  	v62 =	vld.idx.msk [tilespmem:v63+s15+$0x0], $0xffff  }
0x163: {  	v63 =	vadd.s32 $0xC0, v1;
	_ =	sdelay $0x3  }
0x164: {  	[tilespmem:v60+s26+$0xFFFFFF10 ss:$0x1] =	vst.idx.msk $0xffff, v62  }
0x165: {  	v62 =	vld.idx.msk [tilespmem:v63+s15+$0x0], $0xffff  }
0x166: {  	v63 =	vadd.s32 $0x100, v1;
	_ =	sdelay $0x3  }
0x167: {  	[tilespmem:v60+s26+$0xFFFFFF90 ss:$0x1] =	vst.idx.msk $0xffff, v62  }
0x168: {  	v62 =	vld.idx.msk [tilespmem:v63+s15+$0x0], $0xffff  }
0x169: {  	v63 =	vadd.s32 $0x140, v1;
	_ =	sdelay $0x3  }
0x16a: {  	[tilespmem:v60+s26+$0x10 ss:$0x1] =	vst.idx.msk $0xffff, v62  }
0x16b: {  	v62 =	vld.idx.msk [tilespmem:v63+s15+$0x0], $0xffff  }
0x16c: {  	v63 =	vadd.s32 $0x180, v1;
	_ =	sdelay $0x3  }
0x16d: {  	[tilespmem:v60+s26+$0x90 ss:$0x1] =	vst.idx.msk $0xffff, v62  }
0x16e: {  	v62 =	vld.idx.msk [tilespmem:v63+s15+$0x0], $0xffff  }
0x16f: {  	v63 =	vadd.s32 $0x1C0, v1;
	_ =	sdelay $0x3  }
0x170: {  	[tilespmem:v60+s26+$0x110 ss:$0x1] =	vst.idx.msk $0xffff, v62  }
0x171: {  	v62 =	vld.idx.msk [tilespmem:v63+s15+$0x0], $0xffff  }
0x172: {  	v63 =	vadd.s32 $0x200, v1;
	_ =	sdelay $0x3  }
0x173: {  	[tilespmem:v60+s26+$0x190 ss:$0x1] =	vst.idx.msk $0xffff, v62  }
0x174: {  	v62 =	vld.idx.msk [tilespmem:v63+s15+$0x0], $0xffff  }
0x175: {  	v63 =	vadd.s32 $0x240, v1;
	_ =	sdelay $0x3  }
0x176: {  	[tilespmem:v61+s26+$0xFFFFFE10 ss:$0x1] =	vst.idx.msk $0xffff, v62  }
0x177: {  	v62 =	vld.idx.msk [tilespmem:v63+s15+$0x0], $0xffff  }
0x178: {  	v63 =	vadd.s32 $0x280, v1;
	_ =	sdelay $0x3  }
0x179: {  	[tilespmem:v61+s26+$0xFFFFFE90 ss:$0x1] =	vst.idx.msk $0xffff, v62  }
0x17a: {  	v62 =	vld.idx.msk [tilespmem:v63+s15+$0x0], $0xffff  }
0x17b: {  	v63 =	vadd.s32 $0x2C0, v1;
	_ =	sdelay $0x3  }
0x17c: {  	[tilespmem:v61+s26+$0xFFFFFF10 ss:$0x1] =	vst.idx.msk $0xffff, v62  }
0x17d: {  	v62 =	vld.idx.msk [tilespmem:v63+s15+$0x0], $0xffff  }
0x17e: {  	v63 =	vadd.s32 $0x300, v1;
	_ =	sdelay $0x3  }
0x17f: {  	[tilespmem:v61+s26+$0xFFFFFF90 ss:$0x1] =	vst.idx.msk $0xffff, v62  }
0x180: {  	v62 =	vld.idx.msk [tilespmem:v63+s15+$0x0], $0xffff  }
0x181: {  	v63 =	vadd.s32 $0x340, v1;
	_ =	sdelay $0x3  }
0x182: {  	[tilespmem:v61+s26+$0x10 ss:$0x1] =	vst.idx.msk $0xffff, v62  }
0x183: {  	v62 =	vld.idx.msk [tilespmem:v63+s15+$0x0], $0xffff  }
0x184: {  	v63 =	vadd.s32 $0x380, v1;
	_ =	sdelay $0x3  }
0x185: {  	[tilespmem:v61+s26+$0x90 ss:$0x1] =	vst.idx.msk $0xffff, v62  }
0x186: {  	v62 =	vld.idx.msk [tilespmem:v63+s15+$0x0], $0xffff  }
0x187: {  	v1 =	vadd.s32 $0x3C0, v1;
	_ =	sdelay $0x3  }
0x188: {  	[tilespmem:v61+s26+$0x110 ss:$0x1] =	vst.idx.msk $0xffff, v62  }
0x189: {  	v1 =	vld.idx.msk [tilespmem:v1+s15+$0x0], $0xffff;
	_ =	sdelay $0x4  }
0x18a: {  	[tilespmem:v61+s26+$0x190 ss:$0x1] =	vst.idx.msk $0xffff, v1  }
0x18b: {  	v1 =	vld [tilespmem:s21+$0xFFFFFFE0];
	_ =	sdelay $0x7  }
0x18c: {  	v62 =	vld.idx.msk [tilespmem:v1+s15+$0x0], $0xffff  }
0x18d: {  	v63 =	vadd.s32 $0x40, v1;
	_ =	sdelay $0x3  }
0x18e: {  	[tilespmem:v60+s26+$0xFFFFFE20 ss:$0x1] =	vst.idx.msk $0xffff, v62  }
0x18f: {  	v62 =	vld.idx.msk [tilespmem:v63+s15+$0x0], $0xffff  }
0x190: {  	v63 =	vadd.s32 $0x80, v1;
	_ =	sdelay $0x3  }
0x191: {  	[tilespmem:v60+s26+$0xFFFFFEA0 ss:$0x1] =	vst.idx.msk $0xffff, v62  }
0x192: {  	v62 =	vld.idx.msk [tilespmem:v63+s15+$0x0], $0xffff  }
0x193: {  	v63 =	vadd.s32 $0xC0, v1;
	_ =	sdelay $0x3  }
0x194: {  	[tilespmem:v60+s26+$0xFFFFFF20 ss:$0x1] =	vst.idx.msk $0xffff, v62  }
0x195: {  	v62 =	vld.idx.msk [tilespmem:v63+s15+$0x0], $0xffff  }
0x196: {  	v63 =	vadd.s32 $0x100, v1;
	_ =	sdelay $0x3  }
0x197: {  	[tilespmem:v60+s26+$0xFFFFFFA0 ss:$0x1] =	vst.idx.msk $0xffff, v62  }
0x198: {  	v62 =	vld.idx.msk [tilespmem:v63+s15+$0x0], $0xffff  }
0x199: {  	v63 =	vadd.s32 $0x140, v1;
	_ =	sdelay $0x3  }
0x19a: {  	[tilespmem:v60+s26+$0x20 ss:$0x1] =	vst.idx.msk $0xffff, v62  }
0x19b: {  	v62 =	vld.idx.msk [tilespmem:v63+s15+$0x0], $0xffff  }
0x19c: {  	v63 =	vadd.s32 $0x180, v1;
	_ =	sdelay $0x3  }
0x19d: {  	[tilespmem:v60+s26+$0xA0 ss:$0x1] =	vst.idx.msk $0xffff, v62  }
0x19e: {  	v62 =	vld.idx.msk [tilespmem:v63+s15+$0x0], $0xffff  }
0x19f: {  	v63 =	vadd.s32 $0x1C0, v1;
	_ =	sdelay $0x3  }
0x1a0: {  	[tilespmem:v60+s26+$0x120 ss:$0x1] =	vst.idx.msk $0xffff, v62  }
0x1a1: {  	v62 =	vld.idx.msk [tilespmem:v63+s15+$0x0], $0xffff  }
0x1a2: {  	v63 =	vadd.s32 $0x200, v1;
	_ =	sdelay $0x3  }
0x1a3: {  	[tilespmem:v60+s26+$0x1A0 ss:$0x1] =	vst.idx.msk $0xffff, v62  }
0x1a4: {  	v62 =	vld.idx.msk [tilespmem:v63+s15+$0x0], $0xffff  }
0x1a5: {  	v63 =	vadd.s32 $0x240, v1;
	_ =	sdelay $0x3  }
0x1a6: {  	[tilespmem:v61+s26+$0xFFFFFE20 ss:$0x1] =	vst.idx.msk $0xffff, v62  }
0x1a7: {  	v62 =	vld.idx.msk [tilespmem:v63+s15+$0x0], $0xffff  }
0x1a8: {  	v63 =	vadd.s32 $0x280, v1;
	_ =	sdelay $0x3  }
0x1a9: {  	[tilespmem:v61+s26+$0xFFFFFEA0 ss:$0x1] =	vst.idx.msk $0xffff, v62  }
0x1aa: {  	v62 =	vld.idx.msk [tilespmem:v63+s15+$0x0], $0xffff  }
0x1ab: {  	v63 =	vadd.s32 $0x2C0, v1;
	_ =	sdelay $0x3  }
0x1ac: {  	[tilespmem:v61+s26+$0xFFFFFF20 ss:$0x1] =	vst.idx.msk $0xffff, v62  }
0x1ad: {  	v62 =	vld.idx.msk [tilespmem:v63+s15+$0x0], $0xffff  }
0x1ae: {  	v63 =	vadd.s32 $0x300, v1;
	_ =	sdelay $0x3  }
0x1af: {  	[tilespmem:v61+s26+$0xFFFFFFA0 ss:$0x1] =	vst.idx.msk $0xffff, v62  }
0x1b0: {  	v62 =	vld.idx.msk [tilespmem:v63+s15+$0x0], $0xffff  }
0x1b1: {  	v63 =	vadd.s32 $0x340, v1;
	_ =	sdelay $0x3  }
0x1b2: {  	[tilespmem:v61+s26+$0x20 ss:$0x1] =	vst.idx.msk $0xffff, v62  }
0x1b3: {  	v62 =	vld.idx.msk [tilespmem:v63+s15+$0x0], $0xffff  }
0x1b4: {  	v63 =	vadd.s32 $0x380, v1;
	_ =	sdelay $0x3  }
0x1b5: {  	[tilespmem:v61+s26+$0xA0 ss:$0x1] =	vst.idx.msk $0xffff, v62  }
0x1b6: {  	v62 =	vld.idx.msk [tilespmem:v63+s15+$0x0], $0xffff  }
0x1b7: {  	v1 =	vadd.s32 $0x3C0, v1;
	_ =	sdelay $0x3  }
0x1b8: {  	[tilespmem:v61+s26+$0x120 ss:$0x1] =	vst.idx.msk $0xffff, v62  }
0x1b9: {  	v1 =	vld.idx.msk [tilespmem:v1+s15+$0x0], $0xffff;
	_ =	sdelay $0x4  }
0x1ba: {  	[tilespmem:v61+s26+$0x1A0 ss:$0x1] =	vst.idx.msk $0xffff, v1  }
0x1bb: {  	v1 =	vld [tilespmem:s21+$0xFFFFFFF0];
	_ =	sdelay $0x7  }
0x1bc: {  	v62 =	vld.idx.msk [tilespmem:v1+s15+$0x0], $0xffff  }
0x1bd: {  	v63 =	vadd.s32 $0x40, v1;
	_ =	sdelay $0x3  }
0x1be: {  	[tilespmem:v60+s26+$0xFFFFFE30 ss:$0x1] =	vst.idx.msk $0xffff, v62  }
0x1bf: {  	v62 =	vld.idx.msk [tilespmem:v63+s15+$0x0], $0xffff  }
0x1c0: {  	v63 =	vadd.s32 $0x80, v1;
	_ =	sdelay $0x3  }
0x1c1: {  	[tilespmem:v60+s26+$0xFFFFFEB0 ss:$0x1] =	vst.idx.msk $0xffff, v62  }
0x1c2: {  	v62 =	vld.idx.msk [tilespmem:v63+s15+$0x0], $0xffff  }
0x1c3: {  	v63 =	vadd.s32 $0xC0, v1;
	_ =	sdelay $0x3  }
0x1c4: {  	[tilespmem:v60+s26+$0xFFFFFF30 ss:$0x1] =	vst.idx.msk $0xffff, v62  }
0x1c5: {  	v62 =	vld.idx.msk [tilespmem:v63+s15+$0x0], $0xffff  }
0x1c6: {  	v63 =	vadd.s32 $0x100, v1;
	_ =	sdelay $0x3  }
0x1c7: {  	[tilespmem:v60+s26+$0xFFFFFFB0 ss:$0x1] =	vst.idx.msk $0xffff, v62  }
0x1c8: {  	v62 =	vld.idx.msk [tilespmem:v63+s15+$0x0], $0xffff  }
0x1c9: {  	v63 =	vadd.s32 $0x140, v1;
	_ =	sdelay $0x3  }
0x1ca: {  	[tilespmem:v60+s26+$0x30 ss:$0x1] =	vst.idx.msk $0xffff, v62  }
0x1cb: {  	v62 =	vld.idx.msk [tilespmem:v63+s15+$0x0], $0xffff  }
0x1cc: {  	v63 =	vadd.s32 $0x180, v1;
	_ =	sdelay $0x3  }
0x1cd: {  	[tilespmem:v60+s26+$0xB0 ss:$0x1] =	vst.idx.msk $0xffff, v62  }
0x1ce: {  	v62 =	vld.idx.msk [tilespmem:v63+s15+$0x0], $0xffff  }
0x1cf: {  	v63 =	vadd.s32 $0x1C0, v1;
	_ =	sdelay $0x3  }
0x1d0: {  	[tilespmem:v60+s26+$0x130 ss:$0x1] =	vst.idx.msk $0xffff, v62  }
0x1d1: {  	v62 =	vld.idx.msk [tilespmem:v63+s15+$0x0], $0xffff  }
0x1d2: {  	v63 =	vadd.s32 $0x200, v1;
	_ =	sdelay $0x3  }
0x1d3: {  	[tilespmem:v60+s26+$0x1B0 ss:$0x1] =	vst.idx.msk $0xffff, v62  }
0x1d4: {  	v62 =	vld.idx.msk [tilespmem:v63+s15+$0x0], $0xffff  }
0x1d5: {  	v63 =	vadd.s32 $0x240, v1;
	_ =	sdelay $0x3  }
0x1d6: {  	[tilespmem:v61+s26+$0xFFFFFE30 ss:$0x1] =	vst.idx.msk $0xffff, v62  }
0x1d7: {  	v62 =	vld.idx.msk [tilespmem:v63+s15+$0x0], $0xffff  }
0x1d8: {  	v63 =	vadd.s32 $0x280, v1;
	_ =	sdelay $0x3  }
0x1d9: {  	[tilespmem:v61+s26+$0xFFFFFEB0 ss:$0x1] =	vst.idx.msk $0xffff, v62  }
0x1da: {  	v62 =	vld.idx.msk [tilespmem:v63+s15+$0x0], $0xffff  }
0x1db: {  	v63 =	vadd.s32 $0x2C0, v1;
	_ =	sdelay $0x3  }
0x1dc: {  	[tilespmem:v61+s26+$0xFFFFFF30 ss:$0x1] =	vst.idx.msk $0xffff, v62  }
0x1dd: {  	v62 =	vld.idx.msk [tilespmem:v63+s15+$0x0], $0xffff  }
0x1de: {  	v63 =	vadd.s32 $0x300, v1;
	_ =	sdelay $0x3  }
0x1df: {  	[tilespmem:v61+s26+$0xFFFFFFB0 ss:$0x1] =	vst.idx.msk $0xffff, v62  }
0x1e0: {  	v62 =	vld.idx.msk [tilespmem:v63+s15+$0x0], $0xffff  }
0x1e1: {  	v63 =	vadd.s32 $0x340, v1;
	_ =	sdelay $0x3  }
0x1e2: {  	[tilespmem:v61+s26+$0x30 ss:$0x1] =	vst.idx.msk $0xffff, v62  }
0x1e3: {  	v62 =	vld.idx.msk [tilespmem:v63+s15+$0x0], $0xffff  }
0x1e4: {  	v63 =	vadd.s32 $0x380, v1;
	_ =	sdelay $0x3  }
0x1e5: {  	[tilespmem:v61+s26+$0xB0 ss:$0x1] =	vst.idx.msk $0xffff, v62  }
0x1e6: {  	v62 =	vld.idx.msk [tilespmem:v63+s15+$0x0], $0xffff  }
0x1e7: {  	v1 =	vadd.s32 $0x3C0, v1;
	_ =	sdelay $0x3  }
0x1e8: {  	[tilespmem:v61+s26+$0x130 ss:$0x1] =	vst.idx.msk $0xffff, v62  }
0x1e9: {  	v1 =	vld.idx.msk [tilespmem:v1+s15+$0x0], $0xffff;
	_ =	sdelay $0x4  }
0x1ea: {  	[tilespmem:v61+s26+$0x1B0 ss:$0x1] =	vst.idx.msk $0xffff, v1  }
0x1eb: {  	v1 =	vld [tilespmem:s21+$0x0];
	_ =	sdelay $0x7  }
0x1ec: {  	v62 =	vld.idx.msk [tilespmem:v1+s15+$0x0], $0xffff  }
0x1ed: {  	v63 =	vadd.s32 $0x40, v1;
	_ =	sdelay $0x3  }
0x1ee: {  	[tilespmem:v60+s26+$0xFFFFFE40 ss:$0x1] =	vst.idx.msk $0xffff, v62  }
0x1ef: {  	v62 =	vld.idx.msk [tilespmem:v63+s15+$0x0], $0xffff  }
0x1f0: {  	v63 =	vadd.s32 $0x80, v1;
	_ =	sdelay $0x3  }
0x1f1: {  	[tilespmem:v60+s26+$0xFFFFFEC0 ss:$0x1] =	vst.idx.msk $0xffff, v62  }
0x1f2: {  	v62 =	vld.idx.msk [tilespmem:v63+s15+$0x0], $0xffff  }
0x1f3: {  	v63 =	vadd.s32 $0xC0, v1;
	_ =	sdelay $0x3  }
0x1f4: {  	[tilespmem:v60+s26+$0xFFFFFF40 ss:$0x1] =	vst.idx.msk $0xffff, v62  }
0x1f5: {  	v62 =	vld.idx.msk [tilespmem:v63+s15+$0x0], $0xffff  }
0x1f6: {  	v63 =	vadd.s32 $0x100, v1;
	_ =	sdelay $0x3  }
0x1f7: {  	[tilespmem:v60+s26+$0xFFFFFFC0 ss:$0x1] =	vst.idx.msk $0xffff, v62  }
0x1f8: {  	v62 =	vld.idx.msk [tilespmem:v63+s15+$0x0], $0xffff  }
0x1f9: {  	v63 =	vadd.s32 $0x140, v1;
	_ =	sdelay $0x3  }
0x1fa: {  	[tilespmem:v60+s26+$0x40 ss:$0x1] =	vst.idx.msk $0xffff, v62  }
0x1fb: {  	v62 =	vld.idx.msk [tilespmem:v63+s15+$0x0], $0xffff  }
0x1fc: {  	v63 =	vadd.s32 $0x180, v1;
	_ =	sdelay $0x3  }
0x1fd: {  	[tilespmem:v60+s26+$0xC0 ss:$0x1] =	vst.idx.msk $0xffff, v62  }
0x1fe: {  	v62 =	vld.idx.msk [tilespmem:v63+s15+$0x0], $0xffff  }
0x1ff: {  	v63 =	vadd.s32 $0x1C0, v1;
	_ =	sdelay $0x3  }
0x200: {  	[tilespmem:v60+s26+$0x140 ss:$0x1] =	vst.idx.msk $0xffff, v62  }
0x201: {  	v62 =	vld.idx.msk [tilespmem:v63+s15+$0x0], $0xffff  }
0x202: {  	v63 =	vadd.s32 $0x200, v1;
	_ =	sdelay $0x3  }
0x203: {  	[tilespmem:v60+s26+$0x1C0 ss:$0x1] =	vst.idx.msk $0xffff, v62  }
0x204: {  	v62 =	vld.idx.msk [tilespmem:v63+s15+$0x0], $0xffff  }
0x205: {  	v63 =	vadd.s32 $0x240, v1;
	_ =	sdelay $0x3  }
0x206: {  	[tilespmem:v61+s26+$0xFFFFFE40 ss:$0x1] =	vst.idx.msk $0xffff, v62  }
0x207: {  	v62 =	vld.idx.msk [tilespmem:v63+s15+$0x0], $0xffff  }
0x208: {  	v63 =	vadd.s32 $0x280, v1;
	_ =	sdelay $0x3  }
0x209: {  	[tilespmem:v61+s26+$0xFFFFFEC0 ss:$0x1] =	vst.idx.msk $0xffff, v62  }
0x20a: {  	v62 =	vld.idx.msk [tilespmem:v63+s15+$0x0], $0xffff  }
0x20b: {  	v63 =	vadd.s32 $0x2C0, v1;
	_ =	sdelay $0x3  }
0x20c: {  	[tilespmem:v61+s26+$0xFFFFFF40 ss:$0x1] =	vst.idx.msk $0xffff, v62  }
0x20d: {  	v62 =	vld.idx.msk [tilespmem:v63+s15+$0x0], $0xffff  }
0x20e: {  	v63 =	vadd.s32 $0x300, v1;
	_ =	sdelay $0x3  }
0x20f: {  	[tilespmem:v61+s26+$0xFFFFFFC0 ss:$0x1] =	vst.idx.msk $0xffff, v62  }
0x210: {  	v62 =	vld.idx.msk [tilespmem:v63+s15+$0x0], $0xffff  }
0x211: {  	v63 =	vadd.s32 $0x340, v1;
	_ =	sdelay $0x3  }
0x212: {  	[tilespmem:v61+s26+$0x40 ss:$0x1] =	vst.idx.msk $0xffff, v62  }
0x213: {  	v62 =	vld.idx.msk [tilespmem:v63+s15+$0x0], $0xffff  }
0x214: {  	v63 =	vadd.s32 $0x380, v1;
	_ =	sdelay $0x3  }
0x215: {  	[tilespmem:v61+s26+$0xC0 ss:$0x1] =	vst.idx.msk $0xffff, v62  }
0x216: {  	v62 =	vld.idx.msk [tilespmem:v63+s15+$0x0], $0xffff  }
0x217: {  	v1 =	vadd.s32 $0x3C0, v1;
	_ =	sdelay $0x3  }
0x218: {  	[tilespmem:v61+s26+$0x140 ss:$0x1] =	vst.idx.msk $0xffff, v62  }
0x219: {  	v1 =	vld.idx.msk [tilespmem:v1+s15+$0x0], $0xffff;
	_ =	sdelay $0x4  }
0x21a: {  	[tilespmem:v61+s26+$0x1C0 ss:$0x1] =	vst.idx.msk $0xffff, v1  }
0x21b: {  	v1 =	vld [tilespmem:s21+$0x10];
	_ =	sdelay $0x7  }
0x21c: {  	v62 =	vld.idx.msk [tilespmem:v1+s15+$0x0], $0xffff  }
0x21d: {  	v63 =	vadd.s32 $0x40, v1;
	_ =	sdelay $0x3  }
0x21e: {  	[tilespmem:v60+s26+$0xFFFFFE50 ss:$0x1] =	vst.idx.msk $0xffff, v62  }
0x21f: {  	v62 =	vld.idx.msk [tilespmem:v63+s15+$0x0], $0xffff  }
0x220: {  	v63 =	vadd.s32 $0x80, v1;
	_ =	sdelay $0x3  }
0x221: {  	[tilespmem:v60+s26+$0xFFFFFED0 ss:$0x1] =	vst.idx.msk $0xffff, v62  }
0x222: {  	v62 =	vld.idx.msk [tilespmem:v63+s15+$0x0], $0xffff  }
0x223: {  	v63 =	vadd.s32 $0xC0, v1;
	_ =	sdelay $0x3  }
0x224: {  	[tilespmem:v60+s26+$0xFFFFFF50 ss:$0x1] =	vst.idx.msk $0xffff, v62  }
0x225: {  	v62 =	vld.idx.msk [tilespmem:v63+s15+$0x0], $0xffff  }
0x226: {  	v63 =	vadd.s32 $0x100, v1;
	_ =	sdelay $0x3  }
0x227: {  	[tilespmem:v60+s26+$0xFFFFFFD0 ss:$0x1] =	vst.idx.msk $0xffff, v62  }
0x228: {  	v62 =	vld.idx.msk [tilespmem:v63+s15+$0x0], $0xffff  }
0x229: {  	v63 =	vadd.s32 $0x140, v1;
	_ =	sdelay $0x3  }
0x22a: {  	[tilespmem:v60+s26+$0x50 ss:$0x1] =	vst.idx.msk $0xffff, v62  }
0x22b: {  	v62 =	vld.idx.msk [tilespmem:v63+s15+$0x0], $0xffff  }
0x22c: {  	v63 =	vadd.s32 $0x180, v1;
	_ =	sdelay $0x3  }
0x22d: {  	[tilespmem:v60+s26+$0xD0 ss:$0x1] =	vst.idx.msk $0xffff, v62  }
0x22e: {  	v62 =	vld.idx.msk [tilespmem:v63+s15+$0x0], $0xffff  }
0x22f: {  	v63 =	vadd.s32 $0x1C0, v1;
	_ =	sdelay $0x3  }
0x230: {  	[tilespmem:v60+s26+$0x150 ss:$0x1] =	vst.idx.msk $0xffff, v62  }
0x231: {  	v62 =	vld.idx.msk [tilespmem:v63+s15+$0x0], $0xffff  }
0x232: {  	v63 =	vadd.s32 $0x200, v1;
	_ =	sdelay $0x3  }
0x233: {  	[tilespmem:v60+s26+$0x1D0 ss:$0x1] =	vst.idx.msk $0xffff, v62  }
0x234: {  	v62 =	vld.idx.msk [tilespmem:v63+s15+$0x0], $0xffff  }
0x235: {  	v63 =	vadd.s32 $0x240, v1;
	_ =	sdelay $0x3  }
0x236: {  	[tilespmem:v61+s26+$0xFFFFFE50 ss:$0x1] =	vst.idx.msk $0xffff, v62  }
0x237: {  	v62 =	vld.idx.msk [tilespmem:v63+s15+$0x0], $0xffff  }
0x238: {  	v63 =	vadd.s32 $0x280, v1;
	_ =	sdelay $0x3  }
0x239: {  	[tilespmem:v61+s26+$0xFFFFFED0 ss:$0x1] =	vst.idx.msk $0xffff, v62  }
0x23a: {  	v62 =	vld.idx.msk [tilespmem:v63+s15+$0x0], $0xffff  }
0x23b: {  	v63 =	vadd.s32 $0x2C0, v1;
	_ =	sdelay $0x3  }
0x23c: {  	[tilespmem:v61+s26+$0xFFFFFF50 ss:$0x1] =	vst.idx.msk $0xffff, v62  }
0x23d: {  	v62 =	vld.idx.msk [tilespmem:v63+s15+$0x0], $0xffff  }
0x23e: {  	v63 =	vadd.s32 $0x300, v1;
	_ =	sdelay $0x3  }
0x23f: {  	[tilespmem:v61+s26+$0xFFFFFFD0 ss:$0x1] =	vst.idx.msk $0xffff, v62  }
0x240: {  	v62 =	vld.idx.msk [tilespmem:v63+s15+$0x0], $0xffff  }
0x241: {  	v63 =	vadd.s32 $0x340, v1;
	_ =	sdelay $0x3  }
0x242: {  	[tilespmem:v61+s26+$0x50 ss:$0x1] =	vst.idx.msk $0xffff, v62  }
0x243: {  	v62 =	vld.idx.msk [tilespmem:v63+s15+$0x0], $0xffff  }
0x244: {  	v63 =	vadd.s32 $0x380, v1;
	_ =	sdelay $0x3  }
0x245: {  	[tilespmem:v61+s26+$0xD0 ss:$0x1] =	vst.idx.msk $0xffff, v62  }
0x246: {  	v62 =	vld.idx.msk [tilespmem:v63+s15+$0x0], $0xffff  }
0x247: {  	v1 =	vadd.s32 $0x3C0, v1;
	_ =	sdelay $0x3  }
0x248: {  	[tilespmem:v61+s26+$0x150 ss:$0x1] =	vst.idx.msk $0xffff, v62  }
0x249: {  	v1 =	vld.idx.msk [tilespmem:v1+s15+$0x0], $0xffff;
	_ =	sdelay $0x4  }
0x24a: {  	[tilespmem:v61+s26+$0x1D0 ss:$0x1] =	vst.idx.msk $0xffff, v1  }
0x24b: {  	v1 =	vld [tilespmem:s21+$0x20];
	_ =	sdelay $0x7  }
0x24c: {  	v62 =	vld.idx.msk [tilespmem:v1+s15+$0x0], $0xffff  }
0x24d: {  	v63 =	vadd.s32 $0x40, v1;
	_ =	sdelay $0x3  }
0x24e: {  	[tilespmem:v60+s26+$0xFFFFFE60 ss:$0x1] =	vst.idx.msk $0xffff, v62  }
0x24f: {  	v62 =	vld.idx.msk [tilespmem:v63+s15+$0x0], $0xffff  }
0x250: {  	v63 =	vadd.s32 $0x80, v1;
	_ =	sdelay $0x3  }
0x251: {  	[tilespmem:v60+s26+$0xFFFFFEE0 ss:$0x1] =	vst.idx.msk $0xffff, v62  }
0x252: {  	v62 =	vld.idx.msk [tilespmem:v63+s15+$0x0], $0xffff  }
0x253: {  	v63 =	vadd.s32 $0xC0, v1;
	_ =	sdelay $0x3  }
0x254: {  	[tilespmem:v60+s26+$0xFFFFFF60 ss:$0x1] =	vst.idx.msk $0xffff, v62  }
0x255: {  	v62 =	vld.idx.msk [tilespmem:v63+s15+$0x0], $0xffff  }
0x256: {  	v63 =	vadd.s32 $0x100, v1;
	_ =	sdelay $0x3  }
0x257: {  	[tilespmem:v60+s26+$0xFFFFFFE0 ss:$0x1] =	vst.idx.msk $0xffff, v62  }
0x258: {  	v62 =	vld.idx.msk [tilespmem:v63+s15+$0x0], $0xffff  }
0x259: {  	v63 =	vadd.s32 $0x140, v1;
	_ =	sdelay $0x3  }
0x25a: {  	[tilespmem:v60+s26+$0x60 ss:$0x1] =	vst.idx.msk $0xffff, v62  }
0x25b: {  	v62 =	vld.idx.msk [tilespmem:v63+s15+$0x0], $0xffff  }
0x25c: {  	v63 =	vadd.s32 $0x180, v1;
	_ =	sdelay $0x3  }
0x25d: {  	[tilespmem:v60+s26+$0xE0 ss:$0x1] =	vst.idx.msk $0xffff, v62  }
0x25e: {  	v62 =	vld.idx.msk [tilespmem:v63+s15+$0x0], $0xffff  }
0x25f: {  	v63 =	vadd.s32 $0x1C0, v1;
	_ =	sdelay $0x3  }
0x260: {  	[tilespmem:v60+s26+$0x160 ss:$0x1] =	vst.idx.msk $0xffff, v62  }
0x261: {  	v62 =	vld.idx.msk [tilespmem:v63+s15+$0x0], $0xffff  }
0x262: {  	v63 =	vadd.s32 $0x200, v1;
	_ =	sdelay $0x3  }
0x263: {  	[tilespmem:v60+s26+$0x1E0 ss:$0x1] =	vst.idx.msk $0xffff, v62  }
0x264: {  	v62 =	vld.idx.msk [tilespmem:v63+s15+$0x0], $0xffff  }
0x265: {  	v63 =	vadd.s32 $0x240, v1;
	_ =	sdelay $0x3  }
0x266: {  	[tilespmem:v61+s26+$0xFFFFFE60 ss:$0x1] =	vst.idx.msk $0xffff, v62  }
0x267: {  	v62 =	vld.idx.msk [tilespmem:v63+s15+$0x0], $0xffff  }
0x268: {  	v63 =	vadd.s32 $0x280, v1;
	_ =	sdelay $0x3  }
0x269: {  	[tilespmem:v61+s26+$0xFFFFFEE0 ss:$0x1] =	vst.idx.msk $0xffff, v62  }
0x26a: {  	v62 =	vld.idx.msk [tilespmem:v63+s15+$0x0], $0xffff  }
0x26b: {  	v63 =	vadd.s32 $0x2C0, v1;
	_ =	sdelay $0x3  }
0x26c: {  	[tilespmem:v61+s26+$0xFFFFFF60 ss:$0x1] =	vst.idx.msk $0xffff, v62  }
0x26d: {  	v62 =	vld.idx.msk [tilespmem:v63+s15+$0x0], $0xffff  }
0x26e: {  	v63 =	vadd.s32 $0x300, v1;
	_ =	sdelay $0x3  }
0x26f: {  	[tilespmem:v61+s26+$0xFFFFFFE0 ss:$0x1] =	vst.idx.msk $0xffff, v62  }
0x270: {  	v62 =	vld.idx.msk [tilespmem:v63+s15+$0x0], $0xffff  }
0x271: {  	v63 =	vadd.s32 $0x340, v1;
	_ =	sdelay $0x3  }
0x272: {  	[tilespmem:v61+s26+$0x60 ss:$0x1] =	vst.idx.msk $0xffff, v62  }
0x273: {  	v62 =	vld.idx.msk [tilespmem:v63+s15+$0x0], $0xffff  }
0x274: {  	v63 =	vadd.s32 $0x380, v1;
	_ =	sdelay $0x3  }
0x275: {  	[tilespmem:v61+s26+$0xE0 ss:$0x1] =	vst.idx.msk $0xffff, v62  }
0x276: {  	v62 =	vld.idx.msk [tilespmem:v63+s15+$0x0], $0xffff  }
0x277: {  	v1 =	vadd.s32 $0x3C0, v1;
	_ =	sdelay $0x3  }
0x278: {  	[tilespmem:v61+s26+$0x160 ss:$0x1] =	vst.idx.msk $0xffff, v62  }
0x279: {  	v1 =	vld.idx.msk [tilespmem:v1+s15+$0x0], $0xffff;
	_ =	sdelay $0x4  }
0x27a: {  	[tilespmem:v61+s26+$0x1E0 ss:$0x1] =	vst.idx.msk $0xffff, v1  }
0x27b: {  	v1 =	vld [tilespmem:s21+$0x30];
	_ =	sdelay $0x7  }
0x27c: {  	v62 =	vld.idx.msk [tilespmem:v1+s15+$0x0], $0xffff  }
0x27d: {  	v63 =	vadd.s32 $0x40, v1;
	_ =	sdelay $0x3  }
0x27e: {  	[tilespmem:v60+s26+$0xFFFFFE70 ss:$0x1] =	vst.idx.msk $0xffff, v62  }
0x27f: {  	v62 =	vld.idx.msk [tilespmem:v63+s15+$0x0], $0xffff  }
0x280: {  	v63 =	vadd.s32 $0x80, v1;
	_ =	sdelay $0x3  }
0x281: {  	[tilespmem:v60+s26+$0xFFFFFEF0 ss:$0x1] =	vst.idx.msk $0xffff, v62  }
0x282: {  	v62 =	vld.idx.msk [tilespmem:v63+s15+$0x0], $0xffff  }
0x283: {  	v63 =	vadd.s32 $0xC0, v1;
	_ =	sdelay $0x3  }
0x284: {  	[tilespmem:v60+s26+$0xFFFFFF70 ss:$0x1] =	vst.idx.msk $0xffff, v62  }
0x285: {  	v62 =	vld.idx.msk [tilespmem:v63+s15+$0x0], $0xffff  }
0x286: {  	v63 =	vadd.s32 $0x100, v1;
	_ =	sdelay $0x3  }
0x287: {  	[tilespmem:v60+s26+$0xFFFFFFF0 ss:$0x1] =	vst.idx.msk $0xffff, v62  }
0x288: {  	v62 =	vld.idx.msk [tilespmem:v63+s15+$0x0], $0xffff  }
0x289: {  	v63 =	vadd.s32 $0x140, v1;
	_ =	sdelay $0x3  }
0x28a: {  	[tilespmem:v60+s26+$0x70 ss:$0x1] =	vst.idx.msk $0xffff, v62  }
0x28b: {  	v62 =	vld.idx.msk [tilespmem:v63+s15+$0x0], $0xffff  }
0x28c: {  	v63 =	vadd.s32 $0x180, v1;
	_ =	sdelay $0x3  }
0x28d: {  	[tilespmem:v60+s26+$0xF0 ss:$0x1] =	vst.idx.msk $0xffff, v62  }
0x28e: {  	v62 =	vld.idx.msk [tilespmem:v63+s15+$0x0], $0xffff  }
0x28f: {  	v63 =	vadd.s32 $0x1C0, v1;
	_ =	sdelay $0x3  }
0x290: {  	[tilespmem:v60+s26+$0x170 ss:$0x1] =	vst.idx.msk $0xffff, v62  }
0x291: {  	v62 =	vld.idx.msk [tilespmem:v63+s15+$0x0], $0xffff  }
0x292: {  	v63 =	vadd.s32 $0x200, v1;
	_ =	sdelay $0x3  }
0x293: {  	[tilespmem:v60+s26+$0x1F0 ss:$0x1] =	vst.idx.msk $0xffff, v62  }
0x294: {  	v62 =	vld.idx.msk [tilespmem:v63+s15+$0x0], $0xffff  }
0x295: {  	v63 =	vadd.s32 $0x240, v1;
	_ =	sdelay $0x3  }
0x296: {  	[tilespmem:v61+s26+$0xFFFFFE70 ss:$0x1] =	vst.idx.msk $0xffff, v62  }
0x297: {  	v62 =	vld.idx.msk [tilespmem:v63+s15+$0x0], $0xffff  }
0x298: {  	v63 =	vadd.s32 $0x280, v1;
	_ =	sdelay $0x3  }
0x299: {  	[tilespmem:v61+s26+$0xFFFFFEF0 ss:$0x1] =	vst.idx.msk $0xffff, v62  }
0x29a: {  	v62 =	vld.idx.msk [tilespmem:v63+s15+$0x0], $0xffff  }
0x29b: {  	v63 =	vadd.s32 $0x2C0, v1;
	_ =	sdelay $0x3  }
0x29c: {  	[tilespmem:v61+s26+$0xFFFFFF70 ss:$0x1] =	vst.idx.msk $0xffff, v62  }
0x29d: {  	v62 =	vld.idx.msk [tilespmem:v63+s15+$0x0], $0xffff  }
0x29e: {  	v63 =	vadd.s32 $0x300, v1;
	_ =	sdelay $0x3  }
0x29f: {  	[tilespmem:v61+s26+$0xFFFFFFF0 ss:$0x1] =	vst.idx.msk $0xffff, v62  }
0x2a0: {  	v62 =	vld.idx.msk [tilespmem:v63+s15+$0x0], $0xffff  }
0x2a1: {  	v63 =	vadd.s32 $0x340, v1;
	_ =	sdelay $0x3  }
0x2a2: {  	[tilespmem:v61+s26+$0x70 ss:$0x1] =	vst.idx.msk $0xffff, v62  }
0x2a3: {  	v62 =	vld.idx.msk [tilespmem:v63+s15+$0x0], $0xffff  }
0x2a4: {  	v63 =	vadd.s32 $0x380, v1;
	_ =	sdelay $0x3  }
0x2a5: {  	[tilespmem:v61+s26+$0xF0 ss:$0x1] =	vst.idx.msk $0xffff, v62  }
0x2a6: {  	v62 =	vld.idx.msk [tilespmem:v63+s15+$0x0], $0xffff  }
0x2a7: {  	v1 =	vadd.s32 $0x3C0, v1;
	_ =	sdelay $0x3  }
0x2a8: {  	[tilespmem:v61+s26+$0x170 ss:$0x1] =	vst.idx.msk $0xffff, v62  }
0x2a9: {  	p1 =	sne.s32 s25, $0x18000;
	v1 =	vld.idx.msk [tilespmem:v1+s15+$0x0], $0xffff  }
.Ltmp0:
0x2aa: {  	_ = 	snop;
	(pc) =	sbr.rel @p1 .LBB2_3-.Ltmp0, $2  }
0x2ab: {  	_ =	sdelay $0x2  }
0x2ac: {  	s25 =	sadd.s32 $0x1000, s25;
	s21 =	sadd.s32 $0x80, s21;
	[tilespmem:v61+s26+$0x1F0 ss:$0x1] =	vst.idx.msk $0xffff, v1  }
0x2ad: {  	s21 =	smul.u32 $0x6400, s24  }
0x2ae: {  	p1 =	sne.s32 s20, s9  }
.Ltmp1:
0x2af: {  	s21 =	sshrl.u32 s21, $0x3;
	(pc) =	sbr.rel @p1 .LBB2_2-.Ltmp1, $4  }
0x2b0: {  	s21 =	sadd.s32 s1, s21  }
0x2b1: {  	[hbm4b:s21+s2] =	stream.linear.scatter [tilespmem:s23], [sflag:$0x2], $0x6400, $0x38;
	[tilespmem:$0x1ADD0] =	vst v63  }
0x2b2: {  	p0 =	por !p0, !p0;
	s21 =	sadd.s32 $0x30D400, s21  }
0x2b3: {  	[hbm4b:s21+s2] =	stream.linear.scatter [tilespmem:s22], [sflag:$0x2], $0x6400, $0x38;
	[tilespmem:$0x1ADD0] =	vst v63  }
0x2b4: {  	_ =	swait.ge [sflag:s18], $0x6400  }
0x2b5: {  	[sflag:s18] =	ssyncset.done $0x0  }
0x2b6: {  	[sflag:s18] =	ssyncadd.s32 $0xFFFF9C00  }
0x2b7: {  	_ =	swait.ge [sflag:s18], $0x6400  }
0x2b8: {  	[sflag:s18] =	ssyncset.done $0x0  }
0x2b9: {  	s19 =	sadd.s32 $0x1, s19;
	[sflag:s18] =	ssyncadd.s32 $0xFFFF9C00  }
0x2ba: {  	p0 =	sne.s32 s19, s11;
	_ =	swait.ge [sflag:s18], $0x6400  }
.Ltmp2:
0x2bb: {  	[sflag:s18] =	ssyncset.done $0x0;
	(pc) =	sbr.rel @p0 .LBB2_1-.Ltmp2, $4  }
0x2bc: {  	[sflag:s18] =	ssyncadd.s32 $0xFFFF9C00  }
0x2bd: {  	_ =	swait.ge [sflag:s18], $0x6400  }
0x2be: {  	[sflag:s18] =	ssyncset.done $0x0  }
0x2bf: {  	[sflag:s18] =	ssyncadd.s32 $0xFFFF9C00  }
0x2c0: {  	_ =	sfence.sel $0x180000  }
0x2c1: {  	[bflag:$0x0] =	sbarrier.arrive $0xFFFF  }
0x2c2: {  	p0 =	sne.s32 s3, $0x0;
	_ =	strace $0x90000047  }
0x2c3: {  	s0 =	sadd.s32 @!p0 $0x100000, s0;
	[bflag:$0x2] =	sbarrier.arrive $0xFFFF  }
0x2c4: {  	[sflag:s0] =	ssyncadd.tile.s32 @!p0 $0x1;
	_ =	shalt  }
.Lfunc_end2:
_tile_overlayer_lowered:
.L_overlay_start_2:
0x2c5: {  	(tag) =	ssettag $0x2  }
0x2c6: {  	s0 =	rddreg [dreg:$0x0];
	s2 =	stileid.u32  }
0x2c7: {  	s1 =	rddreg [dreg:$0x1];
	p0 =	sne.s32 s2, $0x0  }
0x2c8: {  	s3 =	rddreg [dreg:$0x2];
	[bflag:$0x3] =	sbarrier.arrive $0xFFFF;
	s2 =	simm.s32 @!p0 $0x1C03  }
0x2c9: {  	[timem:s3], [sflag:s2] =	dma.local @!p0 [hbm:s0], s1  }
0x2ca: {  	s0 =	simm.s32 @!p0 $0x3  }
0x2cb: {  	_ =	swait.ge @!p0 [sflag:s0], s1  }
0x2cc: {  	s1 =	ssub.s32 @!p0 $0x0, s1;
	[sflag:s0] =	ssyncset.done @!p0 $0x0  }
0x2cd: {  	[sflag:s0] =	ssyncadd.s32 @!p0 s1  }
0x2ce: {  	[bflag:$0x3] =	sbarrier.arrive $0xFFFF  }
0x2cf: {  	_ =	shalt  }

</sc_bundles>
